<compile_context>
chip_gen: v7x
topology: tpu7x:2x2x1
jax: 0.10.2.dev20260603
libtpu: 0.0.44.dev20260713+nightly
codegen_flags: <defaults>
</compile_context>

<pallas_src>
import jax
import jax.numpy as jnp
from jax import lax
from jax.experimental import pallas as pl
from jax.experimental.pallas import tpu as pltpu, tpu_sc as plsc

SCALING = 10.0
DT = 1.0
TIME_STEPS = 51

NC, NS, L = 2, 16, 16
NW = NC * NS
B = 4096
F = 26
C = 4
M = F * C
ROWS_PER_W = B // NW
NCB = M // 8
BROWS = TIME_STEPS + 2


def _sc_body(trace_hbm, center_hbm, out_hbm, trace_v, center_v,
             buf0, buf1, bsave0, bsave1, sem0, sem1):
    wid = lax.axis_index("s") * NC + lax.axis_index("c")
    row0 = wid * ROWS_PER_W
    bufs = (buf0, buf1)
    bsaves = (bsave0, bsave1)
    sems = (sem0, sem1)

    pltpu.sync_copy(center_hbm, center_v)
    pltpu.sync_copy(trace_hbm.at[pl.ds(row0 * F, ROWS_PER_W * F)], trace_v)

    def zero_buf(buf):
        def body(i, _):
            b = i >> 3
            cl = i & 7
            zeros = jnp.zeros((L,), jnp.int32)
            for off in range(0, ROWS_PER_W, L):
                buf[b, cl, pl.ds(off, L)] = zeros
            return 0

        lax.fori_loop(0, BROWS * 8, body, 0)

    def pass_cb(cb, slot, rezero):
        buf, bsave = bufs[slot], bsaves[slot]

        def one_vec(i, _):
            for u in range(4):
                v = i * 4 + u
                cl = v >> 3
                r = ((v & 7) << 4) + lax.iota(jnp.int32, L)
                f = (cb << 1) + (cl >> 2)
                if rezero:
                    old = bsave[pl.ds(v * L, L)]
                    plsc.store_scatter(buf, [old, r * 0 + cl, r], r * 0)
                t = plsc.load_gather(trace_v, [r * F + f])
                c = plsc.load_gather(center_v, [r * 0 + (cl & 3)])
                times = SCALING * jnp.abs(t - c)
                bins = (times / DT + 1.0).astype(jnp.int32)
                bins = jnp.clip(bins, 0, BROWS - 1)
                bsave[pl.ds(v * L, L)] = bins
                plsc.store_scatter(buf, [bins, r * 0 + cl, r], r * 0 + 1)
            return 0

        lax.fori_loop(0, 16, one_vec, 0)

    def dma(cb, slot):
        dst = out_hbm.at[:, pl.ds(cb * 8, 8), pl.ds(row0, ROWS_PER_W)]
        return pltpu.make_async_copy(
            bufs[slot].at[pl.ds(0, TIME_STEPS)], dst, sems[slot])

    zero_buf(buf0)
    pass_cb(0, 0, rezero=False)
    dma(0, 0).start()
    zero_buf(buf1)
    pass_cb(1, 1, rezero=False)
    dma(1, 1).start()
    for cb in range(2, NCB):
        slot = cb & 1
        dma(cb - 2, slot).wait()
        pass_cb(cb, slot, rezero=True)
        dma(cb, slot).start()
    dma(NCB - 2, (NCB - 2) & 1).wait()
    dma(NCB - 1, (NCB - 1) & 1).wait()


def kernel(trace, dummy1, dummy2, center):
    del dummy1, dummy2
    trace_flat = trace.reshape(-1)
    mesh = plsc.VectorSubcoreMesh(core_axis_name="c", subcore_axis_name="s")
    run = pl.kernel(
        _sc_body,
        out_type=jax.ShapeDtypeStruct((TIME_STEPS, M, B), jnp.int32),
        mesh=mesh,
        compiler_params=pltpu.CompilerParams(needs_layout_passes=False),
        scratch_types=[
            pltpu.VMEM((ROWS_PER_W * F,), jnp.float32),
            pltpu.VMEM((C,), jnp.float32),
            pltpu.VMEM((BROWS, 8, ROWS_PER_W), jnp.int32),
            pltpu.VMEM((BROWS, 8, ROWS_PER_W), jnp.int32),
            pltpu.VMEM((8 * ROWS_PER_W,), jnp.int32),
            pltpu.VMEM((8 * ROWS_PER_W,), jnp.int32),
            pltpu.SemaphoreType.DMA,
            pltpu.SemaphoreType.DMA,
        ],
    )
    return run(trace_flat, center).transpose(0, 2, 1)

# --- scband reference (transcript-rebuilt; emitter-appended) ---
"""Pipeline reference for scband-arnold-enc-52639119180424 (READ-ONLY COPY).

The authoritative reference and input builder live on the scoring server;
editing this copy changes nothing except your own understanding.
"""

import jax, jax.numpy as jnp
import numpy as np

SCALING = 10.0
OFFSET = 0.0
TIME_LENGTH = 50.0
DT = 1.0
CUTOFF = 50.0
TIME_STEPS = int(TIME_LENGTH // DT) + 1  # 51


def setup_inputs(seed: int = 0) -> dict:
    key = jax.random.key(seed)
    k1, k2, k3 = jax.random.split(key, 3)
    trace = jax.random.uniform(k1, (4096, 26), dtype=jnp.float32)
    dummy1 = jnp.zeros((1,), dtype=jnp.float32)
    dummy2 = jnp.zeros((1,), dtype=jnp.float32)
    center = jnp.array([0.0, 0.25, 0.5, 0.75], dtype=jnp.float32)
    return {"trace": trace, "dummy1": dummy1, "dummy2": dummy2, "center": center}


def reference(trace, dummy1, dummy2, center):
    # times = scaling * |trace[..., None] - center| reshaped to (B, F*C)
    times = SCALING * jnp.abs(trace[..., None] - center)
    times = times.reshape(trace.shape[0], -1)
    # out-of-window spikes pushed past the horizon
    times = jnp.where((times < 0) | (times > CUTOFF), TIME_LENGTH + DT, times)
    times = times + OFFSET
    bins = (times / DT + 1).astype(jnp.int32)
    mask = bins < TIME_STEPS
    B, M = times.shape
    row = jnp.broadcast_to(jnp.arange(B)[:, None], (B, M))
    col = jnp.broadcast_to(jnp.arange(M)[None, :], (B, M))
    bins_c = jnp.where(mask, bins, 0)
    vals = mask.astype(jnp.int32)
    spikes = jnp.zeros((TIME_STEPS, B, M), dtype=jnp.int32)
    spikes = spikes.at[bins_c.reshape(-1), row.reshape(-1), col.reshape(-1)].add(vals.reshape(-1))
    return spikes

if __name__ == "__main__":
    import jax
    _d = setup_inputs()
    print(jax.jit(kernel)(*tuple(_d.values())))

</pallas_src>

<mosaic_0001>
#map = affine_map<(d0, d1) -> (0)>
#map1 = affine_map<(d0, d1) -> (0, 0, 0)>
module attributes {stable_mosaic.version = 14 : i64} {
  func.func @_sc_body(%arg0: i32, %arg1: i32, %arg2: memref<106496xf32, #tpu.memory_space<hbm>>, %arg3: memref<4xf32, #tpu.memory_space<hbm>>, %arg4: memref<51x104x4096xi32, #tpu.memory_space<hbm>>, %arg5: memref<3328xf32, #tpu.memory_space<vmem>>, %arg6: memref<4xf32, #tpu.memory_space<vmem>>, %arg7: memref<53x8x128xi32, #tpu.memory_space<vmem>>, %arg8: memref<53x8x128xi32, #tpu.memory_space<vmem>>, %arg9: memref<1024xi32, #tpu.memory_space<vmem>>, %arg10: memref<1024xi32, #tpu.memory_space<vmem>>, %arg11: memref<!tpu.dma_semaphore, #tpu.memory_space<semaphore_mem>>, %arg12: memref<!tpu.dma_semaphore, #tpu.memory_space<semaphore_mem>>) attributes {dimension_semantics = [#tpu.dimension_semantics<core_parallel>, #tpu.dimension_semantics<subcore_parallel>], iteration_bounds = array<i64: 2, 16>, scalar_prefetch = 0 : i64, scratch_operands = 8 : i64, tpu.core_type = #tpu.core_type<sc_vector_subcore>, window_params = [{transform_indices = #map}, {transform_indices = #map}, {transform_indices = #map1}]} {
    %mul3A = arith.constant 2 : i32
    %mul3A_0 = arith.muli %arg1, %mul3A : i32
    %add3A = arith.addi %mul3A_0, %arg0 : i32
    %mul3A_1 = arith.constant 128 : i32
    %mul3A_2 = arith.muli %add3A, %mul3A_1 : i32
    "tpu.region"() ({
      %run_scoped3A = tpu.sem_alloc : memref<!tpu.dma_semaphore, #tpu.memory_space<semaphore_mem>>
      tpu.enqueue_dma source(%arg3 : memref<4xf32, #tpu.memory_space<hbm>>) target(%arg6 : memref<4xf32, #tpu.memory_space<vmem>>) target_semaphore(%run_scoped3A : memref<!tpu.dma_semaphore, #tpu.memory_space<semaphore_mem>>)
      tpu.wait_dma2 semaphore(%run_scoped3A : memref<!tpu.dma_semaphore, #tpu.memory_space<semaphore_mem>>) src(%arg3 : memref<4xf32, #tpu.memory_space<hbm>>) dst(%arg6 : memref<4xf32, #tpu.memory_space<vmem>>)
      tpu.yield
    }) : () -> ()
    %mul3A_3 = arith.constant 26 : i32
    %mul3A_4 = arith.muli %mul3A_2, %mul3A_3 : i32
    "tpu.region"() ({
      %run_scoped3A = tpu.sem_alloc : memref<!tpu.dma_semaphore, #tpu.memory_space<semaphore_mem>>
      %dma_start3A_471 = tpu.memref_slice %arg2[%mul3A_4] : memref<106496xf32, #tpu.memory_space<hbm>> -> memref<3328xf32, #tpu.memory_space<hbm>>
      %dma_start3A_472 = tpu.memref_slice %arg2[%mul3A_4] : memref<106496xf32, #tpu.memory_space<hbm>> -> memref<3328xf32, #tpu.memory_space<hbm>>
      tpu.enqueue_dma source(%dma_start3A_472 : memref<3328xf32, #tpu.memory_space<hbm>>) target(%arg5 : memref<3328xf32, #tpu.memory_space<vmem>>) target_semaphore(%run_scoped3A : memref<!tpu.dma_semaphore, #tpu.memory_space<semaphore_mem>>)
      %dma_wait3A_473 = tpu.memref_slice %arg2[%mul3A_4] : memref<106496xf32, #tpu.memory_space<hbm>> -> memref<3328xf32, #tpu.memory_space<hbm>>
      %dma_wait3A_474 = tpu.memref_slice %arg2[%mul3A_4] : memref<106496xf32, #tpu.memory_space<hbm>> -> memref<3328xf32, #tpu.memory_space<hbm>>
      tpu.wait_dma2 semaphore(%run_scoped3A : memref<!tpu.dma_semaphore, #tpu.memory_space<semaphore_mem>>) src(%dma_wait3A_474 : memref<3328xf32, #tpu.memory_space<hbm>>) dst(%arg5 : memref<3328xf32, #tpu.memory_space<vmem>>)
      tpu.yield
    }) : () -> ()
    %scan3A = arith.constant 0 : i32
    %scan3A_5 = arith.constant 0 : i32
    %scan3A_6 = arith.constant 424 : i32
    %scan3A_7 = arith.addi %scan3A_5, %scan3A_6 : i32
    %scan3A_8 = arith.constant 1 : i32
    %scan3A_9 = scf.for %scan3A_471 = %scan3A_5 to %scan3A_7 step %scan3A_8 iter_args(%scan3A_472 = %scan3A) -> (i32)  : i32 {
      %shift_right_arithmetic3A = arith.constant 3 : i32
      %shift_right_arithmetic3A_473 = arith.shrsi %scan3A_471, %shift_right_arithmetic3A : i32
      %and3A = arith.constant 7 : i32
      %and3A_474 = arith.andi %scan3A_471, %and3A : i32
      %broadcast_in_dim3A = arith.constant 0 : i32
      %broadcast_in_dim3A_475 = vector.broadcast %broadcast_in_dim3A : i32 to vector<16xi32>
      %swap3A = arith.index_cast %shift_right_arithmetic3A_473 : i32 to index
      %swap3A_476 = arith.index_cast %and3A_474 : i32 to index
      %swap3A_477 = arith.constant 0 : index
      %swap3A_478 = tpu.vector_load %arg7[%swap3A, %swap3A_476, %swap3A_477] {strides = array<i32>} : memref<53x8x128xi32, #tpu.memory_space<vmem>>, vector<16xi32>,
      tpu.vector_store %arg7[%swap3A, %swap3A_476, %swap3A_477], %broadcast_in_dim3A_475 {strides = array<i32>} : memref<53x8x128xi32, #tpu.memory_space<vmem>>, vector<16xi32>,
      %swap3A_479 = arith.index_cast %shift_right_arithmetic3A_473 : i32 to index
      %swap3A_480 = arith.index_cast %and3A_474 : i32 to index
      %swap3A_481 = arith.constant 16 : index
      %swap3A_482 = tpu.vector_load %arg7[%swap3A_479, %swap3A_480, %swap3A_481] {strides = array<i32>} : memref<53x8x128xi32, #tpu.memory_space<vmem>>, vector<16xi32>,
      tpu.vector_store %arg7[%swap3A_479, %swap3A_480, %swap3A_481], %broadcast_in_dim3A_475 {strides = array<i32>} : memref<53x8x128xi32, #tpu.memory_space<vmem>>, vector<16xi32>,
      %swap3A_483 = arith.index_cast %shift_right_arithmetic3A_473 : i32 to index
      %swap3A_484 = arith.index_cast %and3A_474 : i32 to index
      %swap3A_485 = arith.constant 32 : index
      %swap3A_486 = tpu.vector_load %arg7[%swap3A_483, %swap3A_484, %swap3A_485] {strides = array<i32>} : memref<53x8x128xi32, #tpu.memory_space<vmem>>, vector<16xi32>,
      tpu.vector_store %arg7[%swap3A_483, %swap3A_484, %swap3A_485], %broadcast_in_dim3A_475 {strides = array<i32>} : memref<53x8x128xi32, #tpu.memory_space<vmem>>, vector<16xi32>,
      %swap3A_487 = arith.index_cast %shift_right_arithmetic3A_473 : i32 to index
      %swap3A_488 = arith.index_cast %and3A_474 : i32 to index
      %swap3A_489 = arith.constant 48 : index
      %swap3A_490 = tpu.vector_load %arg7[%swap3A_487, %swap3A_488, %swap3A_489] {strides = array<i32>} : memref<53x8x128xi32, #tpu.memory_space<vmem>>, vector<16xi32>,
      tpu.vector_store %arg7[%swap3A_487, %swap3A_488, %swap3A_489], %broadcast_in_dim3A_475 {strides = array<i32>} : memref<53x8x128xi32, #tpu.memory_space<vmem>>, vector<16xi32>,
      %swap3A_491 = arith.index_cast %shift_right_arithmetic3A_473 : i32 to index
      %swap3A_492 = arith.index_cast %and3A_474 : i32 to index
      %swap3A_493 = arith.constant 64 : index
      %swap3A_494 = tpu.vector_load %arg7[%swap3A_491, %swap3A_492, %swap3A_493] {strides = array<i32>} : memref<53x8x128xi32, #tpu.memory_space<vmem>>, vector<16xi32>,
      tpu.vector_store %arg7[%swap3A_491, %swap3A_492, %swap3A_493], %broadcast_in_dim3A_475 {strides = array<i32>} : memref<53x8x128xi32, #tpu.memory_space<vmem>>, vector<16xi32>,
      %swap3A_495 = arith.index_cast %shift_right_arithmetic3A_473 : i32 to index
      %swap3A_496 = arith.index_cast %and3A_474 : i32 to index
      %swap3A_497 = arith.constant 80 : index
      %swap3A_498 = tpu.vector_load %arg7[%swap3A_495, %swap3A_496, %swap3A_497] {strides = array<i32>} : memref<53x8x128xi32, #tpu.memory_space<vmem>>, vector<16xi32>,
      tpu.vector_store %arg7[%swap3A_495, %swap3A_496, %swap3A_497], %broadcast_in_dim3A_475 {strides = array<i32>} : memref<53x8x128xi32, #tpu.memory_space<vmem>>, vector<16xi32>,
      %swap3A_499 = arith.index_cast %shift_right_arithmetic3A_473 : i32 to index
      %swap3A_500 = arith.index_cast %and3A_474 : i32 to index
      %swap3A_501 = arith.constant 96 : index
      %swap3A_502 = tpu.vector_load %arg7[%swap3A_499, %swap3A_500, %swap3A_501] {strides = array<i32>} : memref<53x8x128xi32, #tpu.memory_space<vmem>>, vector<16xi32>,
      tpu.vector_store %arg7[%swap3A_499, %swap3A_500, %swap3A_501], %broadcast_in_dim3A_475 {strides = array<i32>} : memref<53x8x128xi32, #tpu.memory_space<vmem>>, vector<16xi32>,
      %swap3A_503 = arith.index_cast %shift_right_arithmetic3A_473 : i32 to index
      %swap3A_504 = arith.index_cast %and3A_474 : i32 to index
      %swap3A_505 = arith.constant 112 : index
      %swap3A_506 = tpu.vector_load %arg7[%swap3A_503, %swap3A_504, %swap3A_505] {strides = array<i32>} : memref<53x8x128xi32, #tpu.memory_space<vmem>>, vector<16xi32>,
      tpu.vector_store %arg7[%swap3A_503, %swap3A_504, %swap3A_505], %broadcast_in_dim3A_475 {strides = array<i32>} : memref<53x8x128xi32, #tpu.memory_space<vmem>>, vector<16xi32>,
      %scan3A_507 = arith.constant 0 : i32
      scf.yield %scan3A_507 : i32
    }
    %scan3A_10 = arith.constant 424 : i32
    %scan3A_11 = arith.constant 0 : i32
    %scan3A_12 = arith.constant 0 : i32
    %scan3A_13 = arith.constant 16 : i32
    %scan3A_14 = arith.addi %scan3A_12, %scan3A_13 : i32
    %scan3A_15 = arith.constant 1 : i32
    %scan3A_16 = scf.for %scan3A_471 = %scan3A_12 to %scan3A_14 step %scan3A_15 iter_args(%scan3A_472 = %scan3A_11) -> (i32)  : i32 {
      %mul3A_473 = arith.constant 4 : i32
      %mul3A_474 = arith.muli %scan3A_471, %mul3A_473 : i32
      %add3A_475 = arith.constant 0 : i32
      %add3A_476 = arith.addi %mul3A_474, %add3A_475 : i32
      %shift_right_arithmetic3A = arith.constant 3 : i32
      %shift_right_arithmetic3A_477 = arith.shrsi %add3A_476, %shift_right_arithmetic3A : i32
      %and3A = arith.constant 7 : i32
      %and3A_478 = arith.andi %add3A_476, %and3A : i32
      %shift_left3A = arith.constant 4 : i32
      %shift_left3A_479 = arith.shli %and3A_478, %shift_left3A : i32
      %iota3A = tpu.iota {dimensions = array<i32: 0>} : vector<16xi32>
      %add3A_480 = vector.broadcast %shift_left3A_479 : i32 to vector<16xi32>
      %add3A_481 = arith.addi %add3A_480, %iota3A : vector<16xi32>
      %shift_right_arithmetic3A_482 = arith.constant 2 : i32
      %shift_right_arithmetic3A_483 = arith.shrsi %shift_right_arithmetic3A_477, %shift_right_arithmetic3A_482 : i32
      %add3A_484 = arith.constant 0 : i32
      %add3A_485 = arith.addi %add3A_484, %shift_right_arithmetic3A_483 : i32
      %mul3A_486 = arith.constant 26 : i32
      %mul3A_487 = vector.broadcast %mul3A_486 : i32 to vector<16xi32>
      %mul3A_488 = arith.muli %add3A_481, %mul3A_487 : vector<16xi32>
      %add3A_489 = vector.broadcast %add3A_485 : i32 to vector<16xi32>
      %add3A_490 = arith.addi %mul3A_488, %add3A_489 : vector<16xi32>
      %gather3A = tpu.vector_load_idx %arg5[%add3A_490] : memref<3328xf32, #tpu.memory_space<vmem>>[vector<16xi32>], vector<16xf32>,
      %mul3A_491 = arith.constant 0 : i32
      %mul3A_492 = vector.broadcast %mul3A_491 : i32 to vector<16xi32>
      %mul3A_493 = arith.muli %add3A_481, %mul3A_492 : vector<16xi32>
      %and3A_494 = arith.constant 3 : i32
      %and3A_495 = arith.andi %shift_right_arithmetic3A_477, %and3A_494 : i32
      %add3A_496 = vector.broadcast %and3A_495 : i32 to vector<16xi32>
      %add3A_497 = arith.addi %mul3A_493, %add3A_496 : vector<16xi32>
      %gather3A_498 = tpu.vector_load_idx %arg6[%add3A_497] : memref<4xf32, #tpu.memory_space<vmem>>[vector<16xi32>], vector<16xf32>,
      %sub3A = arith.subf %gather3A, %gather3A_498 : vector<16xf32>
      %abs3A = math.absf %sub3A : vector<16xf32>
      %mul3A_499 = arith.constant 1.000000e+01 : f32
      %mul3A_500 = vector.broadcast %mul3A_499 : f32 to vector<16xf32>
      %mul3A_501 = arith.mulf %mul3A_500, %abs3A : vector<16xf32>
      %div3A = arith.constant 1.000000e+00 : f32
      %div3A_502 = vector.broadcast %div3A : f32 to vector<16xf32>
      %div3A_503 = arith.divf %mul3A_501, %div3A_502 : vector<16xf32>
      %add3A_504 = arith.constant 1.000000e+00 : f32
      %add3A_505 = vector.broadcast %add3A_504 : f32 to vector<16xf32>
      %add3A_506 = arith.addf %div3A_503, %add3A_505 : vector<16xf32>
      %convert_element_type3A = arith.fptosi %add3A_506 : vector<16xf32> to vector<16xi32>
      %jit3A = arith.constant 0 : i32
      %jit3A_507 = arith.constant 52 : i32
      %max3A = vector.broadcast %jit3A : i32 to vector<16xi32>
      %max3A_508 = arith.maxsi %max3A, %convert_element_type3A : vector<16xi32>
      %min3A = vector.broadcast %jit3A_507 : i32 to vector<16xi32>
      %min3A_509 = arith.minsi %min3A, %max3A_508 : vector<16xi32>
      %mul3A_510 = arith.constant 16 : i32
      %mul3A_511 = arith.muli %add3A_476, %mul3A_510 : i32
      %swap3A = arith.index_cast %mul3A_511 : i32 to index
      %swap3A_512 = tpu.vector_load %arg9[%swap3A] {strides = array<i32>} : memref<1024xi32, #tpu.memory_space<vmem>>, vector<16xi32>,
      tpu.vector_store %arg9[%swap3A], %min3A_509 {strides = array<i32>} : memref<1024xi32, #tpu.memory_space<vmem>>, vector<16xi32>,
      %mul3A_513 = arith.constant 0 : i32
      %mul3A_514 = vector.broadcast %mul3A_513 : i32 to vector<16xi32>
      %mul3A_515 = arith.muli %add3A_481, %mul3A_514 : vector<16xi32>
      %add3A_516 = vector.broadcast %shift_right_arithmetic3A_477 : i32 to vector<16xi32>
      %add3A_517 = arith.addi %mul3A_515, %add3A_516 : vector<16xi32>
      %mul3A_518 = arith.constant 0 : i32
      %mul3A_519 = vector.broadcast %mul3A_518 : i32 to vector<16xi32>
      %mul3A_520 = arith.muli %add3A_481, %mul3A_519 : vector<16xi32>
      %add3A_521 = arith.constant 1 : i32
      %add3A_522 = vector.broadcast %add3A_521 : i32 to vector<16xi32>
      %add3A_523 = arith.addi %mul3A_520, %add3A_522 : vector<16xi32>
      tpu.vector_store_idx %arg7[%min3A_509, %add3A_517, %add3A_481], %add3A_523 : memref<53x8x128xi32, #tpu.memory_space<vmem>>[vector<16xi32>, vector<16xi32>, vector<16xi32>], vector<16xi32>,
      %mul3A_524 = arith.constant 4 : i32
      %mul3A_525 = arith.muli %scan3A_471, %mul3A_524 : i32
      %add3A_526 = arith.constant 1 : i32
      %add3A_527 = arith.addi %mul3A_525, %add3A_526 : i32
      %shift_right_arithmetic3A_528 = arith.constant 3 : i32
      %shift_right_arithmetic3A_529 = arith.shrsi %add3A_527, %shift_right_arithmetic3A_528 : i32
      %and3A_530 = arith.constant 7 : i32
      %and3A_531 = arith.andi %add3A_527, %and3A_530 : i32
      %shift_left3A_532 = arith.constant 4 : i32
      %shift_left3A_533 = arith.shli %and3A_531, %shift_left3A_532 : i32
      %iota3A_534 = tpu.iota {dimensions = array<i32: 0>} : vector<16xi32>
      %add3A_535 = vector.broadcast %shift_left3A_533 : i32 to vector<16xi32>
      %add3A_536 = arith.addi %add3A_535, %iota3A_534 : vector<16xi32>
      %shift_right_arithmetic3A_537 = arith.constant 2 : i32
      %shift_right_arithmetic3A_538 = arith.shrsi %shift_right_arithmetic3A_529, %shift_right_arithmetic3A_537 : i32
      %add3A_539 = arith.constant 0 : i32
      %add3A_540 = arith.addi %add3A_539, %shift_right_arithmetic3A_538 : i32
      %mul3A_541 = arith.constant 26 : i32
      %mul3A_542 = vector.broadcast %mul3A_541 : i32 to vector<16xi32>
      %mul3A_543 = arith.muli %add3A_536, %mul3A_542 : vector<16xi32>
      %add3A_544 = vector.broadcast %add3A_540 : i32 to vector<16xi32>
      %add3A_545 = arith.addi %mul3A_543, %add3A_544 : vector<16xi32>
      %gather3A_546 = tpu.vector_load_idx %arg5[%add3A_545] : memref<3328xf32, #tpu.memory_space<vmem>>[vector<16xi32>], vector<16xf32>,
      %mul3A_547 = arith.constant 0 : i32
      %mul3A_548 = vector.broadcast %mul3A_547 : i32 to vector<16xi32>
      %mul3A_549 = arith.muli %add3A_536, %mul3A_548 : vector<16xi32>
      %and3A_550 = arith.constant 3 : i32
      %and3A_551 = arith.andi %shift_right_arithmetic3A_529, %and3A_550 : i32
      %add3A_552 = vector.broadcast %and3A_551 : i32 to vector<16xi32>
      %add3A_553 = arith.addi %mul3A_549, %add3A_552 : vector<16xi32>
      %gather3A_554 = tpu.vector_load_idx %arg6[%add3A_553] : memref<4xf32, #tpu.memory_space<vmem>>[vector<16xi32>], vector<16xf32>,
      %sub3A_555 = arith.subf %gather3A_546, %gather3A_554 : vector<16xf32>
      %abs3A_556 = math.absf %sub3A_555 : vector<16xf32>
      %mul3A_557 = arith.constant 1.000000e+01 : f32
      %mul3A_558 = vector.broadcast %mul3A_557 : f32 to vector<16xf32>
      %mul3A_559 = arith.mulf %mul3A_558, %abs3A_556 : vector<16xf32>
      %div3A_560 = arith.constant 1.000000e+00 : f32
      %div3A_561 = vector.broadcast %div3A_560 : f32 to vector<16xf32>
      %div3A_562 = arith.divf %mul3A_559, %div3A_561 : vector<16xf32>
      %add3A_563 = arith.constant 1.000000e+00 : f32
      %add3A_564 = vector.broadcast %add3A_563 : f32 to vector<16xf32>
      %add3A_565 = arith.addf %div3A_562, %add3A_564 : vector<16xf32>
      %convert_element_type3A_566 = arith.fptosi %add3A_565 : vector<16xf32> to vector<16xi32>
      %jit3A_567 = arith.constant 0 : i32
      %jit3A_568 = arith.constant 52 : i32
      %max3A_569 = vector.broadcast %jit3A_567 : i32 to vector<16xi32>
      %max3A_570 = arith.maxsi %max3A_569, %convert_element_type3A_566 : vector<16xi32>
      %min3A_571 = vector.broadcast %jit3A_568 : i32 to vector<16xi32>
      %min3A_572 = arith.minsi %min3A_571, %max3A_570 : vector<16xi32>
      %mul3A_573 = arith.constant 16 : i32
      %mul3A_574 = arith.muli %add3A_527, %mul3A_573 : i32
      %swap3A_575 = arith.index_cast %mul3A_574 : i32 to index
      %swap3A_576 = tpu.vector_load %arg9[%swap3A_575] {strides = array<i32>} : memref<1024xi32, #tpu.memory_space<vmem>>, vector<16xi32>,
      tpu.vector_store %arg9[%swap3A_575], %min3A_572 {strides = array<i32>} : memref<1024xi32, #tpu.memory_space<vmem>>, vector<16xi32>,
      %mul3A_577 = arith.constant 0 : i32
      %mul3A_578 = vector.broadcast %mul3A_577 : i32 to vector<16xi32>
      %mul3A_579 = arith.muli %add3A_536, %mul3A_578 : vector<16xi32>
      %add3A_580 = vector.broadcast %shift_right_arithmetic3A_529 : i32 to vector<16xi32>
      %add3A_581 = arith.addi %mul3A_579, %add3A_580 : vector<16xi32>
      %mul3A_582 = arith.constant 0 : i32
      %mul3A_583 = vector.broadcast %mul3A_582 : i32 to vector<16xi32>
      %mul3A_584 = arith.muli %add3A_536, %mul3A_583 : vector<16xi32>
      %add3A_585 = arith.constant 1 : i32
      %add3A_586 = vector.broadcast %add3A_585 : i32 to vector<16xi32>
      %add3A_587 = arith.addi %mul3A_584, %add3A_586 : vector<16xi32>
      tpu.vector_store_idx %arg7[%min3A_572, %add3A_581, %add3A_536], %add3A_587 : memref<53x8x128xi32, #tpu.memory_space<vmem>>[vector<16xi32>, vector<16xi32>, vector<16xi32>], vector<16xi32>,
      %mul3A_588 = arith.constant 4 : i32
      %mul3A_589 = arith.muli %scan3A_471, %mul3A_588 : i32
      %add3A_590 = arith.constant 2 : i32
      %add3A_591 = arith.addi %mul3A_589, %add3A_590 : i32
      %shift_right_arithmetic3A_592 = arith.constant 3 : i32
      %shift_right_arithmetic3A_593 = arith.shrsi %add3A_591, %shift_right_arithmetic3A_592 : i32
      %and3A_594 = arith.constant 7 : i32
      %and3A_595 = arith.andi %add3A_591, %and3A_594 : i32
      %shift_left3A_596 = arith.constant 4 : i32
      %shift_left3A_597 = arith.shli %and3A_595, %shift_left3A_596 : i32
      %iota3A_598 = tpu.iota {dimensions = array<i32: 0>} : vector<16xi32>
      %add3A_599 = vector.broadcast %shift_left3A_597 : i32 to vector<16xi32>
      %add3A_600 = arith.addi %add3A_599, %iota3A_598 : vector<16xi32>
      %shift_right_arithmetic3A_601 = arith.constant 2 : i32
      %shift_right_arithmetic3A_602 = arith.shrsi %shift_right_arithmetic3A_593, %shift_right_arithmetic3A_601 : i32
      %add3A_603 = arith.constant 0 : i32
      %add3A_604 = arith.addi %add3A_603, %shift_right_arithmetic3A_602 : i32
      %mul3A_605 = arith.constant 26 : i32
      %mul3A_606 = vector.broadcast %mul3A_605 : i32 to vector<16xi32>
      %mul3A_607 = arith.muli %add3A_600, %mul3A_606 : vector<16xi32>
      %add3A_608 = vector.broadcast %add3A_604 : i32 to vector<16xi32>
      %add3A_609 = arith.addi %mul3A_607, %add3A_608 : vector<16xi32>
      %gather3A_610 = tpu.vector_load_idx %arg5[%add3A_609] : memref<3328xf32, #tpu.memory_space<vmem>>[vector<16xi32>], vector<16xf32>,
      %mul3A_611 = arith.constant 0 : i32
      %mul3A_612 = vector.broadcast %mul3A_611 : i32 to vector<16xi32>
      %mul3A_613 = arith.muli %add3A_600, %mul3A_612 : vector<16xi32>
      %and3A_614 = arith.constant 3 : i32
      %and3A_615 = arith.andi %shift_right_arithmetic3A_593, %and3A_614 : i32
      %add3A_616 = vector.broadcast %and3A_615 : i32 to vector<16xi32>
      %add3A_617 = arith.addi %mul3A_613, %add3A_616 : vector<16xi32>
      %gather3A_618 = tpu.vector_load_idx %arg6[%add3A_617] : memref<4xf32, #tpu.memory_space<vmem>>[vector<16xi32>], vector<16xf32>,
      %sub3A_619 = arith.subf %gather3A_610, %gather3A_618 : vector<16xf32>
      %abs3A_620 = math.absf %sub3A_619 : vector<16xf32>
      %mul3A_621 = arith.constant 1.000000e+01 : f32
      %mul3A_622 = vector.broadcast %mul3A_621 : f32 to vector<16xf32>
      %mul3A_623 = arith.mulf %mul3A_622, %abs3A_620 : vector<16xf32>
      %div3A_624 = arith.constant 1.000000e+00 : f32
      %div3A_625 = vector.broadcast %div3A_624 : f32 to vector<16xf32>
      %div3A_626 = arith.divf %mul3A_623, %div3A_625 : vector<16xf32>
      %add3A_627 = arith.constant 1.000000e+00 : f32
      %add3A_628 = vector.broadcast %add3A_627 : f32 to vector<16xf32>
      %add3A_629 = arith.addf %div3A_626, %add3A_628 : vector<16xf32>
      %convert_element_type3A_630 = arith.fptosi %add3A_629 : vector<16xf32> to vector<16xi32>
      %jit3A_631 = arith.constant 0 : i32
      %jit3A_632 = arith.constant 52 : i32
      %max3A_633 = vector.broadcast %jit3A_631 : i32 to vector<16xi32>
      %max3A_634 = arith.maxsi %max3A_633, %convert_element_type3A_630 : vector<16xi32>
      %min3A_635 = vector.broadcast %jit3A_632 : i32 to vector<16xi32>
      %min3A_636 = arith.minsi %min3A_635, %max3A_634 : vector<16xi32>
      %mul3A_637 = arith.constant 16 : i32
      %mul3A_638 = arith.muli %add3A_591, %mul3A_637 : i32
      %swap3A_639 = arith.index_cast %mul3A_638 : i32 to index
      %swap3A_640 = tpu.vector_load %arg9[%swap3A_639] {strides = array<i32>} : memref<1024xi32, #tpu.memory_space<vmem>>, vector<16xi32>,
      tpu.vector_store %arg9[%swap3A_639], %min3A_636 {strides = array<i32>} : memref<1024xi32, #tpu.memory_space<vmem>>, vector<16xi32>,
      %mul3A_641 = arith.constant 0 : i32
      %mul3A_642 = vector.broadcast %mul3A_641 : i32 to vector<16xi32>
      %mul3A_643 = arith.muli %add3A_600, %mul3A_642 : vector<16xi32>
      %add3A_644 = vector.broadcast %shift_right_arithmetic3A_593 : i32 to vector<16xi32>
      %add3A_645 = arith.addi %mul3A_643, %add3A_644 : vector<16xi32>
      %mul3A_646 = arith.constant 0 : i32
      %mul3A_647 = vector.broadcast %mul3A_646 : i32 to vector<16xi32>
      %mul3A_648 = arith.muli %add3A_600, %mul3A_647 : vector<16xi32>
      %add3A_649 = arith.constant 1 : i32
      %add3A_650 = vector.broadcast %add3A_649 : i32 to vector<16xi32>
      %add3A_651 = arith.addi %mul3A_648, %add3A_650 : vector<16xi32>
      tpu.vector_store_idx %arg7[%min3A_636, %add3A_645, %add3A_600], %add3A_651 : memref<53x8x128xi32, #tpu.memory_space<vmem>>[vector<16xi32>, vector<16xi32>, vector<16xi32>], vector<16xi32>,
      %mul3A_652 = arith.constant 4 : i32
      %mul3A_653 = arith.muli %scan3A_471, %mul3A_652 : i32
      %add3A_654 = arith.constant 3 : i32
      %add3A_655 = arith.addi %mul3A_653, %add3A_654 : i32
      %shift_right_arithmetic3A_656 = arith.constant 3 : i32
      %shift_right_arithmetic3A_657 = arith.shrsi %add3A_655, %shift_right_arithmetic3A_656 : i32
      %and3A_658 = arith.constant 7 : i32
      %and3A_659 = arith.andi %add3A_655, %and3A_658 : i32
      %shift_left3A_660 = arith.constant 4 : i32
      %shift_left3A_661 = arith.shli %and3A_659, %shift_left3A_660 : i32
      %iota3A_662 = tpu.iota {dimensions = array<i32: 0>} : vector<16xi32>
      %add3A_663 = vector.broadcast %shift_left3A_661 : i32 to vector<16xi32>
      %add3A_664 = arith.addi %add3A_663, %iota3A_662 : vector<16xi32>
      %shift_right_arithmetic3A_665 = arith.constant 2 : i32
      %shift_right_arithmetic3A_666 = arith.shrsi %shift_right_arithmetic3A_657, %shift_right_arithmetic3A_665 : i32
      %add3A_667 = arith.constant 0 : i32
      %add3A_668 = arith.addi %add3A_667, %shift_right_arithmetic3A_666 : i32
      %mul3A_669 = arith.constant 26 : i32
      %mul3A_670 = vector.broadcast %mul3A_669 : i32 to vector<16xi32>
      %mul3A_671 = arith.muli %add3A_664, %mul3A_670 : vector<16xi32>
      %add3A_672 = vector.broadcast %add3A_668 : i32 to vector<16xi32>
      %add3A_673 = arith.addi %mul3A_671, %add3A_672 : vector<16xi32>
      %gather3A_674 = tpu.vector_load_idx %arg5[%add3A_673] : memref<3328xf32, #tpu.memory_space<vmem>>[vector<16xi32>], vector<16xf32>,
      %mul3A_675 = arith.constant 0 : i32
      %mul3A_676 = vector.broadcast %mul3A_675 : i32 to vector<16xi32>
      %mul3A_677 = arith.muli %add3A_664, %mul3A_676 : vector<16xi32>
      %and3A_678 = arith.constant 3 : i32
      %and3A_679 = arith.andi %shift_right_arithmetic3A_657, %and3A_678 : i32
      %add3A_680 = vector.broadcast %and3A_679 : i32 to vector<16xi32>
      %add3A_681 = arith.addi %mul3A_677, %add3A_680 : vector<16xi32>
      %gather3A_682 = tpu.vector_load_idx %arg6[%add3A_681] : memref<4xf32, #tpu.memory_space<vmem>>[vector<16xi32>], vector<16xf32>,
      %sub3A_683 = arith.subf %gather3A_674, %gather3A_682 : vector<16xf32>
      %abs3A_684 = math.absf %sub3A_683 : vector<16xf32>
      %mul3A_685 = arith.constant 1.000000e+01 : f32
      %mul3A_686 = vector.broadcast %mul3A_685 : f32 to vector<16xf32>
      %mul3A_687 = arith.mulf %mul3A_686, %abs3A_684 : vector<16xf32>
      %div3A_688 = arith.constant 1.000000e+00 : f32
      %div3A_689 = vector.broadcast %div3A_688 : f32 to vector<16xf32>
      %div3A_690 = arith.divf %mul3A_687, %div3A_689 : vector<16xf32>
      %add3A_691 = arith.constant 1.000000e+00 : f32
      %add3A_692 = vector.broadcast %add3A_691 : f32 to vector<16xf32>
      %add3A_693 = arith.addf %div3A_690, %add3A_692 : vector<16xf32>
      %convert_element_type3A_694 = arith.fptosi %add3A_693 : vector<16xf32> to vector<16xi32>
      %jit3A_695 = arith.constant 0 : i32
      %jit3A_696 = arith.constant 52 : i32
      %max3A_697 = vector.broadcast %jit3A_695 : i32 to vector<16xi32>
      %max3A_698 = arith.maxsi %max3A_697, %convert_element_type3A_694 : vector<16xi32>
      %min3A_699 = vector.broadcast %jit3A_696 : i32 to vector<16xi32>
      %min3A_700 = arith.minsi %min3A_699, %max3A_698 : vector<16xi32>
      %mul3A_701 = arith.constant 16 : i32
      %mul3A_702 = arith.muli %add3A_655, %mul3A_701 : i32
      %swap3A_703 = arith.index_cast %mul3A_702 : i32 to index
      %swap3A_704 = tpu.vector_load %arg9[%swap3A_703] {strides = array<i32>} : memref<1024xi32, #tpu.memory_space<vmem>>, vector<16xi32>,
      tpu.vector_store %arg9[%swap3A_703], %min3A_700 {strides = array<i32>} : memref<1024xi32, #tpu.memory_space<vmem>>, vector<16xi32>,
      %mul3A_705 = arith.constant 0 : i32
      %mul3A_706 = vector.broadcast %mul3A_705 : i32 to vector<16xi32>
      %mul3A_707 = arith.muli %add3A_664, %mul3A_706 : vector<16xi32>
      %add3A_708 = vector.broadcast %shift_right_arithmetic3A_657 : i32 to vector<16xi32>
      %add3A_709 = arith.addi %mul3A_707, %add3A_708 : vector<16xi32>
      %mul3A_710 = arith.constant 0 : i32
      %mul3A_711 = vector.broadcast %mul3A_710 : i32 to vector<16xi32>
      %mul3A_712 = arith.muli %add3A_664, %mul3A_711 : vector<16xi32>
      %add3A_713 = arith.constant 1 : i32
      %add3A_714 = vector.broadcast %add3A_713 : i32 to vector<16xi32>
      %add3A_715 = arith.addi %mul3A_712, %add3A_714 : vector<16xi32>
      tpu.vector_store_idx %arg7[%min3A_700, %add3A_709, %add3A_664], %add3A_715 : memref<53x8x128xi32, #tpu.memory_space<vmem>>[vector<16xi32>, vector<16xi32>, vector<16xi32>], vector<16xi32>,
      %scan3A_716 = arith.constant 0 : i32
      scf.yield %scan3A_716 : i32
    }
    %scan3A_17 = arith.constant 16 : i32
    %dma_start3A = arith.constant 0 : i32
    %dma_start3A_18 = arith.constant 0 : i32
    %dma_start3A_19 = arith.constant 0 : i32
    %dma_start3A_20 = tpu.memref_slice %arg7[%dma_start3A, %dma_start3A_18, %dma_start3A_19] : memref<53x8x128xi32, #tpu.memory_space<vmem>> -> memref<51x8x128xi32, #tpu.memory_space<vmem>>
    %dma_start3A_21 = arith.constant 0 : i32
    %dma_start3A_22 = arith.constant 0 : i32
    %dma_start3A_23 = tpu.memref_slice %arg4[%dma_start3A_21, %dma_start3A_22, %mul3A_2] : memref<51x104x4096xi32, #tpu.memory_space<hbm>> -> memref<51x8x128xi32, #tpu.memory_space<hbm>>
    %dma_start3A_24 = arith.constant 0 : i32
    %dma_start3A_25 = arith.constant 0 : i32
    %dma_start3A_26 = tpu.memref_slice %arg4[%dma_start3A_24, %dma_start3A_25, %mul3A_2] : memref<51x104x4096xi32, #tpu.memory_space<hbm>> -> memref<51x8x128xi32, #tpu.memory_space<hbm>>
    %dma_start3A_27 = arith.constant 0 : i32
    %dma_start3A_28 = arith.constant 0 : i32
    %dma_start3A_29 = arith.constant 0 : i32
    %dma_start3A_30 = tpu.memref_slice %arg7[%dma_start3A_27, %dma_start3A_28, %dma_start3A_29] : memref<53x8x128xi32, #tpu.memory_space<vmem>> -> memref<51x8x128xi32, #tpu.memory_space<vmem>>
    tpu.enqueue_dma source(%dma_start3A_30 : memref<51x8x128xi32, #tpu.memory_space<vmem>>) target(%dma_start3A_26 : memref<51x8x128xi32, #tpu.memory_space<hbm>>) target_semaphore(%arg11 : memref<!tpu.dma_semaphore, #tpu.memory_space<semaphore_mem>>)
    %scan3A_31 = arith.constant 0 : i32
    %scan3A_32 = arith.constant 0 : i32
    %scan3A_33 = arith.constant 424 : i32
    %scan3A_34 = arith.addi %scan3A_32, %scan3A_33 : i32
    %scan3A_35 = arith.constant 1 : i32
    %scan3A_36 = scf.for %scan3A_471 = %scan3A_32 to %scan3A_34 step %scan3A_35 iter_args(%scan3A_472 = %scan3A_31) -> (i32)  : i32 {
      %shift_right_arithmetic3A = arith.constant 3 : i32
      %shift_right_arithmetic3A_473 = arith.shrsi %scan3A_471, %shift_right_arithmetic3A : i32
      %and3A = arith.constant 7 : i32
      %and3A_474 = arith.andi %scan3A_471, %and3A : i32
      %broadcast_in_dim3A = arith.constant 0 : i32
      %broadcast_in_dim3A_475 = vector.broadcast %broadcast_in_dim3A : i32 to vector<16xi32>
      %swap3A = arith.index_cast %shift_right_arithmetic3A_473 : i32 to index
      %swap3A_476 = arith.index_cast %and3A_474 : i32 to index
      %swap3A_477 = arith.constant 0 : index
      %swap3A_478 = tpu.vector_load %arg8[%swap3A, %swap3A_476, %swap3A_477] {strides = array<i32>} : memref<53x8x128xi32, #tpu.memory_space<vmem>>, vector<16xi32>,
      tpu.vector_store %arg8[%swap3A, %swap3A_476, %swap3A_477], %broadcast_in_dim3A_475 {strides = array<i32>} : memref<53x8x128xi32, #tpu.memory_space<vmem>>, vector<16xi32>,
      %swap3A_479 = arith.index_cast %shift_right_arithmetic3A_473 : i32 to index
      %swap3A_480 = arith.index_cast %and3A_474 : i32 to index
      %swap3A_481 = arith.constant 16 : index
      %swap3A_482 = tpu.vector_load %arg8[%swap3A_479, %swap3A_480, %swap3A_481] {strides = array<i32>} : memref<53x8x128xi32, #tpu.memory_space<vmem>>, vector<16xi32>,
      tpu.vector_store %arg8[%swap3A_479, %swap3A_480, %swap3A_481], %broadcast_in_dim3A_475 {strides = array<i32>} : memref<53x8x128xi32, #tpu.memory_space<vmem>>, vector<16xi32>,
      %swap3A_483 = arith.index_cast %shift_right_arithmetic3A_473 : i32 to index
      %swap3A_484 = arith.index_cast %and3A_474 : i32 to index
      %swap3A_485 = arith.constant 32 : index
      %swap3A_486 = tpu.vector_load %arg8[%swap3A_483, %swap3A_484, %swap3A_485] {strides = array<i32>} : memref<53x8x128xi32, #tpu.memory_space<vmem>>, vector<16xi32>,
      tpu.vector_store %arg8[%swap3A_483, %swap3A_484, %swap3A_485], %broadcast_in_dim3A_475 {strides = array<i32>} : memref<53x8x128xi32, #tpu.memory_space<vmem>>, vector<16xi32>,
      %swap3A_487 = arith.index_cast %shift_right_arithmetic3A_473 : i32 to index
      %swap3A_488 = arith.index_cast %and3A_474 : i32 to index
      %swap3A_489 = arith.constant 48 : index
      %swap3A_490 = tpu.vector_load %arg8[%swap3A_487, %swap3A_488, %swap3A_489] {strides = array<i32>} : memref<53x8x128xi32, #tpu.memory_space<vmem>>, vector<16xi32>,
      tpu.vector_store %arg8[%swap3A_487, %swap3A_488, %swap3A_489], %broadcast_in_dim3A_475 {strides = array<i32>} : memref<53x8x128xi32, #tpu.memory_space<vmem>>, vector<16xi32>,
      %swap3A_491 = arith.index_cast %shift_right_arithmetic3A_473 : i32 to index
      %swap3A_492 = arith.index_cast %and3A_474 : i32 to index
      %swap3A_493 = arith.constant 64 : index
      %swap3A_494 = tpu.vector_load %arg8[%swap3A_491, %swap3A_492, %swap3A_493] {strides = array<i32>} : memref<53x8x128xi32, #tpu.memory_space<vmem>>, vector<16xi32>,
      tpu.vector_store %arg8[%swap3A_491, %swap3A_492, %swap3A_493], %broadcast_in_dim3A_475 {strides = array<i32>} : memref<53x8x128xi32, #tpu.memory_space<vmem>>, vector<16xi32>,
      %swap3A_495 = arith.index_cast %shift_right_arithmetic3A_473 : i32 to index
      %swap3A_496 = arith.index_cast %and3A_474 : i32 to index
      %swap3A_497 = arith.constant 80 : index
      %swap3A_498 = tpu.vector_load %arg8[%swap3A_495, %swap3A_496, %swap3A_497] {strides = array<i32>} : memref<53x8x128xi32, #tpu.memory_space<vmem>>, vector<16xi32>,
      tpu.vector_store %arg8[%swap3A_495, %swap3A_496, %swap3A_497], %broadcast_in_dim3A_475 {strides = array<i32>} : memref<53x8x128xi32, #tpu.memory_space<vmem>>, vector<16xi32>,
      %swap3A_499 = arith.index_cast %shift_right_arithmetic3A_473 : i32 to index
      %swap3A_500 = arith.index_cast %and3A_474 : i32 to index
      %swap3A_501 = arith.constant 96 : index
      %swap3A_502 = tpu.vector_load %arg8[%swap3A_499, %swap3A_500, %swap3A_501] {strides = array<i32>} : memref<53x8x128xi32, #tpu.memory_space<vmem>>, vector<16xi32>,
      tpu.vector_store %arg8[%swap3A_499, %swap3A_500, %swap3A_501], %broadcast_in_dim3A_475 {strides = array<i32>} : memref<53x8x128xi32, #tpu.memory_space<vmem>>, vector<16xi32>,
      %swap3A_503 = arith.index_cast %shift_right_arithmetic3A_473 : i32 to index
      %swap3A_504 = arith.index_cast %and3A_474 : i32 to index
      %swap3A_505 = arith.constant 112 : index
      %swap3A_506 = tpu.vector_load %arg8[%swap3A_503, %swap3A_504, %swap3A_505] {strides = array<i32>} : memref<53x8x128xi32, #tpu.memory_space<vmem>>, vector<16xi32>,
      tpu.vector_store %arg8[%swap3A_503, %swap3A_504, %swap3A_505], %broadcast_in_dim3A_475 {strides = array<i32>} : memref<53x8x128xi32, #tpu.memory_space<vmem>>, vector<16xi32>,
      %scan3A_507 = arith.constant 0 : i32
      scf.yield %scan3A_507 : i32
    }
    %scan3A_37 = arith.constant 424 : i32
    %scan3A_38 = arith.constant 0 : i32
    %scan3A_39 = arith.constant 0 : i32
    %scan3A_40 = arith.constant 16 : i32
    %scan3A_41 = arith.addi %scan3A_39, %scan3A_40 : i32
    %scan3A_42 = arith.constant 1 : i32
    %scan3A_43 = scf.for %scan3A_471 = %scan3A_39 to %scan3A_41 step %scan3A_42 iter_args(%scan3A_472 = %scan3A_38) -> (i32)  : i32 {
      %mul3A_473 = arith.constant 4 : i32
      %mul3A_474 = arith.muli %scan3A_471, %mul3A_473 : i32
      %add3A_475 = arith.constant 0 : i32
      %add3A_476 = arith.addi %mul3A_474, %add3A_475 : i32
      %shift_right_arithmetic3A = arith.constant 3 : i32
      %shift_right_arithmetic3A_477 = arith.shrsi %add3A_476, %shift_right_arithmetic3A : i32
      %and3A = arith.constant 7 : i32
      %and3A_478 = arith.andi %add3A_476, %and3A : i32
      %shift_left3A = arith.constant 4 : i32
      %shift_left3A_479 = arith.shli %and3A_478, %shift_left3A : i32
      %iota3A = tpu.iota {dimensions = array<i32: 0>} : vector<16xi32>
      %add3A_480 = vector.broadcast %shift_left3A_479 : i32 to vector<16xi32>
      %add3A_481 = arith.addi %add3A_480, %iota3A : vector<16xi32>
      %shift_right_arithmetic3A_482 = arith.constant 2 : i32
      %shift_right_arithmetic3A_483 = arith.shrsi %shift_right_arithmetic3A_477, %shift_right_arithmetic3A_482 : i32
      %add3A_484 = arith.constant 2 : i32
      %add3A_485 = arith.addi %add3A_484, %shift_right_arithmetic3A_483 : i32
      %mul3A_486 = arith.constant 26 : i32
      %mul3A_487 = vector.broadcast %mul3A_486 : i32 to vector<16xi32>
      %mul3A_488 = arith.muli %add3A_481, %mul3A_487 : vector<16xi32>
      %add3A_489 = vector.broadcast %add3A_485 : i32 to vector<16xi32>
      %add3A_490 = arith.addi %mul3A_488, %add3A_489 : vector<16xi32>
      %gather3A = tpu.vector_load_idx %arg5[%add3A_490] : memref<3328xf32, #tpu.memory_space<vmem>>[vector<16xi32>], vector<16xf32>,
      %mul3A_491 = arith.constant 0 : i32
      %mul3A_492 = vector.broadcast %mul3A_491 : i32 to vector<16xi32>
      %mul3A_493 = arith.muli %add3A_481, %mul3A_492 : vector<16xi32>
      %and3A_494 = arith.constant 3 : i32
      %and3A_495 = arith.andi %shift_right_arithmetic3A_477, %and3A_494 : i32
      %add3A_496 = vector.broadcast %and3A_495 : i32 to vector<16xi32>
      %add3A_497 = arith.addi %mul3A_493, %add3A_496 : vector<16xi32>
      %gather3A_498 = tpu.vector_load_idx %arg6[%add3A_497] : memref<4xf32, #tpu.memory_space<vmem>>[vector<16xi32>], vector<16xf32>,
      %sub3A = arith.subf %gather3A, %gather3A_498 : vector<16xf32>
      %abs3A = math.absf %sub3A : vector<16xf32>
      %mul3A_499 = arith.constant 1.000000e+01 : f32
      %mul3A_500 = vector.broadcast %mul3A_499 : f32 to vector<16xf32>
      %mul3A_501 = arith.mulf %mul3A_500, %abs3A : vector<16xf32>
      %div3A = arith.constant 1.000000e+00 : f32
      %div3A_502 = vector.broadcast %div3A : f32 to vector<16xf32>
      %div3A_503 = arith.divf %mul3A_501, %div3A_502 : vector<16xf32>
      %add3A_504 = arith.constant 1.000000e+00 : f32
      %add3A_505 = vector.broadcast %add3A_504 : f32 to vector<16xf32>
      %add3A_506 = arith.addf %div3A_503, %add3A_505 : vector<16xf32>
      %convert_element_type3A = arith.fptosi %add3A_506 : vector<16xf32> to vector<16xi32>
      %jit3A = arith.constant 0 : i32
      %jit3A_507 = arith.constant 52 : i32
      %max3A = vector.broadcast %jit3A : i32 to vector<16xi32>
      %max3A_508 = arith.maxsi %max3A, %convert_element_type3A : vector<16xi32>
      %min3A = vector.broadcast %jit3A_507 : i32 to vector<16xi32>
      %min3A_509 = arith.minsi %min3A, %max3A_508 : vector<16xi32>
      %mul3A_510 = arith.constant 16 : i32
      %mul3A_511 = arith.muli %add3A_476, %mul3A_510 : i32
      %swap3A = arith.index_cast %mul3A_511 : i32 to index
      %swap3A_512 = tpu.vector_load %arg10[%swap3A] {strides = array<i32>} : memref<1024xi32, #tpu.memory_space<vmem>>, vector<16xi32>,
      tpu.vector_store %arg10[%swap3A], %min3A_509 {strides = array<i32>} : memref<1024xi32, #tpu.memory_space<vmem>>, vector<16xi32>,
      %mul3A_513 = arith.constant 0 : i32
      %mul3A_514 = vector.broadcast %mul3A_513 : i32 to vector<16xi32>
      %mul3A_515 = arith.muli %add3A_481, %mul3A_514 : vector<16xi32>
      %add3A_516 = vector.broadcast %shift_right_arithmetic3A_477 : i32 to vector<16xi32>
      %add3A_517 = arith.addi %mul3A_515, %add3A_516 : vector<16xi32>
      %mul3A_518 = arith.constant 0 : i32
      %mul3A_519 = vector.broadcast %mul3A_518 : i32 to vector<16xi32>
      %mul3A_520 = arith.muli %add3A_481, %mul3A_519 : vector<16xi32>
      %add3A_521 = arith.constant 1 : i32
      %add3A_522 = vector.broadcast %add3A_521 : i32 to vector<16xi32>
      %add3A_523 = arith.addi %mul3A_520, %add3A_522 : vector<16xi32>
      tpu.vector_store_idx %arg8[%min3A_509, %add3A_517, %add3A_481], %add3A_523 : memref<53x8x128xi32, #tpu.memory_space<vmem>>[vector<16xi32>, vector<16xi32>, vector<16xi32>], vector<16xi32>,
      %mul3A_524 = arith.constant 4 : i32
      %mul3A_525 = arith.muli %scan3A_471, %mul3A_524 : i32
      %add3A_526 = arith.constant 1 : i32
      %add3A_527 = arith.addi %mul3A_525, %add3A_526 : i32
      %shift_right_arithmetic3A_528 = arith.constant 3 : i32
      %shift_right_arithmetic3A_529 = arith.shrsi %add3A_527, %shift_right_arithmetic3A_528 : i32
      %and3A_530 = arith.constant 7 : i32
      %and3A_531 = arith.andi %add3A_527, %and3A_530 : i32
      %shift_left3A_532 = arith.constant 4 : i32
      %shift_left3A_533 = arith.shli %and3A_531, %shift_left3A_532 : i32
      %iota3A_534 = tpu.iota {dimensions = array<i32: 0>} : vector<16xi32>
      %add3A_535 = vector.broadcast %shift_left3A_533 : i32 to vector<16xi32>
      %add3A_536 = arith.addi %add3A_535, %iota3A_534 : vector<16xi32>
      %shift_right_arithmetic3A_537 = arith.constant 2 : i32
      %shift_right_arithmetic3A_538 = arith.shrsi %shift_right_arithmetic3A_529, %shift_right_arithmetic3A_537 : i32
      %add3A_539 = arith.constant 2 : i32
      %add3A_540 = arith.addi %add3A_539, %shift_right_arithmetic3A_538 : i32
      %mul3A_541 = arith.constant 26 : i32
      %mul3A_542 = vector.broadcast %mul3A_541 : i32 to vector<16xi32>
      %mul3A_543 = arith.muli %add3A_536, %mul3A_542 : vector<16xi32>
      %add3A_544 = vector.broadcast %add3A_540 : i32 to vector<16xi32>
      %add3A_545 = arith.addi %mul3A_543, %add3A_544 : vector<16xi32>
      %gather3A_546 = tpu.vector_load_idx %arg5[%add3A_545] : memref<3328xf32, #tpu.memory_space<vmem>>[vector<16xi32>], vector<16xf32>,
      %mul3A_547 = arith.constant 0 : i32
      %mul3A_548 = vector.broadcast %mul3A_547 : i32 to vector<16xi32>
      %mul3A_549 = arith.muli %add3A_536, %mul3A_548 : vector<16xi32>
      %and3A_550 = arith.constant 3 : i32
      %and3A_551 = arith.andi %shift_right_arithmetic3A_529, %and3A_550 : i32
      %add3A_552 = vector.broadcast %and3A_551 : i32 to vector<16xi32>
      %add3A_553 = arith.addi %mul3A_549, %add3A_552 : vector<16xi32>
      %gather3A_554 = tpu.vector_load_idx %arg6[%add3A_553] : memref<4xf32, #tpu.memory_space<vmem>>[vector<16xi32>], vector<16xf32>,
      %sub3A_555 = arith.subf %gather3A_546, %gather3A_554 : vector<16xf32>
      %abs3A_556 = math.absf %sub3A_555 : vector<16xf32>
      %mul3A_557 = arith.constant 1.000000e+01 : f32
      %mul3A_558 = vector.broadcast %mul3A_557 : f32 to vector<16xf32>
      %mul3A_559 = arith.mulf %mul3A_558, %abs3A_556 : vector<16xf32>
      %div3A_560 = arith.constant 1.000000e+00 : f32
      %div3A_561 = vector.broadcast %div3A_560 : f32 to vector<16xf32>
      %div3A_562 = arith.divf %mul3A_559, %div3A_561 : vector<16xf32>
      %add3A_563 = arith.constant 1.000000e+00 : f32
      %add3A_564 = vector.broadcast %add3A_563 : f32 to vector<16xf32>
      %add3A_565 = arith.addf %div3A_562, %add3A_564 : vector<16xf32>
      %convert_element_type3A_566 = arith.fptosi %add3A_565 : vector<16xf32> to vector<16xi32>
      %jit3A_567 = arith.constant 0 : i32
      %jit3A_568 = arith.constant 52 : i32
      %max3A_569 = vector.broadcast %jit3A_567 : i32 to vector<16xi32>
      %max3A_570 = arith.maxsi %max3A_569, %convert_element_type3A_566 : vector<16xi32>
      %min3A_571 = vector.broadcast %jit3A_568 : i32 to vector<16xi32>
      %min3A_572 = arith.minsi %min3A_571, %max3A_570 : vector<16xi32>
      %mul3A_573 = arith.constant 16 : i32
      %mul3A_574 = arith.muli %add3A_527, %mul3A_573 : i32
      %swap3A_575 = arith.index_cast %mul3A_574 : i32 to index
      %swap3A_576 = tpu.vector_load %arg10[%swap3A_575] {strides = array<i32>} : memref<1024xi32, #tpu.memory_space<vmem>>, vector<16xi32>,
      tpu.vector_store %arg10[%swap3A_575], %min3A_572 {strides = array<i32>} : memref<1024xi32, #tpu.memory_space<vmem>>, vector<16xi32>,
      %mul3A_577 = arith.constant 0 : i32
      %mul3A_578 = vector.broadcast %mul3A_577 : i32 to vector<16xi32>
      %mul3A_579 = arith.muli %add3A_536, %mul3A_578 : vector<16xi32>
      %add3A_580 = vector.broadcast %shift_right_arithmetic3A_529 : i32 to vector<16xi32>
      %add3A_581 = arith.addi %mul3A_579, %add3A_580 : vector<16xi32>
      %mul3A_582 = arith.constant 0 : i32
      %mul3A_583 = vector.broadcast %mul3A_582 : i32 to vector<16xi32>
      %mul3A_584 = arith.muli %add3A_536, %mul3A_583 : vector<16xi32>
      %add3A_585 = arith.constant 1 : i32
      %add3A_586 = vector.broadcast %add3A_585 : i32 to vector<16xi32>
      %add3A_587 = arith.addi %mul3A_584, %add3A_586 : vector<16xi32>
      tpu.vector_store_idx %arg8[%min3A_572, %add3A_581, %add3A_536], %add3A_587 : memref<53x8x128xi32, #tpu.memory_space<vmem>>[vector<16xi32>, vector<16xi32>, vector<16xi32>], vector<16xi32>,
      %mul3A_588 = arith.constant 4 : i32
      %mul3A_589 = arith.muli %scan3A_471, %mul3A_588 : i32
      %add3A_590 = arith.constant 2 : i32
      %add3A_591 = arith.addi %mul3A_589, %add3A_590 : i32
      %shift_right_arithmetic3A_592 = arith.constant 3 : i32
      %shift_right_arithmetic3A_593 = arith.shrsi %add3A_591, %shift_right_arithmetic3A_592 : i32
      %and3A_594 = arith.constant 7 : i32
      %and3A_595 = arith.andi %add3A_591, %and3A_594 : i32
      %shift_left3A_596 = arith.constant 4 : i32
      %shift_left3A_597 = arith.shli %and3A_595, %shift_left3A_596 : i32
      %iota3A_598 = tpu.iota {dimensions = array<i32: 0>} : vector<16xi32>
      %add3A_599 = vector.broadcast %shift_left3A_597 : i32 to vector<16xi32>
      %add3A_600 = arith.addi %add3A_599, %iota3A_598 : vector<16xi32>
      %shift_right_arithmetic3A_601 = arith.constant 2 : i32
      %shift_right_arithmetic3A_602 = arith.shrsi %shift_right_arithmetic3A_593, %shift_right_arithmetic3A_601 : i32
      %add3A_603 = arith.constant 2 : i32
      %add3A_604 = arith.addi %add3A_603, %shift_right_arithmetic3A_602 : i32
      %mul3A_605 = arith.constant 26 : i32
      %mul3A_606 = vector.broadcast %mul3A_605 : i32 to vector<16xi32>
      %mul3A_607 = arith.muli %add3A_600, %mul3A_606 : vector<16xi32>
      %add3A_608 = vector.broadcast %add3A_604 : i32 to vector<16xi32>
      %add3A_609 = arith.addi %mul3A_607, %add3A_608 : vector<16xi32>
      %gather3A_610 = tpu.vector_load_idx %arg5[%add3A_609] : memref<3328xf32, #tpu.memory_space<vmem>>[vector<16xi32>], vector<16xf32>,
      %mul3A_611 = arith.constant 0 : i32
      %mul3A_612 = vector.broadcast %mul3A_611 : i32 to vector<16xi32>
      %mul3A_613 = arith.muli %add3A_600, %mul3A_612 : vector<16xi32>
      %and3A_614 = arith.constant 3 : i32
      %and3A_615 = arith.andi %shift_right_arithmetic3A_593, %and3A_614 : i32
      %add3A_616 = vector.broadcast %and3A_615 : i32 to vector<16xi32>
      %add3A_617 = arith.addi %mul3A_613, %add3A_616 : vector<16xi32>
      %gather3A_618 = tpu.vector_load_idx %arg6[%add3A_617] : memref<4xf32, #tpu.memory_space<vmem>>[vector<16xi32>], vector<16xf32>,
      %sub3A_619 = arith.subf %gather3A_610, %gather3A_618 : vector<16xf32>
      %abs3A_620 = math.absf %sub3A_619 : vector<16xf32>
      %mul3A_621 = arith.constant 1.000000e+01 : f32
      %mul3A_622 = vector.broadcast %mul3A_621 : f32 to vector<16xf32>
      %mul3A_623 = arith.mulf %mul3A_622, %abs3A_620 : vector<16xf32>
      %div3A_624 = arith.constant 1.000000e+00 : f32
      %div3A_625 = vector.broadcast %div3A_624 : f32 to vector<16xf32>
      %div3A_626 = arith.divf %mul3A_623, %div3A_625 : vector<16xf32>
      %add3A_627 = arith.constant 1.000000e+00 : f32
      %add3A_628 = vector.broadcast %add3A_627 : f32 to vector<16xf32>
      %add3A_629 = arith.addf %div3A_626, %add3A_628 : vector<16xf32>
      %convert_element_type3A_630 = arith.fptosi %add3A_629 : vector<16xf32> to vector<16xi32>
      %jit3A_631 = arith.constant 0 : i32
      %jit3A_632 = arith.constant 52 : i32
      %max3A_633 = vector.broadcast %jit3A_631 : i32 to vector<16xi32>
      %max3A_634 = arith.maxsi %max3A_633, %convert_element_type3A_630 : vector<16xi32>
      %min3A_635 = vector.broadcast %jit3A_632 : i32 to vector<16xi32>
      %min3A_636 = arith.minsi %min3A_635, %max3A_634 : vector<16xi32>
      %mul3A_637 = arith.constant 16 : i32
      %mul3A_638 = arith.muli %add3A_591, %mul3A_637 : i32
      %swap3A_639 = arith.index_cast %mul3A_638 : i32 to index
      %swap3A_640 = tpu.vector_load %arg10[%swap3A_639] {strides = array<i32>} : memref<1024xi32, #tpu.memory_space<vmem>>, vector<16xi32>,
      tpu.vector_store %arg10[%swap3A_639], %min3A_636 {strides = array<i32>} : memref<1024xi32, #tpu.memory_space<vmem>>, vector<16xi32>,
      %mul3A_641 = arith.constant 0 : i32
      %mul3A_642 = vector.broadcast %mul3A_641 : i32 to vector<16xi32>
      %mul3A_643 = arith.muli %add3A_600, %mul3A_642 : vector<16xi32>
      %add3A_644 = vector.broadcast %shift_right_arithmetic3A_593 : i32 to vector<16xi32>
      %add3A_645 = arith.addi %mul3A_643, %add3A_644 : vector<16xi32>
      %mul3A_646 = arith.constant 0 : i32
      %mul3A_647 = vector.broadcast %mul3A_646 : i32 to vector<16xi32>
      %mul3A_648 = arith.muli %add3A_600, %mul3A_647 : vector<16xi32>
      %add3A_649 = arith.constant 1 : i32
      %add3A_650 = vector.broadcast %add3A_649 : i32 to vector<16xi32>
      %add3A_651 = arith.addi %mul3A_648, %add3A_650 : vector<16xi32>
      tpu.vector_store_idx %arg8[%min3A_636, %add3A_645, %add3A_600], %add3A_651 : memref<53x8x128xi32, #tpu.memory_space<vmem>>[vector<16xi32>, vector<16xi32>, vector<16xi32>], vector<16xi32>,
      %mul3A_652 = arith.constant 4 : i32
      %mul3A_653 = arith.muli %scan3A_471, %mul3A_652 : i32
      %add3A_654 = arith.constant 3 : i32
      %add3A_655 = arith.addi %mul3A_653, %add3A_654 : i32
      %shift_right_arithmetic3A_656 = arith.constant 3 : i32
      %shift_right_arithmetic3A_657 = arith.shrsi %add3A_655, %shift_right_arithmetic3A_656 : i32
      %and3A_658 = arith.constant 7 : i32
      %and3A_659 = arith.andi %add3A_655, %and3A_658 : i32
      %shift_left3A_660 = arith.constant 4 : i32
      %shift_left3A_661 = arith.shli %and3A_659, %shift_left3A_660 : i32
      %iota3A_662 = tpu.iota {dimensions = array<i32: 0>} : vector<16xi32>
      %add3A_663 = vector.broadcast %shift_left3A_661 : i32 to vector<16xi32>
      %add3A_664 = arith.addi %add3A_663, %iota3A_662 : vector<16xi32>
      %shift_right_arithmetic3A_665 = arith.constant 2 : i32
      %shift_right_arithmetic3A_666 = arith.shrsi %shift_right_arithmetic3A_657, %shift_right_arithmetic3A_665 : i32
      %add3A_667 = arith.constant 2 : i32
      %add3A_668 = arith.addi %add3A_667, %shift_right_arithmetic3A_666 : i32
      %mul3A_669 = arith.constant 26 : i32
      %mul3A_670 = vector.broadcast %mul3A_669 : i32 to vector<16xi32>
      %mul3A_671 = arith.muli %add3A_664, %mul3A_670 : vector<16xi32>
      %add3A_672 = vector.broadcast %add3A_668 : i32 to vector<16xi32>
      %add3A_673 = arith.addi %mul3A_671, %add3A_672 : vector<16xi32>
      %gather3A_674 = tpu.vector_load_idx %arg5[%add3A_673] : memref<3328xf32, #tpu.memory_space<vmem>>[vector<16xi32>], vector<16xf32>,
      %mul3A_675 = arith.constant 0 : i32
      %mul3A_676 = vector.broadcast %mul3A_675 : i32 to vector<16xi32>
      %mul3A_677 = arith.muli %add3A_664, %mul3A_676 : vector<16xi32>
      %and3A_678 = arith.constant 3 : i32
      %and3A_679 = arith.andi %shift_right_arithmetic3A_657, %and3A_678 : i32
      %add3A_680 = vector.broadcast %and3A_679 : i32 to vector<16xi32>
      %add3A_681 = arith.addi %mul3A_677, %add3A_680 : vector<16xi32>
      %gather3A_682 = tpu.vector_load_idx %arg6[%add3A_681] : memref<4xf32, #tpu.memory_space<vmem>>[vector<16xi32>], vector<16xf32>,
      %sub3A_683 = arith.subf %gather3A_674, %gather3A_682 : vector<16xf32>
      %abs3A_684 = math.absf %sub3A_683 : vector<16xf32>
      %mul3A_685 = arith.constant 1.000000e+01 : f32
      %mul3A_686 = vector.broadcast %mul3A_685 : f32 to vector<16xf32>
      %mul3A_687 = arith.mulf %mul3A_686, %abs3A_684 : vector<16xf32>
      %div3A_688 = arith.constant 1.000000e+00 : f32
      %div3A_689 = vector.broadcast %div3A_688 : f32 to vector<16xf32>
      %div3A_690 = arith.divf %mul3A_687, %div3A_689 : vector<16xf32>
      %add3A_691 = arith.constant 1.000000e+00 : f32
      %add3A_692 = vector.broadcast %add3A_691 : f32 to vector<16xf32>
      %add3A_693 = arith.addf %div3A_690, %add3A_692 : vector<16xf32>
      %convert_element_type3A_694 = arith.fptosi %add3A_693 : vector<16xf32> to vector<16xi32>
      %jit3A_695 = arith.constant 0 : i32
      %jit3A_696 = arith.constant 52 : i32
      %max3A_697 = vector.broadcast %jit3A_695 : i32 to vector<16xi32>
      %max3A_698 = arith.maxsi %max3A_697, %convert_element_type3A_694 : vector<16xi32>
      %min3A_699 = vector.broadcast %jit3A_696 : i32 to vector<16xi32>
      %min3A_700 = arith.minsi %min3A_699, %max3A_698 : vector<16xi32>
      %mul3A_701 = arith.constant 16 : i32
      %mul3A_702 = arith.muli %add3A_655, %mul3A_701 : i32
      %swap3A_703 = arith.index_cast %mul3A_702 : i32 to index
      %swap3A_704 = tpu.vector_load %arg10[%swap3A_703] {strides = array<i32>} : memref<1024xi32, #tpu.memory_space<vmem>>, vector<16xi32>,
      tpu.vector_store %arg10[%swap3A_703], %min3A_700 {strides = array<i32>} : memref<1024xi32, #tpu.memory_space<vmem>>, vector<16xi32>,
      %mul3A_705 = arith.constant 0 : i32
      %mul3A_706 = vector.broadcast %mul3A_705 : i32 to vector<16xi32>
      %mul3A_707 = arith.muli %add3A_664, %mul3A_706 : vector<16xi32>
      %add3A_708 = vector.broadcast %shift_right_arithmetic3A_657 : i32 to vector<16xi32>
      %add3A_709 = arith.addi %mul3A_707, %add3A_708 : vector<16xi32>
      %mul3A_710 = arith.constant 0 : i32
      %mul3A_711 = vector.broadcast %mul3A_710 : i32 to vector<16xi32>
      %mul3A_712 = arith.muli %add3A_664, %mul3A_711 : vector<16xi32>
      %add3A_713 = arith.constant 1 : i32
      %add3A_714 = vector.broadcast %add3A_713 : i32 to vector<16xi32>
      %add3A_715 = arith.addi %mul3A_712, %add3A_714 : vector<16xi32>
      tpu.vector_store_idx %arg8[%min3A_700, %add3A_709, %add3A_664], %add3A_715 : memref<53x8x128xi32, #tpu.memory_space<vmem>>[vector<16xi32>, vector<16xi32>, vector<16xi32>], vector<16xi32>,
      %scan3A_716 = arith.constant 0 : i32
      scf.yield %scan3A_716 : i32
    }
    %scan3A_44 = arith.constant 16 : i32
    %dma_start3A_45 = arith.constant 0 : i32
    %dma_start3A_46 = arith.constant 0 : i32
    %dma_start3A_47 = arith.constant 0 : i32
    %dma_start3A_48 = tpu.memref_slice %arg8[%dma_start3A_45, %dma_start3A_46, %dma_start3A_47] : memref<53x8x128xi32, #tpu.memory_space<vmem>> -> memref<51x8x128xi32, #tpu.memory_space<vmem>>
    %dma_start3A_49 = arith.constant 0 : i32
    %dma_start3A_50 = arith.constant 8 : i32
    %dma_start3A_51 = tpu.memref_slice %arg4[%dma_start3A_49, %dma_start3A_50, %mul3A_2] : memref<51x104x4096xi32, #tpu.memory_space<hbm>> -> memref<51x8x128xi32, #tpu.memory_space<hbm>>
    %dma_start3A_52 = arith.constant 0 : i32
    %dma_start3A_53 = arith.constant 8 : i32
    %dma_start3A_54 = tpu.memref_slice %arg4[%dma_start3A_52, %dma_start3A_53, %mul3A_2] : memref<51x104x4096xi32, #tpu.memory_space<hbm>> -> memref<51x8x128xi32, #tpu.memory_space<hbm>>
    %dma_start3A_55 = arith.constant 0 : i32
    %dma_start3A_56 = arith.constant 0 : i32
    %dma_start3A_57 = arith.constant 0 : i32
    %dma_start3A_58 = tpu.memref_slice %arg8[%dma_start3A_55, %dma_start3A_56, %dma_start3A_57] : memref<53x8x128xi32, #tpu.memory_space<vmem>> -> memref<51x8x128xi32, #tpu.memory_space<vmem>>
    tpu.enqueue_dma source(%dma_start3A_58 : memref<51x8x128xi32, #tpu.memory_space<vmem>>) target(%dma_start3A_54 : memref<51x8x128xi32, #tpu.memory_space<hbm>>) target_semaphore(%arg12 : memref<!tpu.dma_semaphore, #tpu.memory_space<semaphore_mem>>)
    %dma_wait3A = arith.constant 0 : i32
    %dma_wait3A_59 = arith.constant 0 : i32
    %dma_wait3A_60 = arith.constant 0 : i32
    %dma_wait3A_61 = tpu.memref_slice %arg7[%dma_wait3A, %dma_wait3A_59, %dma_wait3A_60] : memref<53x8x128xi32, #tpu.memory_space<vmem>> -> memref<51x8x128xi32, #tpu.memory_space<vmem>>
    %dma_wait3A_62 = arith.constant 0 : i32
    %dma_wait3A_63 = arith.constant 0 : i32
    %dma_wait3A_64 = tpu.memref_slice %arg4[%dma_wait3A_62, %dma_wait3A_63, %mul3A_2] : memref<51x104x4096xi32, #tpu.memory_space<hbm>> -> memref<51x8x128xi32, #tpu.memory_space<hbm>>
    %dma_wait3A_65 = arith.constant 0 : i32
    %dma_wait3A_66 = arith.constant 0 : i32
    %dma_wait3A_67 = tpu.memref_slice %arg4[%dma_wait3A_65, %dma_wait3A_66, %mul3A_2] : memref<51x104x4096xi32, #tpu.memory_space<hbm>> -> memref<51x8x128xi32, #tpu.memory_space<hbm>>
    %dma_wait3A_68 = arith.constant 0 : i32
    %dma_wait3A_69 = arith.constant 0 : i32
    %dma_wait3A_70 = arith.constant 0 : i32
    %dma_wait3A_71 = tpu.memref_slice %arg7[%dma_wait3A_68, %dma_wait3A_69, %dma_wait3A_70] : memref<53x8x128xi32, #tpu.memory_space<vmem>> -> memref<51x8x128xi32, #tpu.memory_space<vmem>>
    tpu.wait_dma2 semaphore(%arg11 : memref<!tpu.dma_semaphore, #tpu.memory_space<semaphore_mem>>) src(%dma_wait3A_71 : memref<51x8x128xi32, #tpu.memory_space<vmem>>) dst(%dma_wait3A_67 : memref<51x8x128xi32, #tpu.memory_space<hbm>>)
    %scan3A_72 = arith.constant 0 : i32
    %scan3A_73 = arith.constant 0 : i32
    %scan3A_74 = arith.constant 16 : i32
    %scan3A_75 = arith.addi %scan3A_73, %scan3A_74 : i32
    %scan3A_76 = arith.constant 1 : i32
    %scan3A_77 = scf.for %scan3A_471 = %scan3A_73 to %scan3A_75 step %scan3A_76 iter_args(%scan3A_472 = %scan3A_72) -> (i32)  : i32 {
      %mul3A_473 = arith.constant 4 : i32
      %mul3A_474 = arith.muli %scan3A_471, %mul3A_473 : i32
      %add3A_475 = arith.constant 0 : i32
      %add3A_476 = arith.addi %mul3A_474, %add3A_475 : i32
      %shift_right_arithmetic3A = arith.constant 3 : i32
      %shift_right_arithmetic3A_477 = arith.shrsi %add3A_476, %shift_right_arithmetic3A : i32
      %and3A = arith.constant 7 : i32
      %and3A_478 = arith.andi %add3A_476, %and3A : i32
      %shift_left3A = arith.constant 4 : i32
      %shift_left3A_479 = arith.shli %and3A_478, %shift_left3A : i32
      %iota3A = tpu.iota {dimensions = array<i32: 0>} : vector<16xi32>
      %add3A_480 = vector.broadcast %shift_left3A_479 : i32 to vector<16xi32>
      %add3A_481 = arith.addi %add3A_480, %iota3A : vector<16xi32>
      %shift_right_arithmetic3A_482 = arith.constant 2 : i32
      %shift_right_arithmetic3A_483 = arith.shrsi %shift_right_arithmetic3A_477, %shift_right_arithmetic3A_482 : i32
      %add3A_484 = arith.constant 4 : i32
      %add3A_485 = arith.addi %add3A_484, %shift_right_arithmetic3A_483 : i32
      %mul3A_486 = arith.constant 16 : i32
      %mul3A_487 = arith.muli %add3A_476, %mul3A_486 : i32
      %get3A = arith.index_cast %mul3A_487 : i32 to index
      %get3A_488 = tpu.vector_load %arg9[%get3A] {strides = array<i32>} : memref<1024xi32, #tpu.memory_space<vmem>>, vector<16xi32>,
      %mul3A_489 = arith.constant 0 : i32
      %mul3A_490 = vector.broadcast %mul3A_489 : i32 to vector<16xi32>
      %mul3A_491 = arith.muli %add3A_481, %mul3A_490 : vector<16xi32>
      %add3A_492 = vector.broadcast %shift_right_arithmetic3A_477 : i32 to vector<16xi32>
      %add3A_493 = arith.addi %mul3A_491, %add3A_492 : vector<16xi32>
      %mul3A_494 = arith.constant 0 : i32
      %mul3A_495 = vector.broadcast %mul3A_494 : i32 to vector<16xi32>
      %mul3A_496 = arith.muli %add3A_481, %mul3A_495 : vector<16xi32>
      tpu.vector_store_idx %arg7[%get3A_488, %add3A_493, %add3A_481], %mul3A_496 : memref<53x8x128xi32, #tpu.memory_space<vmem>>[vector<16xi32>, vector<16xi32>, vector<16xi32>], vector<16xi32>,
      %mul3A_497 = arith.constant 26 : i32
      %mul3A_498 = vector.broadcast %mul3A_497 : i32 to vector<16xi32>
      %mul3A_499 = arith.muli %add3A_481, %mul3A_498 : vector<16xi32>
      %add3A_500 = vector.broadcast %add3A_485 : i32 to vector<16xi32>
      %add3A_501 = arith.addi %mul3A_499, %add3A_500 : vector<16xi32>
      %gather3A = tpu.vector_load_idx %arg5[%add3A_501] : memref<3328xf32, #tpu.memory_space<vmem>>[vector<16xi32>], vector<16xf32>,
      %mul3A_502 = arith.constant 0 : i32
      %mul3A_503 = vector.broadcast %mul3A_502 : i32 to vector<16xi32>
      %mul3A_504 = arith.muli %add3A_481, %mul3A_503 : vector<16xi32>
      %and3A_505 = arith.constant 3 : i32
      %and3A_506 = arith.andi %shift_right_arithmetic3A_477, %and3A_505 : i32
      %add3A_507 = vector.broadcast %and3A_506 : i32 to vector<16xi32>
      %add3A_508 = arith.addi %mul3A_504, %add3A_507 : vector<16xi32>
      %gather3A_509 = tpu.vector_load_idx %arg6[%add3A_508] : memref<4xf32, #tpu.memory_space<vmem>>[vector<16xi32>], vector<16xf32>,
      %sub3A = arith.subf %gather3A, %gather3A_509 : vector<16xf32>
      %abs3A = math.absf %sub3A : vector<16xf32>
      %mul3A_510 = arith.constant 1.000000e+01 : f32
      %mul3A_511 = vector.broadcast %mul3A_510 : f32 to vector<16xf32>
      %mul3A_512 = arith.mulf %mul3A_511, %abs3A : vector<16xf32>
      %div3A = arith.constant 1.000000e+00 : f32
      %div3A_513 = vector.broadcast %div3A : f32 to vector<16xf32>
      %div3A_514 = arith.divf %mul3A_512, %div3A_513 : vector<16xf32>
      %add3A_515 = arith.constant 1.000000e+00 : f32
      %add3A_516 = vector.broadcast %add3A_515 : f32 to vector<16xf32>
      %add3A_517 = arith.addf %div3A_514, %add3A_516 : vector<16xf32>
      %convert_element_type3A = arith.fptosi %add3A_517 : vector<16xf32> to vector<16xi32>
      %jit3A = arith.constant 0 : i32
      %jit3A_518 = arith.constant 52 : i32
      %max3A = vector.broadcast %jit3A : i32 to vector<16xi32>
      %max3A_519 = arith.maxsi %max3A, %convert_element_type3A : vector<16xi32>
      %min3A = vector.broadcast %jit3A_518 : i32 to vector<16xi32>
      %min3A_520 = arith.minsi %min3A, %max3A_519 : vector<16xi32>
      %mul3A_521 = arith.constant 16 : i32
      %mul3A_522 = arith.muli %add3A_476, %mul3A_521 : i32
      %swap3A = arith.index_cast %mul3A_522 : i32 to index
      %swap3A_523 = tpu.vector_load %arg9[%swap3A] {strides = array<i32>} : memref<1024xi32, #tpu.memory_space<vmem>>, vector<16xi32>,
      tpu.vector_store %arg9[%swap3A], %min3A_520 {strides = array<i32>} : memref<1024xi32, #tpu.memory_space<vmem>>, vector<16xi32>,
      %mul3A_524 = arith.constant 0 : i32
      %mul3A_525 = vector.broadcast %mul3A_524 : i32 to vector<16xi32>
      %mul3A_526 = arith.muli %add3A_481, %mul3A_525 : vector<16xi32>
      %add3A_527 = vector.broadcast %shift_right_arithmetic3A_477 : i32 to vector<16xi32>
      %add3A_528 = arith.addi %mul3A_526, %add3A_527 : vector<16xi32>
      %mul3A_529 = arith.constant 0 : i32
      %mul3A_530 = vector.broadcast %mul3A_529 : i32 to vector<16xi32>
      %mul3A_531 = arith.muli %add3A_481, %mul3A_530 : vector<16xi32>
      %add3A_532 = arith.constant 1 : i32
      %add3A_533 = vector.broadcast %add3A_532 : i32 to vector<16xi32>
      %add3A_534 = arith.addi %mul3A_531, %add3A_533 : vector<16xi32>
      tpu.vector_store_idx %arg7[%min3A_520, %add3A_528, %add3A_481], %add3A_534 : memref<53x8x128xi32, #tpu.memory_space<vmem>>[vector<16xi32>, vector<16xi32>, vector<16xi32>], vector<16xi32>,
      %mul3A_535 = arith.constant 4 : i32
      %mul3A_536 = arith.muli %scan3A_471, %mul3A_535 : i32
      %add3A_537 = arith.constant 1 : i32
      %add3A_538 = arith.addi %mul3A_536, %add3A_537 : i32
      %shift_right_arithmetic3A_539 = arith.constant 3 : i32
      %shift_right_arithmetic3A_540 = arith.shrsi %add3A_538, %shift_right_arithmetic3A_539 : i32
      %and3A_541 = arith.constant 7 : i32
      %and3A_542 = arith.andi %add3A_538, %and3A_541 : i32
      %shift_left3A_543 = arith.constant 4 : i32
      %shift_left3A_544 = arith.shli %and3A_542, %shift_left3A_543 : i32
      %iota3A_545 = tpu.iota {dimensions = array<i32: 0>} : vector<16xi32>
      %add3A_546 = vector.broadcast %shift_left3A_544 : i32 to vector<16xi32>
      %add3A_547 = arith.addi %add3A_546, %iota3A_545 : vector<16xi32>
      %shift_right_arithmetic3A_548 = arith.constant 2 : i32
      %shift_right_arithmetic3A_549 = arith.shrsi %shift_right_arithmetic3A_540, %shift_right_arithmetic3A_548 : i32
      %add3A_550 = arith.constant 4 : i32
      %add3A_551 = arith.addi %add3A_550, %shift_right_arithmetic3A_549 : i32
      %mul3A_552 = arith.constant 16 : i32
      %mul3A_553 = arith.muli %add3A_538, %mul3A_552 : i32
      %get3A_554 = arith.index_cast %mul3A_553 : i32 to index
      %get3A_555 = tpu.vector_load %arg9[%get3A_554] {strides = array<i32>} : memref<1024xi32, #tpu.memory_space<vmem>>, vector<16xi32>,
      %mul3A_556 = arith.constant 0 : i32
      %mul3A_557 = vector.broadcast %mul3A_556 : i32 to vector<16xi32>
      %mul3A_558 = arith.muli %add3A_547, %mul3A_557 : vector<16xi32>
      %add3A_559 = vector.broadcast %shift_right_arithmetic3A_540 : i32 to vector<16xi32>
      %add3A_560 = arith.addi %mul3A_558, %add3A_559 : vector<16xi32>
      %mul3A_561 = arith.constant 0 : i32
      %mul3A_562 = vector.broadcast %mul3A_561 : i32 to vector<16xi32>
      %mul3A_563 = arith.muli %add3A_547, %mul3A_562 : vector<16xi32>
      tpu.vector_store_idx %arg7[%get3A_555, %add3A_560, %add3A_547], %mul3A_563 : memref<53x8x128xi32, #tpu.memory_space<vmem>>[vector<16xi32>, vector<16xi32>, vector<16xi32>], vector<16xi32>,
      %mul3A_564 = arith.constant 26 : i32
      %mul3A_565 = vector.broadcast %mul3A_564 : i32 to vector<16xi32>
      %mul3A_566 = arith.muli %add3A_547, %mul3A_565 : vector<16xi32>
      %add3A_567 = vector.broadcast %add3A_551 : i32 to vector<16xi32>
      %add3A_568 = arith.addi %mul3A_566, %add3A_567 : vector<16xi32>
      %gather3A_569 = tpu.vector_load_idx %arg5[%add3A_568] : memref<3328xf32, #tpu.memory_space<vmem>>[vector<16xi32>], vector<16xf32>,
      %mul3A_570 = arith.constant 0 : i32
      %mul3A_571 = vector.broadcast %mul3A_570 : i32 to vector<16xi32>
      %mul3A_572 = arith.muli %add3A_547, %mul3A_571 : vector<16xi32>
      %and3A_573 = arith.constant 3 : i32
      %and3A_574 = arith.andi %shift_right_arithmetic3A_540, %and3A_573 : i32
      %add3A_575 = vector.broadcast %and3A_574 : i32 to vector<16xi32>
      %add3A_576 = arith.addi %mul3A_572, %add3A_575 : vector<16xi32>
      %gather3A_577 = tpu.vector_load_idx %arg6[%add3A_576] : memref<4xf32, #tpu.memory_space<vmem>>[vector<16xi32>], vector<16xf32>,
      %sub3A_578 = arith.subf %gather3A_569, %gather3A_577 : vector<16xf32>
      %abs3A_579 = math.absf %sub3A_578 : vector<16xf32>
      %mul3A_580 = arith.constant 1.000000e+01 : f32
      %mul3A_581 = vector.broadcast %mul3A_580 : f32 to vector<16xf32>
      %mul3A_582 = arith.mulf %mul3A_581, %abs3A_579 : vector<16xf32>
      %div3A_583 = arith.constant 1.000000e+00 : f32
      %div3A_584 = vector.broadcast %div3A_583 : f32 to vector<16xf32>
      %div3A_585 = arith.divf %mul3A_582, %div3A_584 : vector<16xf32>
      %add3A_586 = arith.constant 1.000000e+00 : f32
      %add3A_587 = vector.broadcast %add3A_586 : f32 to vector<16xf32>
      %add3A_588 = arith.addf %div3A_585, %add3A_587 : vector<16xf32>
      %convert_element_type3A_589 = arith.fptosi %add3A_588 : vector<16xf32> to vector<16xi32>
      %jit3A_590 = arith.constant 0 : i32
      %jit3A_591 = arith.constant 52 : i32
      %max3A_592 = vector.broadcast %jit3A_590 : i32 to vector<16xi32>
      %max3A_593 = arith.maxsi %max3A_592, %convert_element_type3A_589 : vector<16xi32>
      %min3A_594 = vector.broadcast %jit3A_591 : i32 to vector<16xi32>
      %min3A_595 = arith.minsi %min3A_594, %max3A_593 : vector<16xi32>
      %mul3A_596 = arith.constant 16 : i32
      %mul3A_597 = arith.muli %add3A_538, %mul3A_596 : i32
      %swap3A_598 = arith.index_cast %mul3A_597 : i32 to index
      %swap3A_599 = tpu.vector_load %arg9[%swap3A_598] {strides = array<i32>} : memref<1024xi32, #tpu.memory_space<vmem>>, vector<16xi32>,
      tpu.vector_store %arg9[%swap3A_598], %min3A_595 {strides = array<i32>} : memref<1024xi32, #tpu.memory_space<vmem>>, vector<16xi32>,
      %mul3A_600 = arith.constant 0 : i32
      %mul3A_601 = vector.broadcast %mul3A_600 : i32 to vector<16xi32>
      %mul3A_602 = arith.muli %add3A_547, %mul3A_601 : vector<16xi32>
      %add3A_603 = vector.broadcast %shift_right_arithmetic3A_540 : i32 to vector<16xi32>
      %add3A_604 = arith.addi %mul3A_602, %add3A_603 : vector<16xi32>
      %mul3A_605 = arith.constant 0 : i32
      %mul3A_606 = vector.broadcast %mul3A_605 : i32 to vector<16xi32>
      %mul3A_607 = arith.muli %add3A_547, %mul3A_606 : vector<16xi32>
      %add3A_608 = arith.constant 1 : i32
      %add3A_609 = vector.broadcast %add3A_608 : i32 to vector<16xi32>
      %add3A_610 = arith.addi %mul3A_607, %add3A_609 : vector<16xi32>
      tpu.vector_store_idx %arg7[%min3A_595, %add3A_604, %add3A_547], %add3A_610 : memref<53x8x128xi32, #tpu.memory_space<vmem>>[vector<16xi32>, vector<16xi32>, vector<16xi32>], vector<16xi32>,
      %mul3A_611 = arith.constant 4 : i32
      %mul3A_612 = arith.muli %scan3A_471, %mul3A_611 : i32
      %add3A_613 = arith.constant 2 : i32
      %add3A_614 = arith.addi %mul3A_612, %add3A_613 : i32
      %shift_right_arithmetic3A_615 = arith.constant 3 : i32
      %shift_right_arithmetic3A_616 = arith.shrsi %add3A_614, %shift_right_arithmetic3A_615 : i32
      %and3A_617 = arith.constant 7 : i32
      %and3A_618 = arith.andi %add3A_614, %and3A_617 : i32
      %shift_left3A_619 = arith.constant 4 : i32
      %shift_left3A_620 = arith.shli %and3A_618, %shift_left3A_619 : i32
      %iota3A_621 = tpu.iota {dimensions = array<i32: 0>} : vector<16xi32>
      %add3A_622 = vector.broadcast %shift_left3A_620 : i32 to vector<16xi32>
      %add3A_623 = arith.addi %add3A_622, %iota3A_621 : vector<16xi32>
      %shift_right_arithmetic3A_624 = arith.constant 2 : i32
      %shift_right_arithmetic3A_625 = arith.shrsi %shift_right_arithmetic3A_616, %shift_right_arithmetic3A_624 : i32
      %add3A_626 = arith.constant 4 : i32
      %add3A_627 = arith.addi %add3A_626, %shift_right_arithmetic3A_625 : i32
      %mul3A_628 = arith.constant 16 : i32
      %mul3A_629 = arith.muli %add3A_614, %mul3A_628 : i32
      %get3A_630 = arith.index_cast %mul3A_629 : i32 to index
      %get3A_631 = tpu.vector_load %arg9[%get3A_630] {strides = array<i32>} : memref<1024xi32, #tpu.memory_space<vmem>>, vector<16xi32>,
      %mul3A_632 = arith.constant 0 : i32
      %mul3A_633 = vector.broadcast %mul3A_632 : i32 to vector<16xi32>
      %mul3A_634 = arith.muli %add3A_623, %mul3A_633 : vector<16xi32>
      %add3A_635 = vector.broadcast %shift_right_arithmetic3A_616 : i32 to vector<16xi32>
      %add3A_636 = arith.addi %mul3A_634, %add3A_635 : vector<16xi32>
      %mul3A_637 = arith.constant 0 : i32
      %mul3A_638 = vector.broadcast %mul3A_637 : i32 to vector<16xi32>
      %mul3A_639 = arith.muli %add3A_623, %mul3A_638 : vector<16xi32>
      tpu.vector_store_idx %arg7[%get3A_631, %add3A_636, %add3A_623], %mul3A_639 : memref<53x8x128xi32, #tpu.memory_space<vmem>>[vector<16xi32>, vector<16xi32>, vector<16xi32>], vector<16xi32>,
      %mul3A_640 = arith.constant 26 : i32
      %mul3A_641 = vector.broadcast %mul3A_640 : i32 to vector<16xi32>
      %mul3A_642 = arith.muli %add3A_623, %mul3A_641 : vector<16xi32>
      %add3A_643 = vector.broadcast %add3A_627 : i32 to vector<16xi32>
      %add3A_644 = arith.addi %mul3A_642, %add3A_643 : vector<16xi32>
      %gather3A_645 = tpu.vector_load_idx %arg5[%add3A_644] : memref<3328xf32, #tpu.memory_space<vmem>>[vector<16xi32>], vector<16xf32>,
      %mul3A_646 = arith.constant 0 : i32
      %mul3A_647 = vector.broadcast %mul3A_646 : i32 to vector<16xi32>
      %mul3A_648 = arith.muli %add3A_623, %mul3A_647 : vector<16xi32>
      %and3A_649 = arith.constant 3 : i32
      %and3A_650 = arith.andi %shift_right_arithmetic3A_616, %and3A_649 : i32
      %add3A_651 = vector.broadcast %and3A_650 : i32 to vector<16xi32>
      %add3A_652 = arith.addi %mul3A_648, %add3A_651 : vector<16xi32>
      %gather3A_653 = tpu.vector_load_idx %arg6[%add3A_652] : memref<4xf32, #tpu.memory_space<vmem>>[vector<16xi32>], vector<16xf32>,
      %sub3A_654 = arith.subf %gather3A_645, %gather3A_653 : vector<16xf32>
      %abs3A_655 = math.absf %sub3A_654 : vector<16xf32>
      %mul3A_656 = arith.constant 1.000000e+01 : f32
      %mul3A_657 = vector.broadcast %mul3A_656 : f32 to vector<16xf32>
      %mul3A_658 = arith.mulf %mul3A_657, %abs3A_655 : vector<16xf32>
      %div3A_659 = arith.constant 1.000000e+00 : f32
      %div3A_660 = vector.broadcast %div3A_659 : f32 to vector<16xf32>
      %div3A_661 = arith.divf %mul3A_658, %div3A_660 : vector<16xf32>
      %add3A_662 = arith.constant 1.000000e+00 : f32
      %add3A_663 = vector.broadcast %add3A_662 : f32 to vector<16xf32>
      %add3A_664 = arith.addf %div3A_661, %add3A_663 : vector<16xf32>
      %convert_element_type3A_665 = arith.fptosi %add3A_664 : vector<16xf32> to vector<16xi32>
      %jit3A_666 = arith.constant 0 : i32
      %jit3A_667 = arith.constant 52 : i32
      %max3A_668 = vector.broadcast %jit3A_666 : i32 to vector<16xi32>
      %max3A_669 = arith.maxsi %max3A_668, %convert_element_type3A_665 : vector<16xi32>
      %min3A_670 = vector.broadcast %jit3A_667 : i32 to vector<16xi32>
      %min3A_671 = arith.minsi %min3A_670, %max3A_669 : vector<16xi32>
      %mul3A_672 = arith.constant 16 : i32
      %mul3A_673 = arith.muli %add3A_614, %mul3A_672 : i32
      %swap3A_674 = arith.index_cast %mul3A_673 : i32 to index
      %swap3A_675 = tpu.vector_load %arg9[%swap3A_674] {strides = array<i32>} : memref<1024xi32, #tpu.memory_space<vmem>>, vector<16xi32>,
      tpu.vector_store %arg9[%swap3A_674], %min3A_671 {strides = array<i32>} : memref<1024xi32, #tpu.memory_space<vmem>>, vector<16xi32>,
      %mul3A_676 = arith.constant 0 : i32
      %mul3A_677 = vector.broadcast %mul3A_676 : i32 to vector<16xi32>
      %mul3A_678 = arith.muli %add3A_623, %mul3A_677 : vector<16xi32>
      %add3A_679 = vector.broadcast %shift_right_arithmetic3A_616 : i32 to vector<16xi32>
      %add3A_680 = arith.addi %mul3A_678, %add3A_679 : vector<16xi32>
      %mul3A_681 = arith.constant 0 : i32
      %mul3A_682 = vector.broadcast %mul3A_681 : i32 to vector<16xi32>
      %mul3A_683 = arith.muli %add3A_623, %mul3A_682 : vector<16xi32>
      %add3A_684 = arith.constant 1 : i32
      %add3A_685 = vector.broadcast %add3A_684 : i32 to vector<16xi32>
      %add3A_686 = arith.addi %mul3A_683, %add3A_685 : vector<16xi32>
      tpu.vector_store_idx %arg7[%min3A_671, %add3A_680, %add3A_623], %add3A_686 : memref<53x8x128xi32, #tpu.memory_space<vmem>>[vector<16xi32>, vector<16xi32>, vector<16xi32>], vector<16xi32>,
      %mul3A_687 = arith.constant 4 : i32
      %mul3A_688 = arith.muli %scan3A_471, %mul3A_687 : i32
      %add3A_689 = arith.constant 3 : i32
      %add3A_690 = arith.addi %mul3A_688, %add3A_689 : i32
      %shift_right_arithmetic3A_691 = arith.constant 3 : i32
      %shift_right_arithmetic3A_692 = arith.shrsi %add3A_690, %shift_right_arithmetic3A_691 : i32
      %and3A_693 = arith.constant 7 : i32
      %and3A_694 = arith.andi %add3A_690, %and3A_693 : i32
      %shift_left3A_695 = arith.constant 4 : i32
      %shift_left3A_696 = arith.shli %and3A_694, %shift_left3A_695 : i32
      %iota3A_697 = tpu.iota {dimensions = array<i32: 0>} : vector<16xi32>
      %add3A_698 = vector.broadcast %shift_left3A_696 : i32 to vector<16xi32>
      %add3A_699 = arith.addi %add3A_698, %iota3A_697 : vector<16xi32>
      %shift_right_arithmetic3A_700 = arith.constant 2 : i32
      %shift_right_arithmetic3A_701 = arith.shrsi %shift_right_arithmetic3A_692, %shift_right_arithmetic3A_700 : i32
      %add3A_702 = arith.constant 4 : i32
      %add3A_703 = arith.addi %add3A_702, %shift_right_arithmetic3A_701 : i32
      %mul3A_704 = arith.constant 16 : i32
      %mul3A_705 = arith.muli %add3A_690, %mul3A_704 : i32
      %get3A_706 = arith.index_cast %mul3A_705 : i32 to index
      %get3A_707 = tpu.vector_load %arg9[%get3A_706] {strides = array<i32>} : memref<1024xi32, #tpu.memory_space<vmem>>, vector<16xi32>,
      %mul3A_708 = arith.constant 0 : i32
      %mul3A_709 = vector.broadcast %mul3A_708 : i32 to vector<16xi32>
      %mul3A_710 = arith.muli %add3A_699, %mul3A_709 : vector<16xi32>
      %add3A_711 = vector.broadcast %shift_right_arithmetic3A_692 : i32 to vector<16xi32>
      %add3A_712 = arith.addi %mul3A_710, %add3A_711 : vector<16xi32>
      %mul3A_713 = arith.constant 0 : i32
      %mul3A_714 = vector.broadcast %mul3A_713 : i32 to vector<16xi32>
      %mul3A_715 = arith.muli %add3A_699, %mul3A_714 : vector<16xi32>
      tpu.vector_store_idx %arg7[%get3A_707, %add3A_712, %add3A_699], %mul3A_715 : memref<53x8x128xi32, #tpu.memory_space<vmem>>[vector<16xi32>, vector<16xi32>, vector<16xi32>], vector<16xi32>,
      %mul3A_716 = arith.constant 26 : i32
      %mul3A_717 = vector.broadcast %mul3A_716 : i32 to vector<16xi32>
      %mul3A_718 = arith.muli %add3A_699, %mul3A_717 : vector<16xi32>
      %add3A_719 = vector.broadcast %add3A_703 : i32 to vector<16xi32>
      %add3A_720 = arith.addi %mul3A_718, %add3A_719 : vector<16xi32>
      %gather3A_721 = tpu.vector_load_idx %arg5[%add3A_720] : memref<3328xf32, #tpu.memory_space<vmem>>[vector<16xi32>], vector<16xf32>,
      %mul3A_722 = arith.constant 0 : i32
      %mul3A_723 = vector.broadcast %mul3A_722 : i32 to vector<16xi32>
      %mul3A_724 = arith.muli %add3A_699, %mul3A_723 : vector<16xi32>
      %and3A_725 = arith.constant 3 : i32
      %and3A_726 = arith.andi %shift_right_arithmetic3A_692, %and3A_725 : i32
      %add3A_727 = vector.broadcast %and3A_726 : i32 to vector<16xi32>
      %add3A_728 = arith.addi %mul3A_724, %add3A_727 : vector<16xi32>
      %gather3A_729 = tpu.vector_load_idx %arg6[%add3A_728] : memref<4xf32, #tpu.memory_space<vmem>>[vector<16xi32>], vector<16xf32>,
      %sub3A_730 = arith.subf %gather3A_721, %gather3A_729 : vector<16xf32>
      %abs3A_731 = math.absf %sub3A_730 : vector<16xf32>
      %mul3A_732 = arith.constant 1.000000e+01 : f32
      %mul3A_733 = vector.broadcast %mul3A_732 : f32 to vector<16xf32>
      %mul3A_734 = arith.mulf %mul3A_733, %abs3A_731 : vector<16xf32>
      %div3A_735 = arith.constant 1.000000e+00 : f32
      %div3A_736 = vector.broadcast %div3A_735 : f32 to vector<16xf32>
      %div3A_737 = arith.divf %mul3A_734, %div3A_736 : vector<16xf32>
      %add3A_738 = arith.constant 1.000000e+00 : f32
      %add3A_739 = vector.broadcast %add3A_738 : f32 to vector<16xf32>
      %add3A_740 = arith.addf %div3A_737, %add3A_739 : vector<16xf32>
      %convert_element_type3A_741 = arith.fptosi %add3A_740 : vector<16xf32> to vector<16xi32>
      %jit3A_742 = arith.constant 0 : i32
      %jit3A_743 = arith.constant 52 : i32
      %max3A_744 = vector.broadcast %jit3A_742 : i32 to vector<16xi32>
      %max3A_745 = arith.maxsi %max3A_744, %convert_element_type3A_741 : vector<16xi32>
      %min3A_746 = vector.broadcast %jit3A_743 : i32 to vector<16xi32>
      %min3A_747 = arith.minsi %min3A_746, %max3A_745 : vector<16xi32>
      %mul3A_748 = arith.constant 16 : i32
      %mul3A_749 = arith.muli %add3A_690, %mul3A_748 : i32
      %swap3A_750 = arith.index_cast %mul3A_749 : i32 to index
      %swap3A_751 = tpu.vector_load %arg9[%swap3A_750] {strides = array<i32>} : memref<1024xi32, #tpu.memory_space<vmem>>, vector<16xi32>,
      tpu.vector_store %arg9[%swap3A_750], %min3A_747 {strides = array<i32>} : memref<1024xi32, #tpu.memory_space<vmem>>, vector<16xi32>,
      %mul3A_752 = arith.constant 0 : i32
      %mul3A_753 = vector.broadcast %mul3A_752 : i32 to vector<16xi32>
      %mul3A_754 = arith.muli %add3A_699, %mul3A_753 : vector<16xi32>
      %add3A_755 = vector.broadcast %shift_right_arithmetic3A_692 : i32 to vector<16xi32>
      %add3A_756 = arith.addi %mul3A_754, %add3A_755 : vector<16xi32>
      %mul3A_757 = arith.constant 0 : i32
      %mul3A_758 = vector.broadcast %mul3A_757 : i32 to vector<16xi32>
      %mul3A_759 = arith.muli %add3A_699, %mul3A_758 : vector<16xi32>
      %add3A_760 = arith.constant 1 : i32
      %add3A_761 = vector.broadcast %add3A_760 : i32 to vector<16xi32>
      %add3A_762 = arith.addi %mul3A_759, %add3A_761 : vector<16xi32>
      tpu.vector_store_idx %arg7[%min3A_747, %add3A_756, %add3A_699], %add3A_762 : memref<53x8x128xi32, #tpu.memory_space<vmem>>[vector<16xi32>, vector<16xi32>, vector<16xi32>], vector<16xi32>,
      %scan3A_763 = arith.constant 0 : i32
      scf.yield %scan3A_763 : i32
    }
    %scan3A_78 = arith.constant 16 : i32
    %dma_start3A_79 = arith.constant 0 : i32
    %dma_start3A_80 = arith.constant 0 : i32
    %dma_start3A_81 = arith.constant 0 : i32
    %dma_start3A_82 = tpu.memref_slice %arg7[%dma_start3A_79, %dma_start3A_80, %dma_start3A_81] : memref<53x8x128xi32, #tpu.memory_space<vmem>> -> memref<51x8x128xi32, #tpu.memory_space<vmem>>
    %dma_start3A_83 = arith.constant 0 : i32
    %dma_start3A_84 = arith.constant 16 : i32
    %dma_start3A_85 = tpu.memref_slice %arg4[%dma_start3A_83, %dma_start3A_84, %mul3A_2] : memref<51x104x4096xi32, #tpu.memory_space<hbm>> -> memref<51x8x128xi32, #tpu.memory_space<hbm>>
    %dma_start3A_86 = arith.constant 0 : i32
    %dma_start3A_87 = arith.constant 16 : i32
    %dma_start3A_88 = tpu.memref_slice %arg4[%dma_start3A_86, %dma_start3A_87, %mul3A_2] : memref<51x104x4096xi32, #tpu.memory_space<hbm>> -> memref<51x8x128xi32, #tpu.memory_space<hbm>>
    %dma_start3A_89 = arith.constant 0 : i32
    %dma_start3A_90 = arith.constant 0 : i32
    %dma_start3A_91 = arith.constant 0 : i32
    %dma_start3A_92 = tpu.memref_slice %arg7[%dma_start3A_89, %dma_start3A_90, %dma_start3A_91] : memref<53x8x128xi32, #tpu.memory_space<vmem>> -> memref<51x8x128xi32, #tpu.memory_space<vmem>>
    tpu.enqueue_dma source(%dma_start3A_92 : memref<51x8x128xi32, #tpu.memory_space<vmem>>) target(%dma_start3A_88 : memref<51x8x128xi32, #tpu.memory_space<hbm>>) target_semaphore(%arg11 : memref<!tpu.dma_semaphore, #tpu.memory_space<semaphore_mem>>)
    %dma_wait3A_93 = arith.constant 0 : i32
    %dma_wait3A_94 = arith.constant 0 : i32
    %dma_wait3A_95 = arith.constant 0 : i32
    %dma_wait3A_96 = tpu.memref_slice %arg8[%dma_wait3A_93, %dma_wait3A_94, %dma_wait3A_95] : memref<53x8x128xi32, #tpu.memory_space<vmem>> -> memref<51x8x128xi32, #tpu.memory_space<vmem>>
    %dma_wait3A_97 = arith.constant 0 : i32
    %dma_wait3A_98 = arith.constant 8 : i32
    %dma_wait3A_99 = tpu.memref_slice %arg4[%dma_wait3A_97, %dma_wait3A_98, %mul3A_2] : memref<51x104x4096xi32, #tpu.memory_space<hbm>> -> memref<51x8x128xi32, #tpu.memory_space<hbm>>
    %dma_wait3A_100 = arith.constant 0 : i32
    %dma_wait3A_101 = arith.constant 8 : i32
    %dma_wait3A_102 = tpu.memref_slice %arg4[%dma_wait3A_100, %dma_wait3A_101, %mul3A_2] : memref<51x104x4096xi32, #tpu.memory_space<hbm>> -> memref<51x8x128xi32, #tpu.memory_space<hbm>>
    %dma_wait3A_103 = arith.constant 0 : i32
    %dma_wait3A_104 = arith.constant 0 : i32
    %dma_wait3A_105 = arith.constant 0 : i32
    %dma_wait3A_106 = tpu.memref_slice %arg8[%dma_wait3A_103, %dma_wait3A_104, %dma_wait3A_105] : memref<53x8x128xi32, #tpu.memory_space<vmem>> -> memref<51x8x128xi32, #tpu.memory_space<vmem>>
    tpu.wait_dma2 semaphore(%arg12 : memref<!tpu.dma_semaphore, #tpu.memory_space<semaphore_mem>>) src(%dma_wait3A_106 : memref<51x8x128xi32, #tpu.memory_space<vmem>>) dst(%dma_wait3A_102 : memref<51x8x128xi32, #tpu.memory_space<hbm>>)
    %scan3A_107 = arith.constant 0 : i32
    %scan3A_108 = arith.constant 0 : i32
    %scan3A_109 = arith.constant 16 : i32
    %scan3A_110 = arith.addi %scan3A_108, %scan3A_109 : i32
    %scan3A_111 = arith.constant 1 : i32
    %scan3A_112 = scf.for %scan3A_471 = %scan3A_108 to %scan3A_110 step %scan3A_111 iter_args(%scan3A_472 = %scan3A_107) -> (i32)  : i32 {
      %mul3A_473 = arith.constant 4 : i32
      %mul3A_474 = arith.muli %scan3A_471, %mul3A_473 : i32
      %add3A_475 = arith.constant 0 : i32
      %add3A_476 = arith.addi %mul3A_474, %add3A_475 : i32
      %shift_right_arithmetic3A = arith.constant 3 : i32
      %shift_right_arithmetic3A_477 = arith.shrsi %add3A_476, %shift_right_arithmetic3A : i32
      %and3A = arith.constant 7 : i32
      %and3A_478 = arith.andi %add3A_476, %and3A : i32
      %shift_left3A = arith.constant 4 : i32
      %shift_left3A_479 = arith.shli %and3A_478, %shift_left3A : i32
      %iota3A = tpu.iota {dimensions = array<i32: 0>} : vector<16xi32>
      %add3A_480 = vector.broadcast %shift_left3A_479 : i32 to vector<16xi32>
      %add3A_481 = arith.addi %add3A_480, %iota3A : vector<16xi32>
      %shift_right_arithmetic3A_482 = arith.constant 2 : i32
      %shift_right_arithmetic3A_483 = arith.shrsi %shift_right_arithmetic3A_477, %shift_right_arithmetic3A_482 : i32
      %add3A_484 = arith.constant 6 : i32
      %add3A_485 = arith.addi %add3A_484, %shift_right_arithmetic3A_483 : i32
      %mul3A_486 = arith.constant 16 : i32
      %mul3A_487 = arith.muli %add3A_476, %mul3A_486 : i32
      %get3A = arith.index_cast %mul3A_487 : i32 to index
      %get3A_488 = tpu.vector_load %arg10[%get3A] {strides = array<i32>} : memref<1024xi32, #tpu.memory_space<vmem>>, vector<16xi32>,
      %mul3A_489 = arith.constant 0 : i32
      %mul3A_490 = vector.broadcast %mul3A_489 : i32 to vector<16xi32>
      %mul3A_491 = arith.muli %add3A_481, %mul3A_490 : vector<16xi32>
      %add3A_492 = vector.broadcast %shift_right_arithmetic3A_477 : i32 to vector<16xi32>
      %add3A_493 = arith.addi %mul3A_491, %add3A_492 : vector<16xi32>
      %mul3A_494 = arith.constant 0 : i32
      %mul3A_495 = vector.broadcast %mul3A_494 : i32 to vector<16xi32>
      %mul3A_496 = arith.muli %add3A_481, %mul3A_495 : vector<16xi32>
      tpu.vector_store_idx %arg8[%get3A_488, %add3A_493, %add3A_481], %mul3A_496 : memref<53x8x128xi32, #tpu.memory_space<vmem>>[vector<16xi32>, vector<16xi32>, vector<16xi32>], vector<16xi32>,
      %mul3A_497 = arith.constant 26 : i32
      %mul3A_498 = vector.broadcast %mul3A_497 : i32 to vector<16xi32>
      %mul3A_499 = arith.muli %add3A_481, %mul3A_498 : vector<16xi32>
      %add3A_500 = vector.broadcast %add3A_485 : i32 to vector<16xi32>
      %add3A_501 = arith.addi %mul3A_499, %add3A_500 : vector<16xi32>
      %gather3A = tpu.vector_load_idx %arg5[%add3A_501] : memref<3328xf32, #tpu.memory_space<vmem>>[vector<16xi32>], vector<16xf32>,
      %mul3A_502 = arith.constant 0 : i32
      %mul3A_503 = vector.broadcast %mul3A_502 : i32 to vector<16xi32>
      %mul3A_504 = arith.muli %add3A_481, %mul3A_503 : vector<16xi32>
      %and3A_505 = arith.constant 3 : i32
      %and3A_506 = arith.andi %shift_right_arithmetic3A_477, %and3A_505 : i32
      %add3A_507 = vector.broadcast %and3A_506 : i32 to vector<16xi32>
      %add3A_508 = arith.addi %mul3A_504, %add3A_507 : vector<16xi32>
      %gather3A_509 = tpu.vector_load_idx %arg6[%add3A_508] : memref<4xf32, #tpu.memory_space<vmem>>[vector<16xi32>], vector<16xf32>,
      %sub3A = arith.subf %gather3A, %gather3A_509 : vector<16xf32>
      %abs3A = math.absf %sub3A : vector<16xf32>
      %mul3A_510 = arith.constant 1.000000e+01 : f32
      %mul3A_511 = vector.broadcast %mul3A_510 : f32 to vector<16xf32>
      %mul3A_512 = arith.mulf %mul3A_511, %abs3A : vector<16xf32>
      %div3A = arith.constant 1.000000e+00 : f32
      %div3A_513 = vector.broadcast %div3A : f32 to vector<16xf32>
      %div3A_514 = arith.divf %mul3A_512, %div3A_513 : vector<16xf32>
      %add3A_515 = arith.constant 1.000000e+00 : f32
      %add3A_516 = vector.broadcast %add3A_515 : f32 to vector<16xf32>
      %add3A_517 = arith.addf %div3A_514, %add3A_516 : vector<16xf32>
      %convert_element_type3A = arith.fptosi %add3A_517 : vector<16xf32> to vector<16xi32>
      %jit3A = arith.constant 0 : i32
      %jit3A_518 = arith.constant 52 : i32
      %max3A = vector.broadcast %jit3A : i32 to vector<16xi32>
      %max3A_519 = arith.maxsi %max3A, %convert_element_type3A : vector<16xi32>
      %min3A = vector.broadcast %jit3A_518 : i32 to vector<16xi32>
      %min3A_520 = arith.minsi %min3A, %max3A_519 : vector<16xi32>
      %mul3A_521 = arith.constant 16 : i32
      %mul3A_522 = arith.muli %add3A_476, %mul3A_521 : i32
      %swap3A = arith.index_cast %mul3A_522 : i32 to index
      %swap3A_523 = tpu.vector_load %arg10[%swap3A] {strides = array<i32>} : memref<1024xi32, #tpu.memory_space<vmem>>, vector<16xi32>,
      tpu.vector_store %arg10[%swap3A], %min3A_520 {strides = array<i32>} : memref<1024xi32, #tpu.memory_space<vmem>>, vector<16xi32>,
      %mul3A_524 = arith.constant 0 : i32
      %mul3A_525 = vector.broadcast %mul3A_524 : i32 to vector<16xi32>
      %mul3A_526 = arith.muli %add3A_481, %mul3A_525 : vector<16xi32>
      %add3A_527 = vector.broadcast %shift_right_arithmetic3A_477 : i32 to vector<16xi32>
      %add3A_528 = arith.addi %mul3A_526, %add3A_527 : vector<16xi32>
      %mul3A_529 = arith.constant 0 : i32
      %mul3A_530 = vector.broadcast %mul3A_529 : i32 to vector<16xi32>
      %mul3A_531 = arith.muli %add3A_481, %mul3A_530 : vector<16xi32>
      %add3A_532 = arith.constant 1 : i32
      %add3A_533 = vector.broadcast %add3A_532 : i32 to vector<16xi32>
      %add3A_534 = arith.addi %mul3A_531, %add3A_533 : vector<16xi32>
      tpu.vector_store_idx %arg8[%min3A_520, %add3A_528, %add3A_481], %add3A_534 : memref<53x8x128xi32, #tpu.memory_space<vmem>>[vector<16xi32>, vector<16xi32>, vector<16xi32>], vector<16xi32>,
      %mul3A_535 = arith.constant 4 : i32
      %mul3A_536 = arith.muli %scan3A_471, %mul3A_535 : i32
      %add3A_537 = arith.constant 1 : i32
      %add3A_538 = arith.addi %mul3A_536, %add3A_537 : i32
      %shift_right_arithmetic3A_539 = arith.constant 3 : i32
      %shift_right_arithmetic3A_540 = arith.shrsi %add3A_538, %shift_right_arithmetic3A_539 : i32
      %and3A_541 = arith.constant 7 : i32
      %and3A_542 = arith.andi %add3A_538, %and3A_541 : i32
      %shift_left3A_543 = arith.constant 4 : i32
      %shift_left3A_544 = arith.shli %and3A_542, %shift_left3A_543 : i32
      %iota3A_545 = tpu.iota {dimensions = array<i32: 0>} : vector<16xi32>
      %add3A_546 = vector.broadcast %shift_left3A_544 : i32 to vector<16xi32>
      %add3A_547 = arith.addi %add3A_546, %iota3A_545 : vector<16xi32>
      %shift_right_arithmetic3A_548 = arith.constant 2 : i32
      %shift_right_arithmetic3A_549 = arith.shrsi %shift_right_arithmetic3A_540, %shift_right_arithmetic3A_548 : i32
      %add3A_550 = arith.constant 6 : i32
      %add3A_551 = arith.addi %add3A_550, %shift_right_arithmetic3A_549 : i32
      %mul3A_552 = arith.constant 16 : i32
      %mul3A_553 = arith.muli %add3A_538, %mul3A_552 : i32
      %get3A_554 = arith.index_cast %mul3A_553 : i32 to index
      %get3A_555 = tpu.vector_load %arg10[%get3A_554] {strides = array<i32>} : memref<1024xi32, #tpu.memory_space<vmem>>, vector<16xi32>,
      %mul3A_556 = arith.constant 0 : i32
      %mul3A_557 = vector.broadcast %mul3A_556 : i32 to vector<16xi32>
      %mul3A_558 = arith.muli %add3A_547, %mul3A_557 : vector<16xi32>
      %add3A_559 = vector.broadcast %shift_right_arithmetic3A_540 : i32 to vector<16xi32>
      %add3A_560 = arith.addi %mul3A_558, %add3A_559 : vector<16xi32>
      %mul3A_561 = arith.constant 0 : i32
      %mul3A_562 = vector.broadcast %mul3A_561 : i32 to vector<16xi32>
      %mul3A_563 = arith.muli %add3A_547, %mul3A_562 : vector<16xi32>
      tpu.vector_store_idx %arg8[%get3A_555, %add3A_560, %add3A_547], %mul3A_563 : memref<53x8x128xi32, #tpu.memory_space<vmem>>[vector<16xi32>, vector<16xi32>, vector<16xi32>], vector<16xi32>,
      %mul3A_564 = arith.constant 26 : i32
      %mul3A_565 = vector.broadcast %mul3A_564 : i32 to vector<16xi32>
      %mul3A_566 = arith.muli %add3A_547, %mul3A_565 : vector<16xi32>
      %add3A_567 = vector.broadcast %add3A_551 : i32 to vector<16xi32>
      %add3A_568 = arith.addi %mul3A_566, %add3A_567 : vector<16xi32>
      %gather3A_569 = tpu.vector_load_idx %arg5[%add3A_568] : memref<3328xf32, #tpu.memory_space<vmem>>[vector<16xi32>], vector<16xf32>,
      %mul3A_570 = arith.constant 0 : i32
      %mul3A_571 = vector.broadcast %mul3A_570 : i32 to vector<16xi32>
      %mul3A_572 = arith.muli %add3A_547, %mul3A_571 : vector<16xi32>
      %and3A_573 = arith.constant 3 : i32
      %and3A_574 = arith.andi %shift_right_arithmetic3A_540, %and3A_573 : i32
      %add3A_575 = vector.broadcast %and3A_574 : i32 to vector<16xi32>
      %add3A_576 = arith.addi %mul3A_572, %add3A_575 : vector<16xi32>
      %gather3A_577 = tpu.vector_load_idx %arg6[%add3A_576] : memref<4xf32, #tpu.memory_space<vmem>>[vector<16xi32>], vector<16xf32>,
      %sub3A_578 = arith.subf %gather3A_569, %gather3A_577 : vector<16xf32>
      %abs3A_579 = math.absf %sub3A_578 : vector<16xf32>
      %mul3A_580 = arith.constant 1.000000e+01 : f32
      %mul3A_581 = vector.broadcast %mul3A_580 : f32 to vector<16xf32>
      %mul3A_582 = arith.mulf %mul3A_581, %abs3A_579 : vector<16xf32>
      %div3A_583 = arith.constant 1.000000e+00 : f32
      %div3A_584 = vector.broadcast %div3A_583 : f32 to vector<16xf32>
      %div3A_585 = arith.divf %mul3A_582, %div3A_584 : vector<16xf32>
      %add3A_586 = arith.constant 1.000000e+00 : f32
      %add3A_587 = vector.broadcast %add3A_586 : f32 to vector<16xf32>
      %add3A_588 = arith.addf %div3A_585, %add3A_587 : vector<16xf32>
      %convert_element_type3A_589 = arith.fptosi %add3A_588 : vector<16xf32> to vector<16xi32>
      %jit3A_590 = arith.constant 0 : i32
      %jit3A_591 = arith.constant 52 : i32
      %max3A_592 = vector.broadcast %jit3A_590 : i32 to vector<16xi32>
      %max3A_593 = arith.maxsi %max3A_592, %convert_element_type3A_589 : vector<16xi32>
      %min3A_594 = vector.broadcast %jit3A_591 : i32 to vector<16xi32>
      %min3A_595 = arith.minsi %min3A_594, %max3A_593 : vector<16xi32>
      %mul3A_596 = arith.constant 16 : i32
      %mul3A_597 = arith.muli %add3A_538, %mul3A_596 : i32
      %swap3A_598 = arith.index_cast %mul3A_597 : i32 to index
      %swap3A_599 = tpu.vector_load %arg10[%swap3A_598] {strides = array<i32>} : memref<1024xi32, #tpu.memory_space<vmem>>, vector<16xi32>,
      tpu.vector_store %arg10[%swap3A_598], %min3A_595 {strides = array<i32>} : memref<1024xi32, #tpu.memory_space<vmem>>, vector<16xi32>,
      %mul3A_600 = arith.constant 0 : i32
      %mul3A_601 = vector.broadcast %mul3A_600 : i32 to vector<16xi32>
      %mul3A_602 = arith.muli %add3A_547, %mul3A_601 : vector<16xi32>
      %add3A_603 = vector.broadcast %shift_right_arithmetic3A_540 : i32 to vector<16xi32>
      %add3A_604 = arith.addi %mul3A_602, %add3A_603 : vector<16xi32>
      %mul3A_605 = arith.constant 0 : i32
      %mul3A_606 = vector.broadcast %mul3A_605 : i32 to vector<16xi32>
      %mul3A_607 = arith.muli %add3A_547, %mul3A_606 : vector<16xi32>
      %add3A_608 = arith.constant 1 : i32
      %add3A_609 = vector.broadcast %add3A_608 : i32 to vector<16xi32>
      %add3A_610 = arith.addi %mul3A_607, %add3A_609 : vector<16xi32>
      tpu.vector_store_idx %arg8[%min3A_595, %add3A_604, %add3A_547], %add3A_610 : memref<53x8x128xi32, #tpu.memory_space<vmem>>[vector<16xi32>, vector<16xi32>, vector<16xi32>], vector<16xi32>,
      %mul3A_611 = arith.constant 4 : i32
      %mul3A_612 = arith.muli %scan3A_471, %mul3A_611 : i32
      %add3A_613 = arith.constant 2 : i32
      %add3A_614 = arith.addi %mul3A_612, %add3A_613 : i32
      %shift_right_arithmetic3A_615 = arith.constant 3 : i32
      %shift_right_arithmetic3A_616 = arith.shrsi %add3A_614, %shift_right_arithmetic3A_615 : i32
      %and3A_617 = arith.constant 7 : i32
      %and3A_618 = arith.andi %add3A_614, %and3A_617 : i32
      %shift_left3A_619 = arith.constant 4 : i32
      %shift_left3A_620 = arith.shli %and3A_618, %shift_left3A_619 : i32
      %iota3A_621 = tpu.iota {dimensions = array<i32: 0>} : vector<16xi32>
      %add3A_622 = vector.broadcast %shift_left3A_620 : i32 to vector<16xi32>
      %add3A_623 = arith.addi %add3A_622, %iota3A_621 : vector<16xi32>
      %shift_right_arithmetic3A_624 = arith.constant 2 : i32
      %shift_right_arithmetic3A_625 = arith.shrsi %shift_right_arithmetic3A_616, %shift_right_arithmetic3A_624 : i32
      %add3A_626 = arith.constant 6 : i32
      %add3A_627 = arith.addi %add3A_626, %shift_right_arithmetic3A_625 : i32
      %mul3A_628 = arith.constant 16 : i32
      %mul3A_629 = arith.muli %add3A_614, %mul3A_628 : i32
      %get3A_630 = arith.index_cast %mul3A_629 : i32 to index
      %get3A_631 = tpu.vector_load %arg10[%get3A_630] {strides = array<i32>} : memref<1024xi32, #tpu.memory_space<vmem>>, vector<16xi32>,
      %mul3A_632 = arith.constant 0 : i32
      %mul3A_633 = vector.broadcast %mul3A_632 : i32 to vector<16xi32>
      %mul3A_634 = arith.muli %add3A_623, %mul3A_633 : vector<16xi32>
      %add3A_635 = vector.broadcast %shift_right_arithmetic3A_616 : i32 to vector<16xi32>
      %add3A_636 = arith.addi %mul3A_634, %add3A_635 : vector<16xi32>
      %mul3A_637 = arith.constant 0 : i32
      %mul3A_638 = vector.broadcast %mul3A_637 : i32 to vector<16xi32>
      %mul3A_639 = arith.muli %add3A_623, %mul3A_638 : vector<16xi32>
      tpu.vector_store_idx %arg8[%get3A_631, %add3A_636, %add3A_623], %mul3A_639 : memref<53x8x128xi32, #tpu.memory_space<vmem>>[vector<16xi32>, vector<16xi32>, vector<16xi32>], vector<16xi32>,
      %mul3A_640 = arith.constant 26 : i32
      %mul3A_641 = vector.broadcast %mul3A_640 : i32 to vector<16xi32>
      %mul3A_642 = arith.muli %add3A_623, %mul3A_641 : vector<16xi32>
      %add3A_643 = vector.broadcast %add3A_627 : i32 to vector<16xi32>
      %add3A_644 = arith.addi %mul3A_642, %add3A_643 : vector<16xi32>
      %gather3A_645 = tpu.vector_load_idx %arg5[%add3A_644] : memref<3328xf32, #tpu.memory_space<vmem>>[vector<16xi32>], vector<16xf32>,
      %mul3A_646 = arith.constant 0 : i32
      %mul3A_647 = vector.broadcast %mul3A_646 : i32 to vector<16xi32>
      %mul3A_648 = arith.muli %add3A_623, %mul3A_647 : vector<16xi32>
      %and3A_649 = arith.constant 3 : i32
      %and3A_650 = arith.andi %shift_right_arithmetic3A_616, %and3A_649 : i32
      %add3A_651 = vector.broadcast %and3A_650 : i32 to vector<16xi32>
      %add3A_652 = arith.addi %mul3A_648, %add3A_651 : vector<16xi32>
      %gather3A_653 = tpu.vector_load_idx %arg6[%add3A_652] : memref<4xf32, #tpu.memory_space<vmem>>[vector<16xi32>], vector<16xf32>,
      %sub3A_654 = arith.subf %gather3A_645, %gather3A_653 : vector<16xf32>
      %abs3A_655 = math.absf %sub3A_654 : vector<16xf32>
      %mul3A_656 = arith.constant 1.000000e+01 : f32
      %mul3A_657 = vector.broadcast %mul3A_656 : f32 to vector<16xf32>
      %mul3A_658 = arith.mulf %mul3A_657, %abs3A_655 : vector<16xf32>
      %div3A_659 = arith.constant 1.000000e+00 : f32
      %div3A_660 = vector.broadcast %div3A_659 : f32 to vector<16xf32>
      %div3A_661 = arith.divf %mul3A_658, %div3A_660 : vector<16xf32>
      %add3A_662 = arith.constant 1.000000e+00 : f32
      %add3A_663 = vector.broadcast %add3A_662 : f32 to vector<16xf32>
      %add3A_664 = arith.addf %div3A_661, %add3A_663 : vector<16xf32>
      %convert_element_type3A_665 = arith.fptosi %add3A_664 : vector<16xf32> to vector<16xi32>
      %jit3A_666 = arith.constant 0 : i32
      %jit3A_667 = arith.constant 52 : i32
      %max3A_668 = vector.broadcast %jit3A_666 : i32 to vector<16xi32>
      %max3A_669 = arith.maxsi %max3A_668, %convert_element_type3A_665 : vector<16xi32>
      %min3A_670 = vector.broadcast %jit3A_667 : i32 to vector<16xi32>
      %min3A_671 = arith.minsi %min3A_670, %max3A_669 : vector<16xi32>
      %mul3A_672 = arith.constant 16 : i32
      %mul3A_673 = arith.muli %add3A_614, %mul3A_672 : i32
      %swap3A_674 = arith.index_cast %mul3A_673 : i32 to index
      %swap3A_675 = tpu.vector_load %arg10[%swap3A_674] {strides = array<i32>} : memref<1024xi32, #tpu.memory_space<vmem>>, vector<16xi32>,
      tpu.vector_store %arg10[%swap3A_674], %min3A_671 {strides = array<i32>} : memref<1024xi32, #tpu.memory_space<vmem>>, vector<16xi32>,
      %mul3A_676 = arith.constant 0 : i32
      %mul3A_677 = vector.broadcast %mul3A_676 : i32 to vector<16xi32>
      %mul3A_678 = arith.muli %add3A_623, %mul3A_677 : vector<16xi32>
      %add3A_679 = vector.broadcast %shift_right_arithmetic3A_616 : i32 to vector<16xi32>
      %add3A_680 = arith.addi %mul3A_678, %add3A_679 : vector<16xi32>
      %mul3A_681 = arith.constant 0 : i32
      %mul3A_682 = vector.broadcast %mul3A_681 : i32 to vector<16xi32>
      %mul3A_683 = arith.muli %add3A_623, %mul3A_682 : vector<16xi32>
      %add3A_684 = arith.constant 1 : i32
      %add3A_685 = vector.broadcast %add3A_684 : i32 to vector<16xi32>
      %add3A_686 = arith.addi %mul3A_683, %add3A_685 : vector<16xi32>
      tpu.vector_store_idx %arg8[%min3A_671, %add3A_680, %add3A_623], %add3A_686 : memref<53x8x128xi32, #tpu.memory_space<vmem>>[vector<16xi32>, vector<16xi32>, vector<16xi32>], vector<16xi32>,
      %mul3A_687 = arith.constant 4 : i32
      %mul3A_688 = arith.muli %scan3A_471, %mul3A_687 : i32
      %add3A_689 = arith.constant 3 : i32
      %add3A_690 = arith.addi %mul3A_688, %add3A_689 : i32
      %shift_right_arithmetic3A_691 = arith.constant 3 : i32
      %shift_right_arithmetic3A_692 = arith.shrsi %add3A_690, %shift_right_arithmetic3A_691 : i32
      %and3A_693 = arith.constant 7 : i32
      %and3A_694 = arith.andi %add3A_690, %and3A_693 : i32
      %shift_left3A_695 = arith.constant 4 : i32
      %shift_left3A_696 = arith.shli %and3A_694, %shift_left3A_695 : i32
      %iota3A_697 = tpu.iota {dimensions = array<i32: 0>} : vector<16xi32>
      %add3A_698 = vector.broadcast %shift_left3A_696 : i32 to vector<16xi32>
      %add3A_699 = arith.addi %add3A_698, %iota3A_697 : vector<16xi32>
      %shift_right_arithmetic3A_700 = arith.constant 2 : i32
      %shift_right_arithmetic3A_701 = arith.shrsi %shift_right_arithmetic3A_692, %shift_right_arithmetic3A_700 : i32
      %add3A_702 = arith.constant 6 : i32
      %add3A_703 = arith.addi %add3A_702, %shift_right_arithmetic3A_701 : i32
      %mul3A_704 = arith.constant 16 : i32
      %mul3A_705 = arith.muli %add3A_690, %mul3A_704 : i32
      %get3A_706 = arith.index_cast %mul3A_705 : i32 to index
      %get3A_707 = tpu.vector_load %arg10[%get3A_706] {strides = array<i32>} : memref<1024xi32, #tpu.memory_space<vmem>>, vector<16xi32>,
      %mul3A_708 = arith.constant 0 : i32
      %mul3A_709 = vector.broadcast %mul3A_708 : i32 to vector<16xi32>
      %mul3A_710 = arith.muli %add3A_699, %mul3A_709 : vector<16xi32>
      %add3A_711 = vector.broadcast %shift_right_arithmetic3A_692 : i32 to vector<16xi32>
      %add3A_712 = arith.addi %mul3A_710, %add3A_711 : vector<16xi32>
      %mul3A_713 = arith.constant 0 : i32
      %mul3A_714 = vector.broadcast %mul3A_713 : i32 to vector<16xi32>
      %mul3A_715 = arith.muli %add3A_699, %mul3A_714 : vector<16xi32>
      tpu.vector_store_idx %arg8[%get3A_707, %add3A_712, %add3A_699], %mul3A_715 : memref<53x8x128xi32, #tpu.memory_space<vmem>>[vector<16xi32>, vector<16xi32>, vector<16xi32>], vector<16xi32>,
      %mul3A_716 = arith.constant 26 : i32
      %mul3A_717 = vector.broadcast %mul3A_716 : i32 to vector<16xi32>
      %mul3A_718 = arith.muli %add3A_699, %mul3A_717 : vector<16xi32>
      %add3A_719 = vector.broadcast %add3A_703 : i32 to vector<16xi32>
      %add3A_720 = arith.addi %mul3A_718, %add3A_719 : vector<16xi32>
      %gather3A_721 = tpu.vector_load_idx %arg5[%add3A_720] : memref<3328xf32, #tpu.memory_space<vmem>>[vector<16xi32>], vector<16xf32>,
      %mul3A_722 = arith.constant 0 : i32
      %mul3A_723 = vector.broadcast %mul3A_722 : i32 to vector<16xi32>
      %mul3A_724 = arith.muli %add3A_699, %mul3A_723 : vector<16xi32>
      %and3A_725 = arith.constant 3 : i32
      %and3A_726 = arith.andi %shift_right_arithmetic3A_692, %and3A_725 : i32
      %add3A_727 = vector.broadcast %and3A_726 : i32 to vector<16xi32>
      %add3A_728 = arith.addi %mul3A_724, %add3A_727 : vector<16xi32>
      %gather3A_729 = tpu.vector_load_idx %arg6[%add3A_728] : memref<4xf32, #tpu.memory_space<vmem>>[vector<16xi32>], vector<16xf32>,
      %sub3A_730 = arith.subf %gather3A_721, %gather3A_729 : vector<16xf32>
      %abs3A_731 = math.absf %sub3A_730 : vector<16xf32>
      %mul3A_732 = arith.constant 1.000000e+01 : f32
      %mul3A_733 = vector.broadcast %mul3A_732 : f32 to vector<16xf32>
      %mul3A_734 = arith.mulf %mul3A_733, %abs3A_731 : vector<16xf32>
      %div3A_735 = arith.constant 1.000000e+00 : f32
      %div3A_736 = vector.broadcast %div3A_735 : f32 to vector<16xf32>
      %div3A_737 = arith.divf %mul3A_734, %div3A_736 : vector<16xf32>
      %add3A_738 = arith.constant 1.000000e+00 : f32
      %add3A_739 = vector.broadcast %add3A_738 : f32 to vector<16xf32>
      %add3A_740 = arith.addf %div3A_737, %add3A_739 : vector<16xf32>
      %convert_element_type3A_741 = arith.fptosi %add3A_740 : vector<16xf32> to vector<16xi32>
      %jit3A_742 = arith.constant 0 : i32
      %jit3A_743 = arith.constant 52 : i32
      %max3A_744 = vector.broadcast %jit3A_742 : i32 to vector<16xi32>
      %max3A_745 = arith.maxsi %max3A_744, %convert_element_type3A_741 : vector<16xi32>
      %min3A_746 = vector.broadcast %jit3A_743 : i32 to vector<16xi32>
      %min3A_747 = arith.minsi %min3A_746, %max3A_745 : vector<16xi32>
      %mul3A_748 = arith.constant 16 : i32
      %mul3A_749 = arith.muli %add3A_690, %mul3A_748 : i32
      %swap3A_750 = arith.index_cast %mul3A_749 : i32 to index
      %swap3A_751 = tpu.vector_load %arg10[%swap3A_750] {strides = array<i32>} : memref<1024xi32, #tpu.memory_space<vmem>>, vector<16xi32>,
      tpu.vector_store %arg10[%swap3A_750], %min3A_747 {strides = array<i32>} : memref<1024xi32, #tpu.memory_space<vmem>>, vector<16xi32>,
      %mul3A_752 = arith.constant 0 : i32
      %mul3A_753 = vector.broadcast %mul3A_752 : i32 to vector<16xi32>
      %mul3A_754 = arith.muli %add3A_699, %mul3A_753 : vector<16xi32>
      %add3A_755 = vector.broadcast %shift_right_arithmetic3A_692 : i32 to vector<16xi32>
      %add3A_756 = arith.addi %mul3A_754, %add3A_755 : vector<16xi32>
      %mul3A_757 = arith.constant 0 : i32
      %mul3A_758 = vector.broadcast %mul3A_757 : i32 to vector<16xi32>
      %mul3A_759 = arith.muli %add3A_699, %mul3A_758 : vector<16xi32>
      %add3A_760 = arith.constant 1 : i32
      %add3A_761 = vector.broadcast %add3A_760 : i32 to vector<16xi32>
      %add3A_762 = arith.addi %mul3A_759, %add3A_761 : vector<16xi32>
      tpu.vector_store_idx %arg8[%min3A_747, %add3A_756, %add3A_699], %add3A_762 : memref<53x8x128xi32, #tpu.memory_space<vmem>>[vector<16xi32>, vector<16xi32>, vector<16xi32>], vector<16xi32>,
      %scan3A_763 = arith.constant 0 : i32
      scf.yield %scan3A_763 : i32
    }
    %scan3A_113 = arith.constant 16 : i32
    %dma_start3A_114 = arith.constant 0 : i32
    %dma_start3A_115 = arith.constant 0 : i32
    %dma_start3A_116 = arith.constant 0 : i32
    %dma_start3A_117 = tpu.memref_slice %arg8[%dma_start3A_114, %dma_start3A_115, %dma_start3A_116] : memref<53x8x128xi32, #tpu.memory_space<vmem>> -> memref<51x8x128xi32, #tpu.memory_space<vmem>>
    %dma_start3A_118 = arith.constant 0 : i32
    %dma_start3A_119 = arith.constant 24 : i32
    %dma_start3A_120 = tpu.memref_slice %arg4[%dma_start3A_118, %dma_start3A_119, %mul3A_2] : memref<51x104x4096xi32, #tpu.memory_space<hbm>> -> memref<51x8x128xi32, #tpu.memory_space<hbm>>
    %dma_start3A_121 = arith.constant 0 : i32
    %dma_start3A_122 = arith.constant 24 : i32
    %dma_start3A_123 = tpu.memref_slice %arg4[%dma_start3A_121, %dma_start3A_122, %mul3A_2] : memref<51x104x4096xi32, #tpu.memory_space<hbm>> -> memref<51x8x128xi32, #tpu.memory_space<hbm>>
    %dma_start3A_124 = arith.constant 0 : i32
    %dma_start3A_125 = arith.constant 0 : i32
    %dma_start3A_126 = arith.constant 0 : i32
    %dma_start3A_127 = tpu.memref_slice %arg8[%dma_start3A_124, %dma_start3A_125, %dma_start3A_126] : memref<53x8x128xi32, #tpu.memory_space<vmem>> -> memref<51x8x128xi32, #tpu.memory_space<vmem>>
    tpu.enqueue_dma source(%dma_start3A_127 : memref<51x8x128xi32, #tpu.memory_space<vmem>>) target(%dma_start3A_123 : memref<51x8x128xi32, #tpu.memory_space<hbm>>) target_semaphore(%arg12 : memref<!tpu.dma_semaphore, #tpu.memory_space<semaphore_mem>>)
    %dma_wait3A_128 = arith.constant 0 : i32
    %dma_wait3A_129 = arith.constant 0 : i32
    %dma_wait3A_130 = arith.constant 0 : i32
    %dma_wait3A_131 = tpu.memref_slice %arg7[%dma_wait3A_128, %dma_wait3A_129, %dma_wait3A_130] : memref<53x8x128xi32, #tpu.memory_space<vmem>> -> memref<51x8x128xi32, #tpu.memory_space<vmem>>
    %dma_wait3A_132 = arith.constant 0 : i32
    %dma_wait3A_133 = arith.constant 16 : i32
    %dma_wait3A_134 = tpu.memref_slice %arg4[%dma_wait3A_132, %dma_wait3A_133, %mul3A_2] : memref<51x104x4096xi32, #tpu.memory_space<hbm>> -> memref<51x8x128xi32, #tpu.memory_space<hbm>>
    %dma_wait3A_135 = arith.constant 0 : i32
    %dma_wait3A_136 = arith.constant 16 : i32
    %dma_wait3A_137 = tpu.memref_slice %arg4[%dma_wait3A_135, %dma_wait3A_136, %mul3A_2] : memref<51x104x4096xi32, #tpu.memory_space<hbm>> -> memref<51x8x128xi32, #tpu.memory_space<hbm>>
    %dma_wait3A_138 = arith.constant 0 : i32
    %dma_wait3A_139 = arith.constant 0 : i32
    %dma_wait3A_140 = arith.constant 0 : i32
    %dma_wait3A_141 = tpu.memref_slice %arg7[%dma_wait3A_138, %dma_wait3A_139, %dma_wait3A_140] : memref<53x8x128xi32, #tpu.memory_space<vmem>> -> memref<51x8x128xi32, #tpu.memory_space<vmem>>
    tpu.wait_dma2 semaphore(%arg11 : memref<!tpu.dma_semaphore, #tpu.memory_space<semaphore_mem>>) src(%dma_wait3A_141 : memref<51x8x128xi32, #tpu.memory_space<vmem>>) dst(%dma_wait3A_137 : memref<51x8x128xi32, #tpu.memory_space<hbm>>)
    %scan3A_142 = arith.constant 0 : i32
    %scan3A_143 = arith.constant 0 : i32
    %scan3A_144 = arith.constant 16 : i32
    %scan3A_145 = arith.addi %scan3A_143, %scan3A_144 : i32
    %scan3A_146 = arith.constant 1 : i32
    %scan3A_147 = scf.for %scan3A_471 = %scan3A_143 to %scan3A_145 step %scan3A_146 iter_args(%scan3A_472 = %scan3A_142) -> (i32)  : i32 {
      %mul3A_473 = arith.constant 4 : i32
      %mul3A_474 = arith.muli %scan3A_471, %mul3A_473 : i32
      %add3A_475 = arith.constant 0 : i32
      %add3A_476 = arith.addi %mul3A_474, %add3A_475 : i32
      %shift_right_arithmetic3A = arith.constant 3 : i32
      %shift_right_arithmetic3A_477 = arith.shrsi %add3A_476, %shift_right_arithmetic3A : i32
      %and3A = arith.constant 7 : i32
      %and3A_478 = arith.andi %add3A_476, %and3A : i32
      %shift_left3A = arith.constant 4 : i32
      %shift_left3A_479 = arith.shli %and3A_478, %shift_left3A : i32
      %iota3A = tpu.iota {dimensions = array<i32: 0>} : vector<16xi32>
      %add3A_480 = vector.broadcast %shift_left3A_479 : i32 to vector<16xi32>
      %add3A_481 = arith.addi %add3A_480, %iota3A : vector<16xi32>
      %shift_right_arithmetic3A_482 = arith.constant 2 : i32
      %shift_right_arithmetic3A_483 = arith.shrsi %shift_right_arithmetic3A_477, %shift_right_arithmetic3A_482 : i32
      %add3A_484 = arith.constant 8 : i32
      %add3A_485 = arith.addi %add3A_484, %shift_right_arithmetic3A_483 : i32
      %mul3A_486 = arith.constant 16 : i32
      %mul3A_487 = arith.muli %add3A_476, %mul3A_486 : i32
      %get3A = arith.index_cast %mul3A_487 : i32 to index
      %get3A_488 = tpu.vector_load %arg9[%get3A] {strides = array<i32>} : memref<1024xi32, #tpu.memory_space<vmem>>, vector<16xi32>,
      %mul3A_489 = arith.constant 0 : i32
      %mul3A_490 = vector.broadcast %mul3A_489 : i32 to vector<16xi32>
      %mul3A_491 = arith.muli %add3A_481, %mul3A_490 : vector<16xi32>
      %add3A_492 = vector.broadcast %shift_right_arithmetic3A_477 : i32 to vector<16xi32>
      %add3A_493 = arith.addi %mul3A_491, %add3A_492 : vector<16xi32>
      %mul3A_494 = arith.constant 0 : i32
      %mul3A_495 = vector.broadcast %mul3A_494 : i32 to vector<16xi32>
      %mul3A_496 = arith.muli %add3A_481, %mul3A_495 : vector<16xi32>
      tpu.vector_store_idx %arg7[%get3A_488, %add3A_493, %add3A_481], %mul3A_496 : memref<53x8x128xi32, #tpu.memory_space<vmem>>[vector<16xi32>, vector<16xi32>, vector<16xi32>], vector<16xi32>,
      %mul3A_497 = arith.constant 26 : i32
      %mul3A_498 = vector.broadcast %mul3A_497 : i32 to vector<16xi32>
      %mul3A_499 = arith.muli %add3A_481, %mul3A_498 : vector<16xi32>
      %add3A_500 = vector.broadcast %add3A_485 : i32 to vector<16xi32>
      %add3A_501 = arith.addi %mul3A_499, %add3A_500 : vector<16xi32>
      %gather3A = tpu.vector_load_idx %arg5[%add3A_501] : memref<3328xf32, #tpu.memory_space<vmem>>[vector<16xi32>], vector<16xf32>,
      %mul3A_502 = arith.constant 0 : i32
      %mul3A_503 = vector.broadcast %mul3A_502 : i32 to vector<16xi32>
      %mul3A_504 = arith.muli %add3A_481, %mul3A_503 : vector<16xi32>
      %and3A_505 = arith.constant 3 : i32
      %and3A_506 = arith.andi %shift_right_arithmetic3A_477, %and3A_505 : i32
      %add3A_507 = vector.broadcast %and3A_506 : i32 to vector<16xi32>
      %add3A_508 = arith.addi %mul3A_504, %add3A_507 : vector<16xi32>
      %gather3A_509 = tpu.vector_load_idx %arg6[%add3A_508] : memref<4xf32, #tpu.memory_space<vmem>>[vector<16xi32>], vector<16xf32>,
      %sub3A = arith.subf %gather3A, %gather3A_509 : vector<16xf32>
      %abs3A = math.absf %sub3A : vector<16xf32>
      %mul3A_510 = arith.constant 1.000000e+01 : f32
      %mul3A_511 = vector.broadcast %mul3A_510 : f32 to vector<16xf32>
      %mul3A_512 = arith.mulf %mul3A_511, %abs3A : vector<16xf32>
      %div3A = arith.constant 1.000000e+00 : f32
      %div3A_513 = vector.broadcast %div3A : f32 to vector<16xf32>
      %div3A_514 = arith.divf %mul3A_512, %div3A_513 : vector<16xf32>
      %add3A_515 = arith.constant 1.000000e+00 : f32
      %add3A_516 = vector.broadcast %add3A_515 : f32 to vector<16xf32>
      %add3A_517 = arith.addf %div3A_514, %add3A_516 : vector<16xf32>
      %convert_element_type3A = arith.fptosi %add3A_517 : vector<16xf32> to vector<16xi32>
      %jit3A = arith.constant 0 : i32
      %jit3A_518 = arith.constant 52 : i32
      %max3A = vector.broadcast %jit3A : i32 to vector<16xi32>
      %max3A_519 = arith.maxsi %max3A, %convert_element_type3A : vector<16xi32>
      %min3A = vector.broadcast %jit3A_518 : i32 to vector<16xi32>
      %min3A_520 = arith.minsi %min3A, %max3A_519 : vector<16xi32>
      %mul3A_521 = arith.constant 16 : i32
      %mul3A_522 = arith.muli %add3A_476, %mul3A_521 : i32
      %swap3A = arith.index_cast %mul3A_522 : i32 to index
      %swap3A_523 = tpu.vector_load %arg9[%swap3A] {strides = array<i32>} : memref<1024xi32, #tpu.memory_space<vmem>>, vector<16xi32>,
      tpu.vector_store %arg9[%swap3A], %min3A_520 {strides = array<i32>} : memref<1024xi32, #tpu.memory_space<vmem>>, vector<16xi32>,
      %mul3A_524 = arith.constant 0 : i32
      %mul3A_525 = vector.broadcast %mul3A_524 : i32 to vector<16xi32>
      %mul3A_526 = arith.muli %add3A_481, %mul3A_525 : vector<16xi32>
      %add3A_527 = vector.broadcast %shift_right_arithmetic3A_477 : i32 to vector<16xi32>
      %add3A_528 = arith.addi %mul3A_526, %add3A_527 : vector<16xi32>
      %mul3A_529 = arith.constant 0 : i32
      %mul3A_530 = vector.broadcast %mul3A_529 : i32 to vector<16xi32>
      %mul3A_531 = arith.muli %add3A_481, %mul3A_530 : vector<16xi32>
      %add3A_532 = arith.constant 1 : i32
      %add3A_533 = vector.broadcast %add3A_532 : i32 to vector<16xi32>
      %add3A_534 = arith.addi %mul3A_531, %add3A_533 : vector<16xi32>
      tpu.vector_store_idx %arg7[%min3A_520, %add3A_528, %add3A_481], %add3A_534 : memref<53x8x128xi32, #tpu.memory_space<vmem>>[vector<16xi32>, vector<16xi32>, vector<16xi32>], vector<16xi32>,
      %mul3A_535 = arith.constant 4 : i32
      %mul3A_536 = arith.muli %scan3A_471, %mul3A_535 : i32
      %add3A_537 = arith.constant 1 : i32
      %add3A_538 = arith.addi %mul3A_536, %add3A_537 : i32
      %shift_right_arithmetic3A_539 = arith.constant 3 : i32
      %shift_right_arithmetic3A_540 = arith.shrsi %add3A_538, %shift_right_arithmetic3A_539 : i32
      %and3A_541 = arith.constant 7 : i32
      %and3A_542 = arith.andi %add3A_538, %and3A_541 : i32
      %shift_left3A_543 = arith.constant 4 : i32
      %shift_left3A_544 = arith.shli %and3A_542, %shift_left3A_543 : i32
      %iota3A_545 = tpu.iota {dimensions = array<i32: 0>} : vector<16xi32>
      %add3A_546 = vector.broadcast %shift_left3A_544 : i32 to vector<16xi32>
      %add3A_547 = arith.addi %add3A_546, %iota3A_545 : vector<16xi32>
      %shift_right_arithmetic3A_548 = arith.constant 2 : i32
      %shift_right_arithmetic3A_549 = arith.shrsi %shift_right_arithmetic3A_540, %shift_right_arithmetic3A_548 : i32
      %add3A_550 = arith.constant 8 : i32
      %add3A_551 = arith.addi %add3A_550, %shift_right_arithmetic3A_549 : i32
      %mul3A_552 = arith.constant 16 : i32
      %mul3A_553 = arith.muli %add3A_538, %mul3A_552 : i32
      %get3A_554 = arith.index_cast %mul3A_553 : i32 to index
      %get3A_555 = tpu.vector_load %arg9[%get3A_554] {strides = array<i32>} : memref<1024xi32, #tpu.memory_space<vmem>>, vector<16xi32>,
      %mul3A_556 = arith.constant 0 : i32
      %mul3A_557 = vector.broadcast %mul3A_556 : i32 to vector<16xi32>
      %mul3A_558 = arith.muli %add3A_547, %mul3A_557 : vector<16xi32>
      %add3A_559 = vector.broadcast %shift_right_arithmetic3A_540 : i32 to vector<16xi32>
      %add3A_560 = arith.addi %mul3A_558, %add3A_559 : vector<16xi32>
      %mul3A_561 = arith.constant 0 : i32
      %mul3A_562 = vector.broadcast %mul3A_561 : i32 to vector<16xi32>
      %mul3A_563 = arith.muli %add3A_547, %mul3A_562 : vector<16xi32>
      tpu.vector_store_idx %arg7[%get3A_555, %add3A_560, %add3A_547], %mul3A_563 : memref<53x8x128xi32, #tpu.memory_space<vmem>>[vector<16xi32>, vector<16xi32>, vector<16xi32>], vector<16xi32>,
      %mul3A_564 = arith.constant 26 : i32
      %mul3A_565 = vector.broadcast %mul3A_564 : i32 to vector<16xi32>
      %mul3A_566 = arith.muli %add3A_547, %mul3A_565 : vector<16xi32>
      %add3A_567 = vector.broadcast %add3A_551 : i32 to vector<16xi32>
      %add3A_568 = arith.addi %mul3A_566, %add3A_567 : vector<16xi32>
      %gather3A_569 = tpu.vector_load_idx %arg5[%add3A_568] : memref<3328xf32, #tpu.memory_space<vmem>>[vector<16xi32>], vector<16xf32>,
      %mul3A_570 = arith.constant 0 : i32
      %mul3A_571 = vector.broadcast %mul3A_570 : i32 to vector<16xi32>
      %mul3A_572 = arith.muli %add3A_547, %mul3A_571 : vector<16xi32>
      %and3A_573 = arith.constant 3 : i32
      %and3A_574 = arith.andi %shift_right_arithmetic3A_540, %and3A_573 : i32
      %add3A_575 = vector.broadcast %and3A_574 : i32 to vector<16xi32>
      %add3A_576 = arith.addi %mul3A_572, %add3A_575 : vector<16xi32>
      %gather3A_577 = tpu.vector_load_idx %arg6[%add3A_576] : memref<4xf32, #tpu.memory_space<vmem>>[vector<16xi32>], vector<16xf32>,
      %sub3A_578 = arith.subf %gather3A_569, %gather3A_577 : vector<16xf32>
      %abs3A_579 = math.absf %sub3A_578 : vector<16xf32>
      %mul3A_580 = arith.constant 1.000000e+01 : f32
      %mul3A_581 = vector.broadcast %mul3A_580 : f32 to vector<16xf32>
      %mul3A_582 = arith.mulf %mul3A_581, %abs3A_579 : vector<16xf32>
      %div3A_583 = arith.constant 1.000000e+00 : f32
      %div3A_584 = vector.broadcast %div3A_583 : f32 to vector<16xf32>
      %div3A_585 = arith.divf %mul3A_582, %div3A_584 : vector<16xf32>
      %add3A_586 = arith.constant 1.000000e+00 : f32
      %add3A_587 = vector.broadcast %add3A_586 : f32 to vector<16xf32>
      %add3A_588 = arith.addf %div3A_585, %add3A_587 : vector<16xf32>
      %convert_element_type3A_589 = arith.fptosi %add3A_588 : vector<16xf32> to vector<16xi32>
      %jit3A_590 = arith.constant 0 : i32
      %jit3A_591 = arith.constant 52 : i32
      %max3A_592 = vector.broadcast %jit3A_590 : i32 to vector<16xi32>
      %max3A_593 = arith.maxsi %max3A_592, %convert_element_type3A_589 : vector<16xi32>
      %min3A_594 = vector.broadcast %jit3A_591 : i32 to vector<16xi32>
      %min3A_595 = arith.minsi %min3A_594, %max3A_593 : vector<16xi32>
      %mul3A_596 = arith.constant 16 : i32
      %mul3A_597 = arith.muli %add3A_538, %mul3A_596 : i32
      %swap3A_598 = arith.index_cast %mul3A_597 : i32 to index
      %swap3A_599 = tpu.vector_load %arg9[%swap3A_598] {strides = array<i32>} : memref<1024xi32, #tpu.memory_space<vmem>>, vector<16xi32>,
      tpu.vector_store %arg9[%swap3A_598], %min3A_595 {strides = array<i32>} : memref<1024xi32, #tpu.memory_space<vmem>>, vector<16xi32>,
      %mul3A_600 = arith.constant 0 : i32
      %mul3A_601 = vector.broadcast %mul3A_600 : i32 to vector<16xi32>
      %mul3A_602 = arith.muli %add3A_547, %mul3A_601 : vector<16xi32>
      %add3A_603 = vector.broadcast %shift_right_arithmetic3A_540 : i32 to vector<16xi32>
      %add3A_604 = arith.addi %mul3A_602, %add3A_603 : vector<16xi32>
      %mul3A_605 = arith.constant 0 : i32
      %mul3A_606 = vector.broadcast %mul3A_605 : i32 to vector<16xi32>
      %mul3A_607 = arith.muli %add3A_547, %mul3A_606 : vector<16xi32>
      %add3A_608 = arith.constant 1 : i32
      %add3A_609 = vector.broadcast %add3A_608 : i32 to vector<16xi32>
      %add3A_610 = arith.addi %mul3A_607, %add3A_609 : vector<16xi32>
      tpu.vector_store_idx %arg7[%min3A_595, %add3A_604, %add3A_547], %add3A_610 : memref<53x8x128xi32, #tpu.memory_space<vmem>>[vector<16xi32>, vector<16xi32>, vector<16xi32>], vector<16xi32>,
      %mul3A_611 = arith.constant 4 : i32
      %mul3A_612 = arith.muli %scan3A_471, %mul3A_611 : i32
      %add3A_613 = arith.constant 2 : i32
      %add3A_614 = arith.addi %mul3A_612, %add3A_613 : i32
      %shift_right_arithmetic3A_615 = arith.constant 3 : i32
      %shift_right_arithmetic3A_616 = arith.shrsi %add3A_614, %shift_right_arithmetic3A_615 : i32
      %and3A_617 = arith.constant 7 : i32
      %and3A_618 = arith.andi %add3A_614, %and3A_617 : i32
      %shift_left3A_619 = arith.constant 4 : i32
      %shift_left3A_620 = arith.shli %and3A_618, %shift_left3A_619 : i32
      %iota3A_621 = tpu.iota {dimensions = array<i32: 0>} : vector<16xi32>
      %add3A_622 = vector.broadcast %shift_left3A_620 : i32 to vector<16xi32>
      %add3A_623 = arith.addi %add3A_622, %iota3A_621 : vector<16xi32>
      %shift_right_arithmetic3A_624 = arith.constant 2 : i32
      %shift_right_arithmetic3A_625 = arith.shrsi %shift_right_arithmetic3A_616, %shift_right_arithmetic3A_624 : i32
      %add3A_626 = arith.constant 8 : i32
      %add3A_627 = arith.addi %add3A_626, %shift_right_arithmetic3A_625 : i32
      %mul3A_628 = arith.constant 16 : i32
      %mul3A_629 = arith.muli %add3A_614, %mul3A_628 : i32
      %get3A_630 = arith.index_cast %mul3A_629 : i32 to index
      %get3A_631 = tpu.vector_load %arg9[%get3A_630] {strides = array<i32>} : memref<1024xi32, #tpu.memory_space<vmem>>, vector<16xi32>,
      %mul3A_632 = arith.constant 0 : i32
      %mul3A_633 = vector.broadcast %mul3A_632 : i32 to vector<16xi32>
      %mul3A_634 = arith.muli %add3A_623, %mul3A_633 : vector<16xi32>
      %add3A_635 = vector.broadcast %shift_right_arithmetic3A_616 : i32 to vector<16xi32>
      %add3A_636 = arith.addi %mul3A_634, %add3A_635 : vector<16xi32>
      %mul3A_637 = arith.constant 0 : i32
      %mul3A_638 = vector.broadcast %mul3A_637 : i32 to vector<16xi32>
      %mul3A_639 = arith.muli %add3A_623, %mul3A_638 : vector<16xi32>
      tpu.vector_store_idx %arg7[%get3A_631, %add3A_636, %add3A_623], %mul3A_639 : memref<53x8x128xi32, #tpu.memory_space<vmem>>[vector<16xi32>, vector<16xi32>, vector<16xi32>], vector<16xi32>,
      %mul3A_640 = arith.constant 26 : i32
      %mul3A_641 = vector.broadcast %mul3A_640 : i32 to vector<16xi32>
      %mul3A_642 = arith.muli %add3A_623, %mul3A_641 : vector<16xi32>
      %add3A_643 = vector.broadcast %add3A_627 : i32 to vector<16xi32>
      %add3A_644 = arith.addi %mul3A_642, %add3A_643 : vector<16xi32>
      %gather3A_645 = tpu.vector_load_idx %arg5[%add3A_644] : memref<3328xf32, #tpu.memory_space<vmem>>[vector<16xi32>], vector<16xf32>,
      %mul3A_646 = arith.constant 0 : i32
      %mul3A_647 = vector.broadcast %mul3A_646 : i32 to vector<16xi32>
      %mul3A_648 = arith.muli %add3A_623, %mul3A_647 : vector<16xi32>
      %and3A_649 = arith.constant 3 : i32
      %and3A_650 = arith.andi %shift_right_arithmetic3A_616, %and3A_649 : i32
      %add3A_651 = vector.broadcast %and3A_650 : i32 to vector<16xi32>
      %add3A_652 = arith.addi %mul3A_648, %add3A_651 : vector<16xi32>
      %gather3A_653 = tpu.vector_load_idx %arg6[%add3A_652] : memref<4xf32, #tpu.memory_space<vmem>>[vector<16xi32>], vector<16xf32>,
      %sub3A_654 = arith.subf %gather3A_645, %gather3A_653 : vector<16xf32>
      %abs3A_655 = math.absf %sub3A_654 : vector<16xf32>
      %mul3A_656 = arith.constant 1.000000e+01 : f32
      %mul3A_657 = vector.broadcast %mul3A_656 : f32 to vector<16xf32>
      %mul3A_658 = arith.mulf %mul3A_657, %abs3A_655 : vector<16xf32>
      %div3A_659 = arith.constant 1.000000e+00 : f32
      %div3A_660 = vector.broadcast %div3A_659 : f32 to vector<16xf32>
      %div3A_661 = arith.divf %mul3A_658, %div3A_660 : vector<16xf32>
      %add3A_662 = arith.constant 1.000000e+00 : f32
      %add3A_663 = vector.broadcast %add3A_662 : f32 to vector<16xf32>
      %add3A_664 = arith.addf %div3A_661, %add3A_663 : vector<16xf32>
      %convert_element_type3A_665 = arith.fptosi %add3A_664 : vector<16xf32> to vector<16xi32>
      %jit3A_666 = arith.constant 0 : i32
      %jit3A_667 = arith.constant 52 : i32
      %max3A_668 = vector.broadcast %jit3A_666 : i32 to vector<16xi32>
      %max3A_669 = arith.maxsi %max3A_668, %convert_element_type3A_665 : vector<16xi32>
      %min3A_670 = vector.broadcast %jit3A_667 : i32 to vector<16xi32>
      %min3A_671 = arith.minsi %min3A_670, %max3A_669 : vector<16xi32>
      %mul3A_672 = arith.constant 16 : i32
      %mul3A_673 = arith.muli %add3A_614, %mul3A_672 : i32
      %swap3A_674 = arith.index_cast %mul3A_673 : i32 to index
      %swap3A_675 = tpu.vector_load %arg9[%swap3A_674] {strides = array<i32>} : memref<1024xi32, #tpu.memory_space<vmem>>, vector<16xi32>,
      tpu.vector_store %arg9[%swap3A_674], %min3A_671 {strides = array<i32>} : memref<1024xi32, #tpu.memory_space<vmem>>, vector<16xi32>,
      %mul3A_676 = arith.constant 0 : i32
      %mul3A_677 = vector.broadcast %mul3A_676 : i32 to vector<16xi32>
      %mul3A_678 = arith.muli %add3A_623, %mul3A_677 : vector<16xi32>
      %add3A_679 = vector.broadcast %shift_right_arithmetic3A_616 : i32 to vector<16xi32>
      %add3A_680 = arith.addi %mul3A_678, %add3A_679 : vector<16xi32>
      %mul3A_681 = arith.constant 0 : i32
      %mul3A_682 = vector.broadcast %mul3A_681 : i32 to vector<16xi32>
      %mul3A_683 = arith.muli %add3A_623, %mul3A_682 : vector<16xi32>
      %add3A_684 = arith.constant 1 : i32
      %add3A_685 = vector.broadcast %add3A_684 : i32 to vector<16xi32>
      %add3A_686 = arith.addi %mul3A_683, %add3A_685 : vector<16xi32>
      tpu.vector_store_idx %arg7[%min3A_671, %add3A_680, %add3A_623], %add3A_686 : memref<53x8x128xi32, #tpu.memory_space<vmem>>[vector<16xi32>, vector<16xi32>, vector<16xi32>], vector<16xi32>,
      %mul3A_687 = arith.constant 4 : i32
      %mul3A_688 = arith.muli %scan3A_471, %mul3A_687 : i32
      %add3A_689 = arith.constant 3 : i32
      %add3A_690 = arith.addi %mul3A_688, %add3A_689 : i32
      %shift_right_arithmetic3A_691 = arith.constant 3 : i32
      %shift_right_arithmetic3A_692 = arith.shrsi %add3A_690, %shift_right_arithmetic3A_691 : i32
      %and3A_693 = arith.constant 7 : i32
      %and3A_694 = arith.andi %add3A_690, %and3A_693 : i32
      %shift_left3A_695 = arith.constant 4 : i32
      %shift_left3A_696 = arith.shli %and3A_694, %shift_left3A_695 : i32
      %iota3A_697 = tpu.iota {dimensions = array<i32: 0>} : vector<16xi32>
      %add3A_698 = vector.broadcast %shift_left3A_696 : i32 to vector<16xi32>
      %add3A_699 = arith.addi %add3A_698, %iota3A_697 : vector<16xi32>
      %shift_right_arithmetic3A_700 = arith.constant 2 : i32
      %shift_right_arithmetic3A_701 = arith.shrsi %shift_right_arithmetic3A_692, %shift_right_arithmetic3A_700 : i32
      %add3A_702 = arith.constant 8 : i32
      %add3A_703 = arith.addi %add3A_702, %shift_right_arithmetic3A_701 : i32
      %mul3A_704 = arith.constant 16 : i32
      %mul3A_705 = arith.muli %add3A_690, %mul3A_704 : i32
      %get3A_706 = arith.index_cast %mul3A_705 : i32 to index
      %get3A_707 = tpu.vector_load %arg9[%get3A_706] {strides = array<i32>} : memref<1024xi32, #tpu.memory_space<vmem>>, vector<16xi32>,
      %mul3A_708 = arith.constant 0 : i32
      %mul3A_709 = vector.broadcast %mul3A_708 : i32 to vector<16xi32>
      %mul3A_710 = arith.muli %add3A_699, %mul3A_709 : vector<16xi32>
      %add3A_711 = vector.broadcast %shift_right_arithmetic3A_692 : i32 to vector<16xi32>
      %add3A_712 = arith.addi %mul3A_710, %add3A_711 : vector<16xi32>
      %mul3A_713 = arith.constant 0 : i32
      %mul3A_714 = vector.broadcast %mul3A_713 : i32 to vector<16xi32>
      %mul3A_715 = arith.muli %add3A_699, %mul3A_714 : vector<16xi32>
      tpu.vector_store_idx %arg7[%get3A_707, %add3A_712, %add3A_699], %mul3A_715 : memref<53x8x128xi32, #tpu.memory_space<vmem>>[vector<16xi32>, vector<16xi32>, vector<16xi32>], vector<16xi32>,
      %mul3A_716 = arith.constant 26 : i32
      %mul3A_717 = vector.broadcast %mul3A_716 : i32 to vector<16xi32>
      %mul3A_718 = arith.muli %add3A_699, %mul3A_717 : vector<16xi32>
      %add3A_719 = vector.broadcast %add3A_703 : i32 to vector<16xi32>
      %add3A_720 = arith.addi %mul3A_718, %add3A_719 : vector<16xi32>
      %gather3A_721 = tpu.vector_load_idx %arg5[%add3A_720] : memref<3328xf32, #tpu.memory_space<vmem>>[vector<16xi32>], vector<16xf32>,
      %mul3A_722 = arith.constant 0 : i32
      %mul3A_723 = vector.broadcast %mul3A_722 : i32 to vector<16xi32>
      %mul3A_724 = arith.muli %add3A_699, %mul3A_723 : vector<16xi32>
      %and3A_725 = arith.constant 3 : i32
      %and3A_726 = arith.andi %shift_right_arithmetic3A_692, %and3A_725 : i32
      %add3A_727 = vector.broadcast %and3A_726 : i32 to vector<16xi32>
      %add3A_728 = arith.addi %mul3A_724, %add3A_727 : vector<16xi32>
      %gather3A_729 = tpu.vector_load_idx %arg6[%add3A_728] : memref<4xf32, #tpu.memory_space<vmem>>[vector<16xi32>], vector<16xf32>,
      %sub3A_730 = arith.subf %gather3A_721, %gather3A_729 : vector<16xf32>
      %abs3A_731 = math.absf %sub3A_730 : vector<16xf32>
      %mul3A_732 = arith.constant 1.000000e+01 : f32
      %mul3A_733 = vector.broadcast %mul3A_732 : f32 to vector<16xf32>
      %mul3A_734 = arith.mulf %mul3A_733, %abs3A_731 : vector<16xf32>
      %div3A_735 = arith.constant 1.000000e+00 : f32
      %div3A_736 = vector.broadcast %div3A_735 : f32 to vector<16xf32>
      %div3A_737 = arith.divf %mul3A_734, %div3A_736 : vector<16xf32>
      %add3A_738 = arith.constant 1.000000e+00 : f32
      %add3A_739 = vector.broadcast %add3A_738 : f32 to vector<16xf32>
      %add3A_740 = arith.addf %div3A_737, %add3A_739 : vector<16xf32>
      %convert_element_type3A_741 = arith.fptosi %add3A_740 : vector<16xf32> to vector<16xi32>
      %jit3A_742 = arith.constant 0 : i32
      %jit3A_743 = arith.constant 52 : i32
      %max3A_744 = vector.broadcast %jit3A_742 : i32 to vector<16xi32>
      %max3A_745 = arith.maxsi %max3A_744, %convert_element_type3A_741 : vector<16xi32>
      %min3A_746 = vector.broadcast %jit3A_743 : i32 to vector<16xi32>
      %min3A_747 = arith.minsi %min3A_746, %max3A_745 : vector<16xi32>
      %mul3A_748 = arith.constant 16 : i32
      %mul3A_749 = arith.muli %add3A_690, %mul3A_748 : i32
      %swap3A_750 = arith.index_cast %mul3A_749 : i32 to index
      %swap3A_751 = tpu.vector_load %arg9[%swap3A_750] {strides = array<i32>} : memref<1024xi32, #tpu.memory_space<vmem>>, vector<16xi32>,
      tpu.vector_store %arg9[%swap3A_750], %min3A_747 {strides = array<i32>} : memref<1024xi32, #tpu.memory_space<vmem>>, vector<16xi32>,
      %mul3A_752 = arith.constant 0 : i32
      %mul3A_753 = vector.broadcast %mul3A_752 : i32 to vector<16xi32>
      %mul3A_754 = arith.muli %add3A_699, %mul3A_753 : vector<16xi32>
      %add3A_755 = vector.broadcast %shift_right_arithmetic3A_692 : i32 to vector<16xi32>
      %add3A_756 = arith.addi %mul3A_754, %add3A_755 : vector<16xi32>
      %mul3A_757 = arith.constant 0 : i32
      %mul3A_758 = vector.broadcast %mul3A_757 : i32 to vector<16xi32>
      %mul3A_759 = arith.muli %add3A_699, %mul3A_758 : vector<16xi32>
      %add3A_760 = arith.constant 1 : i32
      %add3A_761 = vector.broadcast %add3A_760 : i32 to vector<16xi32>
      %add3A_762 = arith.addi %mul3A_759, %add3A_761 : vector<16xi32>
      tpu.vector_store_idx %arg7[%min3A_747, %add3A_756, %add3A_699], %add3A_762 : memref<53x8x128xi32, #tpu.memory_space<vmem>>[vector<16xi32>, vector<16xi32>, vector<16xi32>], vector<16xi32>,
      %scan3A_763 = arith.constant 0 : i32
      scf.yield %scan3A_763 : i32
    }
    %scan3A_148 = arith.constant 16 : i32
    %dma_start3A_149 = arith.constant 0 : i32
    %dma_start3A_150 = arith.constant 0 : i32
    %dma_start3A_151 = arith.constant 0 : i32
    %dma_start3A_152 = tpu.memref_slice %arg7[%dma_start3A_149, %dma_start3A_150, %dma_start3A_151] : memref<53x8x128xi32, #tpu.memory_space<vmem>> -> memref<51x8x128xi32, #tpu.memory_space<vmem>>
    %dma_start3A_153 = arith.constant 0 : i32
    %dma_start3A_154 = arith.constant 32 : i32
    %dma_start3A_155 = tpu.memref_slice %arg4[%dma_start3A_153, %dma_start3A_154, %mul3A_2] : memref<51x104x4096xi32, #tpu.memory_space<hbm>> -> memref<51x8x128xi32, #tpu.memory_space<hbm>>
    %dma_start3A_156 = arith.constant 0 : i32
    %dma_start3A_157 = arith.constant 32 : i32
    %dma_start3A_158 = tpu.memref_slice %arg4[%dma_start3A_156, %dma_start3A_157, %mul3A_2] : memref<51x104x4096xi32, #tpu.memory_space<hbm>> -> memref<51x8x128xi32, #tpu.memory_space<hbm>>
    %dma_start3A_159 = arith.constant 0 : i32
    %dma_start3A_160 = arith.constant 0 : i32
    %dma_start3A_161 = arith.constant 0 : i32
    %dma_start3A_162 = tpu.memref_slice %arg7[%dma_start3A_159, %dma_start3A_160, %dma_start3A_161] : memref<53x8x128xi32, #tpu.memory_space<vmem>> -> memref<51x8x128xi32, #tpu.memory_space<vmem>>
    tpu.enqueue_dma source(%dma_start3A_162 : memref<51x8x128xi32, #tpu.memory_space<vmem>>) target(%dma_start3A_158 : memref<51x8x128xi32, #tpu.memory_space<hbm>>) target_semaphore(%arg11 : memref<!tpu.dma_semaphore, #tpu.memory_space<semaphore_mem>>)
    %dma_wait3A_163 = arith.constant 0 : i32
    %dma_wait3A_164 = arith.constant 0 : i32
    %dma_wait3A_165 = arith.constant 0 : i32
    %dma_wait3A_166 = tpu.memref_slice %arg8[%dma_wait3A_163, %dma_wait3A_164, %dma_wait3A_165] : memref<53x8x128xi32, #tpu.memory_space<vmem>> -> memref<51x8x128xi32, #tpu.memory_space<vmem>>
    %dma_wait3A_167 = arith.constant 0 : i32
    %dma_wait3A_168 = arith.constant 24 : i32
    %dma_wait3A_169 = tpu.memref_slice %arg4[%dma_wait3A_167, %dma_wait3A_168, %mul3A_2] : memref<51x104x4096xi32, #tpu.memory_space<hbm>> -> memref<51x8x128xi32, #tpu.memory_space<hbm>>
    %dma_wait3A_170 = arith.constant 0 : i32
    %dma_wait3A_171 = arith.constant 24 : i32
    %dma_wait3A_172 = tpu.memref_slice %arg4[%dma_wait3A_170, %dma_wait3A_171, %mul3A_2] : memref<51x104x4096xi32, #tpu.memory_space<hbm>> -> memref<51x8x128xi32, #tpu.memory_space<hbm>>
    %dma_wait3A_173 = arith.constant 0 : i32
    %dma_wait3A_174 = arith.constant 0 : i32
    %dma_wait3A_175 = arith.constant 0 : i32
    %dma_wait3A_176 = tpu.memref_slice %arg8[%dma_wait3A_173, %dma_wait3A_174, %dma_wait3A_175] : memref<53x8x128xi32, #tpu.memory_space<vmem>> -> memref<51x8x128xi32, #tpu.memory_space<vmem>>
    tpu.wait_dma2 semaphore(%arg12 : memref<!tpu.dma_semaphore, #tpu.memory_space<semaphore_mem>>) src(%dma_wait3A_176 : memref<51x8x128xi32, #tpu.memory_space<vmem>>) dst(%dma_wait3A_172 : memref<51x8x128xi32, #tpu.memory_space<hbm>>)
    %scan3A_177 = arith.constant 0 : i32
    %scan3A_178 = arith.constant 0 : i32
    %scan3A_179 = arith.constant 16 : i32
    %scan3A_180 = arith.addi %scan3A_178, %scan3A_179 : i32
    %scan3A_181 = arith.constant 1 : i32
    %scan3A_182 = scf.for %scan3A_471 = %scan3A_178 to %scan3A_180 step %scan3A_181 iter_args(%scan3A_472 = %scan3A_177) -> (i32)  : i32 {
      %mul3A_473 = arith.constant 4 : i32
      %mul3A_474 = arith.muli %scan3A_471, %mul3A_473 : i32
      %add3A_475 = arith.constant 0 : i32
      %add3A_476 = arith.addi %mul3A_474, %add3A_475 : i32
      %shift_right_arithmetic3A = arith.constant 3 : i32
      %shift_right_arithmetic3A_477 = arith.shrsi %add3A_476, %shift_right_arithmetic3A : i32
      %and3A = arith.constant 7 : i32
      %and3A_478 = arith.andi %add3A_476, %and3A : i32
      %shift_left3A = arith.constant 4 : i32
      %shift_left3A_479 = arith.shli %and3A_478, %shift_left3A : i32
      %iota3A = tpu.iota {dimensions = array<i32: 0>} : vector<16xi32>
      %add3A_480 = vector.broadcast %shift_left3A_479 : i32 to vector<16xi32>
      %add3A_481 = arith.addi %add3A_480, %iota3A : vector<16xi32>
      %shift_right_arithmetic3A_482 = arith.constant 2 : i32
      %shift_right_arithmetic3A_483 = arith.shrsi %shift_right_arithmetic3A_477, %shift_right_arithmetic3A_482 : i32
      %add3A_484 = arith.constant 10 : i32
      %add3A_485 = arith.addi %add3A_484, %shift_right_arithmetic3A_483 : i32
      %mul3A_486 = arith.constant 16 : i32
      %mul3A_487 = arith.muli %add3A_476, %mul3A_486 : i32
      %get3A = arith.index_cast %mul3A_487 : i32 to index
      %get3A_488 = tpu.vector_load %arg10[%get3A] {strides = array<i32>} : memref<1024xi32, #tpu.memory_space<vmem>>, vector<16xi32>,
      %mul3A_489 = arith.constant 0 : i32
      %mul3A_490 = vector.broadcast %mul3A_489 : i32 to vector<16xi32>
      %mul3A_491 = arith.muli %add3A_481, %mul3A_490 : vector<16xi32>
      %add3A_492 = vector.broadcast %shift_right_arithmetic3A_477 : i32 to vector<16xi32>
      %add3A_493 = arith.addi %mul3A_491, %add3A_492 : vector<16xi32>
      %mul3A_494 = arith.constant 0 : i32
      %mul3A_495 = vector.broadcast %mul3A_494 : i32 to vector<16xi32>
      %mul3A_496 = arith.muli %add3A_481, %mul3A_495 : vector<16xi32>
      tpu.vector_store_idx %arg8[%get3A_488, %add3A_493, %add3A_481], %mul3A_496 : memref<53x8x128xi32, #tpu.memory_space<vmem>>[vector<16xi32>, vector<16xi32>, vector<16xi32>], vector<16xi32>,
      %mul3A_497 = arith.constant 26 : i32
      %mul3A_498 = vector.broadcast %mul3A_497 : i32 to vector<16xi32>
      %mul3A_499 = arith.muli %add3A_481, %mul3A_498 : vector<16xi32>
      %add3A_500 = vector.broadcast %add3A_485 : i32 to vector<16xi32>
      %add3A_501 = arith.addi %mul3A_499, %add3A_500 : vector<16xi32>
      %gather3A = tpu.vector_load_idx %arg5[%add3A_501] : memref<3328xf32, #tpu.memory_space<vmem>>[vector<16xi32>], vector<16xf32>,
      %mul3A_502 = arith.constant 0 : i32
      %mul3A_503 = vector.broadcast %mul3A_502 : i32 to vector<16xi32>
      %mul3A_504 = arith.muli %add3A_481, %mul3A_503 : vector<16xi32>
      %and3A_505 = arith.constant 3 : i32
      %and3A_506 = arith.andi %shift_right_arithmetic3A_477, %and3A_505 : i32
      %add3A_507 = vector.broadcast %and3A_506 : i32 to vector<16xi32>
      %add3A_508 = arith.addi %mul3A_504, %add3A_507 : vector<16xi32>
      %gather3A_509 = tpu.vector_load_idx %arg6[%add3A_508] : memref<4xf32, #tpu.memory_space<vmem>>[vector<16xi32>], vector<16xf32>,
      %sub3A = arith.subf %gather3A, %gather3A_509 : vector<16xf32>
      %abs3A = math.absf %sub3A : vector<16xf32>
      %mul3A_510 = arith.constant 1.000000e+01 : f32
      %mul3A_511 = vector.broadcast %mul3A_510 : f32 to vector<16xf32>
      %mul3A_512 = arith.mulf %mul3A_511, %abs3A : vector<16xf32>
      %div3A = arith.constant 1.000000e+00 : f32
      %div3A_513 = vector.broadcast %div3A : f32 to vector<16xf32>
      %div3A_514 = arith.divf %mul3A_512, %div3A_513 : vector<16xf32>
      %add3A_515 = arith.constant 1.000000e+00 : f32
      %add3A_516 = vector.broadcast %add3A_515 : f32 to vector<16xf32>
      %add3A_517 = arith.addf %div3A_514, %add3A_516 : vector<16xf32>
      %convert_element_type3A = arith.fptosi %add3A_517 : vector<16xf32> to vector<16xi32>
      %jit3A = arith.constant 0 : i32
      %jit3A_518 = arith.constant 52 : i32
      %max3A = vector.broadcast %jit3A : i32 to vector<16xi32>
      %max3A_519 = arith.maxsi %max3A, %convert_element_type3A : vector<16xi32>
      %min3A = vector.broadcast %jit3A_518 : i32 to vector<16xi32>
      %min3A_520 = arith.minsi %min3A, %max3A_519 : vector<16xi32>
      %mul3A_521 = arith.constant 16 : i32
      %mul3A_522 = arith.muli %add3A_476, %mul3A_521 : i32
      %swap3A = arith.index_cast %mul3A_522 : i32 to index
      %swap3A_523 = tpu.vector_load %arg10[%swap3A] {strides = array<i32>} : memref<1024xi32, #tpu.memory_space<vmem>>, vector<16xi32>,
      tpu.vector_store %arg10[%swap3A], %min3A_520 {strides = array<i32>} : memref<1024xi32, #tpu.memory_space<vmem>>, vector<16xi32>,
      %mul3A_524 = arith.constant 0 : i32
      %mul3A_525 = vector.broadcast %mul3A_524 : i32 to vector<16xi32>
      %mul3A_526 = arith.muli %add3A_481, %mul3A_525 : vector<16xi32>
      %add3A_527 = vector.broadcast %shift_right_arithmetic3A_477 : i32 to vector<16xi32>
      %add3A_528 = arith.addi %mul3A_526, %add3A_527 : vector<16xi32>
      %mul3A_529 = arith.constant 0 : i32
      %mul3A_530 = vector.broadcast %mul3A_529 : i32 to vector<16xi32>
      %mul3A_531 = arith.muli %add3A_481, %mul3A_530 : vector<16xi32>
      %add3A_532 = arith.constant 1 : i32
      %add3A_533 = vector.broadcast %add3A_532 : i32 to vector<16xi32>
      %add3A_534 = arith.addi %mul3A_531, %add3A_533 : vector<16xi32>
      tpu.vector_store_idx %arg8[%min3A_520, %add3A_528, %add3A_481], %add3A_534 : memref<53x8x128xi32, #tpu.memory_space<vmem>>[vector<16xi32>, vector<16xi32>, vector<16xi32>], vector<16xi32>,
      %mul3A_535 = arith.constant 4 : i32
      %mul3A_536 = arith.muli %scan3A_471, %mul3A_535 : i32
      %add3A_537 = arith.constant 1 : i32
      %add3A_538 = arith.addi %mul3A_536, %add3A_537 : i32
      %shift_right_arithmetic3A_539 = arith.constant 3 : i32
      %shift_right_arithmetic3A_540 = arith.shrsi %add3A_538, %shift_right_arithmetic3A_539 : i32
      %and3A_541 = arith.constant 7 : i32
      %and3A_542 = arith.andi %add3A_538, %and3A_541 : i32
      %shift_left3A_543 = arith.constant 4 : i32
      %shift_left3A_544 = arith.shli %and3A_542, %shift_left3A_543 : i32
      %iota3A_545 = tpu.iota {dimensions = array<i32: 0>} : vector<16xi32>
      %add3A_546 = vector.broadcast %shift_left3A_544 : i32 to vector<16xi32>
      %add3A_547 = arith.addi %add3A_546, %iota3A_545 : vector<16xi32>
      %shift_right_arithmetic3A_548 = arith.constant 2 : i32
      %shift_right_arithmetic3A_549 = arith.shrsi %shift_right_arithmetic3A_540, %shift_right_arithmetic3A_548 : i32
      %add3A_550 = arith.constant 10 : i32
      %add3A_551 = arith.addi %add3A_550, %shift_right_arithmetic3A_549 : i32
      %mul3A_552 = arith.constant 16 : i32
      %mul3A_553 = arith.muli %add3A_538, %mul3A_552 : i32
      %get3A_554 = arith.index_cast %mul3A_553 : i32 to index
      %get3A_555 = tpu.vector_load %arg10[%get3A_554] {strides = array<i32>} : memref<1024xi32, #tpu.memory_space<vmem>>, vector<16xi32>,
      %mul3A_556 = arith.constant 0 : i32
      %mul3A_557 = vector.broadcast %mul3A_556 : i32 to vector<16xi32>
      %mul3A_558 = arith.muli %add3A_547, %mul3A_557 : vector<16xi32>
      %add3A_559 = vector.broadcast %shift_right_arithmetic3A_540 : i32 to vector<16xi32>
      %add3A_560 = arith.addi %mul3A_558, %add3A_559 : vector<16xi32>
      %mul3A_561 = arith.constant 0 : i32
      %mul3A_562 = vector.broadcast %mul3A_561 : i32 to vector<16xi32>
      %mul3A_563 = arith.muli %add3A_547, %mul3A_562 : vector<16xi32>
      tpu.vector_store_idx %arg8[%get3A_555, %add3A_560, %add3A_547], %mul3A_563 : memref<53x8x128xi32, #tpu.memory_space<vmem>>[vector<16xi32>, vector<16xi32>, vector<16xi32>], vector<16xi32>,
      %mul3A_564 = arith.constant 26 : i32
      %mul3A_565 = vector.broadcast %mul3A_564 : i32 to vector<16xi32>
      %mul3A_566 = arith.muli %add3A_547, %mul3A_565 : vector<16xi32>
      %add3A_567 = vector.broadcast %add3A_551 : i32 to vector<16xi32>
      %add3A_568 = arith.addi %mul3A_566, %add3A_567 : vector<16xi32>
      %gather3A_569 = tpu.vector_load_idx %arg5[%add3A_568] : memref<3328xf32, #tpu.memory_space<vmem>>[vector<16xi32>], vector<16xf32>,
      %mul3A_570 = arith.constant 0 : i32
      %mul3A_571 = vector.broadcast %mul3A_570 : i32 to vector<16xi32>
      %mul3A_572 = arith.muli %add3A_547, %mul3A_571 : vector<16xi32>
      %and3A_573 = arith.constant 3 : i32
      %and3A_574 = arith.andi %shift_right_arithmetic3A_540, %and3A_573 : i32
      %add3A_575 = vector.broadcast %and3A_574 : i32 to vector<16xi32>
      %add3A_576 = arith.addi %mul3A_572, %add3A_575 : vector<16xi32>
      %gather3A_577 = tpu.vector_load_idx %arg6[%add3A_576] : memref<4xf32, #tpu.memory_space<vmem>>[vector<16xi32>], vector<16xf32>,
      %sub3A_578 = arith.subf %gather3A_569, %gather3A_577 : vector<16xf32>
      %abs3A_579 = math.absf %sub3A_578 : vector<16xf32>
      %mul3A_580 = arith.constant 1.000000e+01 : f32
      %mul3A_581 = vector.broadcast %mul3A_580 : f32 to vector<16xf32>
      %mul3A_582 = arith.mulf %mul3A_581, %abs3A_579 : vector<16xf32>
      %div3A_583 = arith.constant 1.000000e+00 : f32
      %div3A_584 = vector.broadcast %div3A_583 : f32 to vector<16xf32>
      %div3A_585 = arith.divf %mul3A_582, %div3A_584 : vector<16xf32>
      %add3A_586 = arith.constant 1.000000e+00 : f32
      %add3A_587 = vector.broadcast %add3A_586 : f32 to vector<16xf32>
      %add3A_588 = arith.addf %div3A_585, %add3A_587 : vector<16xf32>
      %convert_element_type3A_589 = arith.fptosi %add3A_588 : vector<16xf32> to vector<16xi32>
      %jit3A_590 = arith.constant 0 : i32
      %jit3A_591 = arith.constant 52 : i32
      %max3A_592 = vector.broadcast %jit3A_590 : i32 to vector<16xi32>
      %max3A_593 = arith.maxsi %max3A_592, %convert_element_type3A_589 : vector<16xi32>
      %min3A_594 = vector.broadcast %jit3A_591 : i32 to vector<16xi32>
      %min3A_595 = arith.minsi %min3A_594, %max3A_593 : vector<16xi32>
      %mul3A_596 = arith.constant 16 : i32
      %mul3A_597 = arith.muli %add3A_538, %mul3A_596 : i32
      %swap3A_598 = arith.index_cast %mul3A_597 : i32 to index
      %swap3A_599 = tpu.vector_load %arg10[%swap3A_598] {strides = array<i32>} : memref<1024xi32, #tpu.memory_space<vmem>>, vector<16xi32>,
      tpu.vector_store %arg10[%swap3A_598], %min3A_595 {strides = array<i32>} : memref<1024xi32, #tpu.memory_space<vmem>>, vector<16xi32>,
      %mul3A_600 = arith.constant 0 : i32
      %mul3A_601 = vector.broadcast %mul3A_600 : i32 to vector<16xi32>
      %mul3A_602 = arith.muli %add3A_547, %mul3A_601 : vector<16xi32>
      %add3A_603 = vector.broadcast %shift_right_arithmetic3A_540 : i32 to vector<16xi32>
      %add3A_604 = arith.addi %mul3A_602, %add3A_603 : vector<16xi32>
      %mul3A_605 = arith.constant 0 : i32
      %mul3A_606 = vector.broadcast %mul3A_605 : i32 to vector<16xi32>
      %mul3A_607 = arith.muli %add3A_547, %mul3A_606 : vector<16xi32>
      %add3A_608 = arith.constant 1 : i32
      %add3A_609 = vector.broadcast %add3A_608 : i32 to vector<16xi32>
      %add3A_610 = arith.addi %mul3A_607, %add3A_609 : vector<16xi32>
      tpu.vector_store_idx %arg8[%min3A_595, %add3A_604, %add3A_547], %add3A_610 : memref<53x8x128xi32, #tpu.memory_space<vmem>>[vector<16xi32>, vector<16xi32>, vector<16xi32>], vector<16xi32>,
      %mul3A_611 = arith.constant 4 : i32
      %mul3A_612 = arith.muli %scan3A_471, %mul3A_611 : i32
      %add3A_613 = arith.constant 2 : i32
      %add3A_614 = arith.addi %mul3A_612, %add3A_613 : i32
      %shift_right_arithmetic3A_615 = arith.constant 3 : i32
      %shift_right_arithmetic3A_616 = arith.shrsi %add3A_614, %shift_right_arithmetic3A_615 : i32
      %and3A_617 = arith.constant 7 : i32
      %and3A_618 = arith.andi %add3A_614, %and3A_617 : i32
      %shift_left3A_619 = arith.constant 4 : i32
      %shift_left3A_620 = arith.shli %and3A_618, %shift_left3A_619 : i32
      %iota3A_621 = tpu.iota {dimensions = array<i32: 0>} : vector<16xi32>
      %add3A_622 = vector.broadcast %shift_left3A_620 : i32 to vector<16xi32>
      %add3A_623 = arith.addi %add3A_622, %iota3A_621 : vector<16xi32>
      %shift_right_arithmetic3A_624 = arith.constant 2 : i32
      %shift_right_arithmetic3A_625 = arith.shrsi %shift_right_arithmetic3A_616, %shift_right_arithmetic3A_624 : i32
      %add3A_626 = arith.constant 10 : i32
      %add3A_627 = arith.addi %add3A_626, %shift_right_arithmetic3A_625 : i32
      %mul3A_628 = arith.constant 16 : i32
      %mul3A_629 = arith.muli %add3A_614, %mul3A_628 : i32
      %get3A_630 = arith.index_cast %mul3A_629 : i32 to index
      %get3A_631 = tpu.vector_load %arg10[%get3A_630] {strides = array<i32>} : memref<1024xi32, #tpu.memory_space<vmem>>, vector<16xi32>,
      %mul3A_632 = arith.constant 0 : i32
      %mul3A_633 = vector.broadcast %mul3A_632 : i32 to vector<16xi32>
      %mul3A_634 = arith.muli %add3A_623, %mul3A_633 : vector<16xi32>
      %add3A_635 = vector.broadcast %shift_right_arithmetic3A_616 : i32 to vector<16xi32>
      %add3A_636 = arith.addi %mul3A_634, %add3A_635 : vector<16xi32>
      %mul3A_637 = arith.constant 0 : i32
      %mul3A_638 = vector.broadcast %mul3A_637 : i32 to vector<16xi32>
      %mul3A_639 = arith.muli %add3A_623, %mul3A_638 : vector<16xi32>
      tpu.vector_store_idx %arg8[%get3A_631, %add3A_636, %add3A_623], %mul3A_639 : memref<53x8x128xi32, #tpu.memory_space<vmem>>[vector<16xi32>, vector<16xi32>, vector<16xi32>], vector<16xi32>,
      %mul3A_640 = arith.constant 26 : i32
      %mul3A_641 = vector.broadcast %mul3A_640 : i32 to vector<16xi32>
      %mul3A_642 = arith.muli %add3A_623, %mul3A_641 : vector<16xi32>
      %add3A_643 = vector.broadcast %add3A_627 : i32 to vector<16xi32>
      %add3A_644 = arith.addi %mul3A_642, %add3A_643 : vector<16xi32>
      %gather3A_645 = tpu.vector_load_idx %arg5[%add3A_644] : memref<3328xf32, #tpu.memory_space<vmem>>[vector<16xi32>], vector<16xf32>,
      %mul3A_646 = arith.constant 0 : i32
      %mul3A_647 = vector.broadcast %mul3A_646 : i32 to vector<16xi32>
      %mul3A_648 = arith.muli %add3A_623, %mul3A_647 : vector<16xi32>
      %and3A_649 = arith.constant 3 : i32
      %and3A_650 = arith.andi %shift_right_arithmetic3A_616, %and3A_649 : i32
      %add3A_651 = vector.broadcast %and3A_650 : i32 to vector<16xi32>
      %add3A_652 = arith.addi %mul3A_648, %add3A_651 : vector<16xi32>
      %gather3A_653 = tpu.vector_load_idx %arg6[%add3A_652] : memref<4xf32, #tpu.memory_space<vmem>>[vector<16xi32>], vector<16xf32>,
      %sub3A_654 = arith.subf %gather3A_645, %gather3A_653 : vector<16xf32>
      %abs3A_655 = math.absf %sub3A_654 : vector<16xf32>
      %mul3A_656 = arith.constant 1.000000e+01 : f32
      %mul3A_657 = vector.broadcast %mul3A_656 : f32 to vector<16xf32>
      %mul3A_658 = arith.mulf %mul3A_657, %abs3A_655 : vector<16xf32>
      %div3A_659 = arith.constant 1.000000e+00 : f32
      %div3A_660 = vector.broadcast %div3A_659 : f32 to vector<16xf32>
      %div3A_661 = arith.divf %mul3A_658, %div3A_660 : vector<16xf32>
      %add3A_662 = arith.constant 1.000000e+00 : f32
      %add3A_663 = vector.broadcast %add3A_662 : f32 to vector<16xf32>
      %add3A_664 = arith.addf %div3A_661, %add3A_663 : vector<16xf32>
      %convert_element_type3A_665 = arith.fptosi %add3A_664 : vector<16xf32> to vector<16xi32>
      %jit3A_666 = arith.constant 0 : i32
      %jit3A_667 = arith.constant 52 : i32
      %max3A_668 = vector.broadcast %jit3A_666 : i32 to vector<16xi32>
      %max3A_669 = arith.maxsi %max3A_668, %convert_element_type3A_665 : vector<16xi32>
      %min3A_670 = vector.broadcast %jit3A_667 : i32 to vector<16xi32>
      %min3A_671 = arith.minsi %min3A_670, %max3A_669 : vector<16xi32>
      %mul3A_672 = arith.constant 16 : i32
      %mul3A_673 = arith.muli %add3A_614, %mul3A_672 : i32
      %swap3A_674 = arith.index_cast %mul3A_673 : i32 to index
      %swap3A_675 = tpu.vector_load %arg10[%swap3A_674] {strides = array<i32>} : memref<1024xi32, #tpu.memory_space<vmem>>, vector<16xi32>,
      tpu.vector_store %arg10[%swap3A_674], %min3A_671 {strides = array<i32>} : memref<1024xi32, #tpu.memory_space<vmem>>, vector<16xi32>,
      %mul3A_676 = arith.constant 0 : i32
      %mul3A_677 = vector.broadcast %mul3A_676 : i32 to vector<16xi32>
      %mul3A_678 = arith.muli %add3A_623, %mul3A_677 : vector<16xi32>
      %add3A_679 = vector.broadcast %shift_right_arithmetic3A_616 : i32 to vector<16xi32>
      %add3A_680 = arith.addi %mul3A_678, %add3A_679 : vector<16xi32>
      %mul3A_681 = arith.constant 0 : i32
      %mul3A_682 = vector.broadcast %mul3A_681 : i32 to vector<16xi32>
      %mul3A_683 = arith.muli %add3A_623, %mul3A_682 : vector<16xi32>
      %add3A_684 = arith.constant 1 : i32
      %add3A_685 = vector.broadcast %add3A_684 : i32 to vector<16xi32>
      %add3A_686 = arith.addi %mul3A_683, %add3A_685 : vector<16xi32>
      tpu.vector_store_idx %arg8[%min3A_671, %add3A_680, %add3A_623], %add3A_686 : memref<53x8x128xi32, #tpu.memory_space<vmem>>[vector<16xi32>, vector<16xi32>, vector<16xi32>], vector<16xi32>,
      %mul3A_687 = arith.constant 4 : i32
      %mul3A_688 = arith.muli %scan3A_471, %mul3A_687 : i32
      %add3A_689 = arith.constant 3 : i32
      %add3A_690 = arith.addi %mul3A_688, %add3A_689 : i32
      %shift_right_arithmetic3A_691 = arith.constant 3 : i32
      %shift_right_arithmetic3A_692 = arith.shrsi %add3A_690, %shift_right_arithmetic3A_691 : i32
      %and3A_693 = arith.constant 7 : i32
      %and3A_694 = arith.andi %add3A_690, %and3A_693 : i32
      %shift_left3A_695 = arith.constant 4 : i32
      %shift_left3A_696 = arith.shli %and3A_694, %shift_left3A_695 : i32
      %iota3A_697 = tpu.iota {dimensions = array<i32: 0>} : vector<16xi32>
      %add3A_698 = vector.broadcast %shift_left3A_696 : i32 to vector<16xi32>
      %add3A_699 = arith.addi %add3A_698, %iota3A_697 : vector<16xi32>
      %shift_right_arithmetic3A_700 = arith.constant 2 : i32
      %shift_right_arithmetic3A_701 = arith.shrsi %shift_right_arithmetic3A_692, %shift_right_arithmetic3A_700 : i32
      %add3A_702 = arith.constant 10 : i32
      %add3A_703 = arith.addi %add3A_702, %shift_right_arithmetic3A_701 : i32
      %mul3A_704 = arith.constant 16 : i32
      %mul3A_705 = arith.muli %add3A_690, %mul3A_704 : i32
      %get3A_706 = arith.index_cast %mul3A_705 : i32 to index
      %get3A_707 = tpu.vector_load %arg10[%get3A_706] {strides = array<i32>} : memref<1024xi32, #tpu.memory_space<vmem>>, vector<16xi32>,
      %mul3A_708 = arith.constant 0 : i32
      %mul3A_709 = vector.broadcast %mul3A_708 : i32 to vector<16xi32>
      %mul3A_710 = arith.muli %add3A_699, %mul3A_709 : vector<16xi32>
      %add3A_711 = vector.broadcast %shift_right_arithmetic3A_692 : i32 to vector<16xi32>
      %add3A_712 = arith.addi %mul3A_710, %add3A_711 : vector<16xi32>
      %mul3A_713 = arith.constant 0 : i32
      %mul3A_714 = vector.broadcast %mul3A_713 : i32 to vector<16xi32>
      %mul3A_715 = arith.muli %add3A_699, %mul3A_714 : vector<16xi32>
      tpu.vector_store_idx %arg8[%get3A_707, %add3A_712, %add3A_699], %mul3A_715 : memref<53x8x128xi32, #tpu.memory_space<vmem>>[vector<16xi32>, vector<16xi32>, vector<16xi32>], vector<16xi32>,
      %mul3A_716 = arith.constant 26 : i32
      %mul3A_717 = vector.broadcast %mul3A_716 : i32 to vector<16xi32>
      %mul3A_718 = arith.muli %add3A_699, %mul3A_717 : vector<16xi32>
      %add3A_719 = vector.broadcast %add3A_703 : i32 to vector<16xi32>
      %add3A_720 = arith.addi %mul3A_718, %add3A_719 : vector<16xi32>
      %gather3A_721 = tpu.vector_load_idx %arg5[%add3A_720] : memref<3328xf32, #tpu.memory_space<vmem>>[vector<16xi32>], vector<16xf32>,
      %mul3A_722 = arith.constant 0 : i32
      %mul3A_723 = vector.broadcast %mul3A_722 : i32 to vector<16xi32>
      %mul3A_724 = arith.muli %add3A_699, %mul3A_723 : vector<16xi32>
      %and3A_725 = arith.constant 3 : i32
      %and3A_726 = arith.andi %shift_right_arithmetic3A_692, %and3A_725 : i32
      %add3A_727 = vector.broadcast %and3A_726 : i32 to vector<16xi32>
      %add3A_728 = arith.addi %mul3A_724, %add3A_727 : vector<16xi32>
      %gather3A_729 = tpu.vector_load_idx %arg6[%add3A_728] : memref<4xf32, #tpu.memory_space<vmem>>[vector<16xi32>], vector<16xf32>,
      %sub3A_730 = arith.subf %gather3A_721, %gather3A_729 : vector<16xf32>
      %abs3A_731 = math.absf %sub3A_730 : vector<16xf32>
      %mul3A_732 = arith.constant 1.000000e+01 : f32
      %mul3A_733 = vector.broadcast %mul3A_732 : f32 to vector<16xf32>
      %mul3A_734 = arith.mulf %mul3A_733, %abs3A_731 : vector<16xf32>
      %div3A_735 = arith.constant 1.000000e+00 : f32
      %div3A_736 = vector.broadcast %div3A_735 : f32 to vector<16xf32>
      %div3A_737 = arith.divf %mul3A_734, %div3A_736 : vector<16xf32>
      %add3A_738 = arith.constant 1.000000e+00 : f32
      %add3A_739 = vector.broadcast %add3A_738 : f32 to vector<16xf32>
      %add3A_740 = arith.addf %div3A_737, %add3A_739 : vector<16xf32>
      %convert_element_type3A_741 = arith.fptosi %add3A_740 : vector<16xf32> to vector<16xi32>
      %jit3A_742 = arith.constant 0 : i32
      %jit3A_743 = arith.constant 52 : i32
      %max3A_744 = vector.broadcast %jit3A_742 : i32 to vector<16xi32>
      %max3A_745 = arith.maxsi %max3A_744, %convert_element_type3A_741 : vector<16xi32>
      %min3A_746 = vector.broadcast %jit3A_743 : i32 to vector<16xi32>
      %min3A_747 = arith.minsi %min3A_746, %max3A_745 : vector<16xi32>
      %mul3A_748 = arith.constant 16 : i32
      %mul3A_749 = arith.muli %add3A_690, %mul3A_748 : i32
      %swap3A_750 = arith.index_cast %mul3A_749 : i32 to index
      %swap3A_751 = tpu.vector_load %arg10[%swap3A_750] {strides = array<i32>} : memref<1024xi32, #tpu.memory_space<vmem>>, vector<16xi32>,
      tpu.vector_store %arg10[%swap3A_750], %min3A_747 {strides = array<i32>} : memref<1024xi32, #tpu.memory_space<vmem>>, vector<16xi32>,
      %mul3A_752 = arith.constant 0 : i32
      %mul3A_753 = vector.broadcast %mul3A_752 : i32 to vector<16xi32>
      %mul3A_754 = arith.muli %add3A_699, %mul3A_753 : vector<16xi32>
      %add3A_755 = vector.broadcast %shift_right_arithmetic3A_692 : i32 to vector<16xi32>
      %add3A_756 = arith.addi %mul3A_754, %add3A_755 : vector<16xi32>
      %mul3A_757 = arith.constant 0 : i32
      %mul3A_758 = vector.broadcast %mul3A_757 : i32 to vector<16xi32>
      %mul3A_759 = arith.muli %add3A_699, %mul3A_758 : vector<16xi32>
      %add3A_760 = arith.constant 1 : i32
      %add3A_761 = vector.broadcast %add3A_760 : i32 to vector<16xi32>
      %add3A_762 = arith.addi %mul3A_759, %add3A_761 : vector<16xi32>
      tpu.vector_store_idx %arg8[%min3A_747, %add3A_756, %add3A_699], %add3A_762 : memref<53x8x128xi32, #tpu.memory_space<vmem>>[vector<16xi32>, vector<16xi32>, vector<16xi32>], vector<16xi32>,
      %scan3A_763 = arith.constant 0 : i32
      scf.yield %scan3A_763 : i32
    }
    %scan3A_183 = arith.constant 16 : i32
    %dma_start3A_184 = arith.constant 0 : i32
    %dma_start3A_185 = arith.constant 0 : i32
    %dma_start3A_186 = arith.constant 0 : i32
    %dma_start3A_187 = tpu.memref_slice %arg8[%dma_start3A_184, %dma_start3A_185, %dma_start3A_186] : memref<53x8x128xi32, #tpu.memory_space<vmem>> -> memref<51x8x128xi32, #tpu.memory_space<vmem>>
    %dma_start3A_188 = arith.constant 0 : i32
    %dma_start3A_189 = arith.constant 40 : i32
    %dma_start3A_190 = tpu.memref_slice %arg4[%dma_start3A_188, %dma_start3A_189, %mul3A_2] : memref<51x104x4096xi32, #tpu.memory_space<hbm>> -> memref<51x8x128xi32, #tpu.memory_space<hbm>>
    %dma_start3A_191 = arith.constant 0 : i32
    %dma_start3A_192 = arith.constant 40 : i32
    %dma_start3A_193 = tpu.memref_slice %arg4[%dma_start3A_191, %dma_start3A_192, %mul3A_2] : memref<51x104x4096xi32, #tpu.memory_space<hbm>> -> memref<51x8x128xi32, #tpu.memory_space<hbm>>
    %dma_start3A_194 = arith.constant 0 : i32
    %dma_start3A_195 = arith.constant 0 : i32
    %dma_start3A_196 = arith.constant 0 : i32
    %dma_start3A_197 = tpu.memref_slice %arg8[%dma_start3A_194, %dma_start3A_195, %dma_start3A_196] : memref<53x8x128xi32, #tpu.memory_space<vmem>> -> memref<51x8x128xi32, #tpu.memory_space<vmem>>
    tpu.enqueue_dma source(%dma_start3A_197 : memref<51x8x128xi32, #tpu.memory_space<vmem>>) target(%dma_start3A_193 : memref<51x8x128xi32, #tpu.memory_space<hbm>>) target_semaphore(%arg12 : memref<!tpu.dma_semaphore, #tpu.memory_space<semaphore_mem>>)
    %dma_wait3A_198 = arith.constant 0 : i32
    %dma_wait3A_199 = arith.constant 0 : i32
    %dma_wait3A_200 = arith.constant 0 : i32
    %dma_wait3A_201 = tpu.memref_slice %arg7[%dma_wait3A_198, %dma_wait3A_199, %dma_wait3A_200] : memref<53x8x128xi32, #tpu.memory_space<vmem>> -> memref<51x8x128xi32, #tpu.memory_space<vmem>>
    %dma_wait3A_202 = arith.constant 0 : i32
    %dma_wait3A_203 = arith.constant 32 : i32
    %dma_wait3A_204 = tpu.memref_slice %arg4[%dma_wait3A_202, %dma_wait3A_203, %mul3A_2] : memref<51x104x4096xi32, #tpu.memory_space<hbm>> -> memref<51x8x128xi32, #tpu.memory_space<hbm>>
    %dma_wait3A_205 = arith.constant 0 : i32
    %dma_wait3A_206 = arith.constant 32 : i32
    %dma_wait3A_207 = tpu.memref_slice %arg4[%dma_wait3A_205, %dma_wait3A_206, %mul3A_2] : memref<51x104x4096xi32, #tpu.memory_space<hbm>> -> memref<51x8x128xi32, #tpu.memory_space<hbm>>
    %dma_wait3A_208 = arith.constant 0 : i32
    %dma_wait3A_209 = arith.constant 0 : i32
    %dma_wait3A_210 = arith.constant 0 : i32
    %dma_wait3A_211 = tpu.memref_slice %arg7[%dma_wait3A_208, %dma_wait3A_209, %dma_wait3A_210] : memref<53x8x128xi32, #tpu.memory_space<vmem>> -> memref<51x8x128xi32, #tpu.memory_space<vmem>>
    tpu.wait_dma2 semaphore(%arg11 : memref<!tpu.dma_semaphore, #tpu.memory_space<semaphore_mem>>) src(%dma_wait3A_211 : memref<51x8x128xi32, #tpu.memory_space<vmem>>) dst(%dma_wait3A_207 : memref<51x8x128xi32, #tpu.memory_space<hbm>>)
    %scan3A_212 = arith.constant 0 : i32
    %scan3A_213 = arith.constant 0 : i32
    %scan3A_214 = arith.constant 16 : i32
    %scan3A_215 = arith.addi %scan3A_213, %scan3A_214 : i32
    %scan3A_216 = arith.constant 1 : i32
    %scan3A_217 = scf.for %scan3A_471 = %scan3A_213 to %scan3A_215 step %scan3A_216 iter_args(%scan3A_472 = %scan3A_212) -> (i32)  : i32 {
      %mul3A_473 = arith.constant 4 : i32
      %mul3A_474 = arith.muli %scan3A_471, %mul3A_473 : i32
      %add3A_475 = arith.constant 0 : i32
      %add3A_476 = arith.addi %mul3A_474, %add3A_475 : i32
      %shift_right_arithmetic3A = arith.constant 3 : i32
      %shift_right_arithmetic3A_477 = arith.shrsi %add3A_476, %shift_right_arithmetic3A : i32
      %and3A = arith.constant 7 : i32
      %and3A_478 = arith.andi %add3A_476, %and3A : i32
      %shift_left3A = arith.constant 4 : i32
      %shift_left3A_479 = arith.shli %and3A_478, %shift_left3A : i32
      %iota3A = tpu.iota {dimensions = array<i32: 0>} : vector<16xi32>
      %add3A_480 = vector.broadcast %shift_left3A_479 : i32 to vector<16xi32>
      %add3A_481 = arith.addi %add3A_480, %iota3A : vector<16xi32>
      %shift_right_arithmetic3A_482 = arith.constant 2 : i32
      %shift_right_arithmetic3A_483 = arith.shrsi %shift_right_arithmetic3A_477, %shift_right_arithmetic3A_482 : i32
      %add3A_484 = arith.constant 12 : i32
      %add3A_485 = arith.addi %add3A_484, %shift_right_arithmetic3A_483 : i32
      %mul3A_486 = arith.constant 16 : i32
      %mul3A_487 = arith.muli %add3A_476, %mul3A_486 : i32
      %get3A = arith.index_cast %mul3A_487 : i32 to index
      %get3A_488 = tpu.vector_load %arg9[%get3A] {strides = array<i32>} : memref<1024xi32, #tpu.memory_space<vmem>>, vector<16xi32>,
      %mul3A_489 = arith.constant 0 : i32
      %mul3A_490 = vector.broadcast %mul3A_489 : i32 to vector<16xi32>
      %mul3A_491 = arith.muli %add3A_481, %mul3A_490 : vector<16xi32>
      %add3A_492 = vector.broadcast %shift_right_arithmetic3A_477 : i32 to vector<16xi32>
      %add3A_493 = arith.addi %mul3A_491, %add3A_492 : vector<16xi32>
      %mul3A_494 = arith.constant 0 : i32
      %mul3A_495 = vector.broadcast %mul3A_494 : i32 to vector<16xi32>
      %mul3A_496 = arith.muli %add3A_481, %mul3A_495 : vector<16xi32>
      tpu.vector_store_idx %arg7[%get3A_488, %add3A_493, %add3A_481], %mul3A_496 : memref<53x8x128xi32, #tpu.memory_space<vmem>>[vector<16xi32>, vector<16xi32>, vector<16xi32>], vector<16xi32>,
      %mul3A_497 = arith.constant 26 : i32
      %mul3A_498 = vector.broadcast %mul3A_497 : i32 to vector<16xi32>
      %mul3A_499 = arith.muli %add3A_481, %mul3A_498 : vector<16xi32>
      %add3A_500 = vector.broadcast %add3A_485 : i32 to vector<16xi32>
      %add3A_501 = arith.addi %mul3A_499, %add3A_500 : vector<16xi32>
      %gather3A = tpu.vector_load_idx %arg5[%add3A_501] : memref<3328xf32, #tpu.memory_space<vmem>>[vector<16xi32>], vector<16xf32>,
      %mul3A_502 = arith.constant 0 : i32
      %mul3A_503 = vector.broadcast %mul3A_502 : i32 to vector<16xi32>
      %mul3A_504 = arith.muli %add3A_481, %mul3A_503 : vector<16xi32>
      %and3A_505 = arith.constant 3 : i32
      %and3A_506 = arith.andi %shift_right_arithmetic3A_477, %and3A_505 : i32
      %add3A_507 = vector.broadcast %and3A_506 : i32 to vector<16xi32>
      %add3A_508 = arith.addi %mul3A_504, %add3A_507 : vector<16xi32>
      %gather3A_509 = tpu.vector_load_idx %arg6[%add3A_508] : memref<4xf32, #tpu.memory_space<vmem>>[vector<16xi32>], vector<16xf32>,
      %sub3A = arith.subf %gather3A, %gather3A_509 : vector<16xf32>
      %abs3A = math.absf %sub3A : vector<16xf32>
      %mul3A_510 = arith.constant 1.000000e+01 : f32
      %mul3A_511 = vector.broadcast %mul3A_510 : f32 to vector<16xf32>
      %mul3A_512 = arith.mulf %mul3A_511, %abs3A : vector<16xf32>
      %div3A = arith.constant 1.000000e+00 : f32
      %div3A_513 = vector.broadcast %div3A : f32 to vector<16xf32>
      %div3A_514 = arith.divf %mul3A_512, %div3A_513 : vector<16xf32>
      %add3A_515 = arith.constant 1.000000e+00 : f32
      %add3A_516 = vector.broadcast %add3A_515 : f32 to vector<16xf32>
      %add3A_517 = arith.addf %div3A_514, %add3A_516 : vector<16xf32>
      %convert_element_type3A = arith.fptosi %add3A_517 : vector<16xf32> to vector<16xi32>
      %jit3A = arith.constant 0 : i32
      %jit3A_518 = arith.constant 52 : i32
      %max3A = vector.broadcast %jit3A : i32 to vector<16xi32>
      %max3A_519 = arith.maxsi %max3A, %convert_element_type3A : vector<16xi32>
      %min3A = vector.broadcast %jit3A_518 : i32 to vector<16xi32>
      %min3A_520 = arith.minsi %min3A, %max3A_519 : vector<16xi32>
      %mul3A_521 = arith.constant 16 : i32
      %mul3A_522 = arith.muli %add3A_476, %mul3A_521 : i32
      %swap3A = arith.index_cast %mul3A_522 : i32 to index
      %swap3A_523 = tpu.vector_load %arg9[%swap3A] {strides = array<i32>} : memref<1024xi32, #tpu.memory_space<vmem>>, vector<16xi32>,
      tpu.vector_store %arg9[%swap3A], %min3A_520 {strides = array<i32>} : memref<1024xi32, #tpu.memory_space<vmem>>, vector<16xi32>,
      %mul3A_524 = arith.constant 0 : i32
      %mul3A_525 = vector.broadcast %mul3A_524 : i32 to vector<16xi32>
      %mul3A_526 = arith.muli %add3A_481, %mul3A_525 : vector<16xi32>
      %add3A_527 = vector.broadcast %shift_right_arithmetic3A_477 : i32 to vector<16xi32>
      %add3A_528 = arith.addi %mul3A_526, %add3A_527 : vector<16xi32>
      %mul3A_529 = arith.constant 0 : i32
      %mul3A_530 = vector.broadcast %mul3A_529 : i32 to vector<16xi32>
      %mul3A_531 = arith.muli %add3A_481, %mul3A_530 : vector<16xi32>
      %add3A_532 = arith.constant 1 : i32
      %add3A_533 = vector.broadcast %add3A_532 : i32 to vector<16xi32>
      %add3A_534 = arith.addi %mul3A_531, %add3A_533 : vector<16xi32>
      tpu.vector_store_idx %arg7[%min3A_520, %add3A_528, %add3A_481], %add3A_534 : memref<53x8x128xi32, #tpu.memory_space<vmem>>[vector<16xi32>, vector<16xi32>, vector<16xi32>], vector<16xi32>,
      %mul3A_535 = arith.constant 4 : i32
      %mul3A_536 = arith.muli %scan3A_471, %mul3A_535 : i32
      %add3A_537 = arith.constant 1 : i32
      %add3A_538 = arith.addi %mul3A_536, %add3A_537 : i32
      %shift_right_arithmetic3A_539 = arith.constant 3 : i32
      %shift_right_arithmetic3A_540 = arith.shrsi %add3A_538, %shift_right_arithmetic3A_539 : i32
      %and3A_541 = arith.constant 7 : i32
      %and3A_542 = arith.andi %add3A_538, %and3A_541 : i32
      %shift_left3A_543 = arith.constant 4 : i32
      %shift_left3A_544 = arith.shli %and3A_542, %shift_left3A_543 : i32
      %iota3A_545 = tpu.iota {dimensions = array<i32: 0>} : vector<16xi32>
      %add3A_546 = vector.broadcast %shift_left3A_544 : i32 to vector<16xi32>
      %add3A_547 = arith.addi %add3A_546, %iota3A_545 : vector<16xi32>
      %shift_right_arithmetic3A_548 = arith.constant 2 : i32
      %shift_right_arithmetic3A_549 = arith.shrsi %shift_right_arithmetic3A_540, %shift_right_arithmetic3A_548 : i32
      %add3A_550 = arith.constant 12 : i32
      %add3A_551 = arith.addi %add3A_550, %shift_right_arithmetic3A_549 : i32
      %mul3A_552 = arith.constant 16 : i32
      %mul3A_553 = arith.muli %add3A_538, %mul3A_552 : i32
      %get3A_554 = arith.index_cast %mul3A_553 : i32 to index
      %get3A_555 = tpu.vector_load %arg9[%get3A_554] {strides = array<i32>} : memref<1024xi32, #tpu.memory_space<vmem>>, vector<16xi32>,
      %mul3A_556 = arith.constant 0 : i32
      %mul3A_557 = vector.broadcast %mul3A_556 : i32 to vector<16xi32>
      %mul3A_558 = arith.muli %add3A_547, %mul3A_557 : vector<16xi32>
      %add3A_559 = vector.broadcast %shift_right_arithmetic3A_540 : i32 to vector<16xi32>
      %add3A_560 = arith.addi %mul3A_558, %add3A_559 : vector<16xi32>
      %mul3A_561 = arith.constant 0 : i32
      %mul3A_562 = vector.broadcast %mul3A_561 : i32 to vector<16xi32>
      %mul3A_563 = arith.muli %add3A_547, %mul3A_562 : vector<16xi32>
      tpu.vector_store_idx %arg7[%get3A_555, %add3A_560, %add3A_547], %mul3A_563 : memref<53x8x128xi32, #tpu.memory_space<vmem>>[vector<16xi32>, vector<16xi32>, vector<16xi32>], vector<16xi32>,
      %mul3A_564 = arith.constant 26 : i32
      %mul3A_565 = vector.broadcast %mul3A_564 : i32 to vector<16xi32>
      %mul3A_566 = arith.muli %add3A_547, %mul3A_565 : vector<16xi32>
      %add3A_567 = vector.broadcast %add3A_551 : i32 to vector<16xi32>
      %add3A_568 = arith.addi %mul3A_566, %add3A_567 : vector<16xi32>
      %gather3A_569 = tpu.vector_load_idx %arg5[%add3A_568] : memref<3328xf32, #tpu.memory_space<vmem>>[vector<16xi32>], vector<16xf32>,
      %mul3A_570 = arith.constant 0 : i32
      %mul3A_571 = vector.broadcast %mul3A_570 : i32 to vector<16xi32>
      %mul3A_572 = arith.muli %add3A_547, %mul3A_571 : vector<16xi32>
      %and3A_573 = arith.constant 3 : i32
      %and3A_574 = arith.andi %shift_right_arithmetic3A_540, %and3A_573 : i32
      %add3A_575 = vector.broadcast %and3A_574 : i32 to vector<16xi32>
      %add3A_576 = arith.addi %mul3A_572, %add3A_575 : vector<16xi32>
      %gather3A_577 = tpu.vector_load_idx %arg6[%add3A_576] : memref<4xf32, #tpu.memory_space<vmem>>[vector<16xi32>], vector<16xf32>,
      %sub3A_578 = arith.subf %gather3A_569, %gather3A_577 : vector<16xf32>
      %abs3A_579 = math.absf %sub3A_578 : vector<16xf32>
      %mul3A_580 = arith.constant 1.000000e+01 : f32
      %mul3A_581 = vector.broadcast %mul3A_580 : f32 to vector<16xf32>
      %mul3A_582 = arith.mulf %mul3A_581, %abs3A_579 : vector<16xf32>
      %div3A_583 = arith.constant 1.000000e+00 : f32
      %div3A_584 = vector.broadcast %div3A_583 : f32 to vector<16xf32>
      %div3A_585 = arith.divf %mul3A_582, %div3A_584 : vector<16xf32>
      %add3A_586 = arith.constant 1.000000e+00 : f32
      %add3A_587 = vector.broadcast %add3A_586 : f32 to vector<16xf32>
      %add3A_588 = arith.addf %div3A_585, %add3A_587 : vector<16xf32>
      %convert_element_type3A_589 = arith.fptosi %add3A_588 : vector<16xf32> to vector<16xi32>
      %jit3A_590 = arith.constant 0 : i32
      %jit3A_591 = arith.constant 52 : i32
      %max3A_592 = vector.broadcast %jit3A_590 : i32 to vector<16xi32>
      %max3A_593 = arith.maxsi %max3A_592, %convert_element_type3A_589 : vector<16xi32>
      %min3A_594 = vector.broadcast %jit3A_591 : i32 to vector<16xi32>
      %min3A_595 = arith.minsi %min3A_594, %max3A_593 : vector<16xi32>
      %mul3A_596 = arith.constant 16 : i32
      %mul3A_597 = arith.muli %add3A_538, %mul3A_596 : i32
      %swap3A_598 = arith.index_cast %mul3A_597 : i32 to index
      %swap3A_599 = tpu.vector_load %arg9[%swap3A_598] {strides = array<i32>} : memref<1024xi32, #tpu.memory_space<vmem>>, vector<16xi32>,
      tpu.vector_store %arg9[%swap3A_598], %min3A_595 {strides = array<i32>} : memref<1024xi32, #tpu.memory_space<vmem>>, vector<16xi32>,
      %mul3A_600 = arith.constant 0 : i32
      %mul3A_601 = vector.broadcast %mul3A_600 : i32 to vector<16xi32>
      %mul3A_602 = arith.muli %add3A_547, %mul3A_601 : vector<16xi32>
      %add3A_603 = vector.broadcast %shift_right_arithmetic3A_540 : i32 to vector<16xi32>
      %add3A_604 = arith.addi %mul3A_602, %add3A_603 : vector<16xi32>
      %mul3A_605 = arith.constant 0 : i32
      %mul3A_606 = vector.broadcast %mul3A_605 : i32 to vector<16xi32>
      %mul3A_607 = arith.muli %add3A_547, %mul3A_606 : vector<16xi32>
      %add3A_608 = arith.constant 1 : i32
      %add3A_609 = vector.broadcast %add3A_608 : i32 to vector<16xi32>
      %add3A_610 = arith.addi %mul3A_607, %add3A_609 : vector<16xi32>
      tpu.vector_store_idx %arg7[%min3A_595, %add3A_604, %add3A_547], %add3A_610 : memref<53x8x128xi32, #tpu.memory_space<vmem>>[vector<16xi32>, vector<16xi32>, vector<16xi32>], vector<16xi32>,
      %mul3A_611 = arith.constant 4 : i32
      %mul3A_612 = arith.muli %scan3A_471, %mul3A_611 : i32
      %add3A_613 = arith.constant 2 : i32
      %add3A_614 = arith.addi %mul3A_612, %add3A_613 : i32
      %shift_right_arithmetic3A_615 = arith.constant 3 : i32
      %shift_right_arithmetic3A_616 = arith.shrsi %add3A_614, %shift_right_arithmetic3A_615 : i32
      %and3A_617 = arith.constant 7 : i32
      %and3A_618 = arith.andi %add3A_614, %and3A_617 : i32
      %shift_left3A_619 = arith.constant 4 : i32
      %shift_left3A_620 = arith.shli %and3A_618, %shift_left3A_619 : i32
      %iota3A_621 = tpu.iota {dimensions = array<i32: 0>} : vector<16xi32>
      %add3A_622 = vector.broadcast %shift_left3A_620 : i32 to vector<16xi32>
      %add3A_623 = arith.addi %add3A_622, %iota3A_621 : vector<16xi32>
      %shift_right_arithmetic3A_624 = arith.constant 2 : i32
      %shift_right_arithmetic3A_625 = arith.shrsi %shift_right_arithmetic3A_616, %shift_right_arithmetic3A_624 : i32
      %add3A_626 = arith.constant 12 : i32
      %add3A_627 = arith.addi %add3A_626, %shift_right_arithmetic3A_625 : i32
      %mul3A_628 = arith.constant 16 : i32
      %mul3A_629 = arith.muli %add3A_614, %mul3A_628 : i32
      %get3A_630 = arith.index_cast %mul3A_629 : i32 to index
      %get3A_631 = tpu.vector_load %arg9[%get3A_630] {strides = array<i32>} : memref<1024xi32, #tpu.memory_space<vmem>>, vector<16xi32>,
      %mul3A_632 = arith.constant 0 : i32
      %mul3A_633 = vector.broadcast %mul3A_632 : i32 to vector<16xi32>
      %mul3A_634 = arith.muli %add3A_623, %mul3A_633 : vector<16xi32>
      %add3A_635 = vector.broadcast %shift_right_arithmetic3A_616 : i32 to vector<16xi32>
      %add3A_636 = arith.addi %mul3A_634, %add3A_635 : vector<16xi32>
      %mul3A_637 = arith.constant 0 : i32
      %mul3A_638 = vector.broadcast %mul3A_637 : i32 to vector<16xi32>
      %mul3A_639 = arith.muli %add3A_623, %mul3A_638 : vector<16xi32>
      tpu.vector_store_idx %arg7[%get3A_631, %add3A_636, %add3A_623], %mul3A_639 : memref<53x8x128xi32, #tpu.memory_space<vmem>>[vector<16xi32>, vector<16xi32>, vector<16xi32>], vector<16xi32>,
      %mul3A_640 = arith.constant 26 : i32
      %mul3A_641 = vector.broadcast %mul3A_640 : i32 to vector<16xi32>
      %mul3A_642 = arith.muli %add3A_623, %mul3A_641 : vector<16xi32>
      %add3A_643 = vector.broadcast %add3A_627 : i32 to vector<16xi32>
      %add3A_644 = arith.addi %mul3A_642, %add3A_643 : vector<16xi32>
      %gather3A_645 = tpu.vector_load_idx %arg5[%add3A_644] : memref<3328xf32, #tpu.memory_space<vmem>>[vector<16xi32>], vector<16xf32>,
      %mul3A_646 = arith.constant 0 : i32
      %mul3A_647 = vector.broadcast %mul3A_646 : i32 to vector<16xi32>
      %mul3A_648 = arith.muli %add3A_623, %mul3A_647 : vector<16xi32>
      %and3A_649 = arith.constant 3 : i32
      %and3A_650 = arith.andi %shift_right_arithmetic3A_616, %and3A_649 : i32
      %add3A_651 = vector.broadcast %and3A_650 : i32 to vector<16xi32>
      %add3A_652 = arith.addi %mul3A_648, %add3A_651 : vector<16xi32>
      %gather3A_653 = tpu.vector_load_idx %arg6[%add3A_652] : memref<4xf32, #tpu.memory_space<vmem>>[vector<16xi32>], vector<16xf32>,
      %sub3A_654 = arith.subf %gather3A_645, %gather3A_653 : vector<16xf32>
      %abs3A_655 = math.absf %sub3A_654 : vector<16xf32>
      %mul3A_656 = arith.constant 1.000000e+01 : f32
      %mul3A_657 = vector.broadcast %mul3A_656 : f32 to vector<16xf32>
      %mul3A_658 = arith.mulf %mul3A_657, %abs3A_655 : vector<16xf32>
      %div3A_659 = arith.constant 1.000000e+00 : f32
      %div3A_660 = vector.broadcast %div3A_659 : f32 to vector<16xf32>
      %div3A_661 = arith.divf %mul3A_658, %div3A_660 : vector<16xf32>
      %add3A_662 = arith.constant 1.000000e+00 : f32
      %add3A_663 = vector.broadcast %add3A_662 : f32 to vector<16xf32>
      %add3A_664 = arith.addf %div3A_661, %add3A_663 : vector<16xf32>
      %convert_element_type3A_665 = arith.fptosi %add3A_664 : vector<16xf32> to vector<16xi32>
      %jit3A_666 = arith.constant 0 : i32
      %jit3A_667 = arith.constant 52 : i32
      %max3A_668 = vector.broadcast %jit3A_666 : i32 to vector<16xi32>
      %max3A_669 = arith.maxsi %max3A_668, %convert_element_type3A_665 : vector<16xi32>
      %min3A_670 = vector.broadcast %jit3A_667 : i32 to vector<16xi32>
      %min3A_671 = arith.minsi %min3A_670, %max3A_669 : vector<16xi32>
      %mul3A_672 = arith.constant 16 : i32
      %mul3A_673 = arith.muli %add3A_614, %mul3A_672 : i32
      %swap3A_674 = arith.index_cast %mul3A_673 : i32 to index
      %swap3A_675 = tpu.vector_load %arg9[%swap3A_674] {strides = array<i32>} : memref<1024xi32, #tpu.memory_space<vmem>>, vector<16xi32>,
      tpu.vector_store %arg9[%swap3A_674], %min3A_671 {strides = array<i32>} : memref<1024xi32, #tpu.memory_space<vmem>>, vector<16xi32>,
      %mul3A_676 = arith.constant 0 : i32
      %mul3A_677 = vector.broadcast %mul3A_676 : i32 to vector<16xi32>
      %mul3A_678 = arith.muli %add3A_623, %mul3A_677 : vector<16xi32>
      %add3A_679 = vector.broadcast %shift_right_arithmetic3A_616 : i32 to vector<16xi32>
      %add3A_680 = arith.addi %mul3A_678, %add3A_679 : vector<16xi32>
      %mul3A_681 = arith.constant 0 : i32
      %mul3A_682 = vector.broadcast %mul3A_681 : i32 to vector<16xi32>
      %mul3A_683 = arith.muli %add3A_623, %mul3A_682 : vector<16xi32>
      %add3A_684 = arith.constant 1 : i32
      %add3A_685 = vector.broadcast %add3A_684 : i32 to vector<16xi32>
      %add3A_686 = arith.addi %mul3A_683, %add3A_685 : vector<16xi32>
      tpu.vector_store_idx %arg7[%min3A_671, %add3A_680, %add3A_623], %add3A_686 : memref<53x8x128xi32, #tpu.memory_space<vmem>>[vector<16xi32>, vector<16xi32>, vector<16xi32>], vector<16xi32>,
      %mul3A_687 = arith.constant 4 : i32
      %mul3A_688 = arith.muli %scan3A_471, %mul3A_687 : i32
      %add3A_689 = arith.constant 3 : i32
      %add3A_690 = arith.addi %mul3A_688, %add3A_689 : i32
      %shift_right_arithmetic3A_691 = arith.constant 3 : i32
      %shift_right_arithmetic3A_692 = arith.shrsi %add3A_690, %shift_right_arithmetic3A_691 : i32
      %and3A_693 = arith.constant 7 : i32
      %and3A_694 = arith.andi %add3A_690, %and3A_693 : i32
      %shift_left3A_695 = arith.constant 4 : i32
      %shift_left3A_696 = arith.shli %and3A_694, %shift_left3A_695 : i32
      %iota3A_697 = tpu.iota {dimensions = array<i32: 0>} : vector<16xi32>
      %add3A_698 = vector.broadcast %shift_left3A_696 : i32 to vector<16xi32>
      %add3A_699 = arith.addi %add3A_698, %iota3A_697 : vector<16xi32>
      %shift_right_arithmetic3A_700 = arith.constant 2 : i32
      %shift_right_arithmetic3A_701 = arith.shrsi %shift_right_arithmetic3A_692, %shift_right_arithmetic3A_700 : i32
      %add3A_702 = arith.constant 12 : i32
      %add3A_703 = arith.addi %add3A_702, %shift_right_arithmetic3A_701 : i32
      %mul3A_704 = arith.constant 16 : i32
      %mul3A_705 = arith.muli %add3A_690, %mul3A_704 : i32
      %get3A_706 = arith.index_cast %mul3A_705 : i32 to index
      %get3A_707 = tpu.vector_load %arg9[%get3A_706] {strides = array<i32>} : memref<1024xi32, #tpu.memory_space<vmem>>, vector<16xi32>,
      %mul3A_708 = arith.constant 0 : i32
      %mul3A_709 = vector.broadcast %mul3A_708 : i32 to vector<16xi32>
      %mul3A_710 = arith.muli %add3A_699, %mul3A_709 : vector<16xi32>
      %add3A_711 = vector.broadcast %shift_right_arithmetic3A_692 : i32 to vector<16xi32>
      %add3A_712 = arith.addi %mul3A_710, %add3A_711 : vector<16xi32>
      %mul3A_713 = arith.constant 0 : i32
      %mul3A_714 = vector.broadcast %mul3A_713 : i32 to vector<16xi32>
      %mul3A_715 = arith.muli %add3A_699, %mul3A_714 : vector<16xi32>
      tpu.vector_store_idx %arg7[%get3A_707, %add3A_712, %add3A_699], %mul3A_715 : memref<53x8x128xi32, #tpu.memory_space<vmem>>[vector<16xi32>, vector<16xi32>, vector<16xi32>], vector<16xi32>,
      %mul3A_716 = arith.constant 26 : i32
      %mul3A_717 = vector.broadcast %mul3A_716 : i32 to vector<16xi32>
      %mul3A_718 = arith.muli %add3A_699, %mul3A_717 : vector<16xi32>
      %add3A_719 = vector.broadcast %add3A_703 : i32 to vector<16xi32>
      %add3A_720 = arith.addi %mul3A_718, %add3A_719 : vector<16xi32>
      %gather3A_721 = tpu.vector_load_idx %arg5[%add3A_720] : memref<3328xf32, #tpu.memory_space<vmem>>[vector<16xi32>], vector<16xf32>,
      %mul3A_722 = arith.constant 0 : i32
      %mul3A_723 = vector.broadcast %mul3A_722 : i32 to vector<16xi32>
      %mul3A_724 = arith.muli %add3A_699, %mul3A_723 : vector<16xi32>
      %and3A_725 = arith.constant 3 : i32
      %and3A_726 = arith.andi %shift_right_arithmetic3A_692, %and3A_725 : i32
      %add3A_727 = vector.broadcast %and3A_726 : i32 to vector<16xi32>
      %add3A_728 = arith.addi %mul3A_724, %add3A_727 : vector<16xi32>
      %gather3A_729 = tpu.vector_load_idx %arg6[%add3A_728] : memref<4xf32, #tpu.memory_space<vmem>>[vector<16xi32>], vector<16xf32>,
      %sub3A_730 = arith.subf %gather3A_721, %gather3A_729 : vector<16xf32>
      %abs3A_731 = math.absf %sub3A_730 : vector<16xf32>
      %mul3A_732 = arith.constant 1.000000e+01 : f32
      %mul3A_733 = vector.broadcast %mul3A_732 : f32 to vector<16xf32>
      %mul3A_734 = arith.mulf %mul3A_733, %abs3A_731 : vector<16xf32>
      %div3A_735 = arith.constant 1.000000e+00 : f32
      %div3A_736 = vector.broadcast %div3A_735 : f32 to vector<16xf32>
      %div3A_737 = arith.divf %mul3A_734, %div3A_736 : vector<16xf32>
      %add3A_738 = arith.constant 1.000000e+00 : f32
      %add3A_739 = vector.broadcast %add3A_738 : f32 to vector<16xf32>
      %add3A_740 = arith.addf %div3A_737, %add3A_739 : vector<16xf32>
      %convert_element_type3A_741 = arith.fptosi %add3A_740 : vector<16xf32> to vector<16xi32>
      %jit3A_742 = arith.constant 0 : i32
      %jit3A_743 = arith.constant 52 : i32
      %max3A_744 = vector.broadcast %jit3A_742 : i32 to vector<16xi32>
      %max3A_745 = arith.maxsi %max3A_744, %convert_element_type3A_741 : vector<16xi32>
      %min3A_746 = vector.broadcast %jit3A_743 : i32 to vector<16xi32>
      %min3A_747 = arith.minsi %min3A_746, %max3A_745 : vector<16xi32>
      %mul3A_748 = arith.constant 16 : i32
      %mul3A_749 = arith.muli %add3A_690, %mul3A_748 : i32
      %swap3A_750 = arith.index_cast %mul3A_749 : i32 to index
      %swap3A_751 = tpu.vector_load %arg9[%swap3A_750] {strides = array<i32>} : memref<1024xi32, #tpu.memory_space<vmem>>, vector<16xi32>,
      tpu.vector_store %arg9[%swap3A_750], %min3A_747 {strides = array<i32>} : memref<1024xi32, #tpu.memory_space<vmem>>, vector<16xi32>,
      %mul3A_752 = arith.constant 0 : i32
      %mul3A_753 = vector.broadcast %mul3A_752 : i32 to vector<16xi32>
      %mul3A_754 = arith.muli %add3A_699, %mul3A_753 : vector<16xi32>
      %add3A_755 = vector.broadcast %shift_right_arithmetic3A_692 : i32 to vector<16xi32>
      %add3A_756 = arith.addi %mul3A_754, %add3A_755 : vector<16xi32>
      %mul3A_757 = arith.constant 0 : i32
      %mul3A_758 = vector.broadcast %mul3A_757 : i32 to vector<16xi32>
      %mul3A_759 = arith.muli %add3A_699, %mul3A_758 : vector<16xi32>
      %add3A_760 = arith.constant 1 : i32
      %add3A_761 = vector.broadcast %add3A_760 : i32 to vector<16xi32>
      %add3A_762 = arith.addi %mul3A_759, %add3A_761 : vector<16xi32>
      tpu.vector_store_idx %arg7[%min3A_747, %add3A_756, %add3A_699], %add3A_762 : memref<53x8x128xi32, #tpu.memory_space<vmem>>[vector<16xi32>, vector<16xi32>, vector<16xi32>], vector<16xi32>,
      %scan3A_763 = arith.constant 0 : i32
      scf.yield %scan3A_763 : i32
    }
    %scan3A_218 = arith.constant 16 : i32
    %dma_start3A_219 = arith.constant 0 : i32
    %dma_start3A_220 = arith.constant 0 : i32
    %dma_start3A_221 = arith.constant 0 : i32
    %dma_start3A_222 = tpu.memref_slice %arg7[%dma_start3A_219, %dma_start3A_220, %dma_start3A_221] : memref<53x8x128xi32, #tpu.memory_space<vmem>> -> memref<51x8x128xi32, #tpu.memory_space<vmem>>
    %dma_start3A_223 = arith.constant 0 : i32
    %dma_start3A_224 = arith.constant 48 : i32
    %dma_start3A_225 = tpu.memref_slice %arg4[%dma_start3A_223, %dma_start3A_224, %mul3A_2] : memref<51x104x4096xi32, #tpu.memory_space<hbm>> -> memref<51x8x128xi32, #tpu.memory_space<hbm>>
    %dma_start3A_226 = arith.constant 0 : i32
    %dma_start3A_227 = arith.constant 48 : i32
    %dma_start3A_228 = tpu.memref_slice %arg4[%dma_start3A_226, %dma_start3A_227, %mul3A_2] : memref<51x104x4096xi32, #tpu.memory_space<hbm>> -> memref<51x8x128xi32, #tpu.memory_space<hbm>>
    %dma_start3A_229 = arith.constant 0 : i32
    %dma_start3A_230 = arith.constant 0 : i32
    %dma_start3A_231 = arith.constant 0 : i32
    %dma_start3A_232 = tpu.memref_slice %arg7[%dma_start3A_229, %dma_start3A_230, %dma_start3A_231] : memref<53x8x128xi32, #tpu.memory_space<vmem>> -> memref<51x8x128xi32, #tpu.memory_space<vmem>>
    tpu.enqueue_dma source(%dma_start3A_232 : memref<51x8x128xi32, #tpu.memory_space<vmem>>) target(%dma_start3A_228 : memref<51x8x128xi32, #tpu.memory_space<hbm>>) target_semaphore(%arg11 : memref<!tpu.dma_semaphore, #tpu.memory_space<semaphore_mem>>)
    %dma_wait3A_233 = arith.constant 0 : i32
    %dma_wait3A_234 = arith.constant 0 : i32
    %dma_wait3A_235 = arith.constant 0 : i32
    %dma_wait3A_236 = tpu.memref_slice %arg8[%dma_wait3A_233, %dma_wait3A_234, %dma_wait3A_235] : memref<53x8x128xi32, #tpu.memory_space<vmem>> -> memref<51x8x128xi32, #tpu.memory_space<vmem>>
    %dma_wait3A_237 = arith.constant 0 : i32
    %dma_wait3A_238 = arith.constant 40 : i32
    %dma_wait3A_239 = tpu.memref_slice %arg4[%dma_wait3A_237, %dma_wait3A_238, %mul3A_2] : memref<51x104x4096xi32, #tpu.memory_space<hbm>> -> memref<51x8x128xi32, #tpu.memory_space<hbm>>
    %dma_wait3A_240 = arith.constant 0 : i32
    %dma_wait3A_241 = arith.constant 40 : i32
    %dma_wait3A_242 = tpu.memref_slice %arg4[%dma_wait3A_240, %dma_wait3A_241, %mul3A_2] : memref<51x104x4096xi32, #tpu.memory_space<hbm>> -> memref<51x8x128xi32, #tpu.memory_space<hbm>>
    %dma_wait3A_243 = arith.constant 0 : i32
    %dma_wait3A_244 = arith.constant 0 : i32
    %dma_wait3A_245 = arith.constant 0 : i32
    %dma_wait3A_246 = tpu.memref_slice %arg8[%dma_wait3A_243, %dma_wait3A_244, %dma_wait3A_245] : memref<53x8x128xi32, #tpu.memory_space<vmem>> -> memref<51x8x128xi32, #tpu.memory_space<vmem>>
    tpu.wait_dma2 semaphore(%arg12 : memref<!tpu.dma_semaphore, #tpu.memory_space<semaphore_mem>>) src(%dma_wait3A_246 : memref<51x8x128xi32, #tpu.memory_space<vmem>>) dst(%dma_wait3A_242 : memref<51x8x128xi32, #tpu.memory_space<hbm>>)
    %scan3A_247 = arith.constant 0 : i32
    %scan3A_248 = arith.constant 0 : i32
    %scan3A_249 = arith.constant 16 : i32
    %scan3A_250 = arith.addi %scan3A_248, %scan3A_249 : i32
    %scan3A_251 = arith.constant 1 : i32
    %scan3A_252 = scf.for %scan3A_471 = %scan3A_248 to %scan3A_250 step %scan3A_251 iter_args(%scan3A_472 = %scan3A_247) -> (i32)  : i32 {
      %mul3A_473 = arith.constant 4 : i32
      %mul3A_474 = arith.muli %scan3A_471, %mul3A_473 : i32
      %add3A_475 = arith.constant 0 : i32
      %add3A_476 = arith.addi %mul3A_474, %add3A_475 : i32
      %shift_right_arithmetic3A = arith.constant 3 : i32
      %shift_right_arithmetic3A_477 = arith.shrsi %add3A_476, %shift_right_arithmetic3A : i32
      %and3A = arith.constant 7 : i32
      %and3A_478 = arith.andi %add3A_476, %and3A : i32
      %shift_left3A = arith.constant 4 : i32
      %shift_left3A_479 = arith.shli %and3A_478, %shift_left3A : i32
      %iota3A = tpu.iota {dimensions = array<i32: 0>} : vector<16xi32>
      %add3A_480 = vector.broadcast %shift_left3A_479 : i32 to vector<16xi32>
      %add3A_481 = arith.addi %add3A_480, %iota3A : vector<16xi32>
      %shift_right_arithmetic3A_482 = arith.constant 2 : i32
      %shift_right_arithmetic3A_483 = arith.shrsi %shift_right_arithmetic3A_477, %shift_right_arithmetic3A_482 : i32
      %add3A_484 = arith.constant 14 : i32
      %add3A_485 = arith.addi %add3A_484, %shift_right_arithmetic3A_483 : i32
      %mul3A_486 = arith.constant 16 : i32
      %mul3A_487 = arith.muli %add3A_476, %mul3A_486 : i32
      %get3A = arith.index_cast %mul3A_487 : i32 to index
      %get3A_488 = tpu.vector_load %arg10[%get3A] {strides = array<i32>} : memref<1024xi32, #tpu.memory_space<vmem>>, vector<16xi32>,
      %mul3A_489 = arith.constant 0 : i32
      %mul3A_490 = vector.broadcast %mul3A_489 : i32 to vector<16xi32>
      %mul3A_491 = arith.muli %add3A_481, %mul3A_490 : vector<16xi32>
      %add3A_492 = vector.broadcast %shift_right_arithmetic3A_477 : i32 to vector<16xi32>
      %add3A_493 = arith.addi %mul3A_491, %add3A_492 : vector<16xi32>
      %mul3A_494 = arith.constant 0 : i32
      %mul3A_495 = vector.broadcast %mul3A_494 : i32 to vector<16xi32>
      %mul3A_496 = arith.muli %add3A_481, %mul3A_495 : vector<16xi32>
      tpu.vector_store_idx %arg8[%get3A_488, %add3A_493, %add3A_481], %mul3A_496 : memref<53x8x128xi32, #tpu.memory_space<vmem>>[vector<16xi32>, vector<16xi32>, vector<16xi32>], vector<16xi32>,
      %mul3A_497 = arith.constant 26 : i32
      %mul3A_498 = vector.broadcast %mul3A_497 : i32 to vector<16xi32>
      %mul3A_499 = arith.muli %add3A_481, %mul3A_498 : vector<16xi32>
      %add3A_500 = vector.broadcast %add3A_485 : i32 to vector<16xi32>
      %add3A_501 = arith.addi %mul3A_499, %add3A_500 : vector<16xi32>
      %gather3A = tpu.vector_load_idx %arg5[%add3A_501] : memref<3328xf32, #tpu.memory_space<vmem>>[vector<16xi32>], vector<16xf32>,
      %mul3A_502 = arith.constant 0 : i32
      %mul3A_503 = vector.broadcast %mul3A_502 : i32 to vector<16xi32>
      %mul3A_504 = arith.muli %add3A_481, %mul3A_503 : vector<16xi32>
      %and3A_505 = arith.constant 3 : i32
      %and3A_506 = arith.andi %shift_right_arithmetic3A_477, %and3A_505 : i32
      %add3A_507 = vector.broadcast %and3A_506 : i32 to vector<16xi32>
      %add3A_508 = arith.addi %mul3A_504, %add3A_507 : vector<16xi32>
      %gather3A_509 = tpu.vector_load_idx %arg6[%add3A_508] : memref<4xf32, #tpu.memory_space<vmem>>[vector<16xi32>], vector<16xf32>,
      %sub3A = arith.subf %gather3A, %gather3A_509 : vector<16xf32>
      %abs3A = math.absf %sub3A : vector<16xf32>
      %mul3A_510 = arith.constant 1.000000e+01 : f32
      %mul3A_511 = vector.broadcast %mul3A_510 : f32 to vector<16xf32>
      %mul3A_512 = arith.mulf %mul3A_511, %abs3A : vector<16xf32>
      %div3A = arith.constant 1.000000e+00 : f32
      %div3A_513 = vector.broadcast %div3A : f32 to vector<16xf32>
      %div3A_514 = arith.divf %mul3A_512, %div3A_513 : vector<16xf32>
      %add3A_515 = arith.constant 1.000000e+00 : f32
      %add3A_516 = vector.broadcast %add3A_515 : f32 to vector<16xf32>
      %add3A_517 = arith.addf %div3A_514, %add3A_516 : vector<16xf32>
      %convert_element_type3A = arith.fptosi %add3A_517 : vector<16xf32> to vector<16xi32>
      %jit3A = arith.constant 0 : i32
      %jit3A_518 = arith.constant 52 : i32
      %max3A = vector.broadcast %jit3A : i32 to vector<16xi32>
      %max3A_519 = arith.maxsi %max3A, %convert_element_type3A : vector<16xi32>
      %min3A = vector.broadcast %jit3A_518 : i32 to vector<16xi32>
      %min3A_520 = arith.minsi %min3A, %max3A_519 : vector<16xi32>
      %mul3A_521 = arith.constant 16 : i32
      %mul3A_522 = arith.muli %add3A_476, %mul3A_521 : i32
      %swap3A = arith.index_cast %mul3A_522 : i32 to index
      %swap3A_523 = tpu.vector_load %arg10[%swap3A] {strides = array<i32>} : memref<1024xi32, #tpu.memory_space<vmem>>, vector<16xi32>,
      tpu.vector_store %arg10[%swap3A], %min3A_520 {strides = array<i32>} : memref<1024xi32, #tpu.memory_space<vmem>>, vector<16xi32>,
      %mul3A_524 = arith.constant 0 : i32
      %mul3A_525 = vector.broadcast %mul3A_524 : i32 to vector<16xi32>
      %mul3A_526 = arith.muli %add3A_481, %mul3A_525 : vector<16xi32>
      %add3A_527 = vector.broadcast %shift_right_arithmetic3A_477 : i32 to vector<16xi32>
      %add3A_528 = arith.addi %mul3A_526, %add3A_527 : vector<16xi32>
      %mul3A_529 = arith.constant 0 : i32
      %mul3A_530 = vector.broadcast %mul3A_529 : i32 to vector<16xi32>
      %mul3A_531 = arith.muli %add3A_481, %mul3A_530 : vector<16xi32>
      %add3A_532 = arith.constant 1 : i32
      %add3A_533 = vector.broadcast %add3A_532 : i32 to vector<16xi32>
      %add3A_534 = arith.addi %mul3A_531, %add3A_533 : vector<16xi32>
      tpu.vector_store_idx %arg8[%min3A_520, %add3A_528, %add3A_481], %add3A_534 : memref<53x8x128xi32, #tpu.memory_space<vmem>>[vector<16xi32>, vector<16xi32>, vector<16xi32>], vector<16xi32>,
      %mul3A_535 = arith.constant 4 : i32
      %mul3A_536 = arith.muli %scan3A_471, %mul3A_535 : i32
      %add3A_537 = arith.constant 1 : i32
      %add3A_538 = arith.addi %mul3A_536, %add3A_537 : i32
      %shift_right_arithmetic3A_539 = arith.constant 3 : i32
      %shift_right_arithmetic3A_540 = arith.shrsi %add3A_538, %shift_right_arithmetic3A_539 : i32
      %and3A_541 = arith.constant 7 : i32
      %and3A_542 = arith.andi %add3A_538, %and3A_541 : i32
      %shift_left3A_543 = arith.constant 4 : i32
      %shift_left3A_544 = arith.shli %and3A_542, %shift_left3A_543 : i32
      %iota3A_545 = tpu.iota {dimensions = array<i32: 0>} : vector<16xi32>
      %add3A_546 = vector.broadcast %shift_left3A_544 : i32 to vector<16xi32>
      %add3A_547 = arith.addi %add3A_546, %iota3A_545 : vector<16xi32>
      %shift_right_arithmetic3A_548 = arith.constant 2 : i32
      %shift_right_arithmetic3A_549 = arith.shrsi %shift_right_arithmetic3A_540, %shift_right_arithmetic3A_548 : i32
      %add3A_550 = arith.constant 14 : i32
      %add3A_551 = arith.addi %add3A_550, %shift_right_arithmetic3A_549 : i32
      %mul3A_552 = arith.constant 16 : i32
      %mul3A_553 = arith.muli %add3A_538, %mul3A_552 : i32
      %get3A_554 = arith.index_cast %mul3A_553 : i32 to index
      %get3A_555 = tpu.vector_load %arg10[%get3A_554] {strides = array<i32>} : memref<1024xi32, #tpu.memory_space<vmem>>, vector<16xi32>,
      %mul3A_556 = arith.constant 0 : i32
      %mul3A_557 = vector.broadcast %mul3A_556 : i32 to vector<16xi32>
      %mul3A_558 = arith.muli %add3A_547, %mul3A_557 : vector<16xi32>
      %add3A_559 = vector.broadcast %shift_right_arithmetic3A_540 : i32 to vector<16xi32>
      %add3A_560 = arith.addi %mul3A_558, %add3A_559 : vector<16xi32>
      %mul3A_561 = arith.constant 0 : i32
      %mul3A_562 = vector.broadcast %mul3A_561 : i32 to vector<16xi32>
      %mul3A_563 = arith.muli %add3A_547, %mul3A_562 : vector<16xi32>
      tpu.vector_store_idx %arg8[%get3A_555, %add3A_560, %add3A_547], %mul3A_563 : memref<53x8x128xi32, #tpu.memory_space<vmem>>[vector<16xi32>, vector<16xi32>, vector<16xi32>], vector<16xi32>,
      %mul3A_564 = arith.constant 26 : i32
      %mul3A_565 = vector.broadcast %mul3A_564 : i32 to vector<16xi32>
      %mul3A_566 = arith.muli %add3A_547, %mul3A_565 : vector<16xi32>
      %add3A_567 = vector.broadcast %add3A_551 : i32 to vector<16xi32>
      %add3A_568 = arith.addi %mul3A_566, %add3A_567 : vector<16xi32>
      %gather3A_569 = tpu.vector_load_idx %arg5[%add3A_568] : memref<3328xf32, #tpu.memory_space<vmem>>[vector<16xi32>], vector<16xf32>,
      %mul3A_570 = arith.constant 0 : i32
      %mul3A_571 = vector.broadcast %mul3A_570 : i32 to vector<16xi32>
      %mul3A_572 = arith.muli %add3A_547, %mul3A_571 : vector<16xi32>
      %and3A_573 = arith.constant 3 : i32
      %and3A_574 = arith.andi %shift_right_arithmetic3A_540, %and3A_573 : i32
      %add3A_575 = vector.broadcast %and3A_574 : i32 to vector<16xi32>
      %add3A_576 = arith.addi %mul3A_572, %add3A_575 : vector<16xi32>
      %gather3A_577 = tpu.vector_load_idx %arg6[%add3A_576] : memref<4xf32, #tpu.memory_space<vmem>>[vector<16xi32>], vector<16xf32>,
      %sub3A_578 = arith.subf %gather3A_569, %gather3A_577 : vector<16xf32>
      %abs3A_579 = math.absf %sub3A_578 : vector<16xf32>
      %mul3A_580 = arith.constant 1.000000e+01 : f32
      %mul3A_581 = vector.broadcast %mul3A_580 : f32 to vector<16xf32>
      %mul3A_582 = arith.mulf %mul3A_581, %abs3A_579 : vector<16xf32>
      %div3A_583 = arith.constant 1.000000e+00 : f32
      %div3A_584 = vector.broadcast %div3A_583 : f32 to vector<16xf32>
      %div3A_585 = arith.divf %mul3A_582, %div3A_584 : vector<16xf32>
      %add3A_586 = arith.constant 1.000000e+00 : f32
      %add3A_587 = vector.broadcast %add3A_586 : f32 to vector<16xf32>
      %add3A_588 = arith.addf %div3A_585, %add3A_587 : vector<16xf32>
      %convert_element_type3A_589 = arith.fptosi %add3A_588 : vector<16xf32> to vector<16xi32>
      %jit3A_590 = arith.constant 0 : i32
      %jit3A_591 = arith.constant 52 : i32
      %max3A_592 = vector.broadcast %jit3A_590 : i32 to vector<16xi32>
      %max3A_593 = arith.maxsi %max3A_592, %convert_element_type3A_589 : vector<16xi32>
      %min3A_594 = vector.broadcast %jit3A_591 : i32 to vector<16xi32>
      %min3A_595 = arith.minsi %min3A_594, %max3A_593 : vector<16xi32>
      %mul3A_596 = arith.constant 16 : i32
      %mul3A_597 = arith.muli %add3A_538, %mul3A_596 : i32
      %swap3A_598 = arith.index_cast %mul3A_597 : i32 to index
      %swap3A_599 = tpu.vector_load %arg10[%swap3A_598] {strides = array<i32>} : memref<1024xi32, #tpu.memory_space<vmem>>, vector<16xi32>,
      tpu.vector_store %arg10[%swap3A_598], %min3A_595 {strides = array<i32>} : memref<1024xi32, #tpu.memory_space<vmem>>, vector<16xi32>,
      %mul3A_600 = arith.constant 0 : i32
      %mul3A_601 = vector.broadcast %mul3A_600 : i32 to vector<16xi32>
      %mul3A_602 = arith.muli %add3A_547, %mul3A_601 : vector<16xi32>
      %add3A_603 = vector.broadcast %shift_right_arithmetic3A_540 : i32 to vector<16xi32>
      %add3A_604 = arith.addi %mul3A_602, %add3A_603 : vector<16xi32>
      %mul3A_605 = arith.constant 0 : i32
      %mul3A_606 = vector.broadcast %mul3A_605 : i32 to vector<16xi32>
      %mul3A_607 = arith.muli %add3A_547, %mul3A_606 : vector<16xi32>
      %add3A_608 = arith.constant 1 : i32
      %add3A_609 = vector.broadcast %add3A_608 : i32 to vector<16xi32>
      %add3A_610 = arith.addi %mul3A_607, %add3A_609 : vector<16xi32>
      tpu.vector_store_idx %arg8[%min3A_595, %add3A_604, %add3A_547], %add3A_610 : memref<53x8x128xi32, #tpu.memory_space<vmem>>[vector<16xi32>, vector<16xi32>, vector<16xi32>], vector<16xi32>,
      %mul3A_611 = arith.constant 4 : i32
      %mul3A_612 = arith.muli %scan3A_471, %mul3A_611 : i32
      %add3A_613 = arith.constant 2 : i32
      %add3A_614 = arith.addi %mul3A_612, %add3A_613 : i32
      %shift_right_arithmetic3A_615 = arith.constant 3 : i32
      %shift_right_arithmetic3A_616 = arith.shrsi %add3A_614, %shift_right_arithmetic3A_615 : i32
      %and3A_617 = arith.constant 7 : i32
      %and3A_618 = arith.andi %add3A_614, %and3A_617 : i32
      %shift_left3A_619 = arith.constant 4 : i32
      %shift_left3A_620 = arith.shli %and3A_618, %shift_left3A_619 : i32
      %iota3A_621 = tpu.iota {dimensions = array<i32: 0>} : vector<16xi32>
      %add3A_622 = vector.broadcast %shift_left3A_620 : i32 to vector<16xi32>
      %add3A_623 = arith.addi %add3A_622, %iota3A_621 : vector<16xi32>
      %shift_right_arithmetic3A_624 = arith.constant 2 : i32
      %shift_right_arithmetic3A_625 = arith.shrsi %shift_right_arithmetic3A_616, %shift_right_arithmetic3A_624 : i32
      %add3A_626 = arith.constant 14 : i32
      %add3A_627 = arith.addi %add3A_626, %shift_right_arithmetic3A_625 : i32
      %mul3A_628 = arith.constant 16 : i32
      %mul3A_629 = arith.muli %add3A_614, %mul3A_628 : i32
      %get3A_630 = arith.index_cast %mul3A_629 : i32 to index
      %get3A_631 = tpu.vector_load %arg10[%get3A_630] {strides = array<i32>} : memref<1024xi32, #tpu.memory_space<vmem>>, vector<16xi32>,
      %mul3A_632 = arith.constant 0 : i32
      %mul3A_633 = vector.broadcast %mul3A_632 : i32 to vector<16xi32>
      %mul3A_634 = arith.muli %add3A_623, %mul3A_633 : vector<16xi32>
      %add3A_635 = vector.broadcast %shift_right_arithmetic3A_616 : i32 to vector<16xi32>
      %add3A_636 = arith.addi %mul3A_634, %add3A_635 : vector<16xi32>
      %mul3A_637 = arith.constant 0 : i32
      %mul3A_638 = vector.broadcast %mul3A_637 : i32 to vector<16xi32>
      %mul3A_639 = arith.muli %add3A_623, %mul3A_638 : vector<16xi32>
      tpu.vector_store_idx %arg8[%get3A_631, %add3A_636, %add3A_623], %mul3A_639 : memref<53x8x128xi32, #tpu.memory_space<vmem>>[vector<16xi32>, vector<16xi32>, vector<16xi32>], vector<16xi32>,
      %mul3A_640 = arith.constant 26 : i32
      %mul3A_641 = vector.broadcast %mul3A_640 : i32 to vector<16xi32>
      %mul3A_642 = arith.muli %add3A_623, %mul3A_641 : vector<16xi32>
      %add3A_643 = vector.broadcast %add3A_627 : i32 to vector<16xi32>
      %add3A_644 = arith.addi %mul3A_642, %add3A_643 : vector<16xi32>
      %gather3A_645 = tpu.vector_load_idx %arg5[%add3A_644] : memref<3328xf32, #tpu.memory_space<vmem>>[vector<16xi32>], vector<16xf32>,
      %mul3A_646 = arith.constant 0 : i32
      %mul3A_647 = vector.broadcast %mul3A_646 : i32 to vector<16xi32>
      %mul3A_648 = arith.muli %add3A_623, %mul3A_647 : vector<16xi32>
      %and3A_649 = arith.constant 3 : i32
      %and3A_650 = arith.andi %shift_right_arithmetic3A_616, %and3A_649 : i32
      %add3A_651 = vector.broadcast %and3A_650 : i32 to vector<16xi32>
      %add3A_652 = arith.addi %mul3A_648, %add3A_651 : vector<16xi32>
      %gather3A_653 = tpu.vector_load_idx %arg6[%add3A_652] : memref<4xf32, #tpu.memory_space<vmem>>[vector<16xi32>], vector<16xf32>,
      %sub3A_654 = arith.subf %gather3A_645, %gather3A_653 : vector<16xf32>
      %abs3A_655 = math.absf %sub3A_654 : vector<16xf32>
      %mul3A_656 = arith.constant 1.000000e+01 : f32
      %mul3A_657 = vector.broadcast %mul3A_656 : f32 to vector<16xf32>
      %mul3A_658 = arith.mulf %mul3A_657, %abs3A_655 : vector<16xf32>
      %div3A_659 = arith.constant 1.000000e+00 : f32
      %div3A_660 = vector.broadcast %div3A_659 : f32 to vector<16xf32>
      %div3A_661 = arith.divf %mul3A_658, %div3A_660 : vector<16xf32>
      %add3A_662 = arith.constant 1.000000e+00 : f32
      %add3A_663 = vector.broadcast %add3A_662 : f32 to vector<16xf32>
      %add3A_664 = arith.addf %div3A_661, %add3A_663 : vector<16xf32>
      %convert_element_type3A_665 = arith.fptosi %add3A_664 : vector<16xf32> to vector<16xi32>
      %jit3A_666 = arith.constant 0 : i32
      %jit3A_667 = arith.constant 52 : i32
      %max3A_668 = vector.broadcast %jit3A_666 : i32 to vector<16xi32>
      %max3A_669 = arith.maxsi %max3A_668, %convert_element_type3A_665 : vector<16xi32>
      %min3A_670 = vector.broadcast %jit3A_667 : i32 to vector<16xi32>
      %min3A_671 = arith.minsi %min3A_670, %max3A_669 : vector<16xi32>
      %mul3A_672 = arith.constant 16 : i32
      %mul3A_673 = arith.muli %add3A_614, %mul3A_672 : i32
      %swap3A_674 = arith.index_cast %mul3A_673 : i32 to index
      %swap3A_675 = tpu.vector_load %arg10[%swap3A_674] {strides = array<i32>} : memref<1024xi32, #tpu.memory_space<vmem>>, vector<16xi32>,
      tpu.vector_store %arg10[%swap3A_674], %min3A_671 {strides = array<i32>} : memref<1024xi32, #tpu.memory_space<vmem>>, vector<16xi32>,
      %mul3A_676 = arith.constant 0 : i32
      %mul3A_677 = vector.broadcast %mul3A_676 : i32 to vector<16xi32>
      %mul3A_678 = arith.muli %add3A_623, %mul3A_677 : vector<16xi32>
      %add3A_679 = vector.broadcast %shift_right_arithmetic3A_616 : i32 to vector<16xi32>
      %add3A_680 = arith.addi %mul3A_678, %add3A_679 : vector<16xi32>
      %mul3A_681 = arith.constant 0 : i32
      %mul3A_682 = vector.broadcast %mul3A_681 : i32 to vector<16xi32>
      %mul3A_683 = arith.muli %add3A_623, %mul3A_682 : vector<16xi32>
      %add3A_684 = arith.constant 1 : i32
      %add3A_685 = vector.broadcast %add3A_684 : i32 to vector<16xi32>
      %add3A_686 = arith.addi %mul3A_683, %add3A_685 : vector<16xi32>
      tpu.vector_store_idx %arg8[%min3A_671, %add3A_680, %add3A_623], %add3A_686 : memref<53x8x128xi32, #tpu.memory_space<vmem>>[vector<16xi32>, vector<16xi32>, vector<16xi32>], vector<16xi32>,
      %mul3A_687 = arith.constant 4 : i32
      %mul3A_688 = arith.muli %scan3A_471, %mul3A_687 : i32
      %add3A_689 = arith.constant 3 : i32
      %add3A_690 = arith.addi %mul3A_688, %add3A_689 : i32
      %shift_right_arithmetic3A_691 = arith.constant 3 : i32
      %shift_right_arithmetic3A_692 = arith.shrsi %add3A_690, %shift_right_arithmetic3A_691 : i32
      %and3A_693 = arith.constant 7 : i32
      %and3A_694 = arith.andi %add3A_690, %and3A_693 : i32
      %shift_left3A_695 = arith.constant 4 : i32
      %shift_left3A_696 = arith.shli %and3A_694, %shift_left3A_695 : i32
      %iota3A_697 = tpu.iota {dimensions = array<i32: 0>} : vector<16xi32>
      %add3A_698 = vector.broadcast %shift_left3A_696 : i32 to vector<16xi32>
      %add3A_699 = arith.addi %add3A_698, %iota3A_697 : vector<16xi32>
      %shift_right_arithmetic3A_700 = arith.constant 2 : i32
      %shift_right_arithmetic3A_701 = arith.shrsi %shift_right_arithmetic3A_692, %shift_right_arithmetic3A_700 : i32
      %add3A_702 = arith.constant 14 : i32
      %add3A_703 = arith.addi %add3A_702, %shift_right_arithmetic3A_701 : i32
      %mul3A_704 = arith.constant 16 : i32
      %mul3A_705 = arith.muli %add3A_690, %mul3A_704 : i32
      %get3A_706 = arith.index_cast %mul3A_705 : i32 to index
      %get3A_707 = tpu.vector_load %arg10[%get3A_706] {strides = array<i32>} : memref<1024xi32, #tpu.memory_space<vmem>>, vector<16xi32>,
      %mul3A_708 = arith.constant 0 : i32
      %mul3A_709 = vector.broadcast %mul3A_708 : i32 to vector<16xi32>
      %mul3A_710 = arith.muli %add3A_699, %mul3A_709 : vector<16xi32>
      %add3A_711 = vector.broadcast %shift_right_arithmetic3A_692 : i32 to vector<16xi32>
      %add3A_712 = arith.addi %mul3A_710, %add3A_711 : vector<16xi32>
      %mul3A_713 = arith.constant 0 : i32
      %mul3A_714 = vector.broadcast %mul3A_713 : i32 to vector<16xi32>
      %mul3A_715 = arith.muli %add3A_699, %mul3A_714 : vector<16xi32>
      tpu.vector_store_idx %arg8[%get3A_707, %add3A_712, %add3A_699], %mul3A_715 : memref<53x8x128xi32, #tpu.memory_space<vmem>>[vector<16xi32>, vector<16xi32>, vector<16xi32>], vector<16xi32>,
      %mul3A_716 = arith.constant 26 : i32
      %mul3A_717 = vector.broadcast %mul3A_716 : i32 to vector<16xi32>
      %mul3A_718 = arith.muli %add3A_699, %mul3A_717 : vector<16xi32>
      %add3A_719 = vector.broadcast %add3A_703 : i32 to vector<16xi32>
      %add3A_720 = arith.addi %mul3A_718, %add3A_719 : vector<16xi32>
      %gather3A_721 = tpu.vector_load_idx %arg5[%add3A_720] : memref<3328xf32, #tpu.memory_space<vmem>>[vector<16xi32>], vector<16xf32>,
      %mul3A_722 = arith.constant 0 : i32
      %mul3A_723 = vector.broadcast %mul3A_722 : i32 to vector<16xi32>
      %mul3A_724 = arith.muli %add3A_699, %mul3A_723 : vector<16xi32>
      %and3A_725 = arith.constant 3 : i32
      %and3A_726 = arith.andi %shift_right_arithmetic3A_692, %and3A_725 : i32
      %add3A_727 = vector.broadcast %and3A_726 : i32 to vector<16xi32>
      %add3A_728 = arith.addi %mul3A_724, %add3A_727 : vector<16xi32>
      %gather3A_729 = tpu.vector_load_idx %arg6[%add3A_728] : memref<4xf32, #tpu.memory_space<vmem>>[vector<16xi32>], vector<16xf32>,
      %sub3A_730 = arith.subf %gather3A_721, %gather3A_729 : vector<16xf32>
      %abs3A_731 = math.absf %sub3A_730 : vector<16xf32>
      %mul3A_732 = arith.constant 1.000000e+01 : f32
      %mul3A_733 = vector.broadcast %mul3A_732 : f32 to vector<16xf32>
      %mul3A_734 = arith.mulf %mul3A_733, %abs3A_731 : vector<16xf32>
      %div3A_735 = arith.constant 1.000000e+00 : f32
      %div3A_736 = vector.broadcast %div3A_735 : f32 to vector<16xf32>
      %div3A_737 = arith.divf %mul3A_734, %div3A_736 : vector<16xf32>
      %add3A_738 = arith.constant 1.000000e+00 : f32
      %add3A_739 = vector.broadcast %add3A_738 : f32 to vector<16xf32>
      %add3A_740 = arith.addf %div3A_737, %add3A_739 : vector<16xf32>
      %convert_element_type3A_741 = arith.fptosi %add3A_740 : vector<16xf32> to vector<16xi32>
      %jit3A_742 = arith.constant 0 : i32
      %jit3A_743 = arith.constant 52 : i32
      %max3A_744 = vector.broadcast %jit3A_742 : i32 to vector<16xi32>
      %max3A_745 = arith.maxsi %max3A_744, %convert_element_type3A_741 : vector<16xi32>
      %min3A_746 = vector.broadcast %jit3A_743 : i32 to vector<16xi32>
      %min3A_747 = arith.minsi %min3A_746, %max3A_745 : vector<16xi32>
      %mul3A_748 = arith.constant 16 : i32
      %mul3A_749 = arith.muli %add3A_690, %mul3A_748 : i32
      %swap3A_750 = arith.index_cast %mul3A_749 : i32 to index
      %swap3A_751 = tpu.vector_load %arg10[%swap3A_750] {strides = array<i32>} : memref<1024xi32, #tpu.memory_space<vmem>>, vector<16xi32>,
      tpu.vector_store %arg10[%swap3A_750], %min3A_747 {strides = array<i32>} : memref<1024xi32, #tpu.memory_space<vmem>>, vector<16xi32>,
      %mul3A_752 = arith.constant 0 : i32
      %mul3A_753 = vector.broadcast %mul3A_752 : i32 to vector<16xi32>
      %mul3A_754 = arith.muli %add3A_699, %mul3A_753 : vector<16xi32>
      %add3A_755 = vector.broadcast %shift_right_arithmetic3A_692 : i32 to vector<16xi32>
      %add3A_756 = arith.addi %mul3A_754, %add3A_755 : vector<16xi32>
      %mul3A_757 = arith.constant 0 : i32
      %mul3A_758 = vector.broadcast %mul3A_757 : i32 to vector<16xi32>
      %mul3A_759 = arith.muli %add3A_699, %mul3A_758 : vector<16xi32>
      %add3A_760 = arith.constant 1 : i32
      %add3A_761 = vector.broadcast %add3A_760 : i32 to vector<16xi32>
      %add3A_762 = arith.addi %mul3A_759, %add3A_761 : vector<16xi32>
      tpu.vector_store_idx %arg8[%min3A_747, %add3A_756, %add3A_699], %add3A_762 : memref<53x8x128xi32, #tpu.memory_space<vmem>>[vector<16xi32>, vector<16xi32>, vector<16xi32>], vector<16xi32>,
      %scan3A_763 = arith.constant 0 : i32
      scf.yield %scan3A_763 : i32
    }
    %scan3A_253 = arith.constant 16 : i32
    %dma_start3A_254 = arith.constant 0 : i32
    %dma_start3A_255 = arith.constant 0 : i32
    %dma_start3A_256 = arith.constant 0 : i32
    %dma_start3A_257 = tpu.memref_slice %arg8[%dma_start3A_254, %dma_start3A_255, %dma_start3A_256] : memref<53x8x128xi32, #tpu.memory_space<vmem>> -> memref<51x8x128xi32, #tpu.memory_space<vmem>>
    %dma_start3A_258 = arith.constant 0 : i32
    %dma_start3A_259 = arith.constant 56 : i32
    %dma_start3A_260 = tpu.memref_slice %arg4[%dma_start3A_258, %dma_start3A_259, %mul3A_2] : memref<51x104x4096xi32, #tpu.memory_space<hbm>> -> memref<51x8x128xi32, #tpu.memory_space<hbm>>
    %dma_start3A_261 = arith.constant 0 : i32
    %dma_start3A_262 = arith.constant 56 : i32
    %dma_start3A_263 = tpu.memref_slice %arg4[%dma_start3A_261, %dma_start3A_262, %mul3A_2] : memref<51x104x4096xi32, #tpu.memory_space<hbm>> -> memref<51x8x128xi32, #tpu.memory_space<hbm>>
    %dma_start3A_264 = arith.constant 0 : i32
    %dma_start3A_265 = arith.constant 0 : i32
    %dma_start3A_266 = arith.constant 0 : i32
    %dma_start3A_267 = tpu.memref_slice %arg8[%dma_start3A_264, %dma_start3A_265, %dma_start3A_266] : memref<53x8x128xi32, #tpu.memory_space<vmem>> -> memref<51x8x128xi32, #tpu.memory_space<vmem>>
    tpu.enqueue_dma source(%dma_start3A_267 : memref<51x8x128xi32, #tpu.memory_space<vmem>>) target(%dma_start3A_263 : memref<51x8x128xi32, #tpu.memory_space<hbm>>) target_semaphore(%arg12 : memref<!tpu.dma_semaphore, #tpu.memory_space<semaphore_mem>>)
    %dma_wait3A_268 = arith.constant 0 : i32
    %dma_wait3A_269 = arith.constant 0 : i32
    %dma_wait3A_270 = arith.constant 0 : i32
    %dma_wait3A_271 = tpu.memref_slice %arg7[%dma_wait3A_268, %dma_wait3A_269, %dma_wait3A_270] : memref<53x8x128xi32, #tpu.memory_space<vmem>> -> memref<51x8x128xi32, #tpu.memory_space<vmem>>
    %dma_wait3A_272 = arith.constant 0 : i32
    %dma_wait3A_273 = arith.constant 48 : i32
    %dma_wait3A_274 = tpu.memref_slice %arg4[%dma_wait3A_272, %dma_wait3A_273, %mul3A_2] : memref<51x104x4096xi32, #tpu.memory_space<hbm>> -> memref<51x8x128xi32, #tpu.memory_space<hbm>>
    %dma_wait3A_275 = arith.constant 0 : i32
    %dma_wait3A_276 = arith.constant 48 : i32
    %dma_wait3A_277 = tpu.memref_slice %arg4[%dma_wait3A_275, %dma_wait3A_276, %mul3A_2] : memref<51x104x4096xi32, #tpu.memory_space<hbm>> -> memref<51x8x128xi32, #tpu.memory_space<hbm>>
    %dma_wait3A_278 = arith.constant 0 : i32
    %dma_wait3A_279 = arith.constant 0 : i32
    %dma_wait3A_280 = arith.constant 0 : i32
    %dma_wait3A_281 = tpu.memref_slice %arg7[%dma_wait3A_278, %dma_wait3A_279, %dma_wait3A_280] : memref<53x8x128xi32, #tpu.memory_space<vmem>> -> memref<51x8x128xi32, #tpu.memory_space<vmem>>
    tpu.wait_dma2 semaphore(%arg11 : memref<!tpu.dma_semaphore, #tpu.memory_space<semaphore_mem>>) src(%dma_wait3A_281 : memref<51x8x128xi32, #tpu.memory_space<vmem>>) dst(%dma_wait3A_277 : memref<51x8x128xi32, #tpu.memory_space<hbm>>)
    %scan3A_282 = arith.constant 0 : i32
    %scan3A_283 = arith.constant 0 : i32
    %scan3A_284 = arith.constant 16 : i32
    %scan3A_285 = arith.addi %scan3A_283, %scan3A_284 : i32
    %scan3A_286 = arith.constant 1 : i32
    %scan3A_287 = scf.for %scan3A_471 = %scan3A_283 to %scan3A_285 step %scan3A_286 iter_args(%scan3A_472 = %scan3A_282) -> (i32)  : i32 {
      %mul3A_473 = arith.constant 4 : i32
      %mul3A_474 = arith.muli %scan3A_471, %mul3A_473 : i32
      %add3A_475 = arith.constant 0 : i32
      %add3A_476 = arith.addi %mul3A_474, %add3A_475 : i32
      %shift_right_arithmetic3A = arith.constant 3 : i32
      %shift_right_arithmetic3A_477 = arith.shrsi %add3A_476, %shift_right_arithmetic3A : i32
      %and3A = arith.constant 7 : i32
      %and3A_478 = arith.andi %add3A_476, %and3A : i32
      %shift_left3A = arith.constant 4 : i32
      %shift_left3A_479 = arith.shli %and3A_478, %shift_left3A : i32
      %iota3A = tpu.iota {dimensions = array<i32: 0>} : vector<16xi32>
      %add3A_480 = vector.broadcast %shift_left3A_479 : i32 to vector<16xi32>
      %add3A_481 = arith.addi %add3A_480, %iota3A : vector<16xi32>
      %shift_right_arithmetic3A_482 = arith.constant 2 : i32
      %shift_right_arithmetic3A_483 = arith.shrsi %shift_right_arithmetic3A_477, %shift_right_arithmetic3A_482 : i32
      %add3A_484 = arith.constant 16 : i32
      %add3A_485 = arith.addi %add3A_484, %shift_right_arithmetic3A_483 : i32
      %mul3A_486 = arith.constant 16 : i32
      %mul3A_487 = arith.muli %add3A_476, %mul3A_486 : i32
      %get3A = arith.index_cast %mul3A_487 : i32 to index
      %get3A_488 = tpu.vector_load %arg9[%get3A] {strides = array<i32>} : memref<1024xi32, #tpu.memory_space<vmem>>, vector<16xi32>,
      %mul3A_489 = arith.constant 0 : i32
      %mul3A_490 = vector.broadcast %mul3A_489 : i32 to vector<16xi32>
      %mul3A_491 = arith.muli %add3A_481, %mul3A_490 : vector<16xi32>
      %add3A_492 = vector.broadcast %shift_right_arithmetic3A_477 : i32 to vector<16xi32>
      %add3A_493 = arith.addi %mul3A_491, %add3A_492 : vector<16xi32>
      %mul3A_494 = arith.constant 0 : i32
      %mul3A_495 = vector.broadcast %mul3A_494 : i32 to vector<16xi32>
      %mul3A_496 = arith.muli %add3A_481, %mul3A_495 : vector<16xi32>
      tpu.vector_store_idx %arg7[%get3A_488, %add3A_493, %add3A_481], %mul3A_496 : memref<53x8x128xi32, #tpu.memory_space<vmem>>[vector<16xi32>, vector<16xi32>, vector<16xi32>], vector<16xi32>,
      %mul3A_497 = arith.constant 26 : i32
      %mul3A_498 = vector.broadcast %mul3A_497 : i32 to vector<16xi32>
      %mul3A_499 = arith.muli %add3A_481, %mul3A_498 : vector<16xi32>
      %add3A_500 = vector.broadcast %add3A_485 : i32 to vector<16xi32>
      %add3A_501 = arith.addi %mul3A_499, %add3A_500 : vector<16xi32>
      %gather3A = tpu.vector_load_idx %arg5[%add3A_501] : memref<3328xf32, #tpu.memory_space<vmem>>[vector<16xi32>], vector<16xf32>,
      %mul3A_502 = arith.constant 0 : i32
      %mul3A_503 = vector.broadcast %mul3A_502 : i32 to vector<16xi32>
      %mul3A_504 = arith.muli %add3A_481, %mul3A_503 : vector<16xi32>
      %and3A_505 = arith.constant 3 : i32
      %and3A_506 = arith.andi %shift_right_arithmetic3A_477, %and3A_505 : i32
      %add3A_507 = vector.broadcast %and3A_506 : i32 to vector<16xi32>
      %add3A_508 = arith.addi %mul3A_504, %add3A_507 : vector<16xi32>
      %gather3A_509 = tpu.vector_load_idx %arg6[%add3A_508] : memref<4xf32, #tpu.memory_space<vmem>>[vector<16xi32>], vector<16xf32>,
      %sub3A = arith.subf %gather3A, %gather3A_509 : vector<16xf32>
      %abs3A = math.absf %sub3A : vector<16xf32>
      %mul3A_510 = arith.constant 1.000000e+01 : f32
      %mul3A_511 = vector.broadcast %mul3A_510 : f32 to vector<16xf32>
      %mul3A_512 = arith.mulf %mul3A_511, %abs3A : vector<16xf32>
      %div3A = arith.constant 1.000000e+00 : f32
      %div3A_513 = vector.broadcast %div3A : f32 to vector<16xf32>
      %div3A_514 = arith.divf %mul3A_512, %div3A_513 : vector<16xf32>
      %add3A_515 = arith.constant 1.000000e+00 : f32
      %add3A_516 = vector.broadcast %add3A_515 : f32 to vector<16xf32>
      %add3A_517 = arith.addf %div3A_514, %add3A_516 : vector<16xf32>
      %convert_element_type3A = arith.fptosi %add3A_517 : vector<16xf32> to vector<16xi32>
      %jit3A = arith.constant 0 : i32
      %jit3A_518 = arith.constant 52 : i32
      %max3A = vector.broadcast %jit3A : i32 to vector<16xi32>
      %max3A_519 = arith.maxsi %max3A, %convert_element_type3A : vector<16xi32>
      %min3A = vector.broadcast %jit3A_518 : i32 to vector<16xi32>
      %min3A_520 = arith.minsi %min3A, %max3A_519 : vector<16xi32>
      %mul3A_521 = arith.constant 16 : i32
      %mul3A_522 = arith.muli %add3A_476, %mul3A_521 : i32
      %swap3A = arith.index_cast %mul3A_522 : i32 to index
      %swap3A_523 = tpu.vector_load %arg9[%swap3A] {strides = array<i32>} : memref<1024xi32, #tpu.memory_space<vmem>>, vector<16xi32>,
      tpu.vector_store %arg9[%swap3A], %min3A_520 {strides = array<i32>} : memref<1024xi32, #tpu.memory_space<vmem>>, vector<16xi32>,
      %mul3A_524 = arith.constant 0 : i32
      %mul3A_525 = vector.broadcast %mul3A_524 : i32 to vector<16xi32>
      %mul3A_526 = arith.muli %add3A_481, %mul3A_525 : vector<16xi32>
      %add3A_527 = vector.broadcast %shift_right_arithmetic3A_477 : i32 to vector<16xi32>
      %add3A_528 = arith.addi %mul3A_526, %add3A_527 : vector<16xi32>
      %mul3A_529 = arith.constant 0 : i32
      %mul3A_530 = vector.broadcast %mul3A_529 : i32 to vector<16xi32>
      %mul3A_531 = arith.muli %add3A_481, %mul3A_530 : vector<16xi32>
      %add3A_532 = arith.constant 1 : i32
      %add3A_533 = vector.broadcast %add3A_532 : i32 to vector<16xi32>
      %add3A_534 = arith.addi %mul3A_531, %add3A_533 : vector<16xi32>
      tpu.vector_store_idx %arg7[%min3A_520, %add3A_528, %add3A_481], %add3A_534 : memref<53x8x128xi32, #tpu.memory_space<vmem>>[vector<16xi32>, vector<16xi32>, vector<16xi32>], vector<16xi32>,
      %mul3A_535 = arith.constant 4 : i32
      %mul3A_536 = arith.muli %scan3A_471, %mul3A_535 : i32
      %add3A_537 = arith.constant 1 : i32
      %add3A_538 = arith.addi %mul3A_536, %add3A_537 : i32
      %shift_right_arithmetic3A_539 = arith.constant 3 : i32
      %shift_right_arithmetic3A_540 = arith.shrsi %add3A_538, %shift_right_arithmetic3A_539 : i32
      %and3A_541 = arith.constant 7 : i32
      %and3A_542 = arith.andi %add3A_538, %and3A_541 : i32
      %shift_left3A_543 = arith.constant 4 : i32
      %shift_left3A_544 = arith.shli %and3A_542, %shift_left3A_543 : i32
      %iota3A_545 = tpu.iota {dimensions = array<i32: 0>} : vector<16xi32>
      %add3A_546 = vector.broadcast %shift_left3A_544 : i32 to vector<16xi32>
      %add3A_547 = arith.addi %add3A_546, %iota3A_545 : vector<16xi32>
      %shift_right_arithmetic3A_548 = arith.constant 2 : i32
      %shift_right_arithmetic3A_549 = arith.shrsi %shift_right_arithmetic3A_540, %shift_right_arithmetic3A_548 : i32
      %add3A_550 = arith.constant 16 : i32
      %add3A_551 = arith.addi %add3A_550, %shift_right_arithmetic3A_549 : i32
      %mul3A_552 = arith.constant 16 : i32
      %mul3A_553 = arith.muli %add3A_538, %mul3A_552 : i32
      %get3A_554 = arith.index_cast %mul3A_553 : i32 to index
      %get3A_555 = tpu.vector_load %arg9[%get3A_554] {strides = array<i32>} : memref<1024xi32, #tpu.memory_space<vmem>>, vector<16xi32>,
      %mul3A_556 = arith.constant 0 : i32
      %mul3A_557 = vector.broadcast %mul3A_556 : i32 to vector<16xi32>
      %mul3A_558 = arith.muli %add3A_547, %mul3A_557 : vector<16xi32>
      %add3A_559 = vector.broadcast %shift_right_arithmetic3A_540 : i32 to vector<16xi32>
      %add3A_560 = arith.addi %mul3A_558, %add3A_559 : vector<16xi32>
      %mul3A_561 = arith.constant 0 : i32
      %mul3A_562 = vector.broadcast %mul3A_561 : i32 to vector<16xi32>
      %mul3A_563 = arith.muli %add3A_547, %mul3A_562 : vector<16xi32>
      tpu.vector_store_idx %arg7[%get3A_555, %add3A_560, %add3A_547], %mul3A_563 : memref<53x8x128xi32, #tpu.memory_space<vmem>>[vector<16xi32>, vector<16xi32>, vector<16xi32>], vector<16xi32>,
      %mul3A_564 = arith.constant 26 : i32
      %mul3A_565 = vector.broadcast %mul3A_564 : i32 to vector<16xi32>
      %mul3A_566 = arith.muli %add3A_547, %mul3A_565 : vector<16xi32>
      %add3A_567 = vector.broadcast %add3A_551 : i32 to vector<16xi32>
      %add3A_568 = arith.addi %mul3A_566, %add3A_567 : vector<16xi32>
      %gather3A_569 = tpu.vector_load_idx %arg5[%add3A_568] : memref<3328xf32, #tpu.memory_space<vmem>>[vector<16xi32>], vector<16xf32>,
      %mul3A_570 = arith.constant 0 : i32
      %mul3A_571 = vector.broadcast %mul3A_570 : i32 to vector<16xi32>
      %mul3A_572 = arith.muli %add3A_547, %mul3A_571 : vector<16xi32>
      %and3A_573 = arith.constant 3 : i32
      %and3A_574 = arith.andi %shift_right_arithmetic3A_540, %and3A_573 : i32
      %add3A_575 = vector.broadcast %and3A_574 : i32 to vector<16xi32>
      %add3A_576 = arith.addi %mul3A_572, %add3A_575 : vector<16xi32>
      %gather3A_577 = tpu.vector_load_idx %arg6[%add3A_576] : memref<4xf32, #tpu.memory_space<vmem>>[vector<16xi32>], vector<16xf32>,
      %sub3A_578 = arith.subf %gather3A_569, %gather3A_577 : vector<16xf32>
      %abs3A_579 = math.absf %sub3A_578 : vector<16xf32>
      %mul3A_580 = arith.constant 1.000000e+01 : f32
      %mul3A_581 = vector.broadcast %mul3A_580 : f32 to vector<16xf32>
      %mul3A_582 = arith.mulf %mul3A_581, %abs3A_579 : vector<16xf32>
      %div3A_583 = arith.constant 1.000000e+00 : f32
      %div3A_584 = vector.broadcast %div3A_583 : f32 to vector<16xf32>
      %div3A_585 = arith.divf %mul3A_582, %div3A_584 : vector<16xf32>
      %add3A_586 = arith.constant 1.000000e+00 : f32
      %add3A_587 = vector.broadcast %add3A_586 : f32 to vector<16xf32>
      %add3A_588 = arith.addf %div3A_585, %add3A_587 : vector<16xf32>
      %convert_element_type3A_589 = arith.fptosi %add3A_588 : vector<16xf32> to vector<16xi32>
      %jit3A_590 = arith.constant 0 : i32
      %jit3A_591 = arith.constant 52 : i32
      %max3A_592 = vector.broadcast %jit3A_590 : i32 to vector<16xi32>
      %max3A_593 = arith.maxsi %max3A_592, %convert_element_type3A_589 : vector<16xi32>
      %min3A_594 = vector.broadcast %jit3A_591 : i32 to vector<16xi32>
      %min3A_595 = arith.minsi %min3A_594, %max3A_593 : vector<16xi32>
      %mul3A_596 = arith.constant 16 : i32
      %mul3A_597 = arith.muli %add3A_538, %mul3A_596 : i32
      %swap3A_598 = arith.index_cast %mul3A_597 : i32 to index
      %swap3A_599 = tpu.vector_load %arg9[%swap3A_598] {strides = array<i32>} : memref<1024xi32, #tpu.memory_space<vmem>>, vector<16xi32>,
      tpu.vector_store %arg9[%swap3A_598], %min3A_595 {strides = array<i32>} : memref<1024xi32, #tpu.memory_space<vmem>>, vector<16xi32>,
      %mul3A_600 = arith.constant 0 : i32
      %mul3A_601 = vector.broadcast %mul3A_600 : i32 to vector<16xi32>
      %mul3A_602 = arith.muli %add3A_547, %mul3A_601 : vector<16xi32>
      %add3A_603 = vector.broadcast %shift_right_arithmetic3A_540 : i32 to vector<16xi32>
      %add3A_604 = arith.addi %mul3A_602, %add3A_603 : vector<16xi32>
      %mul3A_605 = arith.constant 0 : i32
      %mul3A_606 = vector.broadcast %mul3A_605 : i32 to vector<16xi32>
      %mul3A_607 = arith.muli %add3A_547, %mul3A_606 : vector<16xi32>
      %add3A_608 = arith.constant 1 : i32
      %add3A_609 = vector.broadcast %add3A_608 : i32 to vector<16xi32>
      %add3A_610 = arith.addi %mul3A_607, %add3A_609 : vector<16xi32>
      tpu.vector_store_idx %arg7[%min3A_595, %add3A_604, %add3A_547], %add3A_610 : memref<53x8x128xi32, #tpu.memory_space<vmem>>[vector<16xi32>, vector<16xi32>, vector<16xi32>], vector<16xi32>,
      %mul3A_611 = arith.constant 4 : i32
      %mul3A_612 = arith.muli %scan3A_471, %mul3A_611 : i32
      %add3A_613 = arith.constant 2 : i32
      %add3A_614 = arith.addi %mul3A_612, %add3A_613 : i32
      %shift_right_arithmetic3A_615 = arith.constant 3 : i32
      %shift_right_arithmetic3A_616 = arith.shrsi %add3A_614, %shift_right_arithmetic3A_615 : i32
      %and3A_617 = arith.constant 7 : i32
      %and3A_618 = arith.andi %add3A_614, %and3A_617 : i32
      %shift_left3A_619 = arith.constant 4 : i32
      %shift_left3A_620 = arith.shli %and3A_618, %shift_left3A_619 : i32
      %iota3A_621 = tpu.iota {dimensions = array<i32: 0>} : vector<16xi32>
      %add3A_622 = vector.broadcast %shift_left3A_620 : i32 to vector<16xi32>
      %add3A_623 = arith.addi %add3A_622, %iota3A_621 : vector<16xi32>
      %shift_right_arithmetic3A_624 = arith.constant 2 : i32
      %shift_right_arithmetic3A_625 = arith.shrsi %shift_right_arithmetic3A_616, %shift_right_arithmetic3A_624 : i32
      %add3A_626 = arith.constant 16 : i32
      %add3A_627 = arith.addi %add3A_626, %shift_right_arithmetic3A_625 : i32
      %mul3A_628 = arith.constant 16 : i32
      %mul3A_629 = arith.muli %add3A_614, %mul3A_628 : i32
      %get3A_630 = arith.index_cast %mul3A_629 : i32 to index
      %get3A_631 = tpu.vector_load %arg9[%get3A_630] {strides = array<i32>} : memref<1024xi32, #tpu.memory_space<vmem>>, vector<16xi32>,
      %mul3A_632 = arith.constant 0 : i32
      %mul3A_633 = vector.broadcast %mul3A_632 : i32 to vector<16xi32>
      %mul3A_634 = arith.muli %add3A_623, %mul3A_633 : vector<16xi32>
      %add3A_635 = vector.broadcast %shift_right_arithmetic3A_616 : i32 to vector<16xi32>
      %add3A_636 = arith.addi %mul3A_634, %add3A_635 : vector<16xi32>
      %mul3A_637 = arith.constant 0 : i32
      %mul3A_638 = vector.broadcast %mul3A_637 : i32 to vector<16xi32>
      %mul3A_639 = arith.muli %add3A_623, %mul3A_638 : vector<16xi32>
      tpu.vector_store_idx %arg7[%get3A_631, %add3A_636, %add3A_623], %mul3A_639 : memref<53x8x128xi32, #tpu.memory_space<vmem>>[vector<16xi32>, vector<16xi32>, vector<16xi32>], vector<16xi32>,
      %mul3A_640 = arith.constant 26 : i32
      %mul3A_641 = vector.broadcast %mul3A_640 : i32 to vector<16xi32>
      %mul3A_642 = arith.muli %add3A_623, %mul3A_641 : vector<16xi32>
      %add3A_643 = vector.broadcast %add3A_627 : i32 to vector<16xi32>
      %add3A_644 = arith.addi %mul3A_642, %add3A_643 : vector<16xi32>
      %gather3A_645 = tpu.vector_load_idx %arg5[%add3A_644] : memref<3328xf32, #tpu.memory_space<vmem>>[vector<16xi32>], vector<16xf32>,
      %mul3A_646 = arith.constant 0 : i32
      %mul3A_647 = vector.broadcast %mul3A_646 : i32 to vector<16xi32>
      %mul3A_648 = arith.muli %add3A_623, %mul3A_647 : vector<16xi32>
      %and3A_649 = arith.constant 3 : i32
      %and3A_650 = arith.andi %shift_right_arithmetic3A_616, %and3A_649 : i32
      %add3A_651 = vector.broadcast %and3A_650 : i32 to vector<16xi32>
      %add3A_652 = arith.addi %mul3A_648, %add3A_651 : vector<16xi32>
      %gather3A_653 = tpu.vector_load_idx %arg6[%add3A_652] : memref<4xf32, #tpu.memory_space<vmem>>[vector<16xi32>], vector<16xf32>,
      %sub3A_654 = arith.subf %gather3A_645, %gather3A_653 : vector<16xf32>
      %abs3A_655 = math.absf %sub3A_654 : vector<16xf32>
      %mul3A_656 = arith.constant 1.000000e+01 : f32
      %mul3A_657 = vector.broadcast %mul3A_656 : f32 to vector<16xf32>
      %mul3A_658 = arith.mulf %mul3A_657, %abs3A_655 : vector<16xf32>
      %div3A_659 = arith.constant 1.000000e+00 : f32
      %div3A_660 = vector.broadcast %div3A_659 : f32 to vector<16xf32>
      %div3A_661 = arith.divf %mul3A_658, %div3A_660 : vector<16xf32>
      %add3A_662 = arith.constant 1.000000e+00 : f32
      %add3A_663 = vector.broadcast %add3A_662 : f32 to vector<16xf32>
      %add3A_664 = arith.addf %div3A_661, %add3A_663 : vector<16xf32>
      %convert_element_type3A_665 = arith.fptosi %add3A_664 : vector<16xf32> to vector<16xi32>
      %jit3A_666 = arith.constant 0 : i32
      %jit3A_667 = arith.constant 52 : i32
      %max3A_668 = vector.broadcast %jit3A_666 : i32 to vector<16xi32>
      %max3A_669 = arith.maxsi %max3A_668, %convert_element_type3A_665 : vector<16xi32>
      %min3A_670 = vector.broadcast %jit3A_667 : i32 to vector<16xi32>
      %min3A_671 = arith.minsi %min3A_670, %max3A_669 : vector<16xi32>
      %mul3A_672 = arith.constant 16 : i32
      %mul3A_673 = arith.muli %add3A_614, %mul3A_672 : i32
      %swap3A_674 = arith.index_cast %mul3A_673 : i32 to index
      %swap3A_675 = tpu.vector_load %arg9[%swap3A_674] {strides = array<i32>} : memref<1024xi32, #tpu.memory_space<vmem>>, vector<16xi32>,
      tpu.vector_store %arg9[%swap3A_674], %min3A_671 {strides = array<i32>} : memref<1024xi32, #tpu.memory_space<vmem>>, vector<16xi32>,
      %mul3A_676 = arith.constant 0 : i32
      %mul3A_677 = vector.broadcast %mul3A_676 : i32 to vector<16xi32>
      %mul3A_678 = arith.muli %add3A_623, %mul3A_677 : vector<16xi32>
      %add3A_679 = vector.broadcast %shift_right_arithmetic3A_616 : i32 to vector<16xi32>
      %add3A_680 = arith.addi %mul3A_678, %add3A_679 : vector<16xi32>
      %mul3A_681 = arith.constant 0 : i32
      %mul3A_682 = vector.broadcast %mul3A_681 : i32 to vector<16xi32>
      %mul3A_683 = arith.muli %add3A_623, %mul3A_682 : vector<16xi32>
      %add3A_684 = arith.constant 1 : i32
      %add3A_685 = vector.broadcast %add3A_684 : i32 to vector<16xi32>
      %add3A_686 = arith.addi %mul3A_683, %add3A_685 : vector<16xi32>
      tpu.vector_store_idx %arg7[%min3A_671, %add3A_680, %add3A_623], %add3A_686 : memref<53x8x128xi32, #tpu.memory_space<vmem>>[vector<16xi32>, vector<16xi32>, vector<16xi32>], vector<16xi32>,
      %mul3A_687 = arith.constant 4 : i32
      %mul3A_688 = arith.muli %scan3A_471, %mul3A_687 : i32
      %add3A_689 = arith.constant 3 : i32
      %add3A_690 = arith.addi %mul3A_688, %add3A_689 : i32
      %shift_right_arithmetic3A_691 = arith.constant 3 : i32
      %shift_right_arithmetic3A_692 = arith.shrsi %add3A_690, %shift_right_arithmetic3A_691 : i32
      %and3A_693 = arith.constant 7 : i32
      %and3A_694 = arith.andi %add3A_690, %and3A_693 : i32
      %shift_left3A_695 = arith.constant 4 : i32
      %shift_left3A_696 = arith.shli %and3A_694, %shift_left3A_695 : i32
      %iota3A_697 = tpu.iota {dimensions = array<i32: 0>} : vector<16xi32>
      %add3A_698 = vector.broadcast %shift_left3A_696 : i32 to vector<16xi32>
      %add3A_699 = arith.addi %add3A_698, %iota3A_697 : vector<16xi32>
      %shift_right_arithmetic3A_700 = arith.constant 2 : i32
      %shift_right_arithmetic3A_701 = arith.shrsi %shift_right_arithmetic3A_692, %shift_right_arithmetic3A_700 : i32
      %add3A_702 = arith.constant 16 : i32
      %add3A_703 = arith.addi %add3A_702, %shift_right_arithmetic3A_701 : i32
      %mul3A_704 = arith.constant 16 : i32
      %mul3A_705 = arith.muli %add3A_690, %mul3A_704 : i32
      %get3A_706 = arith.index_cast %mul3A_705 : i32 to index
      %get3A_707 = tpu.vector_load %arg9[%get3A_706] {strides = array<i32>} : memref<1024xi32, #tpu.memory_space<vmem>>, vector<16xi32>,
      %mul3A_708 = arith.constant 0 : i32
      %mul3A_709 = vector.broadcast %mul3A_708 : i32 to vector<16xi32>
      %mul3A_710 = arith.muli %add3A_699, %mul3A_709 : vector<16xi32>
      %add3A_711 = vector.broadcast %shift_right_arithmetic3A_692 : i32 to vector<16xi32>
      %add3A_712 = arith.addi %mul3A_710, %add3A_711 : vector<16xi32>
      %mul3A_713 = arith.constant 0 : i32
      %mul3A_714 = vector.broadcast %mul3A_713 : i32 to vector<16xi32>
      %mul3A_715 = arith.muli %add3A_699, %mul3A_714 : vector<16xi32>
      tpu.vector_store_idx %arg7[%get3A_707, %add3A_712, %add3A_699], %mul3A_715 : memref<53x8x128xi32, #tpu.memory_space<vmem>>[vector<16xi32>, vector<16xi32>, vector<16xi32>], vector<16xi32>,
      %mul3A_716 = arith.constant 26 : i32
      %mul3A_717 = vector.broadcast %mul3A_716 : i32 to vector<16xi32>
      %mul3A_718 = arith.muli %add3A_699, %mul3A_717 : vector<16xi32>
      %add3A_719 = vector.broadcast %add3A_703 : i32 to vector<16xi32>
      %add3A_720 = arith.addi %mul3A_718, %add3A_719 : vector<16xi32>
      %gather3A_721 = tpu.vector_load_idx %arg5[%add3A_720] : memref<3328xf32, #tpu.memory_space<vmem>>[vector<16xi32>], vector<16xf32>,
      %mul3A_722 = arith.constant 0 : i32
      %mul3A_723 = vector.broadcast %mul3A_722 : i32 to vector<16xi32>
      %mul3A_724 = arith.muli %add3A_699, %mul3A_723 : vector<16xi32>
      %and3A_725 = arith.constant 3 : i32
      %and3A_726 = arith.andi %shift_right_arithmetic3A_692, %and3A_725 : i32
      %add3A_727 = vector.broadcast %and3A_726 : i32 to vector<16xi32>
      %add3A_728 = arith.addi %mul3A_724, %add3A_727 : vector<16xi32>
      %gather3A_729 = tpu.vector_load_idx %arg6[%add3A_728] : memref<4xf32, #tpu.memory_space<vmem>>[vector<16xi32>], vector<16xf32>,
      %sub3A_730 = arith.subf %gather3A_721, %gather3A_729 : vector<16xf32>
      %abs3A_731 = math.absf %sub3A_730 : vector<16xf32>
      %mul3A_732 = arith.constant 1.000000e+01 : f32
      %mul3A_733 = vector.broadcast %mul3A_732 : f32 to vector<16xf32>
      %mul3A_734 = arith.mulf %mul3A_733, %abs3A_731 : vector<16xf32>
      %div3A_735 = arith.constant 1.000000e+00 : f32
      %div3A_736 = vector.broadcast %div3A_735 : f32 to vector<16xf32>
      %div3A_737 = arith.divf %mul3A_734, %div3A_736 : vector<16xf32>
      %add3A_738 = arith.constant 1.000000e+00 : f32
      %add3A_739 = vector.broadcast %add3A_738 : f32 to vector<16xf32>
      %add3A_740 = arith.addf %div3A_737, %add3A_739 : vector<16xf32>
      %convert_element_type3A_741 = arith.fptosi %add3A_740 : vector<16xf32> to vector<16xi32>
      %jit3A_742 = arith.constant 0 : i32
      %jit3A_743 = arith.constant 52 : i32
      %max3A_744 = vector.broadcast %jit3A_742 : i32 to vector<16xi32>
      %max3A_745 = arith.maxsi %max3A_744, %convert_element_type3A_741 : vector<16xi32>
      %min3A_746 = vector.broadcast %jit3A_743 : i32 to vector<16xi32>
      %min3A_747 = arith.minsi %min3A_746, %max3A_745 : vector<16xi32>
      %mul3A_748 = arith.constant 16 : i32
      %mul3A_749 = arith.muli %add3A_690, %mul3A_748 : i32
      %swap3A_750 = arith.index_cast %mul3A_749 : i32 to index
      %swap3A_751 = tpu.vector_load %arg9[%swap3A_750] {strides = array<i32>} : memref<1024xi32, #tpu.memory_space<vmem>>, vector<16xi32>,
      tpu.vector_store %arg9[%swap3A_750], %min3A_747 {strides = array<i32>} : memref<1024xi32, #tpu.memory_space<vmem>>, vector<16xi32>,
      %mul3A_752 = arith.constant 0 : i32
      %mul3A_753 = vector.broadcast %mul3A_752 : i32 to vector<16xi32>
      %mul3A_754 = arith.muli %add3A_699, %mul3A_753 : vector<16xi32>
      %add3A_755 = vector.broadcast %shift_right_arithmetic3A_692 : i32 to vector<16xi32>
      %add3A_756 = arith.addi %mul3A_754, %add3A_755 : vector<16xi32>
      %mul3A_757 = arith.constant 0 : i32
      %mul3A_758 = vector.broadcast %mul3A_757 : i32 to vector<16xi32>
      %mul3A_759 = arith.muli %add3A_699, %mul3A_758 : vector<16xi32>
      %add3A_760 = arith.constant 1 : i32
      %add3A_761 = vector.broadcast %add3A_760 : i32 to vector<16xi32>
      %add3A_762 = arith.addi %mul3A_759, %add3A_761 : vector<16xi32>
      tpu.vector_store_idx %arg7[%min3A_747, %add3A_756, %add3A_699], %add3A_762 : memref<53x8x128xi32, #tpu.memory_space<vmem>>[vector<16xi32>, vector<16xi32>, vector<16xi32>], vector<16xi32>,
      %scan3A_763 = arith.constant 0 : i32
      scf.yield %scan3A_763 : i32
    }
    %scan3A_288 = arith.constant 16 : i32
    %dma_start3A_289 = arith.constant 0 : i32
    %dma_start3A_290 = arith.constant 0 : i32
    %dma_start3A_291 = arith.constant 0 : i32
    %dma_start3A_292 = tpu.memref_slice %arg7[%dma_start3A_289, %dma_start3A_290, %dma_start3A_291] : memref<53x8x128xi32, #tpu.memory_space<vmem>> -> memref<51x8x128xi32, #tpu.memory_space<vmem>>
    %dma_start3A_293 = arith.constant 0 : i32
    %dma_start3A_294 = arith.constant 64 : i32
    %dma_start3A_295 = tpu.memref_slice %arg4[%dma_start3A_293, %dma_start3A_294, %mul3A_2] : memref<51x104x4096xi32, #tpu.memory_space<hbm>> -> memref<51x8x128xi32, #tpu.memory_space<hbm>>
    %dma_start3A_296 = arith.constant 0 : i32
    %dma_start3A_297 = arith.constant 64 : i32
    %dma_start3A_298 = tpu.memref_slice %arg4[%dma_start3A_296, %dma_start3A_297, %mul3A_2] : memref<51x104x4096xi32, #tpu.memory_space<hbm>> -> memref<51x8x128xi32, #tpu.memory_space<hbm>>
    %dma_start3A_299 = arith.constant 0 : i32
    %dma_start3A_300 = arith.constant 0 : i32
    %dma_start3A_301 = arith.constant 0 : i32
    %dma_start3A_302 = tpu.memref_slice %arg7[%dma_start3A_299, %dma_start3A_300, %dma_start3A_301] : memref<53x8x128xi32, #tpu.memory_space<vmem>> -> memref<51x8x128xi32, #tpu.memory_space<vmem>>
    tpu.enqueue_dma source(%dma_start3A_302 : memref<51x8x128xi32, #tpu.memory_space<vmem>>) target(%dma_start3A_298 : memref<51x8x128xi32, #tpu.memory_space<hbm>>) target_semaphore(%arg11 : memref<!tpu.dma_semaphore, #tpu.memory_space<semaphore_mem>>)
    %dma_wait3A_303 = arith.constant 0 : i32
    %dma_wait3A_304 = arith.constant 0 : i32
    %dma_wait3A_305 = arith.constant 0 : i32
    %dma_wait3A_306 = tpu.memref_slice %arg8[%dma_wait3A_303, %dma_wait3A_304, %dma_wait3A_305] : memref<53x8x128xi32, #tpu.memory_space<vmem>> -> memref<51x8x128xi32, #tpu.memory_space<vmem>>
    %dma_wait3A_307 = arith.constant 0 : i32
    %dma_wait3A_308 = arith.constant 56 : i32
    %dma_wait3A_309 = tpu.memref_slice %arg4[%dma_wait3A_307, %dma_wait3A_308, %mul3A_2] : memref<51x104x4096xi32, #tpu.memory_space<hbm>> -> memref<51x8x128xi32, #tpu.memory_space<hbm>>
    %dma_wait3A_310 = arith.constant 0 : i32
    %dma_wait3A_311 = arith.constant 56 : i32
    %dma_wait3A_312 = tpu.memref_slice %arg4[%dma_wait3A_310, %dma_wait3A_311, %mul3A_2] : memref<51x104x4096xi32, #tpu.memory_space<hbm>> -> memref<51x8x128xi32, #tpu.memory_space<hbm>>
    %dma_wait3A_313 = arith.constant 0 : i32
    %dma_wait3A_314 = arith.constant 0 : i32
    %dma_wait3A_315 = arith.constant 0 : i32
    %dma_wait3A_316 = tpu.memref_slice %arg8[%dma_wait3A_313, %dma_wait3A_314, %dma_wait3A_315] : memref<53x8x128xi32, #tpu.memory_space<vmem>> -> memref<51x8x128xi32, #tpu.memory_space<vmem>>
    tpu.wait_dma2 semaphore(%arg12 : memref<!tpu.dma_semaphore, #tpu.memory_space<semaphore_mem>>) src(%dma_wait3A_316 : memref<51x8x128xi32, #tpu.memory_space<vmem>>) dst(%dma_wait3A_312 : memref<51x8x128xi32, #tpu.memory_space<hbm>>)
    %scan3A_317 = arith.constant 0 : i32
    %scan3A_318 = arith.constant 0 : i32
    %scan3A_319 = arith.constant 16 : i32
    %scan3A_320 = arith.addi %scan3A_318, %scan3A_319 : i32
    %scan3A_321 = arith.constant 1 : i32
    %scan3A_322 = scf.for %scan3A_471 = %scan3A_318 to %scan3A_320 step %scan3A_321 iter_args(%scan3A_472 = %scan3A_317) -> (i32)  : i32 {
      %mul3A_473 = arith.constant 4 : i32
      %mul3A_474 = arith.muli %scan3A_471, %mul3A_473 : i32
      %add3A_475 = arith.constant 0 : i32
      %add3A_476 = arith.addi %mul3A_474, %add3A_475 : i32
      %shift_right_arithmetic3A = arith.constant 3 : i32
      %shift_right_arithmetic3A_477 = arith.shrsi %add3A_476, %shift_right_arithmetic3A : i32
      %and3A = arith.constant 7 : i32
      %and3A_478 = arith.andi %add3A_476, %and3A : i32
      %shift_left3A = arith.constant 4 : i32
      %shift_left3A_479 = arith.shli %and3A_478, %shift_left3A : i32
      %iota3A = tpu.iota {dimensions = array<i32: 0>} : vector<16xi32>
      %add3A_480 = vector.broadcast %shift_left3A_479 : i32 to vector<16xi32>
      %add3A_481 = arith.addi %add3A_480, %iota3A : vector<16xi32>
      %shift_right_arithmetic3A_482 = arith.constant 2 : i32
      %shift_right_arithmetic3A_483 = arith.shrsi %shift_right_arithmetic3A_477, %shift_right_arithmetic3A_482 : i32
      %add3A_484 = arith.constant 18 : i32
      %add3A_485 = arith.addi %add3A_484, %shift_right_arithmetic3A_483 : i32
      %mul3A_486 = arith.constant 16 : i32
      %mul3A_487 = arith.muli %add3A_476, %mul3A_486 : i32
      %get3A = arith.index_cast %mul3A_487 : i32 to index
      %get3A_488 = tpu.vector_load %arg10[%get3A] {strides = array<i32>} : memref<1024xi32, #tpu.memory_space<vmem>>, vector<16xi32>,
      %mul3A_489 = arith.constant 0 : i32
      %mul3A_490 = vector.broadcast %mul3A_489 : i32 to vector<16xi32>
      %mul3A_491 = arith.muli %add3A_481, %mul3A_490 : vector<16xi32>
      %add3A_492 = vector.broadcast %shift_right_arithmetic3A_477 : i32 to vector<16xi32>
      %add3A_493 = arith.addi %mul3A_491, %add3A_492 : vector<16xi32>
      %mul3A_494 = arith.constant 0 : i32
      %mul3A_495 = vector.broadcast %mul3A_494 : i32 to vector<16xi32>
      %mul3A_496 = arith.muli %add3A_481, %mul3A_495 : vector<16xi32>
      tpu.vector_store_idx %arg8[%get3A_488, %add3A_493, %add3A_481], %mul3A_496 : memref<53x8x128xi32, #tpu.memory_space<vmem>>[vector<16xi32>, vector<16xi32>, vector<16xi32>], vector<16xi32>,
      %mul3A_497 = arith.constant 26 : i32
      %mul3A_498 = vector.broadcast %mul3A_497 : i32 to vector<16xi32>
      %mul3A_499 = arith.muli %add3A_481, %mul3A_498 : vector<16xi32>
      %add3A_500 = vector.broadcast %add3A_485 : i32 to vector<16xi32>
      %add3A_501 = arith.addi %mul3A_499, %add3A_500 : vector<16xi32>
      %gather3A = tpu.vector_load_idx %arg5[%add3A_501] : memref<3328xf32, #tpu.memory_space<vmem>>[vector<16xi32>], vector<16xf32>,
      %mul3A_502 = arith.constant 0 : i32
      %mul3A_503 = vector.broadcast %mul3A_502 : i32 to vector<16xi32>
      %mul3A_504 = arith.muli %add3A_481, %mul3A_503 : vector<16xi32>
      %and3A_505 = arith.constant 3 : i32
      %and3A_506 = arith.andi %shift_right_arithmetic3A_477, %and3A_505 : i32
      %add3A_507 = vector.broadcast %and3A_506 : i32 to vector<16xi32>
      %add3A_508 = arith.addi %mul3A_504, %add3A_507 : vector<16xi32>
      %gather3A_509 = tpu.vector_load_idx %arg6[%add3A_508] : memref<4xf32, #tpu.memory_space<vmem>>[vector<16xi32>], vector<16xf32>,
      %sub3A = arith.subf %gather3A, %gather3A_509 : vector<16xf32>
      %abs3A = math.absf %sub3A : vector<16xf32>
      %mul3A_510 = arith.constant 1.000000e+01 : f32
      %mul3A_511 = vector.broadcast %mul3A_510 : f32 to vector<16xf32>
      %mul3A_512 = arith.mulf %mul3A_511, %abs3A : vector<16xf32>
      %div3A = arith.constant 1.000000e+00 : f32
      %div3A_513 = vector.broadcast %div3A : f32 to vector<16xf32>
      %div3A_514 = arith.divf %mul3A_512, %div3A_513 : vector<16xf32>
      %add3A_515 = arith.constant 1.000000e+00 : f32
      %add3A_516 = vector.broadcast %add3A_515 : f32 to vector<16xf32>
      %add3A_517 = arith.addf %div3A_514, %add3A_516 : vector<16xf32>
      %convert_element_type3A = arith.fptosi %add3A_517 : vector<16xf32> to vector<16xi32>
      %jit3A = arith.constant 0 : i32
      %jit3A_518 = arith.constant 52 : i32
      %max3A = vector.broadcast %jit3A : i32 to vector<16xi32>
      %max3A_519 = arith.maxsi %max3A, %convert_element_type3A : vector<16xi32>
      %min3A = vector.broadcast %jit3A_518 : i32 to vector<16xi32>
      %min3A_520 = arith.minsi %min3A, %max3A_519 : vector<16xi32>
      %mul3A_521 = arith.constant 16 : i32
      %mul3A_522 = arith.muli %add3A_476, %mul3A_521 : i32
      %swap3A = arith.index_cast %mul3A_522 : i32 to index
      %swap3A_523 = tpu.vector_load %arg10[%swap3A] {strides = array<i32>} : memref<1024xi32, #tpu.memory_space<vmem>>, vector<16xi32>,
      tpu.vector_store %arg10[%swap3A], %min3A_520 {strides = array<i32>} : memref<1024xi32, #tpu.memory_space<vmem>>, vector<16xi32>,
      %mul3A_524 = arith.constant 0 : i32
      %mul3A_525 = vector.broadcast %mul3A_524 : i32 to vector<16xi32>
      %mul3A_526 = arith.muli %add3A_481, %mul3A_525 : vector<16xi32>
      %add3A_527 = vector.broadcast %shift_right_arithmetic3A_477 : i32 to vector<16xi32>
      %add3A_528 = arith.addi %mul3A_526, %add3A_527 : vector<16xi32>
      %mul3A_529 = arith.constant 0 : i32
      %mul3A_530 = vector.broadcast %mul3A_529 : i32 to vector<16xi32>
      %mul3A_531 = arith.muli %add3A_481, %mul3A_530 : vector<16xi32>
      %add3A_532 = arith.constant 1 : i32
      %add3A_533 = vector.broadcast %add3A_532 : i32 to vector<16xi32>
      %add3A_534 = arith.addi %mul3A_531, %add3A_533 : vector<16xi32>
      tpu.vector_store_idx %arg8[%min3A_520, %add3A_528, %add3A_481], %add3A_534 : memref<53x8x128xi32, #tpu.memory_space<vmem>>[vector<16xi32>, vector<16xi32>, vector<16xi32>], vector<16xi32>,
      %mul3A_535 = arith.constant 4 : i32
      %mul3A_536 = arith.muli %scan3A_471, %mul3A_535 : i32
      %add3A_537 = arith.constant 1 : i32
      %add3A_538 = arith.addi %mul3A_536, %add3A_537 : i32
      %shift_right_arithmetic3A_539 = arith.constant 3 : i32
      %shift_right_arithmetic3A_540 = arith.shrsi %add3A_538, %shift_right_arithmetic3A_539 : i32
      %and3A_541 = arith.constant 7 : i32
      %and3A_542 = arith.andi %add3A_538, %and3A_541 : i32
      %shift_left3A_543 = arith.constant 4 : i32
      %shift_left3A_544 = arith.shli %and3A_542, %shift_left3A_543 : i32
      %iota3A_545 = tpu.iota {dimensions = array<i32: 0>} : vector<16xi32>
      %add3A_546 = vector.broadcast %shift_left3A_544 : i32 to vector<16xi32>
      %add3A_547 = arith.addi %add3A_546, %iota3A_545 : vector<16xi32>
      %shift_right_arithmetic3A_548 = arith.constant 2 : i32
      %shift_right_arithmetic3A_549 = arith.shrsi %shift_right_arithmetic3A_540, %shift_right_arithmetic3A_548 : i32
      %add3A_550 = arith.constant 18 : i32
      %add3A_551 = arith.addi %add3A_550, %shift_right_arithmetic3A_549 : i32
      %mul3A_552 = arith.constant 16 : i32
      %mul3A_553 = arith.muli %add3A_538, %mul3A_552 : i32
      %get3A_554 = arith.index_cast %mul3A_553 : i32 to index
      %get3A_555 = tpu.vector_load %arg10[%get3A_554] {strides = array<i32>} : memref<1024xi32, #tpu.memory_space<vmem>>, vector<16xi32>,
      %mul3A_556 = arith.constant 0 : i32
      %mul3A_557 = vector.broadcast %mul3A_556 : i32 to vector<16xi32>
      %mul3A_558 = arith.muli %add3A_547, %mul3A_557 : vector<16xi32>
      %add3A_559 = vector.broadcast %shift_right_arithmetic3A_540 : i32 to vector<16xi32>
      %add3A_560 = arith.addi %mul3A_558, %add3A_559 : vector<16xi32>
      %mul3A_561 = arith.constant 0 : i32
      %mul3A_562 = vector.broadcast %mul3A_561 : i32 to vector<16xi32>
      %mul3A_563 = arith.muli %add3A_547, %mul3A_562 : vector<16xi32>
      tpu.vector_store_idx %arg8[%get3A_555, %add3A_560, %add3A_547], %mul3A_563 : memref<53x8x128xi32, #tpu.memory_space<vmem>>[vector<16xi32>, vector<16xi32>, vector<16xi32>], vector<16xi32>,
      %mul3A_564 = arith.constant 26 : i32
      %mul3A_565 = vector.broadcast %mul3A_564 : i32 to vector<16xi32>
      %mul3A_566 = arith.muli %add3A_547, %mul3A_565 : vector<16xi32>
      %add3A_567 = vector.broadcast %add3A_551 : i32 to vector<16xi32>
      %add3A_568 = arith.addi %mul3A_566, %add3A_567 : vector<16xi32>
      %gather3A_569 = tpu.vector_load_idx %arg5[%add3A_568] : memref<3328xf32, #tpu.memory_space<vmem>>[vector<16xi32>], vector<16xf32>,
      %mul3A_570 = arith.constant 0 : i32
      %mul3A_571 = vector.broadcast %mul3A_570 : i32 to vector<16xi32>
      %mul3A_572 = arith.muli %add3A_547, %mul3A_571 : vector<16xi32>
      %and3A_573 = arith.constant 3 : i32
      %and3A_574 = arith.andi %shift_right_arithmetic3A_540, %and3A_573 : i32
      %add3A_575 = vector.broadcast %and3A_574 : i32 to vector<16xi32>
      %add3A_576 = arith.addi %mul3A_572, %add3A_575 : vector<16xi32>
      %gather3A_577 = tpu.vector_load_idx %arg6[%add3A_576] : memref<4xf32, #tpu.memory_space<vmem>>[vector<16xi32>], vector<16xf32>,
      %sub3A_578 = arith.subf %gather3A_569, %gather3A_577 : vector<16xf32>
      %abs3A_579 = math.absf %sub3A_578 : vector<16xf32>
      %mul3A_580 = arith.constant 1.000000e+01 : f32
      %mul3A_581 = vector.broadcast %mul3A_580 : f32 to vector<16xf32>
      %mul3A_582 = arith.mulf %mul3A_581, %abs3A_579 : vector<16xf32>
      %div3A_583 = arith.constant 1.000000e+00 : f32
      %div3A_584 = vector.broadcast %div3A_583 : f32 to vector<16xf32>
      %div3A_585 = arith.divf %mul3A_582, %div3A_584 : vector<16xf32>
      %add3A_586 = arith.constant 1.000000e+00 : f32
      %add3A_587 = vector.broadcast %add3A_586 : f32 to vector<16xf32>
      %add3A_588 = arith.addf %div3A_585, %add3A_587 : vector<16xf32>
      %convert_element_type3A_589 = arith.fptosi %add3A_588 : vector<16xf32> to vector<16xi32>
      %jit3A_590 = arith.constant 0 : i32
      %jit3A_591 = arith.constant 52 : i32
      %max3A_592 = vector.broadcast %jit3A_590 : i32 to vector<16xi32>
      %max3A_593 = arith.maxsi %max3A_592, %convert_element_type3A_589 : vector<16xi32>
      %min3A_594 = vector.broadcast %jit3A_591 : i32 to vector<16xi32>
      %min3A_595 = arith.minsi %min3A_594, %max3A_593 : vector<16xi32>
      %mul3A_596 = arith.constant 16 : i32
      %mul3A_597 = arith.muli %add3A_538, %mul3A_596 : i32
      %swap3A_598 = arith.index_cast %mul3A_597 : i32 to index
      %swap3A_599 = tpu.vector_load %arg10[%swap3A_598] {strides = array<i32>} : memref<1024xi32, #tpu.memory_space<vmem>>, vector<16xi32>,
      tpu.vector_store %arg10[%swap3A_598], %min3A_595 {strides = array<i32>} : memref<1024xi32, #tpu.memory_space<vmem>>, vector<16xi32>,
      %mul3A_600 = arith.constant 0 : i32
      %mul3A_601 = vector.broadcast %mul3A_600 : i32 to vector<16xi32>
      %mul3A_602 = arith.muli %add3A_547, %mul3A_601 : vector<16xi32>
      %add3A_603 = vector.broadcast %shift_right_arithmetic3A_540 : i32 to vector<16xi32>
      %add3A_604 = arith.addi %mul3A_602, %add3A_603 : vector<16xi32>
      %mul3A_605 = arith.constant 0 : i32
      %mul3A_606 = vector.broadcast %mul3A_605 : i32 to vector<16xi32>
      %mul3A_607 = arith.muli %add3A_547, %mul3A_606 : vector<16xi32>
      %add3A_608 = arith.constant 1 : i32
      %add3A_609 = vector.broadcast %add3A_608 : i32 to vector<16xi32>
      %add3A_610 = arith.addi %mul3A_607, %add3A_609 : vector<16xi32>
      tpu.vector_store_idx %arg8[%min3A_595, %add3A_604, %add3A_547], %add3A_610 : memref<53x8x128xi32, #tpu.memory_space<vmem>>[vector<16xi32>, vector<16xi32>, vector<16xi32>], vector<16xi32>,
      %mul3A_611 = arith.constant 4 : i32
      %mul3A_612 = arith.muli %scan3A_471, %mul3A_611 : i32
      %add3A_613 = arith.constant 2 : i32
      %add3A_614 = arith.addi %mul3A_612, %add3A_613 : i32
      %shift_right_arithmetic3A_615 = arith.constant 3 : i32
      %shift_right_arithmetic3A_616 = arith.shrsi %add3A_614, %shift_right_arithmetic3A_615 : i32
      %and3A_617 = arith.constant 7 : i32
      %and3A_618 = arith.andi %add3A_614, %and3A_617 : i32
      %shift_left3A_619 = arith.constant 4 : i32
      %shift_left3A_620 = arith.shli %and3A_618, %shift_left3A_619 : i32
      %iota3A_621 = tpu.iota {dimensions = array<i32: 0>} : vector<16xi32>
      %add3A_622 = vector.broadcast %shift_left3A_620 : i32 to vector<16xi32>
      %add3A_623 = arith.addi %add3A_622, %iota3A_621 : vector<16xi32>
      %shift_right_arithmetic3A_624 = arith.constant 2 : i32
      %shift_right_arithmetic3A_625 = arith.shrsi %shift_right_arithmetic3A_616, %shift_right_arithmetic3A_624 : i32
      %add3A_626 = arith.constant 18 : i32
      %add3A_627 = arith.addi %add3A_626, %shift_right_arithmetic3A_625 : i32
      %mul3A_628 = arith.constant 16 : i32
      %mul3A_629 = arith.muli %add3A_614, %mul3A_628 : i32
      %get3A_630 = arith.index_cast %mul3A_629 : i32 to index
      %get3A_631 = tpu.vector_load %arg10[%get3A_630] {strides = array<i32>} : memref<1024xi32, #tpu.memory_space<vmem>>, vector<16xi32>,
      %mul3A_632 = arith.constant 0 : i32
      %mul3A_633 = vector.broadcast %mul3A_632 : i32 to vector<16xi32>
      %mul3A_634 = arith.muli %add3A_623, %mul3A_633 : vector<16xi32>
      %add3A_635 = vector.broadcast %shift_right_arithmetic3A_616 : i32 to vector<16xi32>
      %add3A_636 = arith.addi %mul3A_634, %add3A_635 : vector<16xi32>
      %mul3A_637 = arith.constant 0 : i32
      %mul3A_638 = vector.broadcast %mul3A_637 : i32 to vector<16xi32>
      %mul3A_639 = arith.muli %add3A_623, %mul3A_638 : vector<16xi32>
      tpu.vector_store_idx %arg8[%get3A_631, %add3A_636, %add3A_623], %mul3A_639 : memref<53x8x128xi32, #tpu.memory_space<vmem>>[vector<16xi32>, vector<16xi32>, vector<16xi32>], vector<16xi32>,
      %mul3A_640 = arith.constant 26 : i32
      %mul3A_641 = vector.broadcast %mul3A_640 : i32 to vector<16xi32>
      %mul3A_642 = arith.muli %add3A_623, %mul3A_641 : vector<16xi32>
      %add3A_643 = vector.broadcast %add3A_627 : i32 to vector<16xi32>
      %add3A_644 = arith.addi %mul3A_642, %add3A_643 : vector<16xi32>
      %gather3A_645 = tpu.vector_load_idx %arg5[%add3A_644] : memref<3328xf32, #tpu.memory_space<vmem>>[vector<16xi32>], vector<16xf32>,
      %mul3A_646 = arith.constant 0 : i32
      %mul3A_647 = vector.broadcast %mul3A_646 : i32 to vector<16xi32>
      %mul3A_648 = arith.muli %add3A_623, %mul3A_647 : vector<16xi32>
      %and3A_649 = arith.constant 3 : i32
      %and3A_650 = arith.andi %shift_right_arithmetic3A_616, %and3A_649 : i32
      %add3A_651 = vector.broadcast %and3A_650 : i32 to vector<16xi32>
      %add3A_652 = arith.addi %mul3A_648, %add3A_651 : vector<16xi32>
      %gather3A_653 = tpu.vector_load_idx %arg6[%add3A_652] : memref<4xf32, #tpu.memory_space<vmem>>[vector<16xi32>], vector<16xf32>,
      %sub3A_654 = arith.subf %gather3A_645, %gather3A_653 : vector<16xf32>
      %abs3A_655 = math.absf %sub3A_654 : vector<16xf32>
      %mul3A_656 = arith.constant 1.000000e+01 : f32
      %mul3A_657 = vector.broadcast %mul3A_656 : f32 to vector<16xf32>
      %mul3A_658 = arith.mulf %mul3A_657, %abs3A_655 : vector<16xf32>
      %div3A_659 = arith.constant 1.000000e+00 : f32
      %div3A_660 = vector.broadcast %div3A_659 : f32 to vector<16xf32>
      %div3A_661 = arith.divf %mul3A_658, %div3A_660 : vector<16xf32>
      %add3A_662 = arith.constant 1.000000e+00 : f32
      %add3A_663 = vector.broadcast %add3A_662 : f32 to vector<16xf32>
      %add3A_664 = arith.addf %div3A_661, %add3A_663 : vector<16xf32>
      %convert_element_type3A_665 = arith.fptosi %add3A_664 : vector<16xf32> to vector<16xi32>
      %jit3A_666 = arith.constant 0 : i32
      %jit3A_667 = arith.constant 52 : i32
      %max3A_668 = vector.broadcast %jit3A_666 : i32 to vector<16xi32>
      %max3A_669 = arith.maxsi %max3A_668, %convert_element_type3A_665 : vector<16xi32>
      %min3A_670 = vector.broadcast %jit3A_667 : i32 to vector<16xi32>
      %min3A_671 = arith.minsi %min3A_670, %max3A_669 : vector<16xi32>
      %mul3A_672 = arith.constant 16 : i32
      %mul3A_673 = arith.muli %add3A_614, %mul3A_672 : i32
      %swap3A_674 = arith.index_cast %mul3A_673 : i32 to index
      %swap3A_675 = tpu.vector_load %arg10[%swap3A_674] {strides = array<i32>} : memref<1024xi32, #tpu.memory_space<vmem>>, vector<16xi32>,
      tpu.vector_store %arg10[%swap3A_674], %min3A_671 {strides = array<i32>} : memref<1024xi32, #tpu.memory_space<vmem>>, vector<16xi32>,
      %mul3A_676 = arith.constant 0 : i32
      %mul3A_677 = vector.broadcast %mul3A_676 : i32 to vector<16xi32>
      %mul3A_678 = arith.muli %add3A_623, %mul3A_677 : vector<16xi32>
      %add3A_679 = vector.broadcast %shift_right_arithmetic3A_616 : i32 to vector<16xi32>
      %add3A_680 = arith.addi %mul3A_678, %add3A_679 : vector<16xi32>
      %mul3A_681 = arith.constant 0 : i32
      %mul3A_682 = vector.broadcast %mul3A_681 : i32 to vector<16xi32>
      %mul3A_683 = arith.muli %add3A_623, %mul3A_682 : vector<16xi32>
      %add3A_684 = arith.constant 1 : i32
      %add3A_685 = vector.broadcast %add3A_684 : i32 to vector<16xi32>
      %add3A_686 = arith.addi %mul3A_683, %add3A_685 : vector<16xi32>
      tpu.vector_store_idx %arg8[%min3A_671, %add3A_680, %add3A_623], %add3A_686 : memref<53x8x128xi32, #tpu.memory_space<vmem>>[vector<16xi32>, vector<16xi32>, vector<16xi32>], vector<16xi32>,
      %mul3A_687 = arith.constant 4 : i32
      %mul3A_688 = arith.muli %scan3A_471, %mul3A_687 : i32
      %add3A_689 = arith.constant 3 : i32
      %add3A_690 = arith.addi %mul3A_688, %add3A_689 : i32
      %shift_right_arithmetic3A_691 = arith.constant 3 : i32
      %shift_right_arithmetic3A_692 = arith.shrsi %add3A_690, %shift_right_arithmetic3A_691 : i32
      %and3A_693 = arith.constant 7 : i32
      %and3A_694 = arith.andi %add3A_690, %and3A_693 : i32
      %shift_left3A_695 = arith.constant 4 : i32
      %shift_left3A_696 = arith.shli %and3A_694, %shift_left3A_695 : i32
      %iota3A_697 = tpu.iota {dimensions = array<i32: 0>} : vector<16xi32>
      %add3A_698 = vector.broadcast %shift_left3A_696 : i32 to vector<16xi32>
      %add3A_699 = arith.addi %add3A_698, %iota3A_697 : vector<16xi32>
      %shift_right_arithmetic3A_700 = arith.constant 2 : i32
      %shift_right_arithmetic3A_701 = arith.shrsi %shift_right_arithmetic3A_692, %shift_right_arithmetic3A_700 : i32
      %add3A_702 = arith.constant 18 : i32
      %add3A_703 = arith.addi %add3A_702, %shift_right_arithmetic3A_701 : i32
      %mul3A_704 = arith.constant 16 : i32
      %mul3A_705 = arith.muli %add3A_690, %mul3A_704 : i32
      %get3A_706 = arith.index_cast %mul3A_705 : i32 to index
      %get3A_707 = tpu.vector_load %arg10[%get3A_706] {strides = array<i32>} : memref<1024xi32, #tpu.memory_space<vmem>>, vector<16xi32>,
      %mul3A_708 = arith.constant 0 : i32
      %mul3A_709 = vector.broadcast %mul3A_708 : i32 to vector<16xi32>
      %mul3A_710 = arith.muli %add3A_699, %mul3A_709 : vector<16xi32>
      %add3A_711 = vector.broadcast %shift_right_arithmetic3A_692 : i32 to vector<16xi32>
      %add3A_712 = arith.addi %mul3A_710, %add3A_711 : vector<16xi32>
      %mul3A_713 = arith.constant 0 : i32
      %mul3A_714 = vector.broadcast %mul3A_713 : i32 to vector<16xi32>
      %mul3A_715 = arith.muli %add3A_699, %mul3A_714 : vector<16xi32>
      tpu.vector_store_idx %arg8[%get3A_707, %add3A_712, %add3A_699], %mul3A_715 : memref<53x8x128xi32, #tpu.memory_space<vmem>>[vector<16xi32>, vector<16xi32>, vector<16xi32>], vector<16xi32>,
      %mul3A_716 = arith.constant 26 : i32
      %mul3A_717 = vector.broadcast %mul3A_716 : i32 to vector<16xi32>
      %mul3A_718 = arith.muli %add3A_699, %mul3A_717 : vector<16xi32>
      %add3A_719 = vector.broadcast %add3A_703 : i32 to vector<16xi32>
      %add3A_720 = arith.addi %mul3A_718, %add3A_719 : vector<16xi32>
      %gather3A_721 = tpu.vector_load_idx %arg5[%add3A_720] : memref<3328xf32, #tpu.memory_space<vmem>>[vector<16xi32>], vector<16xf32>,
      %mul3A_722 = arith.constant 0 : i32
      %mul3A_723 = vector.broadcast %mul3A_722 : i32 to vector<16xi32>
      %mul3A_724 = arith.muli %add3A_699, %mul3A_723 : vector<16xi32>
      %and3A_725 = arith.constant 3 : i32
      %and3A_726 = arith.andi %shift_right_arithmetic3A_692, %and3A_725 : i32
      %add3A_727 = vector.broadcast %and3A_726 : i32 to vector<16xi32>
      %add3A_728 = arith.addi %mul3A_724, %add3A_727 : vector<16xi32>
      %gather3A_729 = tpu.vector_load_idx %arg6[%add3A_728] : memref<4xf32, #tpu.memory_space<vmem>>[vector<16xi32>], vector<16xf32>,
      %sub3A_730 = arith.subf %gather3A_721, %gather3A_729 : vector<16xf32>
      %abs3A_731 = math.absf %sub3A_730 : vector<16xf32>
      %mul3A_732 = arith.constant 1.000000e+01 : f32
      %mul3A_733 = vector.broadcast %mul3A_732 : f32 to vector<16xf32>
      %mul3A_734 = arith.mulf %mul3A_733, %abs3A_731 : vector<16xf32>
      %div3A_735 = arith.constant 1.000000e+00 : f32
      %div3A_736 = vector.broadcast %div3A_735 : f32 to vector<16xf32>
      %div3A_737 = arith.divf %mul3A_734, %div3A_736 : vector<16xf32>
      %add3A_738 = arith.constant 1.000000e+00 : f32
      %add3A_739 = vector.broadcast %add3A_738 : f32 to vector<16xf32>
      %add3A_740 = arith.addf %div3A_737, %add3A_739 : vector<16xf32>
      %convert_element_type3A_741 = arith.fptosi %add3A_740 : vector<16xf32> to vector<16xi32>
      %jit3A_742 = arith.constant 0 : i32
      %jit3A_743 = arith.constant 52 : i32
      %max3A_744 = vector.broadcast %jit3A_742 : i32 to vector<16xi32>
      %max3A_745 = arith.maxsi %max3A_744, %convert_element_type3A_741 : vector<16xi32>
      %min3A_746 = vector.broadcast %jit3A_743 : i32 to vector<16xi32>
      %min3A_747 = arith.minsi %min3A_746, %max3A_745 : vector<16xi32>
      %mul3A_748 = arith.constant 16 : i32
      %mul3A_749 = arith.muli %add3A_690, %mul3A_748 : i32
      %swap3A_750 = arith.index_cast %mul3A_749 : i32 to index
      %swap3A_751 = tpu.vector_load %arg10[%swap3A_750] {strides = array<i32>} : memref<1024xi32, #tpu.memory_space<vmem>>, vector<16xi32>,
      tpu.vector_store %arg10[%swap3A_750], %min3A_747 {strides = array<i32>} : memref<1024xi32, #tpu.memory_space<vmem>>, vector<16xi32>,
      %mul3A_752 = arith.constant 0 : i32
      %mul3A_753 = vector.broadcast %mul3A_752 : i32 to vector<16xi32>
      %mul3A_754 = arith.muli %add3A_699, %mul3A_753 : vector<16xi32>
      %add3A_755 = vector.broadcast %shift_right_arithmetic3A_692 : i32 to vector<16xi32>
      %add3A_756 = arith.addi %mul3A_754, %add3A_755 : vector<16xi32>
      %mul3A_757 = arith.constant 0 : i32
      %mul3A_758 = vector.broadcast %mul3A_757 : i32 to vector<16xi32>
      %mul3A_759 = arith.muli %add3A_699, %mul3A_758 : vector<16xi32>
      %add3A_760 = arith.constant 1 : i32
      %add3A_761 = vector.broadcast %add3A_760 : i32 to vector<16xi32>
      %add3A_762 = arith.addi %mul3A_759, %add3A_761 : vector<16xi32>
      tpu.vector_store_idx %arg8[%min3A_747, %add3A_756, %add3A_699], %add3A_762 : memref<53x8x128xi32, #tpu.memory_space<vmem>>[vector<16xi32>, vector<16xi32>, vector<16xi32>], vector<16xi32>,
      %scan3A_763 = arith.constant 0 : i32
      scf.yield %scan3A_763 : i32
    }
    %scan3A_323 = arith.constant 16 : i32
    %dma_start3A_324 = arith.constant 0 : i32
    %dma_start3A_325 = arith.constant 0 : i32
    %dma_start3A_326 = arith.constant 0 : i32
    %dma_start3A_327 = tpu.memref_slice %arg8[%dma_start3A_324, %dma_start3A_325, %dma_start3A_326] : memref<53x8x128xi32, #tpu.memory_space<vmem>> -> memref<51x8x128xi32, #tpu.memory_space<vmem>>
    %dma_start3A_328 = arith.constant 0 : i32
    %dma_start3A_329 = arith.constant 72 : i32
    %dma_start3A_330 = tpu.memref_slice %arg4[%dma_start3A_328, %dma_start3A_329, %mul3A_2] : memref<51x104x4096xi32, #tpu.memory_space<hbm>> -> memref<51x8x128xi32, #tpu.memory_space<hbm>>
    %dma_start3A_331 = arith.constant 0 : i32
    %dma_start3A_332 = arith.constant 72 : i32
    %dma_start3A_333 = tpu.memref_slice %arg4[%dma_start3A_331, %dma_start3A_332, %mul3A_2] : memref<51x104x4096xi32, #tpu.memory_space<hbm>> -> memref<51x8x128xi32, #tpu.memory_space<hbm>>
    %dma_start3A_334 = arith.constant 0 : i32
    %dma_start3A_335 = arith.constant 0 : i32
    %dma_start3A_336 = arith.constant 0 : i32
    %dma_start3A_337 = tpu.memref_slice %arg8[%dma_start3A_334, %dma_start3A_335, %dma_start3A_336] : memref<53x8x128xi32, #tpu.memory_space<vmem>> -> memref<51x8x128xi32, #tpu.memory_space<vmem>>
    tpu.enqueue_dma source(%dma_start3A_337 : memref<51x8x128xi32, #tpu.memory_space<vmem>>) target(%dma_start3A_333 : memref<51x8x128xi32, #tpu.memory_space<hbm>>) target_semaphore(%arg12 : memref<!tpu.dma_semaphore, #tpu.memory_space<semaphore_mem>>)
    %dma_wait3A_338 = arith.constant 0 : i32
    %dma_wait3A_339 = arith.constant 0 : i32
    %dma_wait3A_340 = arith.constant 0 : i32
    %dma_wait3A_341 = tpu.memref_slice %arg7[%dma_wait3A_338, %dma_wait3A_339, %dma_wait3A_340] : memref<53x8x128xi32, #tpu.memory_space<vmem>> -> memref<51x8x128xi32, #tpu.memory_space<vmem>>
    %dma_wait3A_342 = arith.constant 0 : i32
    %dma_wait3A_343 = arith.constant 64 : i32
    %dma_wait3A_344 = tpu.memref_slice %arg4[%dma_wait3A_342, %dma_wait3A_343, %mul3A_2] : memref<51x104x4096xi32, #tpu.memory_space<hbm>> -> memref<51x8x128xi32, #tpu.memory_space<hbm>>
    %dma_wait3A_345 = arith.constant 0 : i32
    %dma_wait3A_346 = arith.constant 64 : i32
    %dma_wait3A_347 = tpu.memref_slice %arg4[%dma_wait3A_345, %dma_wait3A_346, %mul3A_2] : memref<51x104x4096xi32, #tpu.memory_space<hbm>> -> memref<51x8x128xi32, #tpu.memory_space<hbm>>
    %dma_wait3A_348 = arith.constant 0 : i32
    %dma_wait3A_349 = arith.constant 0 : i32
    %dma_wait3A_350 = arith.constant 0 : i32
    %dma_wait3A_351 = tpu.memref_slice %arg7[%dma_wait3A_348, %dma_wait3A_349, %dma_wait3A_350] : memref<53x8x128xi32, #tpu.memory_space<vmem>> -> memref<51x8x128xi32, #tpu.memory_space<vmem>>
    tpu.wait_dma2 semaphore(%arg11 : memref<!tpu.dma_semaphore, #tpu.memory_space<semaphore_mem>>) src(%dma_wait3A_351 : memref<51x8x128xi32, #tpu.memory_space<vmem>>) dst(%dma_wait3A_347 : memref<51x8x128xi32, #tpu.memory_space<hbm>>)
    %scan3A_352 = arith.constant 0 : i32
    %scan3A_353 = arith.constant 0 : i32
    %scan3A_354 = arith.constant 16 : i32
    %scan3A_355 = arith.addi %scan3A_353, %scan3A_354 : i32
    %scan3A_356 = arith.constant 1 : i32
    %scan3A_357 = scf.for %scan3A_471 = %scan3A_353 to %scan3A_355 step %scan3A_356 iter_args(%scan3A_472 = %scan3A_352) -> (i32)  : i32 {
      %mul3A_473 = arith.constant 4 : i32
      %mul3A_474 = arith.muli %scan3A_471, %mul3A_473 : i32
      %add3A_475 = arith.constant 0 : i32
      %add3A_476 = arith.addi %mul3A_474, %add3A_475 : i32
      %shift_right_arithmetic3A = arith.constant 3 : i32
      %shift_right_arithmetic3A_477 = arith.shrsi %add3A_476, %shift_right_arithmetic3A : i32
      %and3A = arith.constant 7 : i32
      %and3A_478 = arith.andi %add3A_476, %and3A : i32
      %shift_left3A = arith.constant 4 : i32
      %shift_left3A_479 = arith.shli %and3A_478, %shift_left3A : i32
      %iota3A = tpu.iota {dimensions = array<i32: 0>} : vector<16xi32>
      %add3A_480 = vector.broadcast %shift_left3A_479 : i32 to vector<16xi32>
      %add3A_481 = arith.addi %add3A_480, %iota3A : vector<16xi32>
      %shift_right_arithmetic3A_482 = arith.constant 2 : i32
      %shift_right_arithmetic3A_483 = arith.shrsi %shift_right_arithmetic3A_477, %shift_right_arithmetic3A_482 : i32
      %add3A_484 = arith.constant 20 : i32
      %add3A_485 = arith.addi %add3A_484, %shift_right_arithmetic3A_483 : i32
      %mul3A_486 = arith.constant 16 : i32
      %mul3A_487 = arith.muli %add3A_476, %mul3A_486 : i32
      %get3A = arith.index_cast %mul3A_487 : i32 to index
      %get3A_488 = tpu.vector_load %arg9[%get3A] {strides = array<i32>} : memref<1024xi32, #tpu.memory_space<vmem>>, vector<16xi32>,
      %mul3A_489 = arith.constant 0 : i32
      %mul3A_490 = vector.broadcast %mul3A_489 : i32 to vector<16xi32>
      %mul3A_491 = arith.muli %add3A_481, %mul3A_490 : vector<16xi32>
      %add3A_492 = vector.broadcast %shift_right_arithmetic3A_477 : i32 to vector<16xi32>
      %add3A_493 = arith.addi %mul3A_491, %add3A_492 : vector<16xi32>
      %mul3A_494 = arith.constant 0 : i32
      %mul3A_495 = vector.broadcast %mul3A_494 : i32 to vector<16xi32>
      %mul3A_496 = arith.muli %add3A_481, %mul3A_495 : vector<16xi32>
      tpu.vector_store_idx %arg7[%get3A_488, %add3A_493, %add3A_481], %mul3A_496 : memref<53x8x128xi32, #tpu.memory_space<vmem>>[vector<16xi32>, vector<16xi32>, vector<16xi32>], vector<16xi32>,
      %mul3A_497 = arith.constant 26 : i32
      %mul3A_498 = vector.broadcast %mul3A_497 : i32 to vector<16xi32>
      %mul3A_499 = arith.muli %add3A_481, %mul3A_498 : vector<16xi32>
      %add3A_500 = vector.broadcast %add3A_485 : i32 to vector<16xi32>
      %add3A_501 = arith.addi %mul3A_499, %add3A_500 : vector<16xi32>
      %gather3A = tpu.vector_load_idx %arg5[%add3A_501] : memref<3328xf32, #tpu.memory_space<vmem>>[vector<16xi32>], vector<16xf32>,
      %mul3A_502 = arith.constant 0 : i32
      %mul3A_503 = vector.broadcast %mul3A_502 : i32 to vector<16xi32>
      %mul3A_504 = arith.muli %add3A_481, %mul3A_503 : vector<16xi32>
      %and3A_505 = arith.constant 3 : i32
      %and3A_506 = arith.andi %shift_right_arithmetic3A_477, %and3A_505 : i32
      %add3A_507 = vector.broadcast %and3A_506 : i32 to vector<16xi32>
      %add3A_508 = arith.addi %mul3A_504, %add3A_507 : vector<16xi32>
      %gather3A_509 = tpu.vector_load_idx %arg6[%add3A_508] : memref<4xf32, #tpu.memory_space<vmem>>[vector<16xi32>], vector<16xf32>,
      %sub3A = arith.subf %gather3A, %gather3A_509 : vector<16xf32>
      %abs3A = math.absf %sub3A : vector<16xf32>
      %mul3A_510 = arith.constant 1.000000e+01 : f32
      %mul3A_511 = vector.broadcast %mul3A_510 : f32 to vector<16xf32>
      %mul3A_512 = arith.mulf %mul3A_511, %abs3A : vector<16xf32>
      %div3A = arith.constant 1.000000e+00 : f32
      %div3A_513 = vector.broadcast %div3A : f32 to vector<16xf32>
      %div3A_514 = arith.divf %mul3A_512, %div3A_513 : vector<16xf32>
      %add3A_515 = arith.constant 1.000000e+00 : f32
      %add3A_516 = vector.broadcast %add3A_515 : f32 to vector<16xf32>
      %add3A_517 = arith.addf %div3A_514, %add3A_516 : vector<16xf32>
      %convert_element_type3A = arith.fptosi %add3A_517 : vector<16xf32> to vector<16xi32>
      %jit3A = arith.constant 0 : i32
      %jit3A_518 = arith.constant 52 : i32
      %max3A = vector.broadcast %jit3A : i32 to vector<16xi32>
      %max3A_519 = arith.maxsi %max3A, %convert_element_type3A : vector<16xi32>
      %min3A = vector.broadcast %jit3A_518 : i32 to vector<16xi32>
      %min3A_520 = arith.minsi %min3A, %max3A_519 : vector<16xi32>
      %mul3A_521 = arith.constant 16 : i32
      %mul3A_522 = arith.muli %add3A_476, %mul3A_521 : i32
      %swap3A = arith.index_cast %mul3A_522 : i32 to index
      %swap3A_523 = tpu.vector_load %arg9[%swap3A] {strides = array<i32>} : memref<1024xi32, #tpu.memory_space<vmem>>, vector<16xi32>,
      tpu.vector_store %arg9[%swap3A], %min3A_520 {strides = array<i32>} : memref<1024xi32, #tpu.memory_space<vmem>>, vector<16xi32>,
      %mul3A_524 = arith.constant 0 : i32
      %mul3A_525 = vector.broadcast %mul3A_524 : i32 to vector<16xi32>
      %mul3A_526 = arith.muli %add3A_481, %mul3A_525 : vector<16xi32>
      %add3A_527 = vector.broadcast %shift_right_arithmetic3A_477 : i32 to vector<16xi32>
      %add3A_528 = arith.addi %mul3A_526, %add3A_527 : vector<16xi32>
      %mul3A_529 = arith.constant 0 : i32
      %mul3A_530 = vector.broadcast %mul3A_529 : i32 to vector<16xi32>
      %mul3A_531 = arith.muli %add3A_481, %mul3A_530 : vector<16xi32>
      %add3A_532 = arith.constant 1 : i32
      %add3A_533 = vector.broadcast %add3A_532 : i32 to vector<16xi32>
      %add3A_534 = arith.addi %mul3A_531, %add3A_533 : vector<16xi32>
      tpu.vector_store_idx %arg7[%min3A_520, %add3A_528, %add3A_481], %add3A_534 : memref<53x8x128xi32, #tpu.memory_space<vmem>>[vector<16xi32>, vector<16xi32>, vector<16xi32>], vector<16xi32>,
      %mul3A_535 = arith.constant 4 : i32
      %mul3A_536 = arith.muli %scan3A_471, %mul3A_535 : i32
      %add3A_537 = arith.constant 1 : i32
      %add3A_538 = arith.addi %mul3A_536, %add3A_537 : i32
      %shift_right_arithmetic3A_539 = arith.constant 3 : i32
      %shift_right_arithmetic3A_540 = arith.shrsi %add3A_538, %shift_right_arithmetic3A_539 : i32
      %and3A_541 = arith.constant 7 : i32
      %and3A_542 = arith.andi %add3A_538, %and3A_541 : i32
      %shift_left3A_543 = arith.constant 4 : i32
      %shift_left3A_544 = arith.shli %and3A_542, %shift_left3A_543 : i32
      %iota3A_545 = tpu.iota {dimensions = array<i32: 0>} : vector<16xi32>
      %add3A_546 = vector.broadcast %shift_left3A_544 : i32 to vector<16xi32>
      %add3A_547 = arith.addi %add3A_546, %iota3A_545 : vector<16xi32>
      %shift_right_arithmetic3A_548 = arith.constant 2 : i32
      %shift_right_arithmetic3A_549 = arith.shrsi %shift_right_arithmetic3A_540, %shift_right_arithmetic3A_548 : i32
      %add3A_550 = arith.constant 20 : i32
      %add3A_551 = arith.addi %add3A_550, %shift_right_arithmetic3A_549 : i32
      %mul3A_552 = arith.constant 16 : i32
      %mul3A_553 = arith.muli %add3A_538, %mul3A_552 : i32
      %get3A_554 = arith.index_cast %mul3A_553 : i32 to index
      %get3A_555 = tpu.vector_load %arg9[%get3A_554] {strides = array<i32>} : memref<1024xi32, #tpu.memory_space<vmem>>, vector<16xi32>,
      %mul3A_556 = arith.constant 0 : i32
      %mul3A_557 = vector.broadcast %mul3A_556 : i32 to vector<16xi32>
      %mul3A_558 = arith.muli %add3A_547, %mul3A_557 : vector<16xi32>
      %add3A_559 = vector.broadcast %shift_right_arithmetic3A_540 : i32 to vector<16xi32>
      %add3A_560 = arith.addi %mul3A_558, %add3A_559 : vector<16xi32>
      %mul3A_561 = arith.constant 0 : i32
      %mul3A_562 = vector.broadcast %mul3A_561 : i32 to vector<16xi32>
      %mul3A_563 = arith.muli %add3A_547, %mul3A_562 : vector<16xi32>
      tpu.vector_store_idx %arg7[%get3A_555, %add3A_560, %add3A_547], %mul3A_563 : memref<53x8x128xi32, #tpu.memory_space<vmem>>[vector<16xi32>, vector<16xi32>, vector<16xi32>], vector<16xi32>,
      %mul3A_564 = arith.constant 26 : i32
      %mul3A_565 = vector.broadcast %mul3A_564 : i32 to vector<16xi32>
      %mul3A_566 = arith.muli %add3A_547, %mul3A_565 : vector<16xi32>
      %add3A_567 = vector.broadcast %add3A_551 : i32 to vector<16xi32>
      %add3A_568 = arith.addi %mul3A_566, %add3A_567 : vector<16xi32>
      %gather3A_569 = tpu.vector_load_idx %arg5[%add3A_568] : memref<3328xf32, #tpu.memory_space<vmem>>[vector<16xi32>], vector<16xf32>,
      %mul3A_570 = arith.constant 0 : i32
      %mul3A_571 = vector.broadcast %mul3A_570 : i32 to vector<16xi32>
      %mul3A_572 = arith.muli %add3A_547, %mul3A_571 : vector<16xi32>
      %and3A_573 = arith.constant 3 : i32
      %and3A_574 = arith.andi %shift_right_arithmetic3A_540, %and3A_573 : i32
      %add3A_575 = vector.broadcast %and3A_574 : i32 to vector<16xi32>
      %add3A_576 = arith.addi %mul3A_572, %add3A_575 : vector<16xi32>
      %gather3A_577 = tpu.vector_load_idx %arg6[%add3A_576] : memref<4xf32, #tpu.memory_space<vmem>>[vector<16xi32>], vector<16xf32>,
      %sub3A_578 = arith.subf %gather3A_569, %gather3A_577 : vector<16xf32>
      %abs3A_579 = math.absf %sub3A_578 : vector<16xf32>
      %mul3A_580 = arith.constant 1.000000e+01 : f32
      %mul3A_581 = vector.broadcast %mul3A_580 : f32 to vector<16xf32>
      %mul3A_582 = arith.mulf %mul3A_581, %abs3A_579 : vector<16xf32>
      %div3A_583 = arith.constant 1.000000e+00 : f32
      %div3A_584 = vector.broadcast %div3A_583 : f32 to vector<16xf32>
      %div3A_585 = arith.divf %mul3A_582, %div3A_584 : vector<16xf32>
      %add3A_586 = arith.constant 1.000000e+00 : f32
      %add3A_587 = vector.broadcast %add3A_586 : f32 to vector<16xf32>
      %add3A_588 = arith.addf %div3A_585, %add3A_587 : vector<16xf32>
      %convert_element_type3A_589 = arith.fptosi %add3A_588 : vector<16xf32> to vector<16xi32>
      %jit3A_590 = arith.constant 0 : i32
      %jit3A_591 = arith.constant 52 : i32
      %max3A_592 = vector.broadcast %jit3A_590 : i32 to vector<16xi32>
      %max3A_593 = arith.maxsi %max3A_592, %convert_element_type3A_589 : vector<16xi32>
      %min3A_594 = vector.broadcast %jit3A_591 : i32 to vector<16xi32>
      %min3A_595 = arith.minsi %min3A_594, %max3A_593 : vector<16xi32>
      %mul3A_596 = arith.constant 16 : i32
      %mul3A_597 = arith.muli %add3A_538, %mul3A_596 : i32
      %swap3A_598 = arith.index_cast %mul3A_597 : i32 to index
      %swap3A_599 = tpu.vector_load %arg9[%swap3A_598] {strides = array<i32>} : memref<1024xi32, #tpu.memory_space<vmem>>, vector<16xi32>,
      tpu.vector_store %arg9[%swap3A_598], %min3A_595 {strides = array<i32>} : memref<1024xi32, #tpu.memory_space<vmem>>, vector<16xi32>,
      %mul3A_600 = arith.constant 0 : i32
      %mul3A_601 = vector.broadcast %mul3A_600 : i32 to vector<16xi32>
      %mul3A_602 = arith.muli %add3A_547, %mul3A_601 : vector<16xi32>
      %add3A_603 = vector.broadcast %shift_right_arithmetic3A_540 : i32 to vector<16xi32>
      %add3A_604 = arith.addi %mul3A_602, %add3A_603 : vector<16xi32>
      %mul3A_605 = arith.constant 0 : i32
      %mul3A_606 = vector.broadcast %mul3A_605 : i32 to vector<16xi32>
      %mul3A_607 = arith.muli %add3A_547, %mul3A_606 : vector<16xi32>
      %add3A_608 = arith.constant 1 : i32
      %add3A_609 = vector.broadcast %add3A_608 : i32 to vector<16xi32>
      %add3A_610 = arith.addi %mul3A_607, %add3A_609 : vector<16xi32>
      tpu.vector_store_idx %arg7[%min3A_595, %add3A_604, %add3A_547], %add3A_610 : memref<53x8x128xi32, #tpu.memory_space<vmem>>[vector<16xi32>, vector<16xi32>, vector<16xi32>], vector<16xi32>,
      %mul3A_611 = arith.constant 4 : i32
      %mul3A_612 = arith.muli %scan3A_471, %mul3A_611 : i32
      %add3A_613 = arith.constant 2 : i32
      %add3A_614 = arith.addi %mul3A_612, %add3A_613 : i32
      %shift_right_arithmetic3A_615 = arith.constant 3 : i32
      %shift_right_arithmetic3A_616 = arith.shrsi %add3A_614, %shift_right_arithmetic3A_615 : i32
      %and3A_617 = arith.constant 7 : i32
      %and3A_618 = arith.andi %add3A_614, %and3A_617 : i32
      %shift_left3A_619 = arith.constant 4 : i32
      %shift_left3A_620 = arith.shli %and3A_618, %shift_left3A_619 : i32
      %iota3A_621 = tpu.iota {dimensions = array<i32: 0>} : vector<16xi32>
      %add3A_622 = vector.broadcast %shift_left3A_620 : i32 to vector<16xi32>
      %add3A_623 = arith.addi %add3A_622, %iota3A_621 : vector<16xi32>
      %shift_right_arithmetic3A_624 = arith.constant 2 : i32
      %shift_right_arithmetic3A_625 = arith.shrsi %shift_right_arithmetic3A_616, %shift_right_arithmetic3A_624 : i32
      %add3A_626 = arith.constant 20 : i32
      %add3A_627 = arith.addi %add3A_626, %shift_right_arithmetic3A_625 : i32
      %mul3A_628 = arith.constant 16 : i32
      %mul3A_629 = arith.muli %add3A_614, %mul3A_628 : i32
      %get3A_630 = arith.index_cast %mul3A_629 : i32 to index
      %get3A_631 = tpu.vector_load %arg9[%get3A_630] {strides = array<i32>} : memref<1024xi32, #tpu.memory_space<vmem>>, vector<16xi32>,
      %mul3A_632 = arith.constant 0 : i32
      %mul3A_633 = vector.broadcast %mul3A_632 : i32 to vector<16xi32>
      %mul3A_634 = arith.muli %add3A_623, %mul3A_633 : vector<16xi32>
      %add3A_635 = vector.broadcast %shift_right_arithmetic3A_616 : i32 to vector<16xi32>
      %add3A_636 = arith.addi %mul3A_634, %add3A_635 : vector<16xi32>
      %mul3A_637 = arith.constant 0 : i32
      %mul3A_638 = vector.broadcast %mul3A_637 : i32 to vector<16xi32>
      %mul3A_639 = arith.muli %add3A_623, %mul3A_638 : vector<16xi32>
      tpu.vector_store_idx %arg7[%get3A_631, %add3A_636, %add3A_623], %mul3A_639 : memref<53x8x128xi32, #tpu.memory_space<vmem>>[vector<16xi32>, vector<16xi32>, vector<16xi32>], vector<16xi32>,
      %mul3A_640 = arith.constant 26 : i32
      %mul3A_641 = vector.broadcast %mul3A_640 : i32 to vector<16xi32>
      %mul3A_642 = arith.muli %add3A_623, %mul3A_641 : vector<16xi32>
      %add3A_643 = vector.broadcast %add3A_627 : i32 to vector<16xi32>
      %add3A_644 = arith.addi %mul3A_642, %add3A_643 : vector<16xi32>
      %gather3A_645 = tpu.vector_load_idx %arg5[%add3A_644] : memref<3328xf32, #tpu.memory_space<vmem>>[vector<16xi32>], vector<16xf32>,
      %mul3A_646 = arith.constant 0 : i32
      %mul3A_647 = vector.broadcast %mul3A_646 : i32 to vector<16xi32>
      %mul3A_648 = arith.muli %add3A_623, %mul3A_647 : vector<16xi32>
      %and3A_649 = arith.constant 3 : i32
      %and3A_650 = arith.andi %shift_right_arithmetic3A_616, %and3A_649 : i32
      %add3A_651 = vector.broadcast %and3A_650 : i32 to vector<16xi32>
      %add3A_652 = arith.addi %mul3A_648, %add3A_651 : vector<16xi32>
      %gather3A_653 = tpu.vector_load_idx %arg6[%add3A_652] : memref<4xf32, #tpu.memory_space<vmem>>[vector<16xi32>], vector<16xf32>,
      %sub3A_654 = arith.subf %gather3A_645, %gather3A_653 : vector<16xf32>
      %abs3A_655 = math.absf %sub3A_654 : vector<16xf32>
      %mul3A_656 = arith.constant 1.000000e+01 : f32
      %mul3A_657 = vector.broadcast %mul3A_656 : f32 to vector<16xf32>
      %mul3A_658 = arith.mulf %mul3A_657, %abs3A_655 : vector<16xf32>
      %div3A_659 = arith.constant 1.000000e+00 : f32
      %div3A_660 = vector.broadcast %div3A_659 : f32 to vector<16xf32>
      %div3A_661 = arith.divf %mul3A_658, %div3A_660 : vector<16xf32>
      %add3A_662 = arith.constant 1.000000e+00 : f32
      %add3A_663 = vector.broadcast %add3A_662 : f32 to vector<16xf32>
      %add3A_664 = arith.addf %div3A_661, %add3A_663 : vector<16xf32>
      %convert_element_type3A_665 = arith.fptosi %add3A_664 : vector<16xf32> to vector<16xi32>
      %jit3A_666 = arith.constant 0 : i32
      %jit3A_667 = arith.constant 52 : i32
      %max3A_668 = vector.broadcast %jit3A_666 : i32 to vector<16xi32>
      %max3A_669 = arith.maxsi %max3A_668, %convert_element_type3A_665 : vector<16xi32>
      %min3A_670 = vector.broadcast %jit3A_667 : i32 to vector<16xi32>
      %min3A_671 = arith.minsi %min3A_670, %max3A_669 : vector<16xi32>
      %mul3A_672 = arith.constant 16 : i32
      %mul3A_673 = arith.muli %add3A_614, %mul3A_672 : i32
      %swap3A_674 = arith.index_cast %mul3A_673 : i32 to index
      %swap3A_675 = tpu.vector_load %arg9[%swap3A_674] {strides = array<i32>} : memref<1024xi32, #tpu.memory_space<vmem>>, vector<16xi32>,
      tpu.vector_store %arg9[%swap3A_674], %min3A_671 {strides = array<i32>} : memref<1024xi32, #tpu.memory_space<vmem>>, vector<16xi32>,
      %mul3A_676 = arith.constant 0 : i32
      %mul3A_677 = vector.broadcast %mul3A_676 : i32 to vector<16xi32>
      %mul3A_678 = arith.muli %add3A_623, %mul3A_677 : vector<16xi32>
      %add3A_679 = vector.broadcast %shift_right_arithmetic3A_616 : i32 to vector<16xi32>
      %add3A_680 = arith.addi %mul3A_678, %add3A_679 : vector<16xi32>
      %mul3A_681 = arith.constant 0 : i32
      %mul3A_682 = vector.broadcast %mul3A_681 : i32 to vector<16xi32>
      %mul3A_683 = arith.muli %add3A_623, %mul3A_682 : vector<16xi32>
      %add3A_684 = arith.constant 1 : i32
      %add3A_685 = vector.broadcast %add3A_684 : i32 to vector<16xi32>
      %add3A_686 = arith.addi %mul3A_683, %add3A_685 : vector<16xi32>
      tpu.vector_store_idx %arg7[%min3A_671, %add3A_680, %add3A_623], %add3A_686 : memref<53x8x128xi32, #tpu.memory_space<vmem>>[vector<16xi32>, vector<16xi32>, vector<16xi32>], vector<16xi32>,
      %mul3A_687 = arith.constant 4 : i32
      %mul3A_688 = arith.muli %scan3A_471, %mul3A_687 : i32
      %add3A_689 = arith.constant 3 : i32
      %add3A_690 = arith.addi %mul3A_688, %add3A_689 : i32
      %shift_right_arithmetic3A_691 = arith.constant 3 : i32
      %shift_right_arithmetic3A_692 = arith.shrsi %add3A_690, %shift_right_arithmetic3A_691 : i32
      %and3A_693 = arith.constant 7 : i32
      %and3A_694 = arith.andi %add3A_690, %and3A_693 : i32
      %shift_left3A_695 = arith.constant 4 : i32
      %shift_left3A_696 = arith.shli %and3A_694, %shift_left3A_695 : i32
      %iota3A_697 = tpu.iota {dimensions = array<i32: 0>} : vector<16xi32>
      %add3A_698 = vector.broadcast %shift_left3A_696 : i32 to vector<16xi32>
      %add3A_699 = arith.addi %add3A_698, %iota3A_697 : vector<16xi32>
      %shift_right_arithmetic3A_700 = arith.constant 2 : i32
      %shift_right_arithmetic3A_701 = arith.shrsi %shift_right_arithmetic3A_692, %shift_right_arithmetic3A_700 : i32
      %add3A_702 = arith.constant 20 : i32
      %add3A_703 = arith.addi %add3A_702, %shift_right_arithmetic3A_701 : i32
      %mul3A_704 = arith.constant 16 : i32
      %mul3A_705 = arith.muli %add3A_690, %mul3A_704 : i32
      %get3A_706 = arith.index_cast %mul3A_705 : i32 to index
      %get3A_707 = tpu.vector_load %arg9[%get3A_706] {strides = array<i32>} : memref<1024xi32, #tpu.memory_space<vmem>>, vector<16xi32>,
      %mul3A_708 = arith.constant 0 : i32
      %mul3A_709 = vector.broadcast %mul3A_708 : i32 to vector<16xi32>
      %mul3A_710 = arith.muli %add3A_699, %mul3A_709 : vector<16xi32>
      %add3A_711 = vector.broadcast %shift_right_arithmetic3A_692 : i32 to vector<16xi32>
      %add3A_712 = arith.addi %mul3A_710, %add3A_711 : vector<16xi32>
      %mul3A_713 = arith.constant 0 : i32
      %mul3A_714 = vector.broadcast %mul3A_713 : i32 to vector<16xi32>
      %mul3A_715 = arith.muli %add3A_699, %mul3A_714 : vector<16xi32>
      tpu.vector_store_idx %arg7[%get3A_707, %add3A_712, %add3A_699], %mul3A_715 : memref<53x8x128xi32, #tpu.memory_space<vmem>>[vector<16xi32>, vector<16xi32>, vector<16xi32>], vector<16xi32>,
      %mul3A_716 = arith.constant 26 : i32
      %mul3A_717 = vector.broadcast %mul3A_716 : i32 to vector<16xi32>
      %mul3A_718 = arith.muli %add3A_699, %mul3A_717 : vector<16xi32>
      %add3A_719 = vector.broadcast %add3A_703 : i32 to vector<16xi32>
      %add3A_720 = arith.addi %mul3A_718, %add3A_719 : vector<16xi32>
      %gather3A_721 = tpu.vector_load_idx %arg5[%add3A_720] : memref<3328xf32, #tpu.memory_space<vmem>>[vector<16xi32>], vector<16xf32>,
      %mul3A_722 = arith.constant 0 : i32
      %mul3A_723 = vector.broadcast %mul3A_722 : i32 to vector<16xi32>
      %mul3A_724 = arith.muli %add3A_699, %mul3A_723 : vector<16xi32>
      %and3A_725 = arith.constant 3 : i32
      %and3A_726 = arith.andi %shift_right_arithmetic3A_692, %and3A_725 : i32
      %add3A_727 = vector.broadcast %and3A_726 : i32 to vector<16xi32>
      %add3A_728 = arith.addi %mul3A_724, %add3A_727 : vector<16xi32>
      %gather3A_729 = tpu.vector_load_idx %arg6[%add3A_728] : memref<4xf32, #tpu.memory_space<vmem>>[vector<16xi32>], vector<16xf32>,
      %sub3A_730 = arith.subf %gather3A_721, %gather3A_729 : vector<16xf32>
      %abs3A_731 = math.absf %sub3A_730 : vector<16xf32>
      %mul3A_732 = arith.constant 1.000000e+01 : f32
      %mul3A_733 = vector.broadcast %mul3A_732 : f32 to vector<16xf32>
      %mul3A_734 = arith.mulf %mul3A_733, %abs3A_731 : vector<16xf32>
      %div3A_735 = arith.constant 1.000000e+00 : f32
      %div3A_736 = vector.broadcast %div3A_735 : f32 to vector<16xf32>
      %div3A_737 = arith.divf %mul3A_734, %div3A_736 : vector<16xf32>
      %add3A_738 = arith.constant 1.000000e+00 : f32
      %add3A_739 = vector.broadcast %add3A_738 : f32 to vector<16xf32>
      %add3A_740 = arith.addf %div3A_737, %add3A_739 : vector<16xf32>
      %convert_element_type3A_741 = arith.fptosi %add3A_740 : vector<16xf32> to vector<16xi32>
      %jit3A_742 = arith.constant 0 : i32
      %jit3A_743 = arith.constant 52 : i32
      %max3A_744 = vector.broadcast %jit3A_742 : i32 to vector<16xi32>
      %max3A_745 = arith.maxsi %max3A_744, %convert_element_type3A_741 : vector<16xi32>
      %min3A_746 = vector.broadcast %jit3A_743 : i32 to vector<16xi32>
      %min3A_747 = arith.minsi %min3A_746, %max3A_745 : vector<16xi32>
      %mul3A_748 = arith.constant 16 : i32
      %mul3A_749 = arith.muli %add3A_690, %mul3A_748 : i32
      %swap3A_750 = arith.index_cast %mul3A_749 : i32 to index
      %swap3A_751 = tpu.vector_load %arg9[%swap3A_750] {strides = array<i32>} : memref<1024xi32, #tpu.memory_space<vmem>>, vector<16xi32>,
      tpu.vector_store %arg9[%swap3A_750], %min3A_747 {strides = array<i32>} : memref<1024xi32, #tpu.memory_space<vmem>>, vector<16xi32>,
      %mul3A_752 = arith.constant 0 : i32
      %mul3A_753 = vector.broadcast %mul3A_752 : i32 to vector<16xi32>
      %mul3A_754 = arith.muli %add3A_699, %mul3A_753 : vector<16xi32>
      %add3A_755 = vector.broadcast %shift_right_arithmetic3A_692 : i32 to vector<16xi32>
      %add3A_756 = arith.addi %mul3A_754, %add3A_755 : vector<16xi32>
      %mul3A_757 = arith.constant 0 : i32
      %mul3A_758 = vector.broadcast %mul3A_757 : i32 to vector<16xi32>
      %mul3A_759 = arith.muli %add3A_699, %mul3A_758 : vector<16xi32>
      %add3A_760 = arith.constant 1 : i32
      %add3A_761 = vector.broadcast %add3A_760 : i32 to vector<16xi32>
      %add3A_762 = arith.addi %mul3A_759, %add3A_761 : vector<16xi32>
      tpu.vector_store_idx %arg7[%min3A_747, %add3A_756, %add3A_699], %add3A_762 : memref<53x8x128xi32, #tpu.memory_space<vmem>>[vector<16xi32>, vector<16xi32>, vector<16xi32>], vector<16xi32>,
      %scan3A_763 = arith.constant 0 : i32
      scf.yield %scan3A_763 : i32
    }
    %scan3A_358 = arith.constant 16 : i32
    %dma_start3A_359 = arith.constant 0 : i32
    %dma_start3A_360 = arith.constant 0 : i32
    %dma_start3A_361 = arith.constant 0 : i32
    %dma_start3A_362 = tpu.memref_slice %arg7[%dma_start3A_359, %dma_start3A_360, %dma_start3A_361] : memref<53x8x128xi32, #tpu.memory_space<vmem>> -> memref<51x8x128xi32, #tpu.memory_space<vmem>>
    %dma_start3A_363 = arith.constant 0 : i32
    %dma_start3A_364 = arith.constant 80 : i32
    %dma_start3A_365 = tpu.memref_slice %arg4[%dma_start3A_363, %dma_start3A_364, %mul3A_2] : memref<51x104x4096xi32, #tpu.memory_space<hbm>> -> memref<51x8x128xi32, #tpu.memory_space<hbm>>
    %dma_start3A_366 = arith.constant 0 : i32
    %dma_start3A_367 = arith.constant 80 : i32
    %dma_start3A_368 = tpu.memref_slice %arg4[%dma_start3A_366, %dma_start3A_367, %mul3A_2] : memref<51x104x4096xi32, #tpu.memory_space<hbm>> -> memref<51x8x128xi32, #tpu.memory_space<hbm>>
    %dma_start3A_369 = arith.constant 0 : i32
    %dma_start3A_370 = arith.constant 0 : i32
    %dma_start3A_371 = arith.constant 0 : i32
    %dma_start3A_372 = tpu.memref_slice %arg7[%dma_start3A_369, %dma_start3A_370, %dma_start3A_371] : memref<53x8x128xi32, #tpu.memory_space<vmem>> -> memref<51x8x128xi32, #tpu.memory_space<vmem>>
    tpu.enqueue_dma source(%dma_start3A_372 : memref<51x8x128xi32, #tpu.memory_space<vmem>>) target(%dma_start3A_368 : memref<51x8x128xi32, #tpu.memory_space<hbm>>) target_semaphore(%arg11 : memref<!tpu.dma_semaphore, #tpu.memory_space<semaphore_mem>>)
    %dma_wait3A_373 = arith.constant 0 : i32
    %dma_wait3A_374 = arith.constant 0 : i32
    %dma_wait3A_375 = arith.constant 0 : i32
    %dma_wait3A_376 = tpu.memref_slice %arg8[%dma_wait3A_373, %dma_wait3A_374, %dma_wait3A_375] : memref<53x8x128xi32, #tpu.memory_space<vmem>> -> memref<51x8x128xi32, #tpu.memory_space<vmem>>
    %dma_wait3A_377 = arith.constant 0 : i32
    %dma_wait3A_378 = arith.constant 72 : i32
    %dma_wait3A_379 = tpu.memref_slice %arg4[%dma_wait3A_377, %dma_wait3A_378, %mul3A_2] : memref<51x104x4096xi32, #tpu.memory_space<hbm>> -> memref<51x8x128xi32, #tpu.memory_space<hbm>>
    %dma_wait3A_380 = arith.constant 0 : i32
    %dma_wait3A_381 = arith.constant 72 : i32
    %dma_wait3A_382 = tpu.memref_slice %arg4[%dma_wait3A_380, %dma_wait3A_381, %mul3A_2] : memref<51x104x4096xi32, #tpu.memory_space<hbm>> -> memref<51x8x128xi32, #tpu.memory_space<hbm>>
    %dma_wait3A_383 = arith.constant 0 : i32
    %dma_wait3A_384 = arith.constant 0 : i32
    %dma_wait3A_385 = arith.constant 0 : i32
    %dma_wait3A_386 = tpu.memref_slice %arg8[%dma_wait3A_383, %dma_wait3A_384, %dma_wait3A_385] : memref<53x8x128xi32, #tpu.memory_space<vmem>> -> memref<51x8x128xi32, #tpu.memory_space<vmem>>
    tpu.wait_dma2 semaphore(%arg12 : memref<!tpu.dma_semaphore, #tpu.memory_space<semaphore_mem>>) src(%dma_wait3A_386 : memref<51x8x128xi32, #tpu.memory_space<vmem>>) dst(%dma_wait3A_382 : memref<51x8x128xi32, #tpu.memory_space<hbm>>)
    %scan3A_387 = arith.constant 0 : i32
    %scan3A_388 = arith.constant 0 : i32
    %scan3A_389 = arith.constant 16 : i32
    %scan3A_390 = arith.addi %scan3A_388, %scan3A_389 : i32
    %scan3A_391 = arith.constant 1 : i32
    %scan3A_392 = scf.for %scan3A_471 = %scan3A_388 to %scan3A_390 step %scan3A_391 iter_args(%scan3A_472 = %scan3A_387) -> (i32)  : i32 {
      %mul3A_473 = arith.constant 4 : i32
      %mul3A_474 = arith.muli %scan3A_471, %mul3A_473 : i32
      %add3A_475 = arith.constant 0 : i32
      %add3A_476 = arith.addi %mul3A_474, %add3A_475 : i32
      %shift_right_arithmetic3A = arith.constant 3 : i32
      %shift_right_arithmetic3A_477 = arith.shrsi %add3A_476, %shift_right_arithmetic3A : i32
      %and3A = arith.constant 7 : i32
      %and3A_478 = arith.andi %add3A_476, %and3A : i32
      %shift_left3A = arith.constant 4 : i32
      %shift_left3A_479 = arith.shli %and3A_478, %shift_left3A : i32
      %iota3A = tpu.iota {dimensions = array<i32: 0>} : vector<16xi32>
      %add3A_480 = vector.broadcast %shift_left3A_479 : i32 to vector<16xi32>
      %add3A_481 = arith.addi %add3A_480, %iota3A : vector<16xi32>
      %shift_right_arithmetic3A_482 = arith.constant 2 : i32
      %shift_right_arithmetic3A_483 = arith.shrsi %shift_right_arithmetic3A_477, %shift_right_arithmetic3A_482 : i32
      %add3A_484 = arith.constant 22 : i32
      %add3A_485 = arith.addi %add3A_484, %shift_right_arithmetic3A_483 : i32
      %mul3A_486 = arith.constant 16 : i32
      %mul3A_487 = arith.muli %add3A_476, %mul3A_486 : i32
      %get3A = arith.index_cast %mul3A_487 : i32 to index
      %get3A_488 = tpu.vector_load %arg10[%get3A] {strides = array<i32>} : memref<1024xi32, #tpu.memory_space<vmem>>, vector<16xi32>,
      %mul3A_489 = arith.constant 0 : i32
      %mul3A_490 = vector.broadcast %mul3A_489 : i32 to vector<16xi32>
      %mul3A_491 = arith.muli %add3A_481, %mul3A_490 : vector<16xi32>
      %add3A_492 = vector.broadcast %shift_right_arithmetic3A_477 : i32 to vector<16xi32>
      %add3A_493 = arith.addi %mul3A_491, %add3A_492 : vector<16xi32>
      %mul3A_494 = arith.constant 0 : i32
      %mul3A_495 = vector.broadcast %mul3A_494 : i32 to vector<16xi32>
      %mul3A_496 = arith.muli %add3A_481, %mul3A_495 : vector<16xi32>
      tpu.vector_store_idx %arg8[%get3A_488, %add3A_493, %add3A_481], %mul3A_496 : memref<53x8x128xi32, #tpu.memory_space<vmem>>[vector<16xi32>, vector<16xi32>, vector<16xi32>], vector<16xi32>,
      %mul3A_497 = arith.constant 26 : i32
      %mul3A_498 = vector.broadcast %mul3A_497 : i32 to vector<16xi32>
      %mul3A_499 = arith.muli %add3A_481, %mul3A_498 : vector<16xi32>
      %add3A_500 = vector.broadcast %add3A_485 : i32 to vector<16xi32>
      %add3A_501 = arith.addi %mul3A_499, %add3A_500 : vector<16xi32>
      %gather3A = tpu.vector_load_idx %arg5[%add3A_501] : memref<3328xf32, #tpu.memory_space<vmem>>[vector<16xi32>], vector<16xf32>,
      %mul3A_502 = arith.constant 0 : i32
      %mul3A_503 = vector.broadcast %mul3A_502 : i32 to vector<16xi32>
      %mul3A_504 = arith.muli %add3A_481, %mul3A_503 : vector<16xi32>
      %and3A_505 = arith.constant 3 : i32
      %and3A_506 = arith.andi %shift_right_arithmetic3A_477, %and3A_505 : i32
      %add3A_507 = vector.broadcast %and3A_506 : i32 to vector<16xi32>
      %add3A_508 = arith.addi %mul3A_504, %add3A_507 : vector<16xi32>
      %gather3A_509 = tpu.vector_load_idx %arg6[%add3A_508] : memref<4xf32, #tpu.memory_space<vmem>>[vector<16xi32>], vector<16xf32>,
      %sub3A = arith.subf %gather3A, %gather3A_509 : vector<16xf32>
      %abs3A = math.absf %sub3A : vector<16xf32>
      %mul3A_510 = arith.constant 1.000000e+01 : f32
      %mul3A_511 = vector.broadcast %mul3A_510 : f32 to vector<16xf32>
      %mul3A_512 = arith.mulf %mul3A_511, %abs3A : vector<16xf32>
      %div3A = arith.constant 1.000000e+00 : f32
      %div3A_513 = vector.broadcast %div3A : f32 to vector<16xf32>
      %div3A_514 = arith.divf %mul3A_512, %div3A_513 : vector<16xf32>
      %add3A_515 = arith.constant 1.000000e+00 : f32
      %add3A_516 = vector.broadcast %add3A_515 : f32 to vector<16xf32>
      %add3A_517 = arith.addf %div3A_514, %add3A_516 : vector<16xf32>
      %convert_element_type3A = arith.fptosi %add3A_517 : vector<16xf32> to vector<16xi32>
      %jit3A = arith.constant 0 : i32
      %jit3A_518 = arith.constant 52 : i32
      %max3A = vector.broadcast %jit3A : i32 to vector<16xi32>
      %max3A_519 = arith.maxsi %max3A, %convert_element_type3A : vector<16xi32>
      %min3A = vector.broadcast %jit3A_518 : i32 to vector<16xi32>
      %min3A_520 = arith.minsi %min3A, %max3A_519 : vector<16xi32>
      %mul3A_521 = arith.constant 16 : i32
      %mul3A_522 = arith.muli %add3A_476, %mul3A_521 : i32
      %swap3A = arith.index_cast %mul3A_522 : i32 to index
      %swap3A_523 = tpu.vector_load %arg10[%swap3A] {strides = array<i32>} : memref<1024xi32, #tpu.memory_space<vmem>>, vector<16xi32>,
      tpu.vector_store %arg10[%swap3A], %min3A_520 {strides = array<i32>} : memref<1024xi32, #tpu.memory_space<vmem>>, vector<16xi32>,
      %mul3A_524 = arith.constant 0 : i32
      %mul3A_525 = vector.broadcast %mul3A_524 : i32 to vector<16xi32>
      %mul3A_526 = arith.muli %add3A_481, %mul3A_525 : vector<16xi32>
      %add3A_527 = vector.broadcast %shift_right_arithmetic3A_477 : i32 to vector<16xi32>
      %add3A_528 = arith.addi %mul3A_526, %add3A_527 : vector<16xi32>
      %mul3A_529 = arith.constant 0 : i32
      %mul3A_530 = vector.broadcast %mul3A_529 : i32 to vector<16xi32>
      %mul3A_531 = arith.muli %add3A_481, %mul3A_530 : vector<16xi32>
      %add3A_532 = arith.constant 1 : i32
      %add3A_533 = vector.broadcast %add3A_532 : i32 to vector<16xi32>
      %add3A_534 = arith.addi %mul3A_531, %add3A_533 : vector<16xi32>
      tpu.vector_store_idx %arg8[%min3A_520, %add3A_528, %add3A_481], %add3A_534 : memref<53x8x128xi32, #tpu.memory_space<vmem>>[vector<16xi32>, vector<16xi32>, vector<16xi32>], vector<16xi32>,
      %mul3A_535 = arith.constant 4 : i32
      %mul3A_536 = arith.muli %scan3A_471, %mul3A_535 : i32
      %add3A_537 = arith.constant 1 : i32
      %add3A_538 = arith.addi %mul3A_536, %add3A_537 : i32
      %shift_right_arithmetic3A_539 = arith.constant 3 : i32
      %shift_right_arithmetic3A_540 = arith.shrsi %add3A_538, %shift_right_arithmetic3A_539 : i32
      %and3A_541 = arith.constant 7 : i32
      %and3A_542 = arith.andi %add3A_538, %and3A_541 : i32
      %shift_left3A_543 = arith.constant 4 : i32
      %shift_left3A_544 = arith.shli %and3A_542, %shift_left3A_543 : i32
      %iota3A_545 = tpu.iota {dimensions = array<i32: 0>} : vector<16xi32>
      %add3A_546 = vector.broadcast %shift_left3A_544 : i32 to vector<16xi32>
      %add3A_547 = arith.addi %add3A_546, %iota3A_545 : vector<16xi32>
      %shift_right_arithmetic3A_548 = arith.constant 2 : i32
      %shift_right_arithmetic3A_549 = arith.shrsi %shift_right_arithmetic3A_540, %shift_right_arithmetic3A_548 : i32
      %add3A_550 = arith.constant 22 : i32
      %add3A_551 = arith.addi %add3A_550, %shift_right_arithmetic3A_549 : i32
      %mul3A_552 = arith.constant 16 : i32
      %mul3A_553 = arith.muli %add3A_538, %mul3A_552 : i32
      %get3A_554 = arith.index_cast %mul3A_553 : i32 to index
      %get3A_555 = tpu.vector_load %arg10[%get3A_554] {strides = array<i32>} : memref<1024xi32, #tpu.memory_space<vmem>>, vector<16xi32>,
      %mul3A_556 = arith.constant 0 : i32
      %mul3A_557 = vector.broadcast %mul3A_556 : i32 to vector<16xi32>
      %mul3A_558 = arith.muli %add3A_547, %mul3A_557 : vector<16xi32>
      %add3A_559 = vector.broadcast %shift_right_arithmetic3A_540 : i32 to vector<16xi32>
      %add3A_560 = arith.addi %mul3A_558, %add3A_559 : vector<16xi32>
      %mul3A_561 = arith.constant 0 : i32
      %mul3A_562 = vector.broadcast %mul3A_561 : i32 to vector<16xi32>
      %mul3A_563 = arith.muli %add3A_547, %mul3A_562 : vector<16xi32>
      tpu.vector_store_idx %arg8[%get3A_555, %add3A_560, %add3A_547], %mul3A_563 : memref<53x8x128xi32, #tpu.memory_space<vmem>>[vector<16xi32>, vector<16xi32>, vector<16xi32>], vector<16xi32>,
      %mul3A_564 = arith.constant 26 : i32
      %mul3A_565 = vector.broadcast %mul3A_564 : i32 to vector<16xi32>
      %mul3A_566 = arith.muli %add3A_547, %mul3A_565 : vector<16xi32>
      %add3A_567 = vector.broadcast %add3A_551 : i32 to vector<16xi32>
      %add3A_568 = arith.addi %mul3A_566, %add3A_567 : vector<16xi32>
      %gather3A_569 = tpu.vector_load_idx %arg5[%add3A_568] : memref<3328xf32, #tpu.memory_space<vmem>>[vector<16xi32>], vector<16xf32>,
      %mul3A_570 = arith.constant 0 : i32
      %mul3A_571 = vector.broadcast %mul3A_570 : i32 to vector<16xi32>
      %mul3A_572 = arith.muli %add3A_547, %mul3A_571 : vector<16xi32>
      %and3A_573 = arith.constant 3 : i32
      %and3A_574 = arith.andi %shift_right_arithmetic3A_540, %and3A_573 : i32
      %add3A_575 = vector.broadcast %and3A_574 : i32 to vector<16xi32>
      %add3A_576 = arith.addi %mul3A_572, %add3A_575 : vector<16xi32>
      %gather3A_577 = tpu.vector_load_idx %arg6[%add3A_576] : memref<4xf32, #tpu.memory_space<vmem>>[vector<16xi32>], vector<16xf32>,
      %sub3A_578 = arith.subf %gather3A_569, %gather3A_577 : vector<16xf32>
      %abs3A_579 = math.absf %sub3A_578 : vector<16xf32>
      %mul3A_580 = arith.constant 1.000000e+01 : f32
      %mul3A_581 = vector.broadcast %mul3A_580 : f32 to vector<16xf32>
      %mul3A_582 = arith.mulf %mul3A_581, %abs3A_579 : vector<16xf32>
      %div3A_583 = arith.constant 1.000000e+00 : f32
      %div3A_584 = vector.broadcast %div3A_583 : f32 to vector<16xf32>
      %div3A_585 = arith.divf %mul3A_582, %div3A_584 : vector<16xf32>
      %add3A_586 = arith.constant 1.000000e+00 : f32
      %add3A_587 = vector.broadcast %add3A_586 : f32 to vector<16xf32>
      %add3A_588 = arith.addf %div3A_585, %add3A_587 : vector<16xf32>
      %convert_element_type3A_589 = arith.fptosi %add3A_588 : vector<16xf32> to vector<16xi32>
      %jit3A_590 = arith.constant 0 : i32
      %jit3A_591 = arith.constant 52 : i32
      %max3A_592 = vector.broadcast %jit3A_590 : i32 to vector<16xi32>
      %max3A_593 = arith.maxsi %max3A_592, %convert_element_type3A_589 : vector<16xi32>
      %min3A_594 = vector.broadcast %jit3A_591 : i32 to vector<16xi32>
      %min3A_595 = arith.minsi %min3A_594, %max3A_593 : vector<16xi32>
      %mul3A_596 = arith.constant 16 : i32
      %mul3A_597 = arith.muli %add3A_538, %mul3A_596 : i32
      %swap3A_598 = arith.index_cast %mul3A_597 : i32 to index
      %swap3A_599 = tpu.vector_load %arg10[%swap3A_598] {strides = array<i32>} : memref<1024xi32, #tpu.memory_space<vmem>>, vector<16xi32>,
      tpu.vector_store %arg10[%swap3A_598], %min3A_595 {strides = array<i32>} : memref<1024xi32, #tpu.memory_space<vmem>>, vector<16xi32>,
      %mul3A_600 = arith.constant 0 : i32
      %mul3A_601 = vector.broadcast %mul3A_600 : i32 to vector<16xi32>
      %mul3A_602 = arith.muli %add3A_547, %mul3A_601 : vector<16xi32>
      %add3A_603 = vector.broadcast %shift_right_arithmetic3A_540 : i32 to vector<16xi32>
      %add3A_604 = arith.addi %mul3A_602, %add3A_603 : vector<16xi32>
      %mul3A_605 = arith.constant 0 : i32
      %mul3A_606 = vector.broadcast %mul3A_605 : i32 to vector<16xi32>
      %mul3A_607 = arith.muli %add3A_547, %mul3A_606 : vector<16xi32>
      %add3A_608 = arith.constant 1 : i32
      %add3A_609 = vector.broadcast %add3A_608 : i32 to vector<16xi32>
      %add3A_610 = arith.addi %mul3A_607, %add3A_609 : vector<16xi32>
      tpu.vector_store_idx %arg8[%min3A_595, %add3A_604, %add3A_547], %add3A_610 : memref<53x8x128xi32, #tpu.memory_space<vmem>>[vector<16xi32>, vector<16xi32>, vector<16xi32>], vector<16xi32>,
      %mul3A_611 = arith.constant 4 : i32
      %mul3A_612 = arith.muli %scan3A_471, %mul3A_611 : i32
      %add3A_613 = arith.constant 2 : i32
      %add3A_614 = arith.addi %mul3A_612, %add3A_613 : i32
      %shift_right_arithmetic3A_615 = arith.constant 3 : i32
      %shift_right_arithmetic3A_616 = arith.shrsi %add3A_614, %shift_right_arithmetic3A_615 : i32
      %and3A_617 = arith.constant 7 : i32
      %and3A_618 = arith.andi %add3A_614, %and3A_617 : i32
      %shift_left3A_619 = arith.constant 4 : i32
      %shift_left3A_620 = arith.shli %and3A_618, %shift_left3A_619 : i32
      %iota3A_621 = tpu.iota {dimensions = array<i32: 0>} : vector<16xi32>
      %add3A_622 = vector.broadcast %shift_left3A_620 : i32 to vector<16xi32>
      %add3A_623 = arith.addi %add3A_622, %iota3A_621 : vector<16xi32>
      %shift_right_arithmetic3A_624 = arith.constant 2 : i32
      %shift_right_arithmetic3A_625 = arith.shrsi %shift_right_arithmetic3A_616, %shift_right_arithmetic3A_624 : i32
      %add3A_626 = arith.constant 22 : i32
      %add3A_627 = arith.addi %add3A_626, %shift_right_arithmetic3A_625 : i32
      %mul3A_628 = arith.constant 16 : i32
      %mul3A_629 = arith.muli %add3A_614, %mul3A_628 : i32
      %get3A_630 = arith.index_cast %mul3A_629 : i32 to index
      %get3A_631 = tpu.vector_load %arg10[%get3A_630] {strides = array<i32>} : memref<1024xi32, #tpu.memory_space<vmem>>, vector<16xi32>,
      %mul3A_632 = arith.constant 0 : i32
      %mul3A_633 = vector.broadcast %mul3A_632 : i32 to vector<16xi32>
      %mul3A_634 = arith.muli %add3A_623, %mul3A_633 : vector<16xi32>
      %add3A_635 = vector.broadcast %shift_right_arithmetic3A_616 : i32 to vector<16xi32>
      %add3A_636 = arith.addi %mul3A_634, %add3A_635 : vector<16xi32>
      %mul3A_637 = arith.constant 0 : i32
      %mul3A_638 = vector.broadcast %mul3A_637 : i32 to vector<16xi32>
      %mul3A_639 = arith.muli %add3A_623, %mul3A_638 : vector<16xi32>
      tpu.vector_store_idx %arg8[%get3A_631, %add3A_636, %add3A_623], %mul3A_639 : memref<53x8x128xi32, #tpu.memory_space<vmem>>[vector<16xi32>, vector<16xi32>, vector<16xi32>], vector<16xi32>,
      %mul3A_640 = arith.constant 26 : i32
      %mul3A_641 = vector.broadcast %mul3A_640 : i32 to vector<16xi32>
      %mul3A_642 = arith.muli %add3A_623, %mul3A_641 : vector<16xi32>
      %add3A_643 = vector.broadcast %add3A_627 : i32 to vector<16xi32>
      %add3A_644 = arith.addi %mul3A_642, %add3A_643 : vector<16xi32>
      %gather3A_645 = tpu.vector_load_idx %arg5[%add3A_644] : memref<3328xf32, #tpu.memory_space<vmem>>[vector<16xi32>], vector<16xf32>,
      %mul3A_646 = arith.constant 0 : i32
      %mul3A_647 = vector.broadcast %mul3A_646 : i32 to vector<16xi32>
      %mul3A_648 = arith.muli %add3A_623, %mul3A_647 : vector<16xi32>
      %and3A_649 = arith.constant 3 : i32
      %and3A_650 = arith.andi %shift_right_arithmetic3A_616, %and3A_649 : i32
      %add3A_651 = vector.broadcast %and3A_650 : i32 to vector<16xi32>
      %add3A_652 = arith.addi %mul3A_648, %add3A_651 : vector<16xi32>
      %gather3A_653 = tpu.vector_load_idx %arg6[%add3A_652] : memref<4xf32, #tpu.memory_space<vmem>>[vector<16xi32>], vector<16xf32>,
      %sub3A_654 = arith.subf %gather3A_645, %gather3A_653 : vector<16xf32>
      %abs3A_655 = math.absf %sub3A_654 : vector<16xf32>
      %mul3A_656 = arith.constant 1.000000e+01 : f32
      %mul3A_657 = vector.broadcast %mul3A_656 : f32 to vector<16xf32>
      %mul3A_658 = arith.mulf %mul3A_657, %abs3A_655 : vector<16xf32>
      %div3A_659 = arith.constant 1.000000e+00 : f32
      %div3A_660 = vector.broadcast %div3A_659 : f32 to vector<16xf32>
      %div3A_661 = arith.divf %mul3A_658, %div3A_660 : vector<16xf32>
      %add3A_662 = arith.constant 1.000000e+00 : f32
      %add3A_663 = vector.broadcast %add3A_662 : f32 to vector<16xf32>
      %add3A_664 = arith.addf %div3A_661, %add3A_663 : vector<16xf32>
      %convert_element_type3A_665 = arith.fptosi %add3A_664 : vector<16xf32> to vector<16xi32>
      %jit3A_666 = arith.constant 0 : i32
      %jit3A_667 = arith.constant 52 : i32
      %max3A_668 = vector.broadcast %jit3A_666 : i32 to vector<16xi32>
      %max3A_669 = arith.maxsi %max3A_668, %convert_element_type3A_665 : vector<16xi32>
      %min3A_670 = vector.broadcast %jit3A_667 : i32 to vector<16xi32>
      %min3A_671 = arith.minsi %min3A_670, %max3A_669 : vector<16xi32>
      %mul3A_672 = arith.constant 16 : i32
      %mul3A_673 = arith.muli %add3A_614, %mul3A_672 : i32
      %swap3A_674 = arith.index_cast %mul3A_673 : i32 to index
      %swap3A_675 = tpu.vector_load %arg10[%swap3A_674] {strides = array<i32>} : memref<1024xi32, #tpu.memory_space<vmem>>, vector<16xi32>,
      tpu.vector_store %arg10[%swap3A_674], %min3A_671 {strides = array<i32>} : memref<1024xi32, #tpu.memory_space<vmem>>, vector<16xi32>,
      %mul3A_676 = arith.constant 0 : i32
      %mul3A_677 = vector.broadcast %mul3A_676 : i32 to vector<16xi32>
      %mul3A_678 = arith.muli %add3A_623, %mul3A_677 : vector<16xi32>
      %add3A_679 = vector.broadcast %shift_right_arithmetic3A_616 : i32 to vector<16xi32>
      %add3A_680 = arith.addi %mul3A_678, %add3A_679 : vector<16xi32>
      %mul3A_681 = arith.constant 0 : i32
      %mul3A_682 = vector.broadcast %mul3A_681 : i32 to vector<16xi32>
      %mul3A_683 = arith.muli %add3A_623, %mul3A_682 : vector<16xi32>
      %add3A_684 = arith.constant 1 : i32
      %add3A_685 = vector.broadcast %add3A_684 : i32 to vector<16xi32>
      %add3A_686 = arith.addi %mul3A_683, %add3A_685 : vector<16xi32>
      tpu.vector_store_idx %arg8[%min3A_671, %add3A_680, %add3A_623], %add3A_686 : memref<53x8x128xi32, #tpu.memory_space<vmem>>[vector<16xi32>, vector<16xi32>, vector<16xi32>], vector<16xi32>,
      %mul3A_687 = arith.constant 4 : i32
      %mul3A_688 = arith.muli %scan3A_471, %mul3A_687 : i32
      %add3A_689 = arith.constant 3 : i32
      %add3A_690 = arith.addi %mul3A_688, %add3A_689 : i32
      %shift_right_arithmetic3A_691 = arith.constant 3 : i32
      %shift_right_arithmetic3A_692 = arith.shrsi %add3A_690, %shift_right_arithmetic3A_691 : i32
      %and3A_693 = arith.constant 7 : i32
      %and3A_694 = arith.andi %add3A_690, %and3A_693 : i32
      %shift_left3A_695 = arith.constant 4 : i32
      %shift_left3A_696 = arith.shli %and3A_694, %shift_left3A_695 : i32
      %iota3A_697 = tpu.iota {dimensions = array<i32: 0>} : vector<16xi32>
      %add3A_698 = vector.broadcast %shift_left3A_696 : i32 to vector<16xi32>
      %add3A_699 = arith.addi %add3A_698, %iota3A_697 : vector<16xi32>
      %shift_right_arithmetic3A_700 = arith.constant 2 : i32
      %shift_right_arithmetic3A_701 = arith.shrsi %shift_right_arithmetic3A_692, %shift_right_arithmetic3A_700 : i32
      %add3A_702 = arith.constant 22 : i32
      %add3A_703 = arith.addi %add3A_702, %shift_right_arithmetic3A_701 : i32
      %mul3A_704 = arith.constant 16 : i32
      %mul3A_705 = arith.muli %add3A_690, %mul3A_704 : i32
      %get3A_706 = arith.index_cast %mul3A_705 : i32 to index
      %get3A_707 = tpu.vector_load %arg10[%get3A_706] {strides = array<i32>} : memref<1024xi32, #tpu.memory_space<vmem>>, vector<16xi32>,
      %mul3A_708 = arith.constant 0 : i32
      %mul3A_709 = vector.broadcast %mul3A_708 : i32 to vector<16xi32>
      %mul3A_710 = arith.muli %add3A_699, %mul3A_709 : vector<16xi32>
      %add3A_711 = vector.broadcast %shift_right_arithmetic3A_692 : i32 to vector<16xi32>
      %add3A_712 = arith.addi %mul3A_710, %add3A_711 : vector<16xi32>
      %mul3A_713 = arith.constant 0 : i32
      %mul3A_714 = vector.broadcast %mul3A_713 : i32 to vector<16xi32>
      %mul3A_715 = arith.muli %add3A_699, %mul3A_714 : vector<16xi32>
      tpu.vector_store_idx %arg8[%get3A_707, %add3A_712, %add3A_699], %mul3A_715 : memref<53x8x128xi32, #tpu.memory_space<vmem>>[vector<16xi32>, vector<16xi32>, vector<16xi32>], vector<16xi32>,
      %mul3A_716 = arith.constant 26 : i32
      %mul3A_717 = vector.broadcast %mul3A_716 : i32 to vector<16xi32>
      %mul3A_718 = arith.muli %add3A_699, %mul3A_717 : vector<16xi32>
      %add3A_719 = vector.broadcast %add3A_703 : i32 to vector<16xi32>
      %add3A_720 = arith.addi %mul3A_718, %add3A_719 : vector<16xi32>
      %gather3A_721 = tpu.vector_load_idx %arg5[%add3A_720] : memref<3328xf32, #tpu.memory_space<vmem>>[vector<16xi32>], vector<16xf32>,
      %mul3A_722 = arith.constant 0 : i32
      %mul3A_723 = vector.broadcast %mul3A_722 : i32 to vector<16xi32>
      %mul3A_724 = arith.muli %add3A_699, %mul3A_723 : vector<16xi32>
      %and3A_725 = arith.constant 3 : i32
      %and3A_726 = arith.andi %shift_right_arithmetic3A_692, %and3A_725 : i32
      %add3A_727 = vector.broadcast %and3A_726 : i32 to vector<16xi32>
      %add3A_728 = arith.addi %mul3A_724, %add3A_727 : vector<16xi32>
      %gather3A_729 = tpu.vector_load_idx %arg6[%add3A_728] : memref<4xf32, #tpu.memory_space<vmem>>[vector<16xi32>], vector<16xf32>,
      %sub3A_730 = arith.subf %gather3A_721, %gather3A_729 : vector<16xf32>
      %abs3A_731 = math.absf %sub3A_730 : vector<16xf32>
      %mul3A_732 = arith.constant 1.000000e+01 : f32
      %mul3A_733 = vector.broadcast %mul3A_732 : f32 to vector<16xf32>
      %mul3A_734 = arith.mulf %mul3A_733, %abs3A_731 : vector<16xf32>
      %div3A_735 = arith.constant 1.000000e+00 : f32
      %div3A_736 = vector.broadcast %div3A_735 : f32 to vector<16xf32>
      %div3A_737 = arith.divf %mul3A_734, %div3A_736 : vector<16xf32>
      %add3A_738 = arith.constant 1.000000e+00 : f32
      %add3A_739 = vector.broadcast %add3A_738 : f32 to vector<16xf32>
      %add3A_740 = arith.addf %div3A_737, %add3A_739 : vector<16xf32>
      %convert_element_type3A_741 = arith.fptosi %add3A_740 : vector<16xf32> to vector<16xi32>
      %jit3A_742 = arith.constant 0 : i32
      %jit3A_743 = arith.constant 52 : i32
      %max3A_744 = vector.broadcast %jit3A_742 : i32 to vector<16xi32>
      %max3A_745 = arith.maxsi %max3A_744, %convert_element_type3A_741 : vector<16xi32>
      %min3A_746 = vector.broadcast %jit3A_743 : i32 to vector<16xi32>
      %min3A_747 = arith.minsi %min3A_746, %max3A_745 : vector<16xi32>
      %mul3A_748 = arith.constant 16 : i32
      %mul3A_749 = arith.muli %add3A_690, %mul3A_748 : i32
      %swap3A_750 = arith.index_cast %mul3A_749 : i32 to index
      %swap3A_751 = tpu.vector_load %arg10[%swap3A_750] {strides = array<i32>} : memref<1024xi32, #tpu.memory_space<vmem>>, vector<16xi32>,
      tpu.vector_store %arg10[%swap3A_750], %min3A_747 {strides = array<i32>} : memref<1024xi32, #tpu.memory_space<vmem>>, vector<16xi32>,
      %mul3A_752 = arith.constant 0 : i32
      %mul3A_753 = vector.broadcast %mul3A_752 : i32 to vector<16xi32>
      %mul3A_754 = arith.muli %add3A_699, %mul3A_753 : vector<16xi32>
      %add3A_755 = vector.broadcast %shift_right_arithmetic3A_692 : i32 to vector<16xi32>
      %add3A_756 = arith.addi %mul3A_754, %add3A_755 : vector<16xi32>
      %mul3A_757 = arith.constant 0 : i32
      %mul3A_758 = vector.broadcast %mul3A_757 : i32 to vector<16xi32>
      %mul3A_759 = arith.muli %add3A_699, %mul3A_758 : vector<16xi32>
      %add3A_760 = arith.constant 1 : i32
      %add3A_761 = vector.broadcast %add3A_760 : i32 to vector<16xi32>
      %add3A_762 = arith.addi %mul3A_759, %add3A_761 : vector<16xi32>
      tpu.vector_store_idx %arg8[%min3A_747, %add3A_756, %add3A_699], %add3A_762 : memref<53x8x128xi32, #tpu.memory_space<vmem>>[vector<16xi32>, vector<16xi32>, vector<16xi32>], vector<16xi32>,
      %scan3A_763 = arith.constant 0 : i32
      scf.yield %scan3A_763 : i32
    }
    %scan3A_393 = arith.constant 16 : i32
    %dma_start3A_394 = arith.constant 0 : i32
    %dma_start3A_395 = arith.constant 0 : i32
    %dma_start3A_396 = arith.constant 0 : i32
    %dma_start3A_397 = tpu.memref_slice %arg8[%dma_start3A_394, %dma_start3A_395, %dma_start3A_396] : memref<53x8x128xi32, #tpu.memory_space<vmem>> -> memref<51x8x128xi32, #tpu.memory_space<vmem>>
    %dma_start3A_398 = arith.constant 0 : i32
    %dma_start3A_399 = arith.constant 88 : i32
    %dma_start3A_400 = tpu.memref_slice %arg4[%dma_start3A_398, %dma_start3A_399, %mul3A_2] : memref<51x104x4096xi32, #tpu.memory_space<hbm>> -> memref<51x8x128xi32, #tpu.memory_space<hbm>>
    %dma_start3A_401 = arith.constant 0 : i32
    %dma_start3A_402 = arith.constant 88 : i32
    %dma_start3A_403 = tpu.memref_slice %arg4[%dma_start3A_401, %dma_start3A_402, %mul3A_2] : memref<51x104x4096xi32, #tpu.memory_space<hbm>> -> memref<51x8x128xi32, #tpu.memory_space<hbm>>
    %dma_start3A_404 = arith.constant 0 : i32
    %dma_start3A_405 = arith.constant 0 : i32
    %dma_start3A_406 = arith.constant 0 : i32
    %dma_start3A_407 = tpu.memref_slice %arg8[%dma_start3A_404, %dma_start3A_405, %dma_start3A_406] : memref<53x8x128xi32, #tpu.memory_space<vmem>> -> memref<51x8x128xi32, #tpu.memory_space<vmem>>
    tpu.enqueue_dma source(%dma_start3A_407 : memref<51x8x128xi32, #tpu.memory_space<vmem>>) target(%dma_start3A_403 : memref<51x8x128xi32, #tpu.memory_space<hbm>>) target_semaphore(%arg12 : memref<!tpu.dma_semaphore, #tpu.memory_space<semaphore_mem>>)
    %dma_wait3A_408 = arith.constant 0 : i32
    %dma_wait3A_409 = arith.constant 0 : i32
    %dma_wait3A_410 = arith.constant 0 : i32
    %dma_wait3A_411 = tpu.memref_slice %arg7[%dma_wait3A_408, %dma_wait3A_409, %dma_wait3A_410] : memref<53x8x128xi32, #tpu.memory_space<vmem>> -> memref<51x8x128xi32, #tpu.memory_space<vmem>>
    %dma_wait3A_412 = arith.constant 0 : i32
    %dma_wait3A_413 = arith.constant 80 : i32
    %dma_wait3A_414 = tpu.memref_slice %arg4[%dma_wait3A_412, %dma_wait3A_413, %mul3A_2] : memref<51x104x4096xi32, #tpu.memory_space<hbm>> -> memref<51x8x128xi32, #tpu.memory_space<hbm>>
    %dma_wait3A_415 = arith.constant 0 : i32
    %dma_wait3A_416 = arith.constant 80 : i32
    %dma_wait3A_417 = tpu.memref_slice %arg4[%dma_wait3A_415, %dma_wait3A_416, %mul3A_2] : memref<51x104x4096xi32, #tpu.memory_space<hbm>> -> memref<51x8x128xi32, #tpu.memory_space<hbm>>
    %dma_wait3A_418 = arith.constant 0 : i32
    %dma_wait3A_419 = arith.constant 0 : i32
    %dma_wait3A_420 = arith.constant 0 : i32
    %dma_wait3A_421 = tpu.memref_slice %arg7[%dma_wait3A_418, %dma_wait3A_419, %dma_wait3A_420] : memref<53x8x128xi32, #tpu.memory_space<vmem>> -> memref<51x8x128xi32, #tpu.memory_space<vmem>>
    tpu.wait_dma2 semaphore(%arg11 : memref<!tpu.dma_semaphore, #tpu.memory_space<semaphore_mem>>) src(%dma_wait3A_421 : memref<51x8x128xi32, #tpu.memory_space<vmem>>) dst(%dma_wait3A_417 : memref<51x8x128xi32, #tpu.memory_space<hbm>>)
    %scan3A_422 = arith.constant 0 : i32
    %scan3A_423 = arith.constant 0 : i32
    %scan3A_424 = arith.constant 16 : i32
    %scan3A_425 = arith.addi %scan3A_423, %scan3A_424 : i32
    %scan3A_426 = arith.constant 1 : i32
    %scan3A_427 = scf.for %scan3A_471 = %scan3A_423 to %scan3A_425 step %scan3A_426 iter_args(%scan3A_472 = %scan3A_422) -> (i32)  : i32 {
      %mul3A_473 = arith.constant 4 : i32
      %mul3A_474 = arith.muli %scan3A_471, %mul3A_473 : i32
      %add3A_475 = arith.constant 0 : i32
      %add3A_476 = arith.addi %mul3A_474, %add3A_475 : i32
      %shift_right_arithmetic3A = arith.constant 3 : i32
      %shift_right_arithmetic3A_477 = arith.shrsi %add3A_476, %shift_right_arithmetic3A : i32
      %and3A = arith.constant 7 : i32
      %and3A_478 = arith.andi %add3A_476, %and3A : i32
      %shift_left3A = arith.constant 4 : i32
      %shift_left3A_479 = arith.shli %and3A_478, %shift_left3A : i32
      %iota3A = tpu.iota {dimensions = array<i32: 0>} : vector<16xi32>
      %add3A_480 = vector.broadcast %shift_left3A_479 : i32 to vector<16xi32>
      %add3A_481 = arith.addi %add3A_480, %iota3A : vector<16xi32>
      %shift_right_arithmetic3A_482 = arith.constant 2 : i32
      %shift_right_arithmetic3A_483 = arith.shrsi %shift_right_arithmetic3A_477, %shift_right_arithmetic3A_482 : i32
      %add3A_484 = arith.constant 24 : i32
      %add3A_485 = arith.addi %add3A_484, %shift_right_arithmetic3A_483 : i32
      %mul3A_486 = arith.constant 16 : i32
      %mul3A_487 = arith.muli %add3A_476, %mul3A_486 : i32
      %get3A = arith.index_cast %mul3A_487 : i32 to index
      %get3A_488 = tpu.vector_load %arg9[%get3A] {strides = array<i32>} : memref<1024xi32, #tpu.memory_space<vmem>>, vector<16xi32>,
      %mul3A_489 = arith.constant 0 : i32
      %mul3A_490 = vector.broadcast %mul3A_489 : i32 to vector<16xi32>
      %mul3A_491 = arith.muli %add3A_481, %mul3A_490 : vector<16xi32>
      %add3A_492 = vector.broadcast %shift_right_arithmetic3A_477 : i32 to vector<16xi32>
      %add3A_493 = arith.addi %mul3A_491, %add3A_492 : vector<16xi32>
      %mul3A_494 = arith.constant 0 : i32
      %mul3A_495 = vector.broadcast %mul3A_494 : i32 to vector<16xi32>
      %mul3A_496 = arith.muli %add3A_481, %mul3A_495 : vector<16xi32>
      tpu.vector_store_idx %arg7[%get3A_488, %add3A_493, %add3A_481], %mul3A_496 : memref<53x8x128xi32, #tpu.memory_space<vmem>>[vector<16xi32>, vector<16xi32>, vector<16xi32>], vector<16xi32>,
      %mul3A_497 = arith.constant 26 : i32
      %mul3A_498 = vector.broadcast %mul3A_497 : i32 to vector<16xi32>
      %mul3A_499 = arith.muli %add3A_481, %mul3A_498 : vector<16xi32>
      %add3A_500 = vector.broadcast %add3A_485 : i32 to vector<16xi32>
      %add3A_501 = arith.addi %mul3A_499, %add3A_500 : vector<16xi32>
      %gather3A = tpu.vector_load_idx %arg5[%add3A_501] : memref<3328xf32, #tpu.memory_space<vmem>>[vector<16xi32>], vector<16xf32>,
      %mul3A_502 = arith.constant 0 : i32
      %mul3A_503 = vector.broadcast %mul3A_502 : i32 to vector<16xi32>
      %mul3A_504 = arith.muli %add3A_481, %mul3A_503 : vector<16xi32>
      %and3A_505 = arith.constant 3 : i32
      %and3A_506 = arith.andi %shift_right_arithmetic3A_477, %and3A_505 : i32
      %add3A_507 = vector.broadcast %and3A_506 : i32 to vector<16xi32>
      %add3A_508 = arith.addi %mul3A_504, %add3A_507 : vector<16xi32>
      %gather3A_509 = tpu.vector_load_idx %arg6[%add3A_508] : memref<4xf32, #tpu.memory_space<vmem>>[vector<16xi32>], vector<16xf32>,
      %sub3A = arith.subf %gather3A, %gather3A_509 : vector<16xf32>
      %abs3A = math.absf %sub3A : vector<16xf32>
      %mul3A_510 = arith.constant 1.000000e+01 : f32
      %mul3A_511 = vector.broadcast %mul3A_510 : f32 to vector<16xf32>
      %mul3A_512 = arith.mulf %mul3A_511, %abs3A : vector<16xf32>
      %div3A = arith.constant 1.000000e+00 : f32
      %div3A_513 = vector.broadcast %div3A : f32 to vector<16xf32>
      %div3A_514 = arith.divf %mul3A_512, %div3A_513 : vector<16xf32>
      %add3A_515 = arith.constant 1.000000e+00 : f32
      %add3A_516 = vector.broadcast %add3A_515 : f32 to vector<16xf32>
      %add3A_517 = arith.addf %div3A_514, %add3A_516 : vector<16xf32>
      %convert_element_type3A = arith.fptosi %add3A_517 : vector<16xf32> to vector<16xi32>
      %jit3A = arith.constant 0 : i32
      %jit3A_518 = arith.constant 52 : i32
      %max3A = vector.broadcast %jit3A : i32 to vector<16xi32>
      %max3A_519 = arith.maxsi %max3A, %convert_element_type3A : vector<16xi32>
      %min3A = vector.broadcast %jit3A_518 : i32 to vector<16xi32>
      %min3A_520 = arith.minsi %min3A, %max3A_519 : vector<16xi32>
      %mul3A_521 = arith.constant 16 : i32
      %mul3A_522 = arith.muli %add3A_476, %mul3A_521 : i32
      %swap3A = arith.index_cast %mul3A_522 : i32 to index
      %swap3A_523 = tpu.vector_load %arg9[%swap3A] {strides = array<i32>} : memref<1024xi32, #tpu.memory_space<vmem>>, vector<16xi32>,
      tpu.vector_store %arg9[%swap3A], %min3A_520 {strides = array<i32>} : memref<1024xi32, #tpu.memory_space<vmem>>, vector<16xi32>,
      %mul3A_524 = arith.constant 0 : i32
      %mul3A_525 = vector.broadcast %mul3A_524 : i32 to vector<16xi32>
      %mul3A_526 = arith.muli %add3A_481, %mul3A_525 : vector<16xi32>
      %add3A_527 = vector.broadcast %shift_right_arithmetic3A_477 : i32 to vector<16xi32>
      %add3A_528 = arith.addi %mul3A_526, %add3A_527 : vector<16xi32>
      %mul3A_529 = arith.constant 0 : i32
      %mul3A_530 = vector.broadcast %mul3A_529 : i32 to vector<16xi32>
      %mul3A_531 = arith.muli %add3A_481, %mul3A_530 : vector<16xi32>
      %add3A_532 = arith.constant 1 : i32
      %add3A_533 = vector.broadcast %add3A_532 : i32 to vector<16xi32>
      %add3A_534 = arith.addi %mul3A_531, %add3A_533 : vector<16xi32>
      tpu.vector_store_idx %arg7[%min3A_520, %add3A_528, %add3A_481], %add3A_534 : memref<53x8x128xi32, #tpu.memory_space<vmem>>[vector<16xi32>, vector<16xi32>, vector<16xi32>], vector<16xi32>,
      %mul3A_535 = arith.constant 4 : i32
      %mul3A_536 = arith.muli %scan3A_471, %mul3A_535 : i32
      %add3A_537 = arith.constant 1 : i32
      %add3A_538 = arith.addi %mul3A_536, %add3A_537 : i32
      %shift_right_arithmetic3A_539 = arith.constant 3 : i32
      %shift_right_arithmetic3A_540 = arith.shrsi %add3A_538, %shift_right_arithmetic3A_539 : i32
      %and3A_541 = arith.constant 7 : i32
      %and3A_542 = arith.andi %add3A_538, %and3A_541 : i32
      %shift_left3A_543 = arith.constant 4 : i32
      %shift_left3A_544 = arith.shli %and3A_542, %shift_left3A_543 : i32
      %iota3A_545 = tpu.iota {dimensions = array<i32: 0>} : vector<16xi32>
      %add3A_546 = vector.broadcast %shift_left3A_544 : i32 to vector<16xi32>
      %add3A_547 = arith.addi %add3A_546, %iota3A_545 : vector<16xi32>
      %shift_right_arithmetic3A_548 = arith.constant 2 : i32
      %shift_right_arithmetic3A_549 = arith.shrsi %shift_right_arithmetic3A_540, %shift_right_arithmetic3A_548 : i32
      %add3A_550 = arith.constant 24 : i32
      %add3A_551 = arith.addi %add3A_550, %shift_right_arithmetic3A_549 : i32
      %mul3A_552 = arith.constant 16 : i32
      %mul3A_553 = arith.muli %add3A_538, %mul3A_552 : i32
      %get3A_554 = arith.index_cast %mul3A_553 : i32 to index
      %get3A_555 = tpu.vector_load %arg9[%get3A_554] {strides = array<i32>} : memref<1024xi32, #tpu.memory_space<vmem>>, vector<16xi32>,
      %mul3A_556 = arith.constant 0 : i32
      %mul3A_557 = vector.broadcast %mul3A_556 : i32 to vector<16xi32>
      %mul3A_558 = arith.muli %add3A_547, %mul3A_557 : vector<16xi32>
      %add3A_559 = vector.broadcast %shift_right_arithmetic3A_540 : i32 to vector<16xi32>
      %add3A_560 = arith.addi %mul3A_558, %add3A_559 : vector<16xi32>
      %mul3A_561 = arith.constant 0 : i32
      %mul3A_562 = vector.broadcast %mul3A_561 : i32 to vector<16xi32>
      %mul3A_563 = arith.muli %add3A_547, %mul3A_562 : vector<16xi32>
      tpu.vector_store_idx %arg7[%get3A_555, %add3A_560, %add3A_547], %mul3A_563 : memref<53x8x128xi32, #tpu.memory_space<vmem>>[vector<16xi32>, vector<16xi32>, vector<16xi32>], vector<16xi32>,
      %mul3A_564 = arith.constant 26 : i32
      %mul3A_565 = vector.broadcast %mul3A_564 : i32 to vector<16xi32>
      %mul3A_566 = arith.muli %add3A_547, %mul3A_565 : vector<16xi32>
      %add3A_567 = vector.broadcast %add3A_551 : i32 to vector<16xi32>
      %add3A_568 = arith.addi %mul3A_566, %add3A_567 : vector<16xi32>
      %gather3A_569 = tpu.vector_load_idx %arg5[%add3A_568] : memref<3328xf32, #tpu.memory_space<vmem>>[vector<16xi32>], vector<16xf32>,
      %mul3A_570 = arith.constant 0 : i32
      %mul3A_571 = vector.broadcast %mul3A_570 : i32 to vector<16xi32>
      %mul3A_572 = arith.muli %add3A_547, %mul3A_571 : vector<16xi32>
      %and3A_573 = arith.constant 3 : i32
      %and3A_574 = arith.andi %shift_right_arithmetic3A_540, %and3A_573 : i32
      %add3A_575 = vector.broadcast %and3A_574 : i32 to vector<16xi32>
      %add3A_576 = arith.addi %mul3A_572, %add3A_575 : vector<16xi32>
      %gather3A_577 = tpu.vector_load_idx %arg6[%add3A_576] : memref<4xf32, #tpu.memory_space<vmem>>[vector<16xi32>], vector<16xf32>,
      %sub3A_578 = arith.subf %gather3A_569, %gather3A_577 : vector<16xf32>
      %abs3A_579 = math.absf %sub3A_578 : vector<16xf32>
      %mul3A_580 = arith.constant 1.000000e+01 : f32
      %mul3A_581 = vector.broadcast %mul3A_580 : f32 to vector<16xf32>
      %mul3A_582 = arith.mulf %mul3A_581, %abs3A_579 : vector<16xf32>
      %div3A_583 = arith.constant 1.000000e+00 : f32
      %div3A_584 = vector.broadcast %div3A_583 : f32 to vector<16xf32>
      %div3A_585 = arith.divf %mul3A_582, %div3A_584 : vector<16xf32>
      %add3A_586 = arith.constant 1.000000e+00 : f32
      %add3A_587 = vector.broadcast %add3A_586 : f32 to vector<16xf32>
      %add3A_588 = arith.addf %div3A_585, %add3A_587 : vector<16xf32>
      %convert_element_type3A_589 = arith.fptosi %add3A_588 : vector<16xf32> to vector<16xi32>
      %jit3A_590 = arith.constant 0 : i32
      %jit3A_591 = arith.constant 52 : i32
      %max3A_592 = vector.broadcast %jit3A_590 : i32 to vector<16xi32>
      %max3A_593 = arith.maxsi %max3A_592, %convert_element_type3A_589 : vector<16xi32>
      %min3A_594 = vector.broadcast %jit3A_591 : i32 to vector<16xi32>
      %min3A_595 = arith.minsi %min3A_594, %max3A_593 : vector<16xi32>
      %mul3A_596 = arith.constant 16 : i32
      %mul3A_597 = arith.muli %add3A_538, %mul3A_596 : i32
      %swap3A_598 = arith.index_cast %mul3A_597 : i32 to index
      %swap3A_599 = tpu.vector_load %arg9[%swap3A_598] {strides = array<i32>} : memref<1024xi32, #tpu.memory_space<vmem>>, vector<16xi32>,
      tpu.vector_store %arg9[%swap3A_598], %min3A_595 {strides = array<i32>} : memref<1024xi32, #tpu.memory_space<vmem>>, vector<16xi32>,
      %mul3A_600 = arith.constant 0 : i32
      %mul3A_601 = vector.broadcast %mul3A_600 : i32 to vector<16xi32>
      %mul3A_602 = arith.muli %add3A_547, %mul3A_601 : vector<16xi32>
      %add3A_603 = vector.broadcast %shift_right_arithmetic3A_540 : i32 to vector<16xi32>
      %add3A_604 = arith.addi %mul3A_602, %add3A_603 : vector<16xi32>
      %mul3A_605 = arith.constant 0 : i32
      %mul3A_606 = vector.broadcast %mul3A_605 : i32 to vector<16xi32>
      %mul3A_607 = arith.muli %add3A_547, %mul3A_606 : vector<16xi32>
      %add3A_608 = arith.constant 1 : i32
      %add3A_609 = vector.broadcast %add3A_608 : i32 to vector<16xi32>
      %add3A_610 = arith.addi %mul3A_607, %add3A_609 : vector<16xi32>
      tpu.vector_store_idx %arg7[%min3A_595, %add3A_604, %add3A_547], %add3A_610 : memref<53x8x128xi32, #tpu.memory_space<vmem>>[vector<16xi32>, vector<16xi32>, vector<16xi32>], vector<16xi32>,
      %mul3A_611 = arith.constant 4 : i32
      %mul3A_612 = arith.muli %scan3A_471, %mul3A_611 : i32
      %add3A_613 = arith.constant 2 : i32
      %add3A_614 = arith.addi %mul3A_612, %add3A_613 : i32
      %shift_right_arithmetic3A_615 = arith.constant 3 : i32
      %shift_right_arithmetic3A_616 = arith.shrsi %add3A_614, %shift_right_arithmetic3A_615 : i32
      %and3A_617 = arith.constant 7 : i32
      %and3A_618 = arith.andi %add3A_614, %and3A_617 : i32
      %shift_left3A_619 = arith.constant 4 : i32
      %shift_left3A_620 = arith.shli %and3A_618, %shift_left3A_619 : i32
      %iota3A_621 = tpu.iota {dimensions = array<i32: 0>} : vector<16xi32>
      %add3A_622 = vector.broadcast %shift_left3A_620 : i32 to vector<16xi32>
      %add3A_623 = arith.addi %add3A_622, %iota3A_621 : vector<16xi32>
      %shift_right_arithmetic3A_624 = arith.constant 2 : i32
      %shift_right_arithmetic3A_625 = arith.shrsi %shift_right_arithmetic3A_616, %shift_right_arithmetic3A_624 : i32
      %add3A_626 = arith.constant 24 : i32
      %add3A_627 = arith.addi %add3A_626, %shift_right_arithmetic3A_625 : i32
      %mul3A_628 = arith.constant 16 : i32
      %mul3A_629 = arith.muli %add3A_614, %mul3A_628 : i32
      %get3A_630 = arith.index_cast %mul3A_629 : i32 to index
      %get3A_631 = tpu.vector_load %arg9[%get3A_630] {strides = array<i32>} : memref<1024xi32, #tpu.memory_space<vmem>>, vector<16xi32>,
      %mul3A_632 = arith.constant 0 : i32
      %mul3A_633 = vector.broadcast %mul3A_632 : i32 to vector<16xi32>
      %mul3A_634 = arith.muli %add3A_623, %mul3A_633 : vector<16xi32>
      %add3A_635 = vector.broadcast %shift_right_arithmetic3A_616 : i32 to vector<16xi32>
      %add3A_636 = arith.addi %mul3A_634, %add3A_635 : vector<16xi32>
      %mul3A_637 = arith.constant 0 : i32
      %mul3A_638 = vector.broadcast %mul3A_637 : i32 to vector<16xi32>
      %mul3A_639 = arith.muli %add3A_623, %mul3A_638 : vector<16xi32>
      tpu.vector_store_idx %arg7[%get3A_631, %add3A_636, %add3A_623], %mul3A_639 : memref<53x8x128xi32, #tpu.memory_space<vmem>>[vector<16xi32>, vector<16xi32>, vector<16xi32>], vector<16xi32>,
      %mul3A_640 = arith.constant 26 : i32
      %mul3A_641 = vector.broadcast %mul3A_640 : i32 to vector<16xi32>
      %mul3A_642 = arith.muli %add3A_623, %mul3A_641 : vector<16xi32>
      %add3A_643 = vector.broadcast %add3A_627 : i32 to vector<16xi32>
      %add3A_644 = arith.addi %mul3A_642, %add3A_643 : vector<16xi32>
      %gather3A_645 = tpu.vector_load_idx %arg5[%add3A_644] : memref<3328xf32, #tpu.memory_space<vmem>>[vector<16xi32>], vector<16xf32>,
      %mul3A_646 = arith.constant 0 : i32
      %mul3A_647 = vector.broadcast %mul3A_646 : i32 to vector<16xi32>
      %mul3A_648 = arith.muli %add3A_623, %mul3A_647 : vector<16xi32>
      %and3A_649 = arith.constant 3 : i32
      %and3A_650 = arith.andi %shift_right_arithmetic3A_616, %and3A_649 : i32
      %add3A_651 = vector.broadcast %and3A_650 : i32 to vector<16xi32>
      %add3A_652 = arith.addi %mul3A_648, %add3A_651 : vector<16xi32>
      %gather3A_653 = tpu.vector_load_idx %arg6[%add3A_652] : memref<4xf32, #tpu.memory_space<vmem>>[vector<16xi32>], vector<16xf32>,
      %sub3A_654 = arith.subf %gather3A_645, %gather3A_653 : vector<16xf32>
      %abs3A_655 = math.absf %sub3A_654 : vector<16xf32>
      %mul3A_656 = arith.constant 1.000000e+01 : f32
      %mul3A_657 = vector.broadcast %mul3A_656 : f32 to vector<16xf32>
      %mul3A_658 = arith.mulf %mul3A_657, %abs3A_655 : vector<16xf32>
      %div3A_659 = arith.constant 1.000000e+00 : f32
      %div3A_660 = vector.broadcast %div3A_659 : f32 to vector<16xf32>
      %div3A_661 = arith.divf %mul3A_658, %div3A_660 : vector<16xf32>
      %add3A_662 = arith.constant 1.000000e+00 : f32
      %add3A_663 = vector.broadcast %add3A_662 : f32 to vector<16xf32>
      %add3A_664 = arith.addf %div3A_661, %add3A_663 : vector<16xf32>
      %convert_element_type3A_665 = arith.fptosi %add3A_664 : vector<16xf32> to vector<16xi32>
      %jit3A_666 = arith.constant 0 : i32
      %jit3A_667 = arith.constant 52 : i32
      %max3A_668 = vector.broadcast %jit3A_666 : i32 to vector<16xi32>
      %max3A_669 = arith.maxsi %max3A_668, %convert_element_type3A_665 : vector<16xi32>
      %min3A_670 = vector.broadcast %jit3A_667 : i32 to vector<16xi32>
      %min3A_671 = arith.minsi %min3A_670, %max3A_669 : vector<16xi32>
      %mul3A_672 = arith.constant 16 : i32
      %mul3A_673 = arith.muli %add3A_614, %mul3A_672 : i32
      %swap3A_674 = arith.index_cast %mul3A_673 : i32 to index
      %swap3A_675 = tpu.vector_load %arg9[%swap3A_674] {strides = array<i32>} : memref<1024xi32, #tpu.memory_space<vmem>>, vector<16xi32>,
      tpu.vector_store %arg9[%swap3A_674], %min3A_671 {strides = array<i32>} : memref<1024xi32, #tpu.memory_space<vmem>>, vector<16xi32>,
      %mul3A_676 = arith.constant 0 : i32
      %mul3A_677 = vector.broadcast %mul3A_676 : i32 to vector<16xi32>
      %mul3A_678 = arith.muli %add3A_623, %mul3A_677 : vector<16xi32>
      %add3A_679 = vector.broadcast %shift_right_arithmetic3A_616 : i32 to vector<16xi32>
      %add3A_680 = arith.addi %mul3A_678, %add3A_679 : vector<16xi32>
      %mul3A_681 = arith.constant 0 : i32
      %mul3A_682 = vector.broadcast %mul3A_681 : i32 to vector<16xi32>
      %mul3A_683 = arith.muli %add3A_623, %mul3A_682 : vector<16xi32>
      %add3A_684 = arith.constant 1 : i32
      %add3A_685 = vector.broadcast %add3A_684 : i32 to vector<16xi32>
      %add3A_686 = arith.addi %mul3A_683, %add3A_685 : vector<16xi32>
      tpu.vector_store_idx %arg7[%min3A_671, %add3A_680, %add3A_623], %add3A_686 : memref<53x8x128xi32, #tpu.memory_space<vmem>>[vector<16xi32>, vector<16xi32>, vector<16xi32>], vector<16xi32>,
      %mul3A_687 = arith.constant 4 : i32
      %mul3A_688 = arith.muli %scan3A_471, %mul3A_687 : i32
      %add3A_689 = arith.constant 3 : i32
      %add3A_690 = arith.addi %mul3A_688, %add3A_689 : i32
      %shift_right_arithmetic3A_691 = arith.constant 3 : i32
      %shift_right_arithmetic3A_692 = arith.shrsi %add3A_690, %shift_right_arithmetic3A_691 : i32
      %and3A_693 = arith.constant 7 : i32
      %and3A_694 = arith.andi %add3A_690, %and3A_693 : i32
      %shift_left3A_695 = arith.constant 4 : i32
      %shift_left3A_696 = arith.shli %and3A_694, %shift_left3A_695 : i32
      %iota3A_697 = tpu.iota {dimensions = array<i32: 0>} : vector<16xi32>
      %add3A_698 = vector.broadcast %shift_left3A_696 : i32 to vector<16xi32>
      %add3A_699 = arith.addi %add3A_698, %iota3A_697 : vector<16xi32>
      %shift_right_arithmetic3A_700 = arith.constant 2 : i32
      %shift_right_arithmetic3A_701 = arith.shrsi %shift_right_arithmetic3A_692, %shift_right_arithmetic3A_700 : i32
      %add3A_702 = arith.constant 24 : i32
      %add3A_703 = arith.addi %add3A_702, %shift_right_arithmetic3A_701 : i32
      %mul3A_704 = arith.constant 16 : i32
      %mul3A_705 = arith.muli %add3A_690, %mul3A_704 : i32
      %get3A_706 = arith.index_cast %mul3A_705 : i32 to index
      %get3A_707 = tpu.vector_load %arg9[%get3A_706] {strides = array<i32>} : memref<1024xi32, #tpu.memory_space<vmem>>, vector<16xi32>,
      %mul3A_708 = arith.constant 0 : i32
      %mul3A_709 = vector.broadcast %mul3A_708 : i32 to vector<16xi32>
      %mul3A_710 = arith.muli %add3A_699, %mul3A_709 : vector<16xi32>
      %add3A_711 = vector.broadcast %shift_right_arithmetic3A_692 : i32 to vector<16xi32>
      %add3A_712 = arith.addi %mul3A_710, %add3A_711 : vector<16xi32>
      %mul3A_713 = arith.constant 0 : i32
      %mul3A_714 = vector.broadcast %mul3A_713 : i32 to vector<16xi32>
      %mul3A_715 = arith.muli %add3A_699, %mul3A_714 : vector<16xi32>
      tpu.vector_store_idx %arg7[%get3A_707, %add3A_712, %add3A_699], %mul3A_715 : memref<53x8x128xi32, #tpu.memory_space<vmem>>[vector<16xi32>, vector<16xi32>, vector<16xi32>], vector<16xi32>,
      %mul3A_716 = arith.constant 26 : i32
      %mul3A_717 = vector.broadcast %mul3A_716 : i32 to vector<16xi32>
      %mul3A_718 = arith.muli %add3A_699, %mul3A_717 : vector<16xi32>
      %add3A_719 = vector.broadcast %add3A_703 : i32 to vector<16xi32>
      %add3A_720 = arith.addi %mul3A_718, %add3A_719 : vector<16xi32>
      %gather3A_721 = tpu.vector_load_idx %arg5[%add3A_720] : memref<3328xf32, #tpu.memory_space<vmem>>[vector<16xi32>], vector<16xf32>,
      %mul3A_722 = arith.constant 0 : i32
      %mul3A_723 = vector.broadcast %mul3A_722 : i32 to vector<16xi32>
      %mul3A_724 = arith.muli %add3A_699, %mul3A_723 : vector<16xi32>
      %and3A_725 = arith.constant 3 : i32
      %and3A_726 = arith.andi %shift_right_arithmetic3A_692, %and3A_725 : i32
      %add3A_727 = vector.broadcast %and3A_726 : i32 to vector<16xi32>
      %add3A_728 = arith.addi %mul3A_724, %add3A_727 : vector<16xi32>
      %gather3A_729 = tpu.vector_load_idx %arg6[%add3A_728] : memref<4xf32, #tpu.memory_space<vmem>>[vector<16xi32>], vector<16xf32>,
      %sub3A_730 = arith.subf %gather3A_721, %gather3A_729 : vector<16xf32>
      %abs3A_731 = math.absf %sub3A_730 : vector<16xf32>
      %mul3A_732 = arith.constant 1.000000e+01 : f32
      %mul3A_733 = vector.broadcast %mul3A_732 : f32 to vector<16xf32>
      %mul3A_734 = arith.mulf %mul3A_733, %abs3A_731 : vector<16xf32>
      %div3A_735 = arith.constant 1.000000e+00 : f32
      %div3A_736 = vector.broadcast %div3A_735 : f32 to vector<16xf32>
      %div3A_737 = arith.divf %mul3A_734, %div3A_736 : vector<16xf32>
      %add3A_738 = arith.constant 1.000000e+00 : f32
      %add3A_739 = vector.broadcast %add3A_738 : f32 to vector<16xf32>
      %add3A_740 = arith.addf %div3A_737, %add3A_739 : vector<16xf32>
      %convert_element_type3A_741 = arith.fptosi %add3A_740 : vector<16xf32> to vector<16xi32>
      %jit3A_742 = arith.constant 0 : i32
      %jit3A_743 = arith.constant 52 : i32
      %max3A_744 = vector.broadcast %jit3A_742 : i32 to vector<16xi32>
      %max3A_745 = arith.maxsi %max3A_744, %convert_element_type3A_741 : vector<16xi32>
      %min3A_746 = vector.broadcast %jit3A_743 : i32 to vector<16xi32>
      %min3A_747 = arith.minsi %min3A_746, %max3A_745 : vector<16xi32>
      %mul3A_748 = arith.constant 16 : i32
      %mul3A_749 = arith.muli %add3A_690, %mul3A_748 : i32
      %swap3A_750 = arith.index_cast %mul3A_749 : i32 to index
      %swap3A_751 = tpu.vector_load %arg9[%swap3A_750] {strides = array<i32>} : memref<1024xi32, #tpu.memory_space<vmem>>, vector<16xi32>,
      tpu.vector_store %arg9[%swap3A_750], %min3A_747 {strides = array<i32>} : memref<1024xi32, #tpu.memory_space<vmem>>, vector<16xi32>,
      %mul3A_752 = arith.constant 0 : i32
      %mul3A_753 = vector.broadcast %mul3A_752 : i32 to vector<16xi32>
      %mul3A_754 = arith.muli %add3A_699, %mul3A_753 : vector<16xi32>
      %add3A_755 = vector.broadcast %shift_right_arithmetic3A_692 : i32 to vector<16xi32>
      %add3A_756 = arith.addi %mul3A_754, %add3A_755 : vector<16xi32>
      %mul3A_757 = arith.constant 0 : i32
      %mul3A_758 = vector.broadcast %mul3A_757 : i32 to vector<16xi32>
      %mul3A_759 = arith.muli %add3A_699, %mul3A_758 : vector<16xi32>
      %add3A_760 = arith.constant 1 : i32
      %add3A_761 = vector.broadcast %add3A_760 : i32 to vector<16xi32>
      %add3A_762 = arith.addi %mul3A_759, %add3A_761 : vector<16xi32>
      tpu.vector_store_idx %arg7[%min3A_747, %add3A_756, %add3A_699], %add3A_762 : memref<53x8x128xi32, #tpu.memory_space<vmem>>[vector<16xi32>, vector<16xi32>, vector<16xi32>], vector<16xi32>,
      %scan3A_763 = arith.constant 0 : i32
      scf.yield %scan3A_763 : i32
    }
    %scan3A_428 = arith.constant 16 : i32
    %dma_start3A_429 = arith.constant 0 : i32
    %dma_start3A_430 = arith.constant 0 : i32
    %dma_start3A_431 = arith.constant 0 : i32
    %dma_start3A_432 = tpu.memref_slice %arg7[%dma_start3A_429, %dma_start3A_430, %dma_start3A_431] : memref<53x8x128xi32, #tpu.memory_space<vmem>> -> memref<51x8x128xi32, #tpu.memory_space<vmem>>
    %dma_start3A_433 = arith.constant 0 : i32
    %dma_start3A_434 = arith.constant 96 : i32
    %dma_start3A_435 = tpu.memref_slice %arg4[%dma_start3A_433, %dma_start3A_434, %mul3A_2] : memref<51x104x4096xi32, #tpu.memory_space<hbm>> -> memref<51x8x128xi32, #tpu.memory_space<hbm>>
    %dma_start3A_436 = arith.constant 0 : i32
    %dma_start3A_437 = arith.constant 96 : i32
    %dma_start3A_438 = tpu.memref_slice %arg4[%dma_start3A_436, %dma_start3A_437, %mul3A_2] : memref<51x104x4096xi32, #tpu.memory_space<hbm>> -> memref<51x8x128xi32, #tpu.memory_space<hbm>>
    %dma_start3A_439 = arith.constant 0 : i32
    %dma_start3A_440 = arith.constant 0 : i32
    %dma_start3A_441 = arith.constant 0 : i32
    %dma_start3A_442 = tpu.memref_slice %arg7[%dma_start3A_439, %dma_start3A_440, %dma_start3A_441] : memref<53x8x128xi32, #tpu.memory_space<vmem>> -> memref<51x8x128xi32, #tpu.memory_space<vmem>>
    tpu.enqueue_dma source(%dma_start3A_442 : memref<51x8x128xi32, #tpu.memory_space<vmem>>) target(%dma_start3A_438 : memref<51x8x128xi32, #tpu.memory_space<hbm>>) target_semaphore(%arg11 : memref<!tpu.dma_semaphore, #tpu.memory_space<semaphore_mem>>)
    %dma_wait3A_443 = arith.constant 0 : i32
    %dma_wait3A_444 = arith.constant 0 : i32
    %dma_wait3A_445 = arith.constant 0 : i32
    %dma_wait3A_446 = tpu.memref_slice %arg8[%dma_wait3A_443, %dma_wait3A_444, %dma_wait3A_445] : memref<53x8x128xi32, #tpu.memory_space<vmem>> -> memref<51x8x128xi32, #tpu.memory_space<vmem>>
    %dma_wait3A_447 = arith.constant 0 : i32
    %dma_wait3A_448 = arith.constant 88 : i32
    %dma_wait3A_449 = tpu.memref_slice %arg4[%dma_wait3A_447, %dma_wait3A_448, %mul3A_2] : memref<51x104x4096xi32, #tpu.memory_space<hbm>> -> memref<51x8x128xi32, #tpu.memory_space<hbm>>
    %dma_wait3A_450 = arith.constant 0 : i32
    %dma_wait3A_451 = arith.constant 88 : i32
    %dma_wait3A_452 = tpu.memref_slice %arg4[%dma_wait3A_450, %dma_wait3A_451, %mul3A_2] : memref<51x104x4096xi32, #tpu.memory_space<hbm>> -> memref<51x8x128xi32, #tpu.memory_space<hbm>>
    %dma_wait3A_453 = arith.constant 0 : i32
    %dma_wait3A_454 = arith.constant 0 : i32
    %dma_wait3A_455 = arith.constant 0 : i32
    %dma_wait3A_456 = tpu.memref_slice %arg8[%dma_wait3A_453, %dma_wait3A_454, %dma_wait3A_455] : memref<53x8x128xi32, #tpu.memory_space<vmem>> -> memref<51x8x128xi32, #tpu.memory_space<vmem>>
    tpu.wait_dma2 semaphore(%arg12 : memref<!tpu.dma_semaphore, #tpu.memory_space<semaphore_mem>>) src(%dma_wait3A_456 : memref<51x8x128xi32, #tpu.memory_space<vmem>>) dst(%dma_wait3A_452 : memref<51x8x128xi32, #tpu.memory_space<hbm>>)
    %dma_wait3A_457 = arith.constant 0 : i32
    %dma_wait3A_458 = arith.constant 0 : i32
    %dma_wait3A_459 = arith.constant 0 : i32
    %dma_wait3A_460 = tpu.memref_slice %arg7[%dma_wait3A_457, %dma_wait3A_458, %dma_wait3A_459] : memref<53x8x128xi32, #tpu.memory_space<vmem>> -> memref<51x8x128xi32, #tpu.memory_space<vmem>>
    %dma_wait3A_461 = arith.constant 0 : i32
    %dma_wait3A_462 = arith.constant 96 : i32
    %dma_wait3A_463 = tpu.memref_slice %arg4[%dma_wait3A_461, %dma_wait3A_462, %mul3A_2] : memref<51x104x4096xi32, #tpu.memory_space<hbm>> -> memref<51x8x128xi32, #tpu.memory_space<hbm>>
    %dma_wait3A_464 = arith.constant 0 : i32
    %dma_wait3A_465 = arith.constant 96 : i32
    %dma_wait3A_466 = tpu.memref_slice %arg4[%dma_wait3A_464, %dma_wait3A_465, %mul3A_2] : memref<51x104x4096xi32, #tpu.memory_space<hbm>> -> memref<51x8x128xi32, #tpu.memory_space<hbm>>
    %dma_wait3A_467 = arith.constant 0 : i32
    %dma_wait3A_468 = arith.constant 0 : i32
    %dma_wait3A_469 = arith.constant 0 : i32
    %dma_wait3A_470 = tpu.memref_slice %arg7[%dma_wait3A_467, %dma_wait3A_468, %dma_wait3A_469] : memref<53x8x128xi32, #tpu.memory_space<vmem>> -> memref<51x8x128xi32, #tpu.memory_space<vmem>>
    tpu.wait_dma2 semaphore(%arg11 : memref<!tpu.dma_semaphore, #tpu.memory_space<semaphore_mem>>) src(%dma_wait3A_470 : memref<51x8x128xi32, #tpu.memory_space<vmem>>) dst(%dma_wait3A_466 : memref<51x8x128xi32, #tpu.memory_space<hbm>>)
    return
  }
}

</mosaic_0001>

<sc_bundles>
// kernel: kernel.3.cloned.1.call-start
scs
__scs_entry_jumppad:
0x0: {  	(pc) =	sbr.rel $0x88, $3  }
0x1: {  	(tag) =	ssettag $0x0;
	lr =	simm.s32 $0x1  }
0x2: {  	[smem:$0x3F9F] =	sst lr;
	_ =	strace $0xD0000000  }
0x3: {  	_ = 	snop  }
0x4: {  	_ = 	snop  }
0x5: {  	_ = 	snop  }
0x6: {  	_ = 	snop  }
0x7: {  	_ = 	snop  }
__scs_overlays_trampoline_lowered:
0x8: {  	[smem:$0x3FAE] =	sst s0  }
0x9: {  	[smem:$0x3FAF] =	sst s1  }
0xa: {  	[smem:$0x3FB0] =	sst s2  }
0xb: {  	[smem:$0x3FB1] =	sst s3  }
0xc: {  	[smem:$0x3FB2] =	sst s4  }
0xd: {  	[smem:$0x3FB3] =	sst s5  }
0xe: {  	[smem:$0x3FB4] =	sst s6  }
0xf: {  	[smem:$0x3FB5] =	sst s7  }
0x10: {  	[smem:$0x3FB6] =	sst s8  }
0x11: {  	[smem:$0x3FB7] =	sst s9;
	s0 =	simm.s32 @!p0 $0x0  }
0x12: {  	s1 =	sld [smem:$0x3F9D];
	s0 =	simm.s32 @p0 $0x1  }
0x13: {  	[smem:$0x3FB8] =	sst s0;
	s0 =	simm.s32 @!p1 $0x0  }
0x14: {  	s2 =	sld [smem:$0x3F9C];
	s0 =	simm.s32 @p1 $0x1  }
0x15: {  	[smem:$0x3FB9] =	sst s0;
	s0 =	simm.s32 @!p2 $0x0  }
0x16: {  	s3 =	sld [smem:$0x3FDB];
	s0 =	simm.s32 @p2 $0x1  }
0x17: {  	s4 =	simm.s32 $0x1BF5;
	[smem:$0x3FBB] =	sst s0  }
0x18: {  	s0 =	sld [smem:$0x3F9E];
	_ =	swait.ge [sflag:s4], $0x0  }
0x19: {  	s7 =	sld [smem:$0x3F9F]  }
0x1a: {  	s8 =	sadd.s32 $0xFFFFE003, lr  }
0x1b: {  	s9 =	sadd.s32 $0xFFFFFEF7, lr;
	s5 =	simm.s32 $0xFFFFFFFF;
	p2 =	slt.u32 s8, $0xFFFFF086  }
0x1c: {  	p1 =	slt.u32 s9, $0xF7A;
	s5 =	simm.s32 @!p2 $0x0  }
0x1d: {  	s5 =	simm.s32 @p1 $0x1;
	p0 =	seq.s32 s7, s2  }
0x1e: {  	s7 =	smul.u32 @!p0 $0xF7A, s2;
	p2 =	seq.s32 @!p0 s5, $0x0  }
0x1f: {  	s9 =	smul.u32 $0xF7A, s1;
	s8 =	simm.s32 @!p0 $0x1BF5;
	p2 =	por !p2, p0  }
0x20: {  	[sflag:s8] =	ssyncset.s32 @!p0 $0xFFFFF086;
	s6 =	sadd.s32 @!p0 s3, s7;
	s7 =	simm.s32 @!p0 $0x108  }
0x21: {  	s3 =	sadd.s32 s3, s9;
	s6 =	sadd.s32 @!p0 $0x88, s6;
	s7 =	simm.s32 @p2 $0x1082  }
0x22: {  	[simem:s7], [sflag:s8] =	dma.local @!p0 [hbm:s6], $0xF7A  }
0x23: {  	s9 =	sor.u32 $0xD0000000, s2;
	s6 =	simm.s32 $0x108;
	_ =	swait.ge @!p0 [sflag:s8], $0x0  }
0x24: {  	s3 =	sadd.s32 $0x88, s3;
	s6 =	simm.s32 @!p1 $0x1082;
	[sflag:s4] =	ssyncset.s32 $0xFFFFF086  }
0x25: {  	[simem:s6], [sflag:s4] =	dma.local [hbm:s3], $0xF7A  }
0x26: {  	[smem:$0x3F9F] =	sst s1;
	(tag) =	ssettag s2;
	_ =	strace s9  }
0x27: {  	s1 =	sld [smem:$0x3FAF]  }
0x28: {  	s2 =	sld [smem:$0x3FB0]  }
0x29: {  	s4 =	sld [smem:$0x3FB2]  }
0x2a: {  	p0 =	seq.s32 s5, $0x0;
	s5 =	sld [smem:$0x3FB3]  }
0x2b: {  	s6 =	sld [smem:$0x3FB4]  }
0x2c: {  	s7 =	sld [smem:$0x3FB5]  }
0x2d: {  	s3 =	simm.s32 $0x108;
	s8 =	sld [smem:$0x3FB6]  }
0x2e: {  	s3 =	simm.s32 @!p0 $0x1082;
	s9 =	sld [smem:$0x3FB7]  }
0x2f: {  	lr =	sadd.s32 s0, s3;
	s0 =	sld [smem:$0x3FAE]  }
0x30: {  	s3 =	sld [smem:$0x3FB1]  }
0x31: {  	[smem:$0x3FBA] =	sst s10  }
0x32: {  	s10 =	sld [smem:$0x3FB8];
	_ =	sdelay $0x3  }
0x33: {  	p0 =	seq.s32 s10, $0x1;
	s10 =	sld [smem:$0x3FBA];
	_ =	sdelay $0x3  }
0x34: {  	[smem:$0x3FBA] =	sst s10  }
0x35: {  	s10 =	sld [smem:$0x3FB9];
	_ =	sdelay $0x3  }
0x36: {  	p1 =	seq.s32 s10, $0x1;
	s10 =	sld [smem:$0x3FBA];
	_ =	sdelay $0x3  }
0x37: {  	[smem:$0x3FBA] =	sst s10  }
0x38: {  	s10 =	sld [smem:$0x3FBB]  }
0x39: {  	_ = 	snop;
	(pc) =	sbr.ind lr, $3  }
0x3a: {  	_ = 	snop  }
0x3b: {  	_ = 	snop  }
0x3c: {  	p2 =	seq.s32 s10, $0x1;
	s10 =	sld [smem:$0x3FBA]  }
0x3d: {  	_ =	shalt  }
0x3e: {  	_ =	shalt  }
0x3f: {  	_ =	shalt  }
0x40: {  	_ =	shalt  }
0x41: {  	_ =	shalt  }
0x42: {  	_ =	shalt  }
0x43: {  	_ =	shalt  }
0x44: {  	_ =	shalt  }
0x45: {  	_ =	shalt  }
0x46: {  	_ =	shalt  }
0x47: {  	_ =	shalt  }
0x48: {  	_ =	shalt  }
0x49: {  	_ =	shalt  }
0x4a: {  	_ =	shalt  }
0x4b: {  	_ =	shalt  }
0x4c: {  	_ =	shalt  }
0x4d: {  	_ =	shalt  }
0x4e: {  	_ =	shalt  }
0x4f: {  	_ =	shalt  }
0x50: {  	_ =	shalt  }
0x51: {  	_ =	shalt  }
0x52: {  	_ =	shalt  }
0x53: {  	_ =	shalt  }
0x54: {  	_ =	shalt  }
0x55: {  	_ =	shalt  }
0x56: {  	_ =	shalt  }
0x57: {  	_ =	shalt  }
0x58: {  	_ =	shalt  }
0x59: {  	_ =	shalt  }
0x5a: {  	_ =	shalt  }
0x5b: {  	_ =	shalt  }
0x5c: {  	_ =	shalt  }
0x5d: {  	_ =	shalt  }
0x5e: {  	_ =	shalt  }
0x5f: {  	_ =	shalt  }
0x60: {  	_ =	shalt  }
0x61: {  	_ =	shalt  }
0x62: {  	_ =	shalt  }
0x63: {  	_ =	shalt  }
0x64: {  	_ =	shalt  }
0x65: {  	_ =	shalt  }
0x66: {  	_ =	shalt  }
0x67: {  	_ =	shalt  }
0x68: {  	_ =	shalt  }
0x69: {  	_ =	shalt  }
0x6a: {  	_ =	shalt  }
0x6b: {  	_ =	shalt  }
0x6c: {  	_ =	shalt  }
0x6d: {  	_ =	shalt  }
0x6e: {  	_ =	shalt  }
0x6f: {  	_ =	shalt  }
0x70: {  	_ =	shalt  }
0x71: {  	_ =	shalt  }
0x72: {  	_ =	shalt  }
0x73: {  	_ =	shalt  }
0x74: {  	_ =	shalt  }
0x75: {  	_ =	shalt  }
0x76: {  	_ =	shalt  }
0x77: {  	_ =	shalt  }
0x78: {  	_ =	shalt  }
0x79: {  	_ =	shalt  }
0x7a: {  	_ =	shalt  }
0x7b: {  	_ =	shalt  }
0x7c: {  	_ =	shalt  }
0x7d: {  	_ =	shalt  }
0x7e: {  	_ =	shalt  }
0x7f: {  	_ =	shalt  }
0x80: {  	_ =	shalt  }
0x81: {  	_ =	shalt  }
0x82: {  	_ =	shalt  }
0x83: {  	_ =	shalt  }
0x84: {  	_ =	shalt  }
0x85: {  	_ =	shalt  }
0x86: {  	_ =	shalt  }
0x87: {  	_ =	shalt  }
.Lfunc_end0:
.L_simem_size_0:
called_computation_lowered:
.L_overlay_start_0:
0x88: {  	s2 =	sld [smem:$0x3FD9]  }
0x89: {  	s3 =	sld [smem:$0x3FFE];
	_ =	sdelay $0x1  }
0x8a: {  	s1 =	srdreg.scid  }
0x8b: {  	s0 =	sand.u32 $0x1, s1  }
0x8c: {  	s17 =	sshll.u32 s0, $0xA;
	s2 =	sadd.s32 s3, s2  }
0x8d: {  	s2 =	sadd.s32 s2, s17  }
0x8e: {  	[smem:$0x3FC6] =	sst s2  }
0x8f: {  	_ = 	snop  }
0x90: {  	s2 =	sld [smem:$0x3FC8]  }
0x91: {  	s18 =	sld [smem:$0x3FD0];
	(tm) =	ssettm $0x1  }
0x92: {  	s4 =	sld [smem:$0x3FFB];
	_ =	sdelay $0x3  }
0x93: {  	_ =	strace s4  }
0x94: {  	s4 =	sld [smem:$0x3FFC];
	_ =	sdelay $0x3  }
0x95: {  	_ =	strace s4  }
0x96: {  	s4 =	sld [smem:$0x3FFD];
	_ =	sdelay $0x3  }
0x97: {  	_ =	strace s4  }
0x98: {  	_ =	strace $0x8FFFFFFF  }
0x99: {  	s19 =	sld [smem:$0x3FDB];
	_ =	sdelay $0x1  }
0x9a: {  	s5 =	simm.s32 $_scs_section_size  }
0x9b: {  	s6 =	simm.s32 $_size__tile_overlayer_lowered;
	s7 =	simm.s32 $_tile_overlayer_lowered  }
0x9c: {  	s22 =	simm.s32 $0x1BFF;
	s21 =	sshll.u32 s7, $0x1;
	s4 =	sadd.s32 s5, s19  }
0x9d: {  	s8 =	simm.s32 $0x0;
	s20 =	sshll.u32 s6, $0x1;
	s6 =	sadd.s32 s21, s4  }
0x9e: {  	[timem:s8], [sflag:s22] =	dma.local [hbm:s6], s20  }
0x9f: {  	_ =	swait.ge [sflag:s22], s20  }
0xa0: {  	s5 =	ssub.s32 $0x0, s20;
	[sflag:s22] =	ssyncset.done $0x0  }
0xa1: {  	[sflag:s22] =	ssyncadd.s32 s5;
	_ =	sdelay $0x1  }
0xa2: {  	s23 =	simm.s32 $0x1B8B  }
0xa3: {  	_ =	swait.ge [sflag:s23], $0x1  }
0xa4: {  	[sflag:s23] =	ssyncset.done $0x0  }
0xa5: {  	s25 =	simm.s32 $0x1B8E;
	s24 =	sld [smem:$0x3FFE];
	[sflag:s23] =	ssyncadd.s32 $0xFFFFFFFF  }
0xa6: {  	s26 =	simm.s32 $execute0_lowered;
	[smem:$0x3FD2] =	sst s25  }
0xa7: {  	s6 =	sshll.u32 s26, $0x1;
	_ =	strace $0x80000046;
	[dreg:$0x1] =	wrdreg $0xFFFFFFFF  }
0xa8: {  	s28 =	simm.s32 $_size_execute0_lowered;
	s4 =	sadd.s32 s4, s6;
	[dreg:$0x0] =	wrdreg $0x0  }
0xa9: {  	s6 =	sshll.u32 s28, $0x1;
	[dreg:$0x2] =	wrdreg s4  }
0xaa: {  	[dreg:$0x3] =	wrdreg s6  }
0xab: {  	[dreg:$0x4] =	wrdreg $0xC0  }
0xac: {  	_ =	task [dreg:s8], $0x5FFFF  }
0xad: {  	[dreg:$0x1] =	wrdreg $0xFFFFFFFF  }
0xae: {  	[dreg:$0x0] =	wrdreg $0x60  }
0xaf: {  	[dreg:$0x2] =	wrdreg s24  }
0xb0: {  	[dreg:$0x3] =	wrdreg s2  }
0xb1: {  	[dreg:$0x4] =	wrdreg s18  }
0xb2: {  	[dreg:$0x5] =	wrdreg $0x9  }
0xb3: {  	_ =	task.clear_ibuf [dreg:s8], $0x6FFFF;
	_ =	strace $0x90000046  }
0xb4: {  	s29 =	simm.s32 $0x9;
	_ =	strace $0x80000048  }
0xb5: {  	_ =	swait.ge [sflag:s29], $0x1  }
0xb6: {  	[sflag:s29] =	ssyncadd.s32 $0xFFFFFFFF  }
0xb7: {  	_ =	strace $0x90000048  }
0xb8: {  	_ =	sfence  }
0xb9: {  	s30 =	sld [smem:$0x0];
	_ =	sdelay $0x2  }
0xba: {  	s31 =	sshll.u32 s1, $0xD;
	s1 =	sshrl.u32 s1, $0x2  }
0xbb: {  	s3 =	sand.u32 $0x4000, s31;
	s1 =	sadd.s32 s1, s30  }
0xbc: {  	s0 =	sor.u32 s3, s0;
	s1 =	sshll.u32 s1, $0x11  }
0xbd: {  	s0 =	sor.u32 s1, s0  }
0xbe: {  	s0 =	sadd.s32 $0x8F2B, s0  }
0xbf: {  	[sflag:s0] =	ssyncadd.remote.s32 $0x1  }
0xc0: {  	_ =	sfence.sel $0xFFFF  }
0xc1: {  	[dreg:$0x0] =	wrdreg $0xFFFFFFFF;
	(pc) =	sbr.abs _section_cstart, $3  }
0xc2: {  	[dreg:$0x1] =	wrdreg $0xFFFFFFFF  }
0xc3: {  	_ =	task.clear_ibuf [dreg:s8], $0x2FFFF;
	_ =	strace $0x9FFFFFFF  }
0xc4: {  	(tm) =	ssettm $0x7FFFFFFF  }
0xc5: {  	_ =	shalt  }
tec
execute0_lowered:
.L_overlay_start_1:
0x0: {  	(tag) =	ssettag $0x1  }
0x1: {  	s0 =	rddreg [dreg:$0x0];
	s1 =	srdreg.scid  }
0x2: {  	s2 =	stileid.u32;
	s4 =	rddreg [dreg:$0x2]  }
0x3: {  	s3 =	simm.s32 $0x0;
	s19 =	simm.s32 $0xD00;
	s20 =	simm.s32 $0x3  }
0x4: {  	s21 =	simm.s32 $0xD80;
	s22 =	simm.s32 $0x400;
	s23 =	simm.s32 $0x68000  }
0x5: {  	s24 =	simm.s32 $0xE180;
	s25 =	simm.s32 $0x1;
	s26 =	simm.s32 $0x2  }
0x6: {  	s28 =	simm.s32 $0x0;
	s1 =	sand.u32 $0x1, s1;
	s5 =	sshll.u32 s2, $0x1  }
0x7: {  	[smem:$0x7FF] =	sst s3;
	s5 =	sor.u32 s1, s5;
	s1 =	ssub.s32 $0x2, s1  }
0x8: {  	s6 =	smul.u32 $0x1A0, s5;
	s5 =	sshll.u32 s5, $0x7;
	s31 =	sshrl.u32 s1, $0x1  }
0x9: {  	_ =	strace $0x80000047;
	s4 =	sadd.s32 s4, s5;
	s1 =	ssub.s32 s1, s31  }
0xa: {  	s0 =	sadd.s32 s6, s0;
	s6 =	sadd.s32 $0x1000, s4;
	s7 =	sadd.s32 $0x2000, s4  }
0xb: {  	s8 =	sadd.s32 $0x3000, s4;
	s9 =	sadd.s32 $0x4000, s4;
	s10 =	sadd.s32 $0x5000, s4  }
0xc: {  	s11 =	sadd.s32 $0x6000, s4;
	s12 =	sadd.s32 $0x7000, s4;
	s13 =	sadd.s32 $0x8000, s4  }
0xd: {  	s14 =	sadd.s32 $0x9000, s4;
	s15 =	sadd.s32 $0xA000, s4;
	s16 =	sadd.s32 $0xB000, s4  }
0xe: {  	v0 =	vimm.s32 $0x0;
	v1 =	vlaneseq.u32;
	v2 =	vimm.s32 $0x1;
	s17 =	sadd.s32 $0xC000, s4;
	s18 =	smax.u32 s1, $0x1;
	s5 =	sadd.s32 $0x400, s0  }
.LBB2_1:
0xf: {  	s0 =	rddreg [dreg:$0x1]  }
0x10: {  	[tilespmem:s19], [sflag:$0x3] =	stream.linear.gather [hbm4b:s0+s3], $0x80, $0x38;
	[tilespmem:$0x1BD80] =	vst v63  }
0x11: {  	_ =	swait.ge [sflag:s20], $0x80  }
0x12: {  	[sflag:s20] =	ssyncset.done $0x0  }
0x13: {  	[sflag:s20] =	ssyncadd.s32 $0xFFFFFF80  }
0x14: {  	[tilespmem:s3], [sflag:$0x3] =	stream.linear.gather [hbm4b:s5+s3], $0xD00, $0x38;
	[tilespmem:$0x1BD80] =	vst v63  }
0x15: {  	_ =	swait.ge [sflag:s20], $0xD00  }
0x16: {  	[sflag:s20] =	ssyncset.done $0x0  }
0x17: {  	s1 =	simm.s32 $0x200;
	s0 =	simm.s32 $0x0;
	[sflag:s20] =	ssyncadd.s32 $0xFFFFF300  }
.LBB2_2:
0x18: {  	p0 =	sne.s32 s1, $0x34E00;
	[tilespmem:s0+$0xDF0] =	vst v0  }
0x19: {  	[tilespmem:s0+$0xD80] =	vst v0  }
0x1a: {  	[tilespmem:s0+$0xD90] =	vst v0  }
.Ltmp0:
0x1b: {  	[tilespmem:s0+$0xDA0] =	vst v0;
	(pc) =	sbr.rel @p0 .LBB2_2-.Ltmp0, $4  }
0x1c: {  	[tilespmem:s0+$0xDB0] =	vst v0  }
0x1d: {  	[tilespmem:s0+$0xDC0] =	vst v0  }
0x1e: {  	[tilespmem:s0+$0xDD0] =	vst v0  }
0x1f: {  	[tilespmem:s0+$0xDE0] =	vst v0;
	s0 =	sshra.s32 s1, $0x2;
	s1 =	sadd.s32 $0x200, s1  }
0x20: {  	[tilespmem:s0+$0xDF0] =	vst v0  }
0x21: {  	[tilespmem:s0+$0xD80] =	vst v0  }
0x22: {  	[tilespmem:s0+$0xD90] =	vst v0  }
0x23: {  	[tilespmem:s0+$0xDA0] =	vst v0  }
0x24: {  	[tilespmem:s0+$0xDB0] =	vst v0  }
0x25: {  	[tilespmem:s0+$0xDC0] =	vst v0  }
0x26: {  	[tilespmem:s0+$0xDD0] =	vst v0  }
0x27: {  	[tilespmem:s0+$0xDE0] =	vst v0;
	s1 =	simm.s32 $0x0;
	s29 =	simm.s32 $0x1B5A0;
	s30 =	simm.s32 $0x0  }
.LBB2_4:
0x28: {  	s0 =	sand.u32 $0x40, s1  }
0x29: {  	s31 =	sshrl.u32 s30, $0x1;
	v3 =	vor.u32 s0, v1  }
0x2a: {  	s2 =	sand.u32 $0x3, s31;
	v4 =	vmul.u32 $0x1A, v3  }
0x2b: {  	s0 =	sshrl.u32 s30, $0x3;
	v5 =	vmov s2  }
0x2c: {  	v4 =	vadd.s32 s0, v4;
	_ =	sdelay $0x3  }
0x2d: {  	v6 =	vld.idx.msk [tilespmem:v5+s19+$0x0], $0xffff  }
0x2e: {  	v4 =	vld.idx.msk [tilespmem:v4+s3+$0x0], $0xffff;
	_ =	sdelay $0x4  }
0x2f: {  	v4 =	vsub.f32 v4, v6;
	_ =	sdelay $0x1  }
0x30: {  	v4 =	vand.u32 $0x7FFFFFFF, v4  }
0x31: {  	v4 =	vmul.f32 $1.000000000e+01, v4;
	_ =	sdelay $0x1  }
0x32: {  	v4 =	vadd.f32 $1.000000000e+00, v4;
	_ =	sdelay $0x1  }
0x33: {  	v4 =	vtrunc.f32 v4  }
0x34: {  	v4 =	vcvt.f32.s32 v4;
	_ =	sdelay $0x1  }
0x35: {  	vm0 =	vgt.s32 v4, $0x0  }
0x36: {  	s2 =	sadd.s32 $0x10, s1;
	v4 =	vnsel vm0, $0x0, v4  }
0x37: {  	s2 =	sand.u32 $0x50, s2;
	v4 =	vmin.u32 v4, $0x34  }
0x38: {  	s31 =	sshll.u32 s31, $0x7;
	v7 =	vor.u32 s2, v1;
	v53 =	vshll.u32 v4, $0xA  }
0x39: {  	v8 =	vmul.u32 $0x1A, v7;
	v6 =	vadd.s32 s31, v53  }
0x3a: {  	v3 =	vor.u32 v3, v6  }
0x3b: {  	v54 =	vadd.s32 s0, v8;
	_ =	sdelay $0x2  }
0x3c: {  	[tilespmem:s29+$0xFFFFFFE0] =	vst v4  }
0x3d: {  	[tilespmem:v3+s21+$0x0] =	vst.idx.msk $0xffff, v2  }
0x3e: {  	v3 =	vld.idx.msk [tilespmem:v54+s3+$0x0], $0xffff  }
0x3f: {  	v4 =	vld.idx.msk [tilespmem:v5+s19+$0x0], $0xffff;
	_ =	sdelay $0x4  }
0x40: {  	v3 =	vsub.f32 v3, v4;
	_ =	sdelay $0x1  }
0x41: {  	v3 =	vand.u32 $0x7FFFFFFF, v3  }
0x42: {  	v3 =	vmul.f32 $1.000000000e+01, v3;
	_ =	sdelay $0x1  }
0x43: {  	v3 =	vadd.f32 $1.000000000e+00, v3;
	_ =	sdelay $0x1  }
0x44: {  	v3 =	vtrunc.f32 v3  }
0x45: {  	v3 =	vcvt.f32.s32 v3;
	_ =	sdelay $0x1  }
0x46: {  	vm13 =	vgt.s32 v3, $0x0  }
0x47: {  	s2 =	sadd.s32 $0x20, s1;
	v3 =	vnsel vm13, $0x0, v3  }
0x48: {  	s2 =	sand.u32 $0x60, s2;
	v3 =	vmin.u32 v3, $0x34  }
0x49: {  	v56 =	vor.u32 s2, v1;
	v55 =	vshll.u32 v3, $0xA  }
0x4a: {  	v57 =	vmul.u32 $0x1A, v56;
	v4 =	vadd.s32 s31, v55  }
0x4b: {  	v4 =	vor.u32 v7, v4  }
0x4c: {  	v58 =	vadd.s32 s0, v57;
	_ =	sdelay $0x2  }
0x4d: {  	[tilespmem:s29+$0xFFFFFFF0] =	vst v3  }
0x4e: {  	[tilespmem:v4+s21+$0x0] =	vst.idx.msk $0xffff, v2  }
0x4f: {  	v3 =	vld.idx.msk [tilespmem:v58+s3+$0x0], $0xffff  }
0x50: {  	v4 =	vld.idx.msk [tilespmem:v5+s19+$0x0], $0xffff;
	_ =	sdelay $0x4  }
0x51: {  	v3 =	vsub.f32 v3, v4;
	_ =	sdelay $0x1  }
0x52: {  	v3 =	vand.u32 $0x7FFFFFFF, v3  }
0x53: {  	v3 =	vmul.f32 $1.000000000e+01, v3;
	_ =	sdelay $0x1  }
0x54: {  	v3 =	vadd.f32 $1.000000000e+00, v3;
	_ =	sdelay $0x1  }
0x55: {  	v3 =	vtrunc.f32 v3  }
0x56: {  	v3 =	vcvt.f32.s32 v3;
	_ =	sdelay $0x1  }
0x57: {  	vm14 =	vgt.s32 v3, $0x0  }
0x58: {  	s2 =	sadd.s32 $0x30, s1;
	v3 =	vnsel vm14, $0x0, v3  }
0x59: {  	s2 =	sand.u32 $0x70, s2;
	v3 =	vmin.u32 v3, $0x34  }
0x5a: {  	v60 =	vor.u32 s2, v1;
	v59 =	vshll.u32 v3, $0xA  }
0x5b: {  	v61 =	vmul.u32 $0x1A, v60;
	v4 =	vadd.s32 s31, v59  }
0x5c: {  	v4 =	vor.u32 v56, v4  }
0x5d: {  	v62 =	vadd.s32 s0, v61;
	_ =	sdelay $0x2  }
0x5e: {  	[tilespmem:s29+$0x0] =	vst v3  }
0x5f: {  	[tilespmem:v4+s21+$0x0] =	vst.idx.msk $0xffff, v2  }
0x60: {  	v3 =	vld.idx.msk [tilespmem:v62+s3+$0x0], $0xffff  }
0x61: {  	v4 =	vld.idx.msk [tilespmem:v5+s19+$0x0], $0xffff;
	_ =	sdelay $0x4  }
0x62: {  	v3 =	vsub.f32 v3, v4;
	_ =	sdelay $0x1  }
0x63: {  	v3 =	vand.u32 $0x7FFFFFFF, v3  }
0x64: {  	v3 =	vmul.f32 $1.000000000e+01, v3;
	_ =	sdelay $0x1  }
0x65: {  	v3 =	vadd.f32 $1.000000000e+00, v3;
	_ =	sdelay $0x1  }
0x66: {  	v3 =	vtrunc.f32 v3  }
0x67: {  	v3 =	vcvt.f32.s32 v3;
	_ =	sdelay $0x1  }
0x68: {  	vm15 =	vgt.s32 v3, $0x0  }
0x69: {  	v3 =	vnsel vm15, $0x0, v3  }
0x6a: {  	v3 =	vmin.u32 v3, $0x34  }
0x6b: {  	v63 =	vshll.u32 v3, $0xA  }
0x6c: {  	v4 =	vadd.s32 s31, v63  }
0x6d: {  	p0 =	sne.s32 s30, $0xF;
	v4 =	vor.u32 v60, v4  }
.Ltmp1:
0x6e: {  	_ = 	snop;
	(pc) =	sbr.rel @p0 .LBB2_4-.Ltmp1, $3  }
0x6f: {  	_ =	sdelay $0x1  }
0x70: {  	[tilespmem:s29+$0x10] =	vst v3  }
0x71: {  	s30 =	sadd.s32 $0x1, s30;
	s1 =	sadd.s32 $0x40, s1;
	s29 =	sadd.s32 $0x40, s29;
	[tilespmem:v4+s21+$0x0] =	vst.idx.msk $0xffff, v2  }
0x72: {  	[hbm4b:s4+s22] =	stream.strided.scatter [tilespmem:s21], [sflag:$0x1], $0xCC00, s23, s22, $0x38;
	[tilespmem:$0x1BD80] =	vst v63  }
0x73: {  	s29 =	simm.s32 $0x0;
	s0 =	simm.s32 $0x0;
	s1 =	simm.s32 $0x200  }
.LBB2_6:
0x74: {  	p0 =	sne.s32 s1, $0x34E00;
	[tilespmem:s0+$0xE1F0] =	vst v0  }
0x75: {  	[tilespmem:s0+$0xE180] =	vst v0  }
0x76: {  	[tilespmem:s0+$0xE190] =	vst v0  }
.Ltmp2:
0x77: {  	[tilespmem:s0+$0xE1A0] =	vst v0;
	(pc) =	sbr.rel @p0 .LBB2_6-.Ltmp2, $4  }
0x78: {  	[tilespmem:s0+$0xE1B0] =	vst v0  }
0x79: {  	[tilespmem:s0+$0xE1C0] =	vst v0  }
0x7a: {  	[tilespmem:s0+$0xE1D0] =	vst v0  }
0x7b: {  	[tilespmem:s0+$0xE1E0] =	vst v0;
	s0 =	sshra.s32 s1, $0x2;
	s1 =	sadd.s32 $0x200, s1  }
0x7c: {  	[tilespmem:s0+$0xE1F0] =	vst v0  }
0x7d: {  	[tilespmem:s0+$0xE180] =	vst v0  }
0x7e: {  	[tilespmem:s0+$0xE190] =	vst v0  }
0x7f: {  	[tilespmem:s0+$0xE1A0] =	vst v0  }
0x80: {  	[tilespmem:s0+$0xE1B0] =	vst v0  }
0x81: {  	[tilespmem:s0+$0xE1C0] =	vst v0  }
0x82: {  	[tilespmem:s0+$0xE1D0] =	vst v0  }
0x83: {  	[tilespmem:s0+$0xE1E0] =	vst v0;
	s1 =	simm.s32 $0x1B9A0;
	s30 =	simm.s32 $0x0  }
.LBB2_8:
0x84: {  	s0 =	sand.u32 $0x40, s29  }
0x85: {  	s31 =	sshrl.u32 s30, $0x3;
	s2 =	sshrl.u32 s30, $0x1;
	v3 =	vor.u32 s0, v1  }
0x86: {  	s0 =	sor.u32 $0x2, s31;
	s31 =	sand.u32 $0x3, s2;
	v4 =	vmul.u32 $0x1A, v3  }
0x87: {  	v5 =	vmov s31  }
0x88: {  	v4 =	vadd.s32 s0, v4;
	_ =	sdelay $0x3  }
0x89: {  	v6 =	vld.idx.msk [tilespmem:v5+s19+$0x0], $0xffff  }
0x8a: {  	v4 =	vld.idx.msk [tilespmem:v4+s3+$0x0], $0xffff;
	_ =	sdelay $0x4  }
0x8b: {  	v4 =	vsub.f32 v4, v6;
	_ =	sdelay $0x1  }
0x8c: {  	v4 =	vand.u32 $0x7FFFFFFF, v4  }
0x8d: {  	v4 =	vmul.f32 $1.000000000e+01, v4;
	_ =	sdelay $0x1  }
0x8e: {  	v4 =	vadd.f32 $1.000000000e+00, v4;
	_ =	sdelay $0x1  }
0x8f: {  	v4 =	vtrunc.f32 v4  }
0x90: {  	v4 =	vcvt.f32.s32 v4;
	_ =	sdelay $0x1  }
0x91: {  	vm0 =	vgt.s32 v4, $0x0  }
0x92: {  	s31 =	sadd.s32 $0x10, s29;
	v4 =	vnsel vm0, $0x0, v4  }
0x93: {  	s31 =	sand.u32 $0x50, s31;
	v4 =	vmin.u32 v4, $0x34  }
0x94: {  	s2 =	sshll.u32 s2, $0x7;
	v7 =	vor.u32 s31, v1;
	v53 =	vshll.u32 v4, $0xA  }
0x95: {  	v8 =	vmul.u32 $0x1A, v7;
	v6 =	vadd.s32 s2, v53  }
0x96: {  	v3 =	vor.u32 v3, v6  }
0x97: {  	v54 =	vadd.s32 s0, v8;
	_ =	sdelay $0x2  }
0x98: {  	[tilespmem:s1+$0xFFFFFFE0] =	vst v4  }
0x99: {  	[tilespmem:v3+s24+$0x0] =	vst.idx.msk $0xffff, v2  }
0x9a: {  	v3 =	vld.idx.msk [tilespmem:v54+s3+$0x0], $0xffff  }
0x9b: {  	v4 =	vld.idx.msk [tilespmem:v5+s19+$0x0], $0xffff;
	_ =	sdelay $0x4  }
0x9c: {  	v3 =	vsub.f32 v3, v4;
	_ =	sdelay $0x1  }
0x9d: {  	v3 =	vand.u32 $0x7FFFFFFF, v3  }
0x9e: {  	v3 =	vmul.f32 $1.000000000e+01, v3;
	_ =	sdelay $0x1  }
0x9f: {  	v3 =	vadd.f32 $1.000000000e+00, v3;
	_ =	sdelay $0x1  }
0xa0: {  	v3 =	vtrunc.f32 v3  }
0xa1: {  	v3 =	vcvt.f32.s32 v3;
	_ =	sdelay $0x1  }
0xa2: {  	vm13 =	vgt.s32 v3, $0x0  }
0xa3: {  	s31 =	sadd.s32 $0x20, s29;
	v3 =	vnsel vm13, $0x0, v3  }
0xa4: {  	s31 =	sand.u32 $0x60, s31;
	v3 =	vmin.u32 v3, $0x34  }
0xa5: {  	v56 =	vor.u32 s31, v1;
	v55 =	vshll.u32 v3, $0xA  }
0xa6: {  	v57 =	vmul.u32 $0x1A, v56;
	v4 =	vadd.s32 s2, v55  }
0xa7: {  	v4 =	vor.u32 v7, v4  }
0xa8: {  	v58 =	vadd.s32 s0, v57;
	_ =	sdelay $0x2  }
0xa9: {  	[tilespmem:s1+$0xFFFFFFF0] =	vst v3  }
0xaa: {  	[tilespmem:v4+s24+$0x0] =	vst.idx.msk $0xffff, v2  }
0xab: {  	v3 =	vld.idx.msk [tilespmem:v58+s3+$0x0], $0xffff  }
0xac: {  	v4 =	vld.idx.msk [tilespmem:v5+s19+$0x0], $0xffff;
	_ =	sdelay $0x4  }
0xad: {  	v3 =	vsub.f32 v3, v4;
	_ =	sdelay $0x1  }
0xae: {  	v3 =	vand.u32 $0x7FFFFFFF, v3  }
0xaf: {  	v3 =	vmul.f32 $1.000000000e+01, v3;
	_ =	sdelay $0x1  }
0xb0: {  	v3 =	vadd.f32 $1.000000000e+00, v3;
	_ =	sdelay $0x1  }
0xb1: {  	v3 =	vtrunc.f32 v3  }
0xb2: {  	v3 =	vcvt.f32.s32 v3;
	_ =	sdelay $0x1  }
0xb3: {  	vm14 =	vgt.s32 v3, $0x0  }
0xb4: {  	s31 =	sadd.s32 $0x30, s29;
	v3 =	vnsel vm14, $0x0, v3  }
0xb5: {  	s31 =	sand.u32 $0x70, s31;
	v3 =	vmin.u32 v3, $0x34  }
0xb6: {  	v60 =	vor.u32 s31, v1;
	v59 =	vshll.u32 v3, $0xA  }
0xb7: {  	v61 =	vmul.u32 $0x1A, v60;
	v4 =	vadd.s32 s2, v59  }
0xb8: {  	v4 =	vor.u32 v56, v4  }
0xb9: {  	v62 =	vadd.s32 s0, v61;
	_ =	sdelay $0x2  }
0xba: {  	[tilespmem:s1+$0x0] =	vst v3  }
0xbb: {  	[tilespmem:v4+s24+$0x0] =	vst.idx.msk $0xffff, v2  }
0xbc: {  	v3 =	vld.idx.msk [tilespmem:v62+s3+$0x0], $0xffff  }
0xbd: {  	v4 =	vld.idx.msk [tilespmem:v5+s19+$0x0], $0xffff;
	_ =	sdelay $0x4  }
0xbe: {  	v3 =	vsub.f32 v3, v4;
	_ =	sdelay $0x1  }
0xbf: {  	v3 =	vand.u32 $0x7FFFFFFF, v3  }
0xc0: {  	v3 =	vmul.f32 $1.000000000e+01, v3;
	_ =	sdelay $0x1  }
0xc1: {  	v3 =	vadd.f32 $1.000000000e+00, v3;
	_ =	sdelay $0x1  }
0xc2: {  	v3 =	vtrunc.f32 v3  }
0xc3: {  	v3 =	vcvt.f32.s32 v3;
	_ =	sdelay $0x1  }
0xc4: {  	vm15 =	vgt.s32 v3, $0x0  }
0xc5: {  	v3 =	vnsel vm15, $0x0, v3  }
0xc6: {  	v3 =	vmin.u32 v3, $0x34  }
0xc7: {  	v63 =	vshll.u32 v3, $0xA  }
0xc8: {  	v4 =	vadd.s32 s2, v63  }
0xc9: {  	p0 =	sne.s32 s30, $0xF;
	v4 =	vor.u32 v60, v4  }
.Ltmp3:
0xca: {  	_ = 	snop;
	(pc) =	sbr.rel @p0 .LBB2_8-.Ltmp3, $3  }
0xcb: {  	_ =	sdelay $0x1  }
0xcc: {  	[tilespmem:s1+$0x10] =	vst v3  }
0xcd: {  	s30 =	sadd.s32 $0x1, s30;
	s29 =	sadd.s32 $0x40, s29;
	s1 =	sadd.s32 $0x40, s1;
	[tilespmem:v4+s24+$0x0] =	vst.idx.msk $0xffff, v2  }
0xce: {  	[hbm4b:s6+s22] =	stream.strided.scatter [tilespmem:s24], [sflag:$0x2], $0xCC00, s23, s22, $0x38;
	[tilespmem:$0x1BD80] =	vst v63  }
0xcf: {  	_ =	swait.ge [sflag:s25], $0xCC00  }
0xd0: {  	s29 =	simm.s32 $0x0;
	[sflag:s25] =	ssyncset.done $0x0  }
0xd1: {  	s30 =	simm.s32 $0x1B5A0;
	s31 =	simm.s32 $0x0;
	[sflag:s25] =	ssyncadd.s32 $0xFFFF3400  }
.LBB2_10:
0xd2: {  	v3 =	vld [tilespmem:s30+$0xFFFFFFE0];
	_ =	sdelay $0x3  }
0xd3: {  	s2 =	sshrl.u32 s31, $0x1;
	s0 =	sand.u32 $0x40, s29  }
0xd4: {  	v4 =	vor.u32 s0, v1;
	s1 =	sshll.u32 s2, $0x7;
	v3 =	vshll.u32 v3, $0xA  }
0xd5: {  	s0 =	sshrl.u32 s31, $0x3;
	v5 =	vmul.u32 $0x1A, v4;
	v3 =	vadd.s32 s1, v3  }
0xd6: {  	s0 =	sor.u32 $0x4, s0;
	v3 =	vor.u32 v4, v3  }
0xd7: {  	s2 =	sand.u32 $0x3, s2;
	v5 =	vadd.s32 s0, v5  }
0xd8: {  	v6 =	vmov s2;
	_ =	sdelay $0x2  }
0xd9: {  	[tilespmem:v3+s21+$0x0] =	vst.idx.msk $0xffff, v0  }
0xda: {  	v3 =	vld.idx.msk [tilespmem:v5+s3+$0x0], $0xffff  }
0xdb: {  	v50 =	vld.idx.msk [tilespmem:v6+s19+$0x0], $0xffff;
	_ =	sdelay $0x4  }
0xdc: {  	v3 =	vsub.f32 v3, v50;
	_ =	sdelay $0x1  }
0xdd: {  	v3 =	vand.u32 $0x7FFFFFFF, v3  }
0xde: {  	v3 =	vmul.f32 $1.000000000e+01, v3;
	_ =	sdelay $0x1  }
0xdf: {  	v3 =	vadd.f32 $1.000000000e+00, v3;
	_ =	sdelay $0x1  }
0xe0: {  	v3 =	vtrunc.f32 v3  }
0xe1: {  	v3 =	vcvt.f32.s32 v3;
	_ =	sdelay $0x1  }
0xe2: {  	vm0 =	vgt.s32 v3, $0x0  }
0xe3: {  	v3 =	vnsel vm0, $0x0, v3  }
0xe4: {  	v3 =	vmin.u32 v3, $0x34  }
0xe5: {  	v51 =	vshll.u32 v3, $0xA  }
0xe6: {  	v5 =	vadd.s32 s1, v51  }
0xe7: {  	v4 =	vor.u32 v4, v5;
	_ =	sdelay $0x3  }
0xe8: {  	[tilespmem:s30+$0xFFFFFFE0] =	vst v3  }
0xe9: {  	[tilespmem:v4+s21+$0x0] =	vst.idx.msk $0xffff, v2  }
0xea: {  	v3 =	vld [tilespmem:s30+$0xFFFFFFF0];
	_ =	sdelay $0x2  }
0xeb: {  	s2 =	sadd.s32 $0x10, s29  }
0xec: {  	s2 =	sand.u32 $0x50, s2  }
0xed: {  	v52 =	vor.u32 s2, v1;
	v3 =	vshll.u32 v3, $0xA  }
0xee: {  	v53 =	vmul.u32 $0x1A, v52;
	v3 =	vadd.s32 s1, v3  }
0xef: {  	v3 =	vor.u32 v52, v3  }
0xf0: {  	v5 =	vadd.s32 s0, v53;
	_ =	sdelay $0x3  }
0xf1: {  	[tilespmem:v3+s21+$0x0] =	vst.idx.msk $0xffff, v0  }
0xf2: {  	v3 =	vld.idx.msk [tilespmem:v5+s3+$0x0], $0xffff  }
0xf3: {  	v54 =	vld.idx.msk [tilespmem:v6+s19+$0x0], $0xffff;
	_ =	sdelay $0x4  }
0xf4: {  	v3 =	vsub.f32 v3, v54;
	_ =	sdelay $0x1  }
0xf5: {  	v3 =	vand.u32 $0x7FFFFFFF, v3  }
0xf6: {  	v3 =	vmul.f32 $1.000000000e+01, v3;
	_ =	sdelay $0x1  }
0xf7: {  	v3 =	vadd.f32 $1.000000000e+00, v3;
	_ =	sdelay $0x1  }
0xf8: {  	v3 =	vtrunc.f32 v3  }
0xf9: {  	v3 =	vcvt.f32.s32 v3;
	_ =	sdelay $0x1  }
0xfa: {  	vm13 =	vgt.s32 v3, $0x0  }
0xfb: {  	v3 =	vnsel vm13, $0x0, v3  }
0xfc: {  	v3 =	vmin.u32 v3, $0x34  }
0xfd: {  	v55 =	vshll.u32 v3, $0xA  }
0xfe: {  	v5 =	vadd.s32 s1, v55  }
0xff: {  	v4 =	vor.u32 v52, v5;
	_ =	sdelay $0x3  }
0x100: {  	[tilespmem:s30+$0xFFFFFFF0] =	vst v3  }
0x101: {  	[tilespmem:v4+s21+$0x0] =	vst.idx.msk $0xffff, v2  }
0x102: {  	v3 =	vld [tilespmem:s30+$0x0];
	_ =	sdelay $0x2  }
0x103: {  	s2 =	sadd.s32 $0x20, s29  }
0x104: {  	s2 =	sand.u32 $0x60, s2  }
0x105: {  	v56 =	vor.u32 s2, v1;
	v3 =	vshll.u32 v3, $0xA  }
0x106: {  	v57 =	vmul.u32 $0x1A, v56;
	v3 =	vadd.s32 s1, v3  }
0x107: {  	v3 =	vor.u32 v56, v3  }
0x108: {  	v5 =	vadd.s32 s0, v57;
	_ =	sdelay $0x3  }
0x109: {  	[tilespmem:v3+s21+$0x0] =	vst.idx.msk $0xffff, v0  }
0x10a: {  	v3 =	vld.idx.msk [tilespmem:v5+s3+$0x0], $0xffff  }
0x10b: {  	v58 =	vld.idx.msk [tilespmem:v6+s19+$0x0], $0xffff;
	_ =	sdelay $0x4  }
0x10c: {  	v3 =	vsub.f32 v3, v58;
	_ =	sdelay $0x1  }
0x10d: {  	v3 =	vand.u32 $0x7FFFFFFF, v3  }
0x10e: {  	v3 =	vmul.f32 $1.000000000e+01, v3;
	_ =	sdelay $0x1  }
0x10f: {  	v3 =	vadd.f32 $1.000000000e+00, v3;
	_ =	sdelay $0x1  }
0x110: {  	v3 =	vtrunc.f32 v3  }
0x111: {  	v3 =	vcvt.f32.s32 v3;
	_ =	sdelay $0x1  }
0x112: {  	vm14 =	vgt.s32 v3, $0x0  }
0x113: {  	v3 =	vnsel vm14, $0x0, v3  }
0x114: {  	v3 =	vmin.u32 v3, $0x34  }
0x115: {  	v59 =	vshll.u32 v3, $0xA  }
0x116: {  	v5 =	vadd.s32 s1, v59  }
0x117: {  	v4 =	vor.u32 v56, v5;
	_ =	sdelay $0x3  }
0x118: {  	[tilespmem:s30+$0x0] =	vst v3  }
0x119: {  	[tilespmem:v4+s21+$0x0] =	vst.idx.msk $0xffff, v2  }
0x11a: {  	v3 =	vld [tilespmem:s30+$0x10];
	_ =	sdelay $0x2  }
0x11b: {  	s2 =	sadd.s32 $0x30, s29  }
0x11c: {  	s2 =	sand.u32 $0x70, s2  }
0x11d: {  	v60 =	vor.u32 s2, v1;
	v3 =	vshll.u32 v3, $0xA  }
0x11e: {  	v61 =	vmul.u32 $0x1A, v60;
	v3 =	vadd.s32 s1, v3  }
0x11f: {  	v3 =	vor.u32 v60, v3  }
0x120: {  	v5 =	vadd.s32 s0, v61;
	_ =	sdelay $0x3  }
0x121: {  	[tilespmem:v3+s21+$0x0] =	vst.idx.msk $0xffff, v0  }
0x122: {  	v3 =	vld.idx.msk [tilespmem:v5+s3+$0x0], $0xffff  }
0x123: {  	v62 =	vld.idx.msk [tilespmem:v6+s19+$0x0], $0xffff;
	_ =	sdelay $0x4  }
0x124: {  	v3 =	vsub.f32 v3, v62;
	_ =	sdelay $0x1  }
0x125: {  	v3 =	vand.u32 $0x7FFFFFFF, v3  }
0x126: {  	v3 =	vmul.f32 $1.000000000e+01, v3;
	_ =	sdelay $0x1  }
0x127: {  	v3 =	vadd.f32 $1.000000000e+00, v3;
	_ =	sdelay $0x1  }
0x128: {  	v3 =	vtrunc.f32 v3  }
0x129: {  	v3 =	vcvt.f32.s32 v3;
	_ =	sdelay $0x1  }
0x12a: {  	vm15 =	vgt.s32 v3, $0x0  }
0x12b: {  	v3 =	vnsel vm15, $0x0, v3  }
0x12c: {  	v3 =	vmin.u32 v3, $0x34  }
0x12d: {  	v63 =	vshll.u32 v3, $0xA  }
0x12e: {  	v5 =	vadd.s32 s1, v63  }
0x12f: {  	p0 =	sne.s32 s31, $0xF;
	v4 =	vor.u32 v60, v5  }
.Ltmp4:
0x130: {  	_ = 	snop;
	(pc) =	sbr.rel @p0 .LBB2_10-.Ltmp4, $3  }
0x131: {  	_ =	sdelay $0x1  }
0x132: {  	[tilespmem:s30+$0x10] =	vst v3  }
0x133: {  	s31 =	sadd.s32 $0x1, s31;
	s29 =	sadd.s32 $0x40, s29;
	s30 =	sadd.s32 $0x40, s30;
	[tilespmem:v4+s21+$0x0] =	vst.idx.msk $0xffff, v2  }
0x134: {  	[hbm4b:s7+s22] =	stream.strided.scatter [tilespmem:s21], [sflag:$0x1], $0xCC00, s23, s22, $0x38;
	[tilespmem:$0x1BD80] =	vst v63  }
0x135: {  	_ =	swait.ge [sflag:s26], $0xCC00  }
0x136: {  	s29 =	simm.s32 $0x0;
	[sflag:s26] =	ssyncset.done $0x0  }
0x137: {  	s30 =	simm.s32 $0x1B9A0;
	s31 =	simm.s32 $0x0;
	[sflag:s26] =	ssyncadd.s32 $0xFFFF3400  }
.LBB2_12:
0x138: {  	v3 =	vld [tilespmem:s30+$0xFFFFFFE0];
	_ =	sdelay $0x3  }
0x139: {  	s2 =	sshrl.u32 s31, $0x1;
	s0 =	sand.u32 $0x40, s29  }
0x13a: {  	v4 =	vor.u32 s0, v1;
	s1 =	sshll.u32 s2, $0x7;
	v3 =	vshll.u32 v3, $0xA  }
0x13b: {  	s0 =	sshrl.u32 s31, $0x3;
	v5 =	vmul.u32 $0x1A, v4;
	v3 =	vadd.s32 s1, v3  }
0x13c: {  	s0 =	sor.u32 $0x6, s0;
	v3 =	vor.u32 v4, v3  }
0x13d: {  	s2 =	sand.u32 $0x3, s2;
	v5 =	vadd.s32 s0, v5  }
0x13e: {  	v6 =	vmov s2;
	_ =	sdelay $0x2  }
0x13f: {  	[tilespmem:v3+s24+$0x0] =	vst.idx.msk $0xffff, v0  }
0x140: {  	v3 =	vld.idx.msk [tilespmem:v5+s3+$0x0], $0xffff  }
0x141: {  	v50 =	vld.idx.msk [tilespmem:v6+s19+$0x0], $0xffff;
	_ =	sdelay $0x4  }
0x142: {  	v3 =	vsub.f32 v3, v50;
	_ =	sdelay $0x1  }
0x143: {  	v3 =	vand.u32 $0x7FFFFFFF, v3  }
0x144: {  	v3 =	vmul.f32 $1.000000000e+01, v3;
	_ =	sdelay $0x1  }
0x145: {  	v3 =	vadd.f32 $1.000000000e+00, v3;
	_ =	sdelay $0x1  }
0x146: {  	v3 =	vtrunc.f32 v3  }
0x147: {  	v3 =	vcvt.f32.s32 v3;
	_ =	sdelay $0x1  }
0x148: {  	vm0 =	vgt.s32 v3, $0x0  }
0x149: {  	v3 =	vnsel vm0, $0x0, v3  }
0x14a: {  	v3 =	vmin.u32 v3, $0x34  }
0x14b: {  	v51 =	vshll.u32 v3, $0xA  }
0x14c: {  	v5 =	vadd.s32 s1, v51  }
0x14d: {  	v4 =	vor.u32 v4, v5;
	_ =	sdelay $0x3  }
0x14e: {  	[tilespmem:s30+$0xFFFFFFE0] =	vst v3  }
0x14f: {  	[tilespmem:v4+s24+$0x0] =	vst.idx.msk $0xffff, v2  }
0x150: {  	v3 =	vld [tilespmem:s30+$0xFFFFFFF0];
	_ =	sdelay $0x2  }
0x151: {  	s2 =	sadd.s32 $0x10, s29  }
0x152: {  	s2 =	sand.u32 $0x50, s2  }
0x153: {  	v52 =	vor.u32 s2, v1;
	v3 =	vshll.u32 v3, $0xA  }
0x154: {  	v53 =	vmul.u32 $0x1A, v52;
	v3 =	vadd.s32 s1, v3  }
0x155: {  	v3 =	vor.u32 v52, v3  }
0x156: {  	v5 =	vadd.s32 s0, v53;
	_ =	sdelay $0x3  }
0x157: {  	[tilespmem:v3+s24+$0x0] =	vst.idx.msk $0xffff, v0  }
0x158: {  	v3 =	vld.idx.msk [tilespmem:v5+s3+$0x0], $0xffff  }
0x159: {  	v54 =	vld.idx.msk [tilespmem:v6+s19+$0x0], $0xffff;
	_ =	sdelay $0x4  }
0x15a: {  	v3 =	vsub.f32 v3, v54;
	_ =	sdelay $0x1  }
0x15b: {  	v3 =	vand.u32 $0x7FFFFFFF, v3  }
0x15c: {  	v3 =	vmul.f32 $1.000000000e+01, v3;
	_ =	sdelay $0x1  }
0x15d: {  	v3 =	vadd.f32 $1.000000000e+00, v3;
	_ =	sdelay $0x1  }
0x15e: {  	v3 =	vtrunc.f32 v3  }
0x15f: {  	v3 =	vcvt.f32.s32 v3;
	_ =	sdelay $0x1  }
0x160: {  	vm13 =	vgt.s32 v3, $0x0  }
0x161: {  	v3 =	vnsel vm13, $0x0, v3  }
0x162: {  	v3 =	vmin.u32 v3, $0x34  }
0x163: {  	v55 =	vshll.u32 v3, $0xA  }
0x164: {  	v5 =	vadd.s32 s1, v55  }
0x165: {  	v4 =	vor.u32 v52, v5;
	_ =	sdelay $0x3  }
0x166: {  	[tilespmem:s30+$0xFFFFFFF0] =	vst v3  }
0x167: {  	[tilespmem:v4+s24+$0x0] =	vst.idx.msk $0xffff, v2  }
0x168: {  	v3 =	vld [tilespmem:s30+$0x0];
	_ =	sdelay $0x2  }
0x169: {  	s2 =	sadd.s32 $0x20, s29  }
0x16a: {  	s2 =	sand.u32 $0x60, s2  }
0x16b: {  	v56 =	vor.u32 s2, v1;
	v3 =	vshll.u32 v3, $0xA  }
0x16c: {  	v57 =	vmul.u32 $0x1A, v56;
	v3 =	vadd.s32 s1, v3  }
0x16d: {  	v3 =	vor.u32 v56, v3  }
0x16e: {  	v5 =	vadd.s32 s0, v57;
	_ =	sdelay $0x3  }
0x16f: {  	[tilespmem:v3+s24+$0x0] =	vst.idx.msk $0xffff, v0  }
0x170: {  	v3 =	vld.idx.msk [tilespmem:v5+s3+$0x0], $0xffff  }
0x171: {  	v58 =	vld.idx.msk [tilespmem:v6+s19+$0x0], $0xffff;
	_ =	sdelay $0x4  }
0x172: {  	v3 =	vsub.f32 v3, v58;
	_ =	sdelay $0x1  }
0x173: {  	v3 =	vand.u32 $0x7FFFFFFF, v3  }
0x174: {  	v3 =	vmul.f32 $1.000000000e+01, v3;
	_ =	sdelay $0x1  }
0x175: {  	v3 =	vadd.f32 $1.000000000e+00, v3;
	_ =	sdelay $0x1  }
0x176: {  	v3 =	vtrunc.f32 v3  }
0x177: {  	v3 =	vcvt.f32.s32 v3;
	_ =	sdelay $0x1  }
0x178: {  	vm14 =	vgt.s32 v3, $0x0  }
0x179: {  	v3 =	vnsel vm14, $0x0, v3  }
0x17a: {  	v3 =	vmin.u32 v3, $0x34  }
0x17b: {  	v59 =	vshll.u32 v3, $0xA  }
0x17c: {  	v5 =	vadd.s32 s1, v59  }
0x17d: {  	v4 =	vor.u32 v56, v5;
	_ =	sdelay $0x3  }
0x17e: {  	[tilespmem:s30+$0x0] =	vst v3  }
0x17f: {  	[tilespmem:v4+s24+$0x0] =	vst.idx.msk $0xffff, v2  }
0x180: {  	v3 =	vld [tilespmem:s30+$0x10];
	_ =	sdelay $0x2  }
0x181: {  	s2 =	sadd.s32 $0x30, s29  }
0x182: {  	s2 =	sand.u32 $0x70, s2  }
0x183: {  	v60 =	vor.u32 s2, v1;
	v3 =	vshll.u32 v3, $0xA  }
0x184: {  	v61 =	vmul.u32 $0x1A, v60;
	v3 =	vadd.s32 s1, v3  }
0x185: {  	v3 =	vor.u32 v60, v3  }
0x186: {  	v5 =	vadd.s32 s0, v61;
	_ =	sdelay $0x3  }
0x187: {  	[tilespmem:v3+s24+$0x0] =	vst.idx.msk $0xffff, v0  }
0x188: {  	v3 =	vld.idx.msk [tilespmem:v5+s3+$0x0], $0xffff  }
0x189: {  	v62 =	vld.idx.msk [tilespmem:v6+s19+$0x0], $0xffff;
	_ =	sdelay $0x4  }
0x18a: {  	v3 =	vsub.f32 v3, v62;
	_ =	sdelay $0x1  }
0x18b: {  	v3 =	vand.u32 $0x7FFFFFFF, v3  }
0x18c: {  	v3 =	vmul.f32 $1.000000000e+01, v3;
	_ =	sdelay $0x1  }
0x18d: {  	v3 =	vadd.f32 $1.000000000e+00, v3;
	_ =	sdelay $0x1  }
0x18e: {  	v3 =	vtrunc.f32 v3  }
0x18f: {  	v3 =	vcvt.f32.s32 v3;
	_ =	sdelay $0x1  }
0x190: {  	vm15 =	vgt.s32 v3, $0x0  }
0x191: {  	v3 =	vnsel vm15, $0x0, v3  }
0x192: {  	v3 =	vmin.u32 v3, $0x34  }
0x193: {  	v63 =	vshll.u32 v3, $0xA  }
0x194: {  	v5 =	vadd.s32 s1, v63  }
0x195: {  	p0 =	sne.s32 s31, $0xF;
	v4 =	vor.u32 v60, v5  }
.Ltmp5:
0x196: {  	_ = 	snop;
	(pc) =	sbr.rel @p0 .LBB2_12-.Ltmp5, $3  }
0x197: {  	_ =	sdelay $0x1  }
0x198: {  	[tilespmem:s30+$0x10] =	vst v3  }
0x199: {  	s31 =	sadd.s32 $0x1, s31;
	s29 =	sadd.s32 $0x40, s29;
	s30 =	sadd.s32 $0x40, s30;
	[tilespmem:v4+s24+$0x0] =	vst.idx.msk $0xffff, v2  }
0x19a: {  	[hbm4b:s8+s22] =	stream.strided.scatter [tilespmem:s24], [sflag:$0x2], $0xCC00, s23, s22, $0x38;
	[tilespmem:$0x1BD80] =	vst v63  }
0x19b: {  	_ =	swait.ge [sflag:s25], $0xCC00  }
0x19c: {  	s29 =	simm.s32 $0x0;
	[sflag:s25] =	ssyncset.done $0x0  }
0x19d: {  	s30 =	simm.s32 $0x1B5A0;
	s31 =	simm.s32 $0x0;
	[sflag:s25] =	ssyncadd.s32 $0xFFFF3400  }
.LBB2_14:
0x19e: {  	v3 =	vld [tilespmem:s30+$0xFFFFFFE0];
	_ =	sdelay $0x3  }
0x19f: {  	s2 =	sshrl.u32 s31, $0x1;
	s0 =	sand.u32 $0x40, s29  }
0x1a0: {  	v4 =	vor.u32 s0, v1;
	s1 =	sshll.u32 s2, $0x7;
	v3 =	vshll.u32 v3, $0xA  }
0x1a1: {  	s0 =	sshrl.u32 s31, $0x3;
	v5 =	vmul.u32 $0x1A, v4;
	v3 =	vadd.s32 s1, v3  }
0x1a2: {  	s0 =	sor.u32 $0x8, s0;
	v3 =	vor.u32 v4, v3  }
0x1a3: {  	s2 =	sand.u32 $0x3, s2;
	v5 =	vadd.s32 s0, v5  }
0x1a4: {  	v6 =	vmov s2;
	_ =	sdelay $0x2  }
0x1a5: {  	[tilespmem:v3+s21+$0x0] =	vst.idx.msk $0xffff, v0  }
0x1a6: {  	v3 =	vld.idx.msk [tilespmem:v5+s3+$0x0], $0xffff  }
0x1a7: {  	v50 =	vld.idx.msk [tilespmem:v6+s19+$0x0], $0xffff;
	_ =	sdelay $0x4  }
0x1a8: {  	v3 =	vsub.f32 v3, v50;
	_ =	sdelay $0x1  }
0x1a9: {  	v3 =	vand.u32 $0x7FFFFFFF, v3  }
0x1aa: {  	v3 =	vmul.f32 $1.000000000e+01, v3;
	_ =	sdelay $0x1  }
0x1ab: {  	v3 =	vadd.f32 $1.000000000e+00, v3;
	_ =	sdelay $0x1  }
0x1ac: {  	v3 =	vtrunc.f32 v3  }
0x1ad: {  	v3 =	vcvt.f32.s32 v3;
	_ =	sdelay $0x1  }
0x1ae: {  	vm0 =	vgt.s32 v3, $0x0  }
0x1af: {  	v3 =	vnsel vm0, $0x0, v3  }
0x1b0: {  	v3 =	vmin.u32 v3, $0x34  }
0x1b1: {  	v51 =	vshll.u32 v3, $0xA  }
0x1b2: {  	v5 =	vadd.s32 s1, v51  }
0x1b3: {  	v4 =	vor.u32 v4, v5;
	_ =	sdelay $0x3  }
0x1b4: {  	[tilespmem:s30+$0xFFFFFFE0] =	vst v3  }
0x1b5: {  	[tilespmem:v4+s21+$0x0] =	vst.idx.msk $0xffff, v2  }
0x1b6: {  	v3 =	vld [tilespmem:s30+$0xFFFFFFF0];
	_ =	sdelay $0x2  }
0x1b7: {  	s2 =	sadd.s32 $0x10, s29  }
0x1b8: {  	s2 =	sand.u32 $0x50, s2  }
0x1b9: {  	v52 =	vor.u32 s2, v1;
	v3 =	vshll.u32 v3, $0xA  }
0x1ba: {  	v53 =	vmul.u32 $0x1A, v52;
	v3 =	vadd.s32 s1, v3  }
0x1bb: {  	v3 =	vor.u32 v52, v3  }
0x1bc: {  	v5 =	vadd.s32 s0, v53;
	_ =	sdelay $0x3  }
0x1bd: {  	[tilespmem:v3+s21+$0x0] =	vst.idx.msk $0xffff, v0  }
0x1be: {  	v3 =	vld.idx.msk [tilespmem:v5+s3+$0x0], $0xffff  }
0x1bf: {  	v54 =	vld.idx.msk [tilespmem:v6+s19+$0x0], $0xffff;
	_ =	sdelay $0x4  }
0x1c0: {  	v3 =	vsub.f32 v3, v54;
	_ =	sdelay $0x1  }
0x1c1: {  	v3 =	vand.u32 $0x7FFFFFFF, v3  }
0x1c2: {  	v3 =	vmul.f32 $1.000000000e+01, v3;
	_ =	sdelay $0x1  }
0x1c3: {  	v3 =	vadd.f32 $1.000000000e+00, v3;
	_ =	sdelay $0x1  }
0x1c4: {  	v3 =	vtrunc.f32 v3  }
0x1c5: {  	v3 =	vcvt.f32.s32 v3;
	_ =	sdelay $0x1  }
0x1c6: {  	vm13 =	vgt.s32 v3, $0x0  }
0x1c7: {  	v3 =	vnsel vm13, $0x0, v3  }
0x1c8: {  	v3 =	vmin.u32 v3, $0x34  }
0x1c9: {  	v55 =	vshll.u32 v3, $0xA  }
0x1ca: {  	v5 =	vadd.s32 s1, v55  }
0x1cb: {  	v4 =	vor.u32 v52, v5;
	_ =	sdelay $0x3  }
0x1cc: {  	[tilespmem:s30+$0xFFFFFFF0] =	vst v3  }
0x1cd: {  	[tilespmem:v4+s21+$0x0] =	vst.idx.msk $0xffff, v2  }
0x1ce: {  	v3 =	vld [tilespmem:s30+$0x0];
	_ =	sdelay $0x2  }
0x1cf: {  	s2 =	sadd.s32 $0x20, s29  }
0x1d0: {  	s2 =	sand.u32 $0x60, s2  }
0x1d1: {  	v56 =	vor.u32 s2, v1;
	v3 =	vshll.u32 v3, $0xA  }
0x1d2: {  	v57 =	vmul.u32 $0x1A, v56;
	v3 =	vadd.s32 s1, v3  }
0x1d3: {  	v3 =	vor.u32 v56, v3  }
0x1d4: {  	v5 =	vadd.s32 s0, v57;
	_ =	sdelay $0x3  }
0x1d5: {  	[tilespmem:v3+s21+$0x0] =	vst.idx.msk $0xffff, v0  }
0x1d6: {  	v3 =	vld.idx.msk [tilespmem:v5+s3+$0x0], $0xffff  }
0x1d7: {  	v58 =	vld.idx.msk [tilespmem:v6+s19+$0x0], $0xffff;
	_ =	sdelay $0x4  }
0x1d8: {  	v3 =	vsub.f32 v3, v58;
	_ =	sdelay $0x1  }
0x1d9: {  	v3 =	vand.u32 $0x7FFFFFFF, v3  }
0x1da: {  	v3 =	vmul.f32 $1.000000000e+01, v3;
	_ =	sdelay $0x1  }
0x1db: {  	v3 =	vadd.f32 $1.000000000e+00, v3;
	_ =	sdelay $0x1  }
0x1dc: {  	v3 =	vtrunc.f32 v3  }
0x1dd: {  	v3 =	vcvt.f32.s32 v3;
	_ =	sdelay $0x1  }
0x1de: {  	vm14 =	vgt.s32 v3, $0x0  }
0x1df: {  	v3 =	vnsel vm14, $0x0, v3  }
0x1e0: {  	v3 =	vmin.u32 v3, $0x34  }
0x1e1: {  	v59 =	vshll.u32 v3, $0xA  }
0x1e2: {  	v5 =	vadd.s32 s1, v59  }
0x1e3: {  	v4 =	vor.u32 v56, v5;
	_ =	sdelay $0x3  }
0x1e4: {  	[tilespmem:s30+$0x0] =	vst v3  }
0x1e5: {  	[tilespmem:v4+s21+$0x0] =	vst.idx.msk $0xffff, v2  }
0x1e6: {  	v3 =	vld [tilespmem:s30+$0x10];
	_ =	sdelay $0x2  }
0x1e7: {  	s2 =	sadd.s32 $0x30, s29  }
0x1e8: {  	s2 =	sand.u32 $0x70, s2  }
0x1e9: {  	v60 =	vor.u32 s2, v1;
	v3 =	vshll.u32 v3, $0xA  }
0x1ea: {  	v61 =	vmul.u32 $0x1A, v60;
	v3 =	vadd.s32 s1, v3  }
0x1eb: {  	v3 =	vor.u32 v60, v3  }
0x1ec: {  	v5 =	vadd.s32 s0, v61;
	_ =	sdelay $0x3  }
0x1ed: {  	[tilespmem:v3+s21+$0x0] =	vst.idx.msk $0xffff, v0  }
0x1ee: {  	v3 =	vld.idx.msk [tilespmem:v5+s3+$0x0], $0xffff  }
0x1ef: {  	v62 =	vld.idx.msk [tilespmem:v6+s19+$0x0], $0xffff;
	_ =	sdelay $0x4  }
0x1f0: {  	v3 =	vsub.f32 v3, v62;
	_ =	sdelay $0x1  }
0x1f1: {  	v3 =	vand.u32 $0x7FFFFFFF, v3  }
0x1f2: {  	v3 =	vmul.f32 $1.000000000e+01, v3;
	_ =	sdelay $0x1  }
0x1f3: {  	v3 =	vadd.f32 $1.000000000e+00, v3;
	_ =	sdelay $0x1  }
0x1f4: {  	v3 =	vtrunc.f32 v3  }
0x1f5: {  	v3 =	vcvt.f32.s32 v3;
	_ =	sdelay $0x1  }
0x1f6: {  	vm15 =	vgt.s32 v3, $0x0  }
0x1f7: {  	v3 =	vnsel vm15, $0x0, v3  }
0x1f8: {  	v3 =	vmin.u32 v3, $0x34  }
0x1f9: {  	v63 =	vshll.u32 v3, $0xA  }
0x1fa: {  	v5 =	vadd.s32 s1, v63  }
0x1fb: {  	p0 =	sne.s32 s31, $0xF;
	v4 =	vor.u32 v60, v5  }
.Ltmp6:
0x1fc: {  	_ = 	snop;
	(pc) =	sbr.rel @p0 .LBB2_14-.Ltmp6, $3  }
0x1fd: {  	_ =	sdelay $0x1  }
0x1fe: {  	[tilespmem:s30+$0x10] =	vst v3  }
0x1ff: {  	s31 =	sadd.s32 $0x1, s31;
	s29 =	sadd.s32 $0x40, s29;
	s30 =	sadd.s32 $0x40, s30;
	[tilespmem:v4+s21+$0x0] =	vst.idx.msk $0xffff, v2  }
0x200: {  	[hbm4b:s9+s22] =	stream.strided.scatter [tilespmem:s21], [sflag:$0x1], $0xCC00, s23, s22, $0x38;
	[tilespmem:$0x1BD80] =	vst v63  }
0x201: {  	_ =	swait.ge [sflag:s26], $0xCC00  }
0x202: {  	s29 =	simm.s32 $0x0;
	[sflag:s26] =	ssyncset.done $0x0  }
0x203: {  	s30 =	simm.s32 $0x1B9A0;
	s31 =	simm.s32 $0x0;
	[sflag:s26] =	ssyncadd.s32 $0xFFFF3400  }
.LBB2_16:
0x204: {  	v3 =	vld [tilespmem:s30+$0xFFFFFFE0];
	_ =	sdelay $0x3  }
0x205: {  	s2 =	sshrl.u32 s31, $0x1;
	s0 =	sand.u32 $0x40, s29  }
0x206: {  	v4 =	vor.u32 s0, v1;
	s1 =	sshll.u32 s2, $0x7;
	v3 =	vshll.u32 v3, $0xA  }
0x207: {  	s0 =	sshrl.u32 s31, $0x3;
	v5 =	vmul.u32 $0x1A, v4;
	v3 =	vadd.s32 s1, v3  }
0x208: {  	s0 =	sor.u32 $0xA, s0;
	v3 =	vor.u32 v4, v3  }
0x209: {  	s2 =	sand.u32 $0x3, s2;
	v5 =	vadd.s32 s0, v5  }
0x20a: {  	v6 =	vmov s2;
	_ =	sdelay $0x2  }
0x20b: {  	[tilespmem:v3+s24+$0x0] =	vst.idx.msk $0xffff, v0  }
0x20c: {  	v3 =	vld.idx.msk [tilespmem:v5+s3+$0x0], $0xffff  }
0x20d: {  	v50 =	vld.idx.msk [tilespmem:v6+s19+$0x0], $0xffff;
	_ =	sdelay $0x4  }
0x20e: {  	v3 =	vsub.f32 v3, v50;
	_ =	sdelay $0x1  }
0x20f: {  	v3 =	vand.u32 $0x7FFFFFFF, v3  }
0x210: {  	v3 =	vmul.f32 $1.000000000e+01, v3;
	_ =	sdelay $0x1  }
0x211: {  	v3 =	vadd.f32 $1.000000000e+00, v3;
	_ =	sdelay $0x1  }
0x212: {  	v3 =	vtrunc.f32 v3  }
0x213: {  	v3 =	vcvt.f32.s32 v3;
	_ =	sdelay $0x1  }
0x214: {  	vm0 =	vgt.s32 v3, $0x0  }
0x215: {  	v3 =	vnsel vm0, $0x0, v3  }
0x216: {  	v3 =	vmin.u32 v3, $0x34  }
0x217: {  	v51 =	vshll.u32 v3, $0xA  }
0x218: {  	v5 =	vadd.s32 s1, v51  }
0x219: {  	v4 =	vor.u32 v4, v5;
	_ =	sdelay $0x3  }
0x21a: {  	[tilespmem:s30+$0xFFFFFFE0] =	vst v3  }
0x21b: {  	[tilespmem:v4+s24+$0x0] =	vst.idx.msk $0xffff, v2  }
0x21c: {  	v3 =	vld [tilespmem:s30+$0xFFFFFFF0];
	_ =	sdelay $0x2  }
0x21d: {  	s2 =	sadd.s32 $0x10, s29  }
0x21e: {  	s2 =	sand.u32 $0x50, s2  }
0x21f: {  	v52 =	vor.u32 s2, v1;
	v3 =	vshll.u32 v3, $0xA  }
0x220: {  	v53 =	vmul.u32 $0x1A, v52;
	v3 =	vadd.s32 s1, v3  }
0x221: {  	v3 =	vor.u32 v52, v3  }
0x222: {  	v5 =	vadd.s32 s0, v53;
	_ =	sdelay $0x3  }
0x223: {  	[tilespmem:v3+s24+$0x0] =	vst.idx.msk $0xffff, v0  }
0x224: {  	v3 =	vld.idx.msk [tilespmem:v5+s3+$0x0], $0xffff  }
0x225: {  	v54 =	vld.idx.msk [tilespmem:v6+s19+$0x0], $0xffff;
	_ =	sdelay $0x4  }
0x226: {  	v3 =	vsub.f32 v3, v54;
	_ =	sdelay $0x1  }
0x227: {  	v3 =	vand.u32 $0x7FFFFFFF, v3  }
0x228: {  	v3 =	vmul.f32 $1.000000000e+01, v3;
	_ =	sdelay $0x1  }
0x229: {  	v3 =	vadd.f32 $1.000000000e+00, v3;
	_ =	sdelay $0x1  }
0x22a: {  	v3 =	vtrunc.f32 v3  }
0x22b: {  	v3 =	vcvt.f32.s32 v3;
	_ =	sdelay $0x1  }
0x22c: {  	vm13 =	vgt.s32 v3, $0x0  }
0x22d: {  	v3 =	vnsel vm13, $0x0, v3  }
0x22e: {  	v3 =	vmin.u32 v3, $0x34  }
0x22f: {  	v55 =	vshll.u32 v3, $0xA  }
0x230: {  	v5 =	vadd.s32 s1, v55  }
0x231: {  	v4 =	vor.u32 v52, v5;
	_ =	sdelay $0x3  }
0x232: {  	[tilespmem:s30+$0xFFFFFFF0] =	vst v3  }
0x233: {  	[tilespmem:v4+s24+$0x0] =	vst.idx.msk $0xffff, v2  }
0x234: {  	v3 =	vld [tilespmem:s30+$0x0];
	_ =	sdelay $0x2  }
0x235: {  	s2 =	sadd.s32 $0x20, s29  }
0x236: {  	s2 =	sand.u32 $0x60, s2  }
0x237: {  	v56 =	vor.u32 s2, v1;
	v3 =	vshll.u32 v3, $0xA  }
0x238: {  	v57 =	vmul.u32 $0x1A, v56;
	v3 =	vadd.s32 s1, v3  }
0x239: {  	v3 =	vor.u32 v56, v3  }
0x23a: {  	v5 =	vadd.s32 s0, v57;
	_ =	sdelay $0x3  }
0x23b: {  	[tilespmem:v3+s24+$0x0] =	vst.idx.msk $0xffff, v0  }
0x23c: {  	v3 =	vld.idx.msk [tilespmem:v5+s3+$0x0], $0xffff  }
0x23d: {  	v58 =	vld.idx.msk [tilespmem:v6+s19+$0x0], $0xffff;
	_ =	sdelay $0x4  }
0x23e: {  	v3 =	vsub.f32 v3, v58;
	_ =	sdelay $0x1  }
0x23f: {  	v3 =	vand.u32 $0x7FFFFFFF, v3  }
0x240: {  	v3 =	vmul.f32 $1.000000000e+01, v3;
	_ =	sdelay $0x1  }
0x241: {  	v3 =	vadd.f32 $1.000000000e+00, v3;
	_ =	sdelay $0x1  }
0x242: {  	v3 =	vtrunc.f32 v3  }
0x243: {  	v3 =	vcvt.f32.s32 v3;
	_ =	sdelay $0x1  }
0x244: {  	vm14 =	vgt.s32 v3, $0x0  }
0x245: {  	v3 =	vnsel vm14, $0x0, v3  }
0x246: {  	v3 =	vmin.u32 v3, $0x34  }
0x247: {  	v59 =	vshll.u32 v3, $0xA  }
0x248: {  	v5 =	vadd.s32 s1, v59  }
0x249: {  	v4 =	vor.u32 v56, v5;
	_ =	sdelay $0x3  }
0x24a: {  	[tilespmem:s30+$0x0] =	vst v3  }
0x24b: {  	[tilespmem:v4+s24+$0x0] =	vst.idx.msk $0xffff, v2  }
0x24c: {  	v3 =	vld [tilespmem:s30+$0x10];
	_ =	sdelay $0x2  }
0x24d: {  	s2 =	sadd.s32 $0x30, s29  }
0x24e: {  	s2 =	sand.u32 $0x70, s2  }
0x24f: {  	v60 =	vor.u32 s2, v1;
	v3 =	vshll.u32 v3, $0xA  }
0x250: {  	v61 =	vmul.u32 $0x1A, v60;
	v3 =	vadd.s32 s1, v3  }
0x251: {  	v3 =	vor.u32 v60, v3  }
0x252: {  	v5 =	vadd.s32 s0, v61;
	_ =	sdelay $0x3  }
0x253: {  	[tilespmem:v3+s24+$0x0] =	vst.idx.msk $0xffff, v0  }
0x254: {  	v3 =	vld.idx.msk [tilespmem:v5+s3+$0x0], $0xffff  }
0x255: {  	v62 =	vld.idx.msk [tilespmem:v6+s19+$0x0], $0xffff;
	_ =	sdelay $0x4  }
0x256: {  	v3 =	vsub.f32 v3, v62;
	_ =	sdelay $0x1  }
0x257: {  	v3 =	vand.u32 $0x7FFFFFFF, v3  }
0x258: {  	v3 =	vmul.f32 $1.000000000e+01, v3;
	_ =	sdelay $0x1  }
0x259: {  	v3 =	vadd.f32 $1.000000000e+00, v3;
	_ =	sdelay $0x1  }
0x25a: {  	v3 =	vtrunc.f32 v3  }
0x25b: {  	v3 =	vcvt.f32.s32 v3;
	_ =	sdelay $0x1  }
0x25c: {  	vm15 =	vgt.s32 v3, $0x0  }
0x25d: {  	v3 =	vnsel vm15, $0x0, v3  }
0x25e: {  	v3 =	vmin.u32 v3, $0x34  }
0x25f: {  	v63 =	vshll.u32 v3, $0xA  }
0x260: {  	v5 =	vadd.s32 s1, v63  }
0x261: {  	p0 =	sne.s32 s31, $0xF;
	v4 =	vor.u32 v60, v5  }
.Ltmp7:
0x262: {  	_ = 	snop;
	(pc) =	sbr.rel @p0 .LBB2_16-.Ltmp7, $3  }
0x263: {  	_ =	sdelay $0x1  }
0x264: {  	[tilespmem:s30+$0x10] =	vst v3  }
0x265: {  	s31 =	sadd.s32 $0x1, s31;
	s29 =	sadd.s32 $0x40, s29;
	s30 =	sadd.s32 $0x40, s30;
	[tilespmem:v4+s24+$0x0] =	vst.idx.msk $0xffff, v2  }
0x266: {  	[hbm4b:s10+s22] =	stream.strided.scatter [tilespmem:s24], [sflag:$0x2], $0xCC00, s23, s22, $0x38;
	[tilespmem:$0x1BD80] =	vst v63  }
0x267: {  	_ =	swait.ge [sflag:s25], $0xCC00  }
0x268: {  	s29 =	simm.s32 $0x0;
	[sflag:s25] =	ssyncset.done $0x0  }
0x269: {  	s30 =	simm.s32 $0x1B5A0;
	s31 =	simm.s32 $0x0;
	[sflag:s25] =	ssyncadd.s32 $0xFFFF3400  }
.LBB2_18:
0x26a: {  	v3 =	vld [tilespmem:s30+$0xFFFFFFE0];
	_ =	sdelay $0x3  }
0x26b: {  	s2 =	sshrl.u32 s31, $0x1;
	s0 =	sand.u32 $0x40, s29  }
0x26c: {  	v4 =	vor.u32 s0, v1;
	s1 =	sshll.u32 s2, $0x7;
	v3 =	vshll.u32 v3, $0xA  }
0x26d: {  	s0 =	sshrl.u32 s31, $0x3;
	v5 =	vmul.u32 $0x1A, v4;
	v3 =	vadd.s32 s1, v3  }
0x26e: {  	s0 =	sor.u32 $0xC, s0;
	v3 =	vor.u32 v4, v3  }
0x26f: {  	s2 =	sand.u32 $0x3, s2;
	v5 =	vadd.s32 s0, v5  }
0x270: {  	v6 =	vmov s2;
	_ =	sdelay $0x2  }
0x271: {  	[tilespmem:v3+s21+$0x0] =	vst.idx.msk $0xffff, v0  }
0x272: {  	v3 =	vld.idx.msk [tilespmem:v5+s3+$0x0], $0xffff  }
0x273: {  	v50 =	vld.idx.msk [tilespmem:v6+s19+$0x0], $0xffff;
	_ =	sdelay $0x4  }
0x274: {  	v3 =	vsub.f32 v3, v50;
	_ =	sdelay $0x1  }
0x275: {  	v3 =	vand.u32 $0x7FFFFFFF, v3  }
0x276: {  	v3 =	vmul.f32 $1.000000000e+01, v3;
	_ =	sdelay $0x1  }
0x277: {  	v3 =	vadd.f32 $1.000000000e+00, v3;
	_ =	sdelay $0x1  }
0x278: {  	v3 =	vtrunc.f32 v3  }
0x279: {  	v3 =	vcvt.f32.s32 v3;
	_ =	sdelay $0x1  }
0x27a: {  	vm0 =	vgt.s32 v3, $0x0  }
0x27b: {  	v3 =	vnsel vm0, $0x0, v3  }
0x27c: {  	v3 =	vmin.u32 v3, $0x34  }
0x27d: {  	v51 =	vshll.u32 v3, $0xA  }
0x27e: {  	v5 =	vadd.s32 s1, v51  }
0x27f: {  	v4 =	vor.u32 v4, v5;
	_ =	sdelay $0x3  }
0x280: {  	[tilespmem:s30+$0xFFFFFFE0] =	vst v3  }
0x281: {  	[tilespmem:v4+s21+$0x0] =	vst.idx.msk $0xffff, v2  }
0x282: {  	v3 =	vld [tilespmem:s30+$0xFFFFFFF0];
	_ =	sdelay $0x2  }
0x283: {  	s2 =	sadd.s32 $0x10, s29  }
0x284: {  	s2 =	sand.u32 $0x50, s2  }
0x285: {  	v52 =	vor.u32 s2, v1;
	v3 =	vshll.u32 v3, $0xA  }
0x286: {  	v53 =	vmul.u32 $0x1A, v52;
	v3 =	vadd.s32 s1, v3  }
0x287: {  	v3 =	vor.u32 v52, v3  }
0x288: {  	v5 =	vadd.s32 s0, v53;
	_ =	sdelay $0x3  }
0x289: {  	[tilespmem:v3+s21+$0x0] =	vst.idx.msk $0xffff, v0  }
0x28a: {  	v3 =	vld.idx.msk [tilespmem:v5+s3+$0x0], $0xffff  }
0x28b: {  	v54 =	vld.idx.msk [tilespmem:v6+s19+$0x0], $0xffff;
	_ =	sdelay $0x4  }
0x28c: {  	v3 =	vsub.f32 v3, v54;
	_ =	sdelay $0x1  }
0x28d: {  	v3 =	vand.u32 $0x7FFFFFFF, v3  }
0x28e: {  	v3 =	vmul.f32 $1.000000000e+01, v3;
	_ =	sdelay $0x1  }
0x28f: {  	v3 =	vadd.f32 $1.000000000e+00, v3;
	_ =	sdelay $0x1  }
0x290: {  	v3 =	vtrunc.f32 v3  }
0x291: {  	v3 =	vcvt.f32.s32 v3;
	_ =	sdelay $0x1  }
0x292: {  	vm13 =	vgt.s32 v3, $0x0  }
0x293: {  	v3 =	vnsel vm13, $0x0, v3  }
0x294: {  	v3 =	vmin.u32 v3, $0x34  }
0x295: {  	v55 =	vshll.u32 v3, $0xA  }
0x296: {  	v5 =	vadd.s32 s1, v55  }
0x297: {  	v4 =	vor.u32 v52, v5;
	_ =	sdelay $0x3  }
0x298: {  	[tilespmem:s30+$0xFFFFFFF0] =	vst v3  }
0x299: {  	[tilespmem:v4+s21+$0x0] =	vst.idx.msk $0xffff, v2  }
0x29a: {  	v3 =	vld [tilespmem:s30+$0x0];
	_ =	sdelay $0x2  }
0x29b: {  	s2 =	sadd.s32 $0x20, s29  }
0x29c: {  	s2 =	sand.u32 $0x60, s2  }
0x29d: {  	v56 =	vor.u32 s2, v1;
	v3 =	vshll.u32 v3, $0xA  }
0x29e: {  	v57 =	vmul.u32 $0x1A, v56;
	v3 =	vadd.s32 s1, v3  }
0x29f: {  	v3 =	vor.u32 v56, v3  }
0x2a0: {  	v5 =	vadd.s32 s0, v57;
	_ =	sdelay $0x3  }
0x2a1: {  	[tilespmem:v3+s21+$0x0] =	vst.idx.msk $0xffff, v0  }
0x2a2: {  	v3 =	vld.idx.msk [tilespmem:v5+s3+$0x0], $0xffff  }
0x2a3: {  	v58 =	vld.idx.msk [tilespmem:v6+s19+$0x0], $0xffff;
	_ =	sdelay $0x4  }
0x2a4: {  	v3 =	vsub.f32 v3, v58;
	_ =	sdelay $0x1  }
0x2a5: {  	v3 =	vand.u32 $0x7FFFFFFF, v3  }
0x2a6: {  	v3 =	vmul.f32 $1.000000000e+01, v3;
	_ =	sdelay $0x1  }
0x2a7: {  	v3 =	vadd.f32 $1.000000000e+00, v3;
	_ =	sdelay $0x1  }
0x2a8: {  	v3 =	vtrunc.f32 v3  }
0x2a9: {  	v3 =	vcvt.f32.s32 v3;
	_ =	sdelay $0x1  }
0x2aa: {  	vm14 =	vgt.s32 v3, $0x0  }
0x2ab: {  	v3 =	vnsel vm14, $0x0, v3  }
0x2ac: {  	v3 =	vmin.u32 v3, $0x34  }
0x2ad: {  	v59 =	vshll.u32 v3, $0xA  }
0x2ae: {  	v5 =	vadd.s32 s1, v59  }
0x2af: {  	v4 =	vor.u32 v56, v5;
	_ =	sdelay $0x3  }
0x2b0: {  	[tilespmem:s30+$0x0] =	vst v3  }
0x2b1: {  	[tilespmem:v4+s21+$0x0] =	vst.idx.msk $0xffff, v2  }
0x2b2: {  	v3 =	vld [tilespmem:s30+$0x10];
	_ =	sdelay $0x2  }
0x2b3: {  	s2 =	sadd.s32 $0x30, s29  }
0x2b4: {  	s2 =	sand.u32 $0x70, s2  }
0x2b5: {  	v60 =	vor.u32 s2, v1;
	v3 =	vshll.u32 v3, $0xA  }
0x2b6: {  	v61 =	vmul.u32 $0x1A, v60;
	v3 =	vadd.s32 s1, v3  }
0x2b7: {  	v3 =	vor.u32 v60, v3  }
0x2b8: {  	v5 =	vadd.s32 s0, v61;
	_ =	sdelay $0x3  }
0x2b9: {  	[tilespmem:v3+s21+$0x0] =	vst.idx.msk $0xffff, v0  }
0x2ba: {  	v3 =	vld.idx.msk [tilespmem:v5+s3+$0x0], $0xffff  }
0x2bb: {  	v62 =	vld.idx.msk [tilespmem:v6+s19+$0x0], $0xffff;
	_ =	sdelay $0x4  }
0x2bc: {  	v3 =	vsub.f32 v3, v62;
	_ =	sdelay $0x1  }
0x2bd: {  	v3 =	vand.u32 $0x7FFFFFFF, v3  }
0x2be: {  	v3 =	vmul.f32 $1.000000000e+01, v3;
	_ =	sdelay $0x1  }
0x2bf: {  	v3 =	vadd.f32 $1.000000000e+00, v3;
	_ =	sdelay $0x1  }
0x2c0: {  	v3 =	vtrunc.f32 v3  }
0x2c1: {  	v3 =	vcvt.f32.s32 v3;
	_ =	sdelay $0x1  }
0x2c2: {  	vm15 =	vgt.s32 v3, $0x0  }
0x2c3: {  	v3 =	vnsel vm15, $0x0, v3  }
0x2c4: {  	v3 =	vmin.u32 v3, $0x34  }
0x2c5: {  	v63 =	vshll.u32 v3, $0xA  }
0x2c6: {  	v5 =	vadd.s32 s1, v63  }
0x2c7: {  	p0 =	sne.s32 s31, $0xF;
	v4 =	vor.u32 v60, v5  }
.Ltmp8:
0x2c8: {  	_ = 	snop;
	(pc) =	sbr.rel @p0 .LBB2_18-.Ltmp8, $3  }
0x2c9: {  	_ =	sdelay $0x1  }
0x2ca: {  	[tilespmem:s30+$0x10] =	vst v3  }
0x2cb: {  	s31 =	sadd.s32 $0x1, s31;
	s29 =	sadd.s32 $0x40, s29;
	s30 =	sadd.s32 $0x40, s30;
	[tilespmem:v4+s21+$0x0] =	vst.idx.msk $0xffff, v2  }
0x2cc: {  	[hbm4b:s11+s22] =	stream.strided.scatter [tilespmem:s21], [sflag:$0x1], $0xCC00, s23, s22, $0x38;
	[tilespmem:$0x1BD80] =	vst v63  }
0x2cd: {  	_ =	swait.ge [sflag:s26], $0xCC00  }
0x2ce: {  	s29 =	simm.s32 $0x0;
	[sflag:s26] =	ssyncset.done $0x0  }
0x2cf: {  	s30 =	simm.s32 $0x1B9A0;
	s31 =	simm.s32 $0x0;
	[sflag:s26] =	ssyncadd.s32 $0xFFFF3400  }
.LBB2_20:
0x2d0: {  	v3 =	vld [tilespmem:s30+$0xFFFFFFE0];
	_ =	sdelay $0x3  }
0x2d1: {  	s2 =	sshrl.u32 s31, $0x1;
	s0 =	sand.u32 $0x40, s29  }
0x2d2: {  	v4 =	vor.u32 s0, v1;
	s1 =	sshll.u32 s2, $0x7;
	v3 =	vshll.u32 v3, $0xA  }
0x2d3: {  	s0 =	sshrl.u32 s31, $0x3;
	v5 =	vmul.u32 $0x1A, v4;
	v3 =	vadd.s32 s1, v3  }
0x2d4: {  	s0 =	sor.u32 $0xE, s0;
	v3 =	vor.u32 v4, v3  }
0x2d5: {  	s2 =	sand.u32 $0x3, s2;
	v5 =	vadd.s32 s0, v5  }
0x2d6: {  	v6 =	vmov s2;
	_ =	sdelay $0x2  }
0x2d7: {  	[tilespmem:v3+s24+$0x0] =	vst.idx.msk $0xffff, v0  }
0x2d8: {  	v3 =	vld.idx.msk [tilespmem:v5+s3+$0x0], $0xffff  }
0x2d9: {  	v50 =	vld.idx.msk [tilespmem:v6+s19+$0x0], $0xffff;
	_ =	sdelay $0x4  }
0x2da: {  	v3 =	vsub.f32 v3, v50;
	_ =	sdelay $0x1  }
0x2db: {  	v3 =	vand.u32 $0x7FFFFFFF, v3  }
0x2dc: {  	v3 =	vmul.f32 $1.000000000e+01, v3;
	_ =	sdelay $0x1  }
0x2dd: {  	v3 =	vadd.f32 $1.000000000e+00, v3;
	_ =	sdelay $0x1  }
0x2de: {  	v3 =	vtrunc.f32 v3  }
0x2df: {  	v3 =	vcvt.f32.s32 v3;
	_ =	sdelay $0x1  }
0x2e0: {  	vm0 =	vgt.s32 v3, $0x0  }
0x2e1: {  	v3 =	vnsel vm0, $0x0, v3  }
0x2e2: {  	v3 =	vmin.u32 v3, $0x34  }
0x2e3: {  	v51 =	vshll.u32 v3, $0xA  }
0x2e4: {  	v5 =	vadd.s32 s1, v51  }
0x2e5: {  	v4 =	vor.u32 v4, v5;
	_ =	sdelay $0x3  }
0x2e6: {  	[tilespmem:s30+$0xFFFFFFE0] =	vst v3  }
0x2e7: {  	[tilespmem:v4+s24+$0x0] =	vst.idx.msk $0xffff, v2  }
0x2e8: {  	v3 =	vld [tilespmem:s30+$0xFFFFFFF0];
	_ =	sdelay $0x2  }
0x2e9: {  	s2 =	sadd.s32 $0x10, s29  }
0x2ea: {  	s2 =	sand.u32 $0x50, s2  }
0x2eb: {  	v52 =	vor.u32 s2, v1;
	v3 =	vshll.u32 v3, $0xA  }
0x2ec: {  	v53 =	vmul.u32 $0x1A, v52;
	v3 =	vadd.s32 s1, v3  }
0x2ed: {  	v3 =	vor.u32 v52, v3  }
0x2ee: {  	v5 =	vadd.s32 s0, v53;
	_ =	sdelay $0x3  }
0x2ef: {  	[tilespmem:v3+s24+$0x0] =	vst.idx.msk $0xffff, v0  }
0x2f0: {  	v3 =	vld.idx.msk [tilespmem:v5+s3+$0x0], $0xffff  }
0x2f1: {  	v54 =	vld.idx.msk [tilespmem:v6+s19+$0x0], $0xffff;
	_ =	sdelay $0x4  }
0x2f2: {  	v3 =	vsub.f32 v3, v54;
	_ =	sdelay $0x1  }
0x2f3: {  	v3 =	vand.u32 $0x7FFFFFFF, v3  }
0x2f4: {  	v3 =	vmul.f32 $1.000000000e+01, v3;
	_ =	sdelay $0x1  }
0x2f5: {  	v3 =	vadd.f32 $1.000000000e+00, v3;
	_ =	sdelay $0x1  }
0x2f6: {  	v3 =	vtrunc.f32 v3  }
0x2f7: {  	v3 =	vcvt.f32.s32 v3;
	_ =	sdelay $0x1  }
0x2f8: {  	vm13 =	vgt.s32 v3, $0x0  }
0x2f9: {  	v3 =	vnsel vm13, $0x0, v3  }
0x2fa: {  	v3 =	vmin.u32 v3, $0x34  }
0x2fb: {  	v55 =	vshll.u32 v3, $0xA  }
0x2fc: {  	v5 =	vadd.s32 s1, v55  }
0x2fd: {  	v4 =	vor.u32 v52, v5;
	_ =	sdelay $0x3  }
0x2fe: {  	[tilespmem:s30+$0xFFFFFFF0] =	vst v3  }
0x2ff: {  	[tilespmem:v4+s24+$0x0] =	vst.idx.msk $0xffff, v2  }
0x300: {  	v3 =	vld [tilespmem:s30+$0x0];
	_ =	sdelay $0x2  }
0x301: {  	s2 =	sadd.s32 $0x20, s29  }
0x302: {  	s2 =	sand.u32 $0x60, s2  }
0x303: {  	v56 =	vor.u32 s2, v1;
	v3 =	vshll.u32 v3, $0xA  }
0x304: {  	v57 =	vmul.u32 $0x1A, v56;
	v3 =	vadd.s32 s1, v3  }
0x305: {  	v3 =	vor.u32 v56, v3  }
0x306: {  	v5 =	vadd.s32 s0, v57;
	_ =	sdelay $0x3  }
0x307: {  	[tilespmem:v3+s24+$0x0] =	vst.idx.msk $0xffff, v0  }
0x308: {  	v3 =	vld.idx.msk [tilespmem:v5+s3+$0x0], $0xffff  }
0x309: {  	v58 =	vld.idx.msk [tilespmem:v6+s19+$0x0], $0xffff;
	_ =	sdelay $0x4  }
0x30a: {  	v3 =	vsub.f32 v3, v58;
	_ =	sdelay $0x1  }
0x30b: {  	v3 =	vand.u32 $0x7FFFFFFF, v3  }
0x30c: {  	v3 =	vmul.f32 $1.000000000e+01, v3;
	_ =	sdelay $0x1  }
0x30d: {  	v3 =	vadd.f32 $1.000000000e+00, v3;
	_ =	sdelay $0x1  }
0x30e: {  	v3 =	vtrunc.f32 v3  }
0x30f: {  	v3 =	vcvt.f32.s32 v3;
	_ =	sdelay $0x1  }
0x310: {  	vm14 =	vgt.s32 v3, $0x0  }
0x311: {  	v3 =	vnsel vm14, $0x0, v3  }
0x312: {  	v3 =	vmin.u32 v3, $0x34  }
0x313: {  	v59 =	vshll.u32 v3, $0xA  }
0x314: {  	v5 =	vadd.s32 s1, v59  }
0x315: {  	v4 =	vor.u32 v56, v5;
	_ =	sdelay $0x3  }
0x316: {  	[tilespmem:s30+$0x0] =	vst v3  }
0x317: {  	[tilespmem:v4+s24+$0x0] =	vst.idx.msk $0xffff, v2  }
0x318: {  	v3 =	vld [tilespmem:s30+$0x10];
	_ =	sdelay $0x2  }
0x319: {  	s2 =	sadd.s32 $0x30, s29  }
0x31a: {  	s2 =	sand.u32 $0x70, s2  }
0x31b: {  	v60 =	vor.u32 s2, v1;
	v3 =	vshll.u32 v3, $0xA  }
0x31c: {  	v61 =	vmul.u32 $0x1A, v60;
	v3 =	vadd.s32 s1, v3  }
0x31d: {  	v3 =	vor.u32 v60, v3  }
0x31e: {  	v5 =	vadd.s32 s0, v61;
	_ =	sdelay $0x3  }
0x31f: {  	[tilespmem:v3+s24+$0x0] =	vst.idx.msk $0xffff, v0  }
0x320: {  	v3 =	vld.idx.msk [tilespmem:v5+s3+$0x0], $0xffff  }
0x321: {  	v62 =	vld.idx.msk [tilespmem:v6+s19+$0x0], $0xffff;
	_ =	sdelay $0x4  }
0x322: {  	v3 =	vsub.f32 v3, v62;
	_ =	sdelay $0x1  }
0x323: {  	v3 =	vand.u32 $0x7FFFFFFF, v3  }
0x324: {  	v3 =	vmul.f32 $1.000000000e+01, v3;
	_ =	sdelay $0x1  }
0x325: {  	v3 =	vadd.f32 $1.000000000e+00, v3;
	_ =	sdelay $0x1  }
0x326: {  	v3 =	vtrunc.f32 v3  }
0x327: {  	v3 =	vcvt.f32.s32 v3;
	_ =	sdelay $0x1  }
0x328: {  	vm15 =	vgt.s32 v3, $0x0  }
0x329: {  	v3 =	vnsel vm15, $0x0, v3  }
0x32a: {  	v3 =	vmin.u32 v3, $0x34  }
0x32b: {  	v63 =	vshll.u32 v3, $0xA  }
0x32c: {  	v5 =	vadd.s32 s1, v63  }
0x32d: {  	p0 =	sne.s32 s31, $0xF;
	v4 =	vor.u32 v60, v5  }
.Ltmp9:
0x32e: {  	_ = 	snop;
	(pc) =	sbr.rel @p0 .LBB2_20-.Ltmp9, $3  }
0x32f: {  	_ =	sdelay $0x1  }
0x330: {  	[tilespmem:s30+$0x10] =	vst v3  }
0x331: {  	s31 =	sadd.s32 $0x1, s31;
	s29 =	sadd.s32 $0x40, s29;
	s30 =	sadd.s32 $0x40, s30;
	[tilespmem:v4+s24+$0x0] =	vst.idx.msk $0xffff, v2  }
0x332: {  	[hbm4b:s12+s22] =	stream.strided.scatter [tilespmem:s24], [sflag:$0x2], $0xCC00, s23, s22, $0x38;
	[tilespmem:$0x1BD80] =	vst v63  }
0x333: {  	_ =	swait.ge [sflag:s25], $0xCC00  }
0x334: {  	s29 =	simm.s32 $0x0;
	[sflag:s25] =	ssyncset.done $0x0  }
0x335: {  	s30 =	simm.s32 $0x1B5A0;
	s31 =	simm.s32 $0x0;
	[sflag:s25] =	ssyncadd.s32 $0xFFFF3400  }
.LBB2_22:
0x336: {  	v3 =	vld [tilespmem:s30+$0xFFFFFFE0];
	_ =	sdelay $0x3  }
0x337: {  	s2 =	sshrl.u32 s31, $0x1;
	s0 =	sand.u32 $0x40, s29  }
0x338: {  	v4 =	vor.u32 s0, v1;
	s1 =	sshll.u32 s2, $0x7;
	v3 =	vshll.u32 v3, $0xA  }
0x339: {  	s0 =	sshrl.u32 s31, $0x3;
	v5 =	vmul.u32 $0x1A, v4;
	v3 =	vadd.s32 s1, v3  }
0x33a: {  	s0 =	sor.u32 $0x10, s0;
	v3 =	vor.u32 v4, v3  }
0x33b: {  	s2 =	sand.u32 $0x3, s2;
	v5 =	vadd.s32 s0, v5  }
0x33c: {  	v6 =	vmov s2;
	_ =	sdelay $0x2  }
0x33d: {  	[tilespmem:v3+s21+$0x0] =	vst.idx.msk $0xffff, v0  }
0x33e: {  	v3 =	vld.idx.msk [tilespmem:v5+s3+$0x0], $0xffff  }
0x33f: {  	v50 =	vld.idx.msk [tilespmem:v6+s19+$0x0], $0xffff;
	_ =	sdelay $0x4  }
0x340: {  	v3 =	vsub.f32 v3, v50;
	_ =	sdelay $0x1  }
0x341: {  	v3 =	vand.u32 $0x7FFFFFFF, v3  }
0x342: {  	v3 =	vmul.f32 $1.000000000e+01, v3;
	_ =	sdelay $0x1  }
0x343: {  	v3 =	vadd.f32 $1.000000000e+00, v3;
	_ =	sdelay $0x1  }
0x344: {  	v3 =	vtrunc.f32 v3  }
0x345: {  	v3 =	vcvt.f32.s32 v3;
	_ =	sdelay $0x1  }
0x346: {  	vm0 =	vgt.s32 v3, $0x0  }
0x347: {  	v3 =	vnsel vm0, $0x0, v3  }
0x348: {  	v3 =	vmin.u32 v3, $0x34  }
0x349: {  	v51 =	vshll.u32 v3, $0xA  }
0x34a: {  	v5 =	vadd.s32 s1, v51  }
0x34b: {  	v4 =	vor.u32 v4, v5;
	_ =	sdelay $0x3  }
0x34c: {  	[tilespmem:s30+$0xFFFFFFE0] =	vst v3  }
0x34d: {  	[tilespmem:v4+s21+$0x0] =	vst.idx.msk $0xffff, v2  }
0x34e: {  	v3 =	vld [tilespmem:s30+$0xFFFFFFF0];
	_ =	sdelay $0x2  }
0x34f: {  	s2 =	sadd.s32 $0x10, s29  }
0x350: {  	s2 =	sand.u32 $0x50, s2  }
0x351: {  	v52 =	vor.u32 s2, v1;
	v3 =	vshll.u32 v3, $0xA  }
0x352: {  	v53 =	vmul.u32 $0x1A, v52;
	v3 =	vadd.s32 s1, v3  }
0x353: {  	v3 =	vor.u32 v52, v3  }
0x354: {  	v5 =	vadd.s32 s0, v53;
	_ =	sdelay $0x3  }
0x355: {  	[tilespmem:v3+s21+$0x0] =	vst.idx.msk $0xffff, v0  }
0x356: {  	v3 =	vld.idx.msk [tilespmem:v5+s3+$0x0], $0xffff  }
0x357: {  	v54 =	vld.idx.msk [tilespmem:v6+s19+$0x0], $0xffff;
	_ =	sdelay $0x4  }
0x358: {  	v3 =	vsub.f32 v3, v54;
	_ =	sdelay $0x1  }
0x359: {  	v3 =	vand.u32 $0x7FFFFFFF, v3  }
0x35a: {  	v3 =	vmul.f32 $1.000000000e+01, v3;
	_ =	sdelay $0x1  }
0x35b: {  	v3 =	vadd.f32 $1.000000000e+00, v3;
	_ =	sdelay $0x1  }
0x35c: {  	v3 =	vtrunc.f32 v3  }
0x35d: {  	v3 =	vcvt.f32.s32 v3;
	_ =	sdelay $0x1  }
0x35e: {  	vm13 =	vgt.s32 v3, $0x0  }
0x35f: {  	v3 =	vnsel vm13, $0x0, v3  }
0x360: {  	v3 =	vmin.u32 v3, $0x34  }
0x361: {  	v55 =	vshll.u32 v3, $0xA  }
0x362: {  	v5 =	vadd.s32 s1, v55  }
0x363: {  	v4 =	vor.u32 v52, v5;
	_ =	sdelay $0x3  }
0x364: {  	[tilespmem:s30+$0xFFFFFFF0] =	vst v3  }
0x365: {  	[tilespmem:v4+s21+$0x0] =	vst.idx.msk $0xffff, v2  }
0x366: {  	v3 =	vld [tilespmem:s30+$0x0];
	_ =	sdelay $0x2  }
0x367: {  	s2 =	sadd.s32 $0x20, s29  }
0x368: {  	s2 =	sand.u32 $0x60, s2  }
0x369: {  	v56 =	vor.u32 s2, v1;
	v3 =	vshll.u32 v3, $0xA  }
0x36a: {  	v57 =	vmul.u32 $0x1A, v56;
	v3 =	vadd.s32 s1, v3  }
0x36b: {  	v3 =	vor.u32 v56, v3  }
0x36c: {  	v5 =	vadd.s32 s0, v57;
	_ =	sdelay $0x3  }
0x36d: {  	[tilespmem:v3+s21+$0x0] =	vst.idx.msk $0xffff, v0  }
0x36e: {  	v3 =	vld.idx.msk [tilespmem:v5+s3+$0x0], $0xffff  }
0x36f: {  	v58 =	vld.idx.msk [tilespmem:v6+s19+$0x0], $0xffff;
	_ =	sdelay $0x4  }
0x370: {  	v3 =	vsub.f32 v3, v58;
	_ =	sdelay $0x1  }
0x371: {  	v3 =	vand.u32 $0x7FFFFFFF, v3  }
0x372: {  	v3 =	vmul.f32 $1.000000000e+01, v3;
	_ =	sdelay $0x1  }
0x373: {  	v3 =	vadd.f32 $1.000000000e+00, v3;
	_ =	sdelay $0x1  }
0x374: {  	v3 =	vtrunc.f32 v3  }
0x375: {  	v3 =	vcvt.f32.s32 v3;
	_ =	sdelay $0x1  }
0x376: {  	vm14 =	vgt.s32 v3, $0x0  }
0x377: {  	v3 =	vnsel vm14, $0x0, v3  }
0x378: {  	v3 =	vmin.u32 v3, $0x34  }
0x379: {  	v59 =	vshll.u32 v3, $0xA  }
0x37a: {  	v5 =	vadd.s32 s1, v59  }
0x37b: {  	v4 =	vor.u32 v56, v5;
	_ =	sdelay $0x3  }
0x37c: {  	[tilespmem:s30+$0x0] =	vst v3  }
0x37d: {  	[tilespmem:v4+s21+$0x0] =	vst.idx.msk $0xffff, v2  }
0x37e: {  	v3 =	vld [tilespmem:s30+$0x10];
	_ =	sdelay $0x2  }
0x37f: {  	s2 =	sadd.s32 $0x30, s29  }
0x380: {  	s2 =	sand.u32 $0x70, s2  }
0x381: {  	v60 =	vor.u32 s2, v1;
	v3 =	vshll.u32 v3, $0xA  }
0x382: {  	v61 =	vmul.u32 $0x1A, v60;
	v3 =	vadd.s32 s1, v3  }
0x383: {  	v3 =	vor.u32 v60, v3  }
0x384: {  	v5 =	vadd.s32 s0, v61;
	_ =	sdelay $0x3  }
0x385: {  	[tilespmem:v3+s21+$0x0] =	vst.idx.msk $0xffff, v0  }
0x386: {  	v3 =	vld.idx.msk [tilespmem:v5+s3+$0x0], $0xffff  }
0x387: {  	v62 =	vld.idx.msk [tilespmem:v6+s19+$0x0], $0xffff;
	_ =	sdelay $0x4  }
0x388: {  	v3 =	vsub.f32 v3, v62;
	_ =	sdelay $0x1  }
0x389: {  	v3 =	vand.u32 $0x7FFFFFFF, v3  }
0x38a: {  	v3 =	vmul.f32 $1.000000000e+01, v3;
	_ =	sdelay $0x1  }
0x38b: {  	v3 =	vadd.f32 $1.000000000e+00, v3;
	_ =	sdelay $0x1  }
0x38c: {  	v3 =	vtrunc.f32 v3  }
0x38d: {  	v3 =	vcvt.f32.s32 v3;
	_ =	sdelay $0x1  }
0x38e: {  	vm15 =	vgt.s32 v3, $0x0  }
0x38f: {  	v3 =	vnsel vm15, $0x0, v3  }
0x390: {  	v3 =	vmin.u32 v3, $0x34  }
0x391: {  	v63 =	vshll.u32 v3, $0xA  }
0x392: {  	v5 =	vadd.s32 s1, v63  }
0x393: {  	p0 =	sne.s32 s31, $0xF;
	v4 =	vor.u32 v60, v5  }
.Ltmp10:
0x394: {  	_ = 	snop;
	(pc) =	sbr.rel @p0 .LBB2_22-.Ltmp10, $3  }
0x395: {  	_ =	sdelay $0x1  }
0x396: {  	[tilespmem:s30+$0x10] =	vst v3  }
0x397: {  	s31 =	sadd.s32 $0x1, s31;
	s29 =	sadd.s32 $0x40, s29;
	s30 =	sadd.s32 $0x40, s30;
	[tilespmem:v4+s21+$0x0] =	vst.idx.msk $0xffff, v2  }
0x398: {  	[hbm4b:s13+s22] =	stream.strided.scatter [tilespmem:s21], [sflag:$0x1], $0xCC00, s23, s22, $0x38;
	[tilespmem:$0x1BD80] =	vst v63  }
0x399: {  	_ =	swait.ge [sflag:s26], $0xCC00  }
0x39a: {  	s29 =	simm.s32 $0x0;
	[sflag:s26] =	ssyncset.done $0x0  }
0x39b: {  	s30 =	simm.s32 $0x1B9A0;
	s31 =	simm.s32 $0x0;
	[sflag:s26] =	ssyncadd.s32 $0xFFFF3400  }
.LBB2_24:
0x39c: {  	v3 =	vld [tilespmem:s30+$0xFFFFFFE0];
	_ =	sdelay $0x3  }
0x39d: {  	s2 =	sshrl.u32 s31, $0x1;
	s0 =	sand.u32 $0x40, s29  }
0x39e: {  	v4 =	vor.u32 s0, v1;
	s1 =	sshll.u32 s2, $0x7;
	v3 =	vshll.u32 v3, $0xA  }
0x39f: {  	s0 =	sshrl.u32 s31, $0x3;
	v5 =	vmul.u32 $0x1A, v4;
	v3 =	vadd.s32 s1, v3  }
0x3a0: {  	s0 =	sor.u32 $0x12, s0;
	v3 =	vor.u32 v4, v3  }
0x3a1: {  	s2 =	sand.u32 $0x3, s2;
	v5 =	vadd.s32 s0, v5  }
0x3a2: {  	v6 =	vmov s2;
	_ =	sdelay $0x2  }
0x3a3: {  	[tilespmem:v3+s24+$0x0] =	vst.idx.msk $0xffff, v0  }
0x3a4: {  	v3 =	vld.idx.msk [tilespmem:v5+s3+$0x0], $0xffff  }
0x3a5: {  	v50 =	vld.idx.msk [tilespmem:v6+s19+$0x0], $0xffff;
	_ =	sdelay $0x4  }
0x3a6: {  	v3 =	vsub.f32 v3, v50;
	_ =	sdelay $0x1  }
0x3a7: {  	v3 =	vand.u32 $0x7FFFFFFF, v3  }
0x3a8: {  	v3 =	vmul.f32 $1.000000000e+01, v3;
	_ =	sdelay $0x1  }
0x3a9: {  	v3 =	vadd.f32 $1.000000000e+00, v3;
	_ =	sdelay $0x1  }
0x3aa: {  	v3 =	vtrunc.f32 v3  }
0x3ab: {  	v3 =	vcvt.f32.s32 v3;
	_ =	sdelay $0x1  }
0x3ac: {  	vm0 =	vgt.s32 v3, $0x0  }
0x3ad: {  	v3 =	vnsel vm0, $0x0, v3  }
0x3ae: {  	v3 =	vmin.u32 v3, $0x34  }
0x3af: {  	v51 =	vshll.u32 v3, $0xA  }
0x3b0: {  	v5 =	vadd.s32 s1, v51  }
0x3b1: {  	v4 =	vor.u32 v4, v5;
	_ =	sdelay $0x3  }
0x3b2: {  	[tilespmem:s30+$0xFFFFFFE0] =	vst v3  }
0x3b3: {  	[tilespmem:v4+s24+$0x0] =	vst.idx.msk $0xffff, v2  }
0x3b4: {  	v3 =	vld [tilespmem:s30+$0xFFFFFFF0];
	_ =	sdelay $0x2  }
0x3b5: {  	s2 =	sadd.s32 $0x10, s29  }
0x3b6: {  	s2 =	sand.u32 $0x50, s2  }
0x3b7: {  	v52 =	vor.u32 s2, v1;
	v3 =	vshll.u32 v3, $0xA  }
0x3b8: {  	v53 =	vmul.u32 $0x1A, v52;
	v3 =	vadd.s32 s1, v3  }
0x3b9: {  	v3 =	vor.u32 v52, v3  }
0x3ba: {  	v5 =	vadd.s32 s0, v53;
	_ =	sdelay $0x3  }
0x3bb: {  	[tilespmem:v3+s24+$0x0] =	vst.idx.msk $0xffff, v0  }
0x3bc: {  	v3 =	vld.idx.msk [tilespmem:v5+s3+$0x0], $0xffff  }
0x3bd: {  	v54 =	vld.idx.msk [tilespmem:v6+s19+$0x0], $0xffff;
	_ =	sdelay $0x4  }
0x3be: {  	v3 =	vsub.f32 v3, v54;
	_ =	sdelay $0x1  }
0x3bf: {  	v3 =	vand.u32 $0x7FFFFFFF, v3  }
0x3c0: {  	v3 =	vmul.f32 $1.000000000e+01, v3;
	_ =	sdelay $0x1  }
0x3c1: {  	v3 =	vadd.f32 $1.000000000e+00, v3;
	_ =	sdelay $0x1  }
0x3c2: {  	v3 =	vtrunc.f32 v3  }
0x3c3: {  	v3 =	vcvt.f32.s32 v3;
	_ =	sdelay $0x1  }
0x3c4: {  	vm13 =	vgt.s32 v3, $0x0  }
0x3c5: {  	v3 =	vnsel vm13, $0x0, v3  }
0x3c6: {  	v3 =	vmin.u32 v3, $0x34  }
0x3c7: {  	v55 =	vshll.u32 v3, $0xA  }
0x3c8: {  	v5 =	vadd.s32 s1, v55  }
0x3c9: {  	v4 =	vor.u32 v52, v5;
	_ =	sdelay $0x3  }
0x3ca: {  	[tilespmem:s30+$0xFFFFFFF0] =	vst v3  }
0x3cb: {  	[tilespmem:v4+s24+$0x0] =	vst.idx.msk $0xffff, v2  }
0x3cc: {  	v3 =	vld [tilespmem:s30+$0x0];
	_ =	sdelay $0x2  }
0x3cd: {  	s2 =	sadd.s32 $0x20, s29  }
0x3ce: {  	s2 =	sand.u32 $0x60, s2  }
0x3cf: {  	v56 =	vor.u32 s2, v1;
	v3 =	vshll.u32 v3, $0xA  }
0x3d0: {  	v57 =	vmul.u32 $0x1A, v56;
	v3 =	vadd.s32 s1, v3  }
0x3d1: {  	v3 =	vor.u32 v56, v3  }
0x3d2: {  	v5 =	vadd.s32 s0, v57;
	_ =	sdelay $0x3  }
0x3d3: {  	[tilespmem:v3+s24+$0x0] =	vst.idx.msk $0xffff, v0  }
0x3d4: {  	v3 =	vld.idx.msk [tilespmem:v5+s3+$0x0], $0xffff  }
0x3d5: {  	v58 =	vld.idx.msk [tilespmem:v6+s19+$0x0], $0xffff;
	_ =	sdelay $0x4  }
0x3d6: {  	v3 =	vsub.f32 v3, v58;
	_ =	sdelay $0x1  }
0x3d7: {  	v3 =	vand.u32 $0x7FFFFFFF, v3  }
0x3d8: {  	v3 =	vmul.f32 $1.000000000e+01, v3;
	_ =	sdelay $0x1  }
0x3d9: {  	v3 =	vadd.f32 $1.000000000e+00, v3;
	_ =	sdelay $0x1  }
0x3da: {  	v3 =	vtrunc.f32 v3  }
0x3db: {  	v3 =	vcvt.f32.s32 v3;
	_ =	sdelay $0x1  }
0x3dc: {  	vm14 =	vgt.s32 v3, $0x0  }
0x3dd: {  	v3 =	vnsel vm14, $0x0, v3  }
0x3de: {  	v3 =	vmin.u32 v3, $0x34  }
0x3df: {  	v59 =	vshll.u32 v3, $0xA  }
0x3e0: {  	v5 =	vadd.s32 s1, v59  }
0x3e1: {  	v4 =	vor.u32 v56, v5;
	_ =	sdelay $0x3  }
0x3e2: {  	[tilespmem:s30+$0x0] =	vst v3  }
0x3e3: {  	[tilespmem:v4+s24+$0x0] =	vst.idx.msk $0xffff, v2  }
0x3e4: {  	v3 =	vld [tilespmem:s30+$0x10];
	_ =	sdelay $0x2  }
0x3e5: {  	s2 =	sadd.s32 $0x30, s29  }
0x3e6: {  	s2 =	sand.u32 $0x70, s2  }
0x3e7: {  	v60 =	vor.u32 s2, v1;
	v3 =	vshll.u32 v3, $0xA  }
0x3e8: {  	v61 =	vmul.u32 $0x1A, v60;
	v3 =	vadd.s32 s1, v3  }
0x3e9: {  	v3 =	vor.u32 v60, v3  }
0x3ea: {  	v5 =	vadd.s32 s0, v61;
	_ =	sdelay $0x3  }
0x3eb: {  	[tilespmem:v3+s24+$0x0] =	vst.idx.msk $0xffff, v0  }
0x3ec: {  	v3 =	vld.idx.msk [tilespmem:v5+s3+$0x0], $0xffff  }
0x3ed: {  	v62 =	vld.idx.msk [tilespmem:v6+s19+$0x0], $0xffff;
	_ =	sdelay $0x4  }
0x3ee: {  	v3 =	vsub.f32 v3, v62;
	_ =	sdelay $0x1  }
0x3ef: {  	v3 =	vand.u32 $0x7FFFFFFF, v3  }
0x3f0: {  	v3 =	vmul.f32 $1.000000000e+01, v3;
	_ =	sdelay $0x1  }
0x3f1: {  	v3 =	vadd.f32 $1.000000000e+00, v3;
	_ =	sdelay $0x1  }
0x3f2: {  	v3 =	vtrunc.f32 v3  }
0x3f3: {  	v3 =	vcvt.f32.s32 v3;
	_ =	sdelay $0x1  }
0x3f4: {  	vm15 =	vgt.s32 v3, $0x0  }
0x3f5: {  	v3 =	vnsel vm15, $0x0, v3  }
0x3f6: {  	v3 =	vmin.u32 v3, $0x34  }
0x3f7: {  	v63 =	vshll.u32 v3, $0xA  }
0x3f8: {  	v5 =	vadd.s32 s1, v63  }
0x3f9: {  	p0 =	sne.s32 s31, $0xF;
	v4 =	vor.u32 v60, v5  }
.Ltmp11:
0x3fa: {  	_ = 	snop;
	(pc) =	sbr.rel @p0 .LBB2_24-.Ltmp11, $3  }
0x3fb: {  	_ =	sdelay $0x1  }
0x3fc: {  	[tilespmem:s30+$0x10] =	vst v3  }
0x3fd: {  	s31 =	sadd.s32 $0x1, s31;
	s29 =	sadd.s32 $0x40, s29;
	s30 =	sadd.s32 $0x40, s30;
	[tilespmem:v4+s24+$0x0] =	vst.idx.msk $0xffff, v2  }
0x3fe: {  	[hbm4b:s14+s22] =	stream.strided.scatter [tilespmem:s24], [sflag:$0x2], $0xCC00, s23, s22, $0x38;
	[tilespmem:$0x1BD80] =	vst v63  }
0x3ff: {  	_ =	swait.ge [sflag:s25], $0xCC00  }
0x400: {  	s29 =	simm.s32 $0x0;
	[sflag:s25] =	ssyncset.done $0x0  }
0x401: {  	s30 =	simm.s32 $0x1B5A0;
	s31 =	simm.s32 $0x0;
	[sflag:s25] =	ssyncadd.s32 $0xFFFF3400  }
.LBB2_26:
0x402: {  	v3 =	vld [tilespmem:s30+$0xFFFFFFE0];
	_ =	sdelay $0x3  }
0x403: {  	s2 =	sshrl.u32 s31, $0x1;
	s0 =	sand.u32 $0x40, s29  }
0x404: {  	v4 =	vor.u32 s0, v1;
	s1 =	sshll.u32 s2, $0x7;
	v3 =	vshll.u32 v3, $0xA  }
0x405: {  	s0 =	sshrl.u32 s31, $0x3;
	v5 =	vmul.u32 $0x1A, v4;
	v3 =	vadd.s32 s1, v3  }
0x406: {  	s0 =	sor.u32 $0x14, s0;
	v3 =	vor.u32 v4, v3  }
0x407: {  	s2 =	sand.u32 $0x3, s2;
	v5 =	vadd.s32 s0, v5  }
0x408: {  	v6 =	vmov s2;
	_ =	sdelay $0x2  }
0x409: {  	[tilespmem:v3+s21+$0x0] =	vst.idx.msk $0xffff, v0  }
0x40a: {  	v3 =	vld.idx.msk [tilespmem:v5+s3+$0x0], $0xffff  }
0x40b: {  	v50 =	vld.idx.msk [tilespmem:v6+s19+$0x0], $0xffff;
	_ =	sdelay $0x4  }
0x40c: {  	v3 =	vsub.f32 v3, v50;
	_ =	sdelay $0x1  }
0x40d: {  	v3 =	vand.u32 $0x7FFFFFFF, v3  }
0x40e: {  	v3 =	vmul.f32 $1.000000000e+01, v3;
	_ =	sdelay $0x1  }
0x40f: {  	v3 =	vadd.f32 $1.000000000e+00, v3;
	_ =	sdelay $0x1  }
0x410: {  	v3 =	vtrunc.f32 v3  }
0x411: {  	v3 =	vcvt.f32.s32 v3;
	_ =	sdelay $0x1  }
0x412: {  	vm0 =	vgt.s32 v3, $0x0  }
0x413: {  	v3 =	vnsel vm0, $0x0, v3  }
0x414: {  	v3 =	vmin.u32 v3, $0x34  }
0x415: {  	v51 =	vshll.u32 v3, $0xA  }
0x416: {  	v5 =	vadd.s32 s1, v51  }
0x417: {  	v4 =	vor.u32 v4, v5;
	_ =	sdelay $0x3  }
0x418: {  	[tilespmem:s30+$0xFFFFFFE0] =	vst v3  }
0x419: {  	[tilespmem:v4+s21+$0x0] =	vst.idx.msk $0xffff, v2  }
0x41a: {  	v3 =	vld [tilespmem:s30+$0xFFFFFFF0];
	_ =	sdelay $0x2  }
0x41b: {  	s2 =	sadd.s32 $0x10, s29  }
0x41c: {  	s2 =	sand.u32 $0x50, s2  }
0x41d: {  	v52 =	vor.u32 s2, v1;
	v3 =	vshll.u32 v3, $0xA  }
0x41e: {  	v53 =	vmul.u32 $0x1A, v52;
	v3 =	vadd.s32 s1, v3  }
0x41f: {  	v3 =	vor.u32 v52, v3  }
0x420: {  	v5 =	vadd.s32 s0, v53;
	_ =	sdelay $0x3  }
0x421: {  	[tilespmem:v3+s21+$0x0] =	vst.idx.msk $0xffff, v0  }
0x422: {  	v3 =	vld.idx.msk [tilespmem:v5+s3+$0x0], $0xffff  }
0x423: {  	v54 =	vld.idx.msk [tilespmem:v6+s19+$0x0], $0xffff;
	_ =	sdelay $0x4  }
0x424: {  	v3 =	vsub.f32 v3, v54;
	_ =	sdelay $0x1  }
0x425: {  	v3 =	vand.u32 $0x7FFFFFFF, v3  }
0x426: {  	v3 =	vmul.f32 $1.000000000e+01, v3;
	_ =	sdelay $0x1  }
0x427: {  	v3 =	vadd.f32 $1.000000000e+00, v3;
	_ =	sdelay $0x1  }
0x428: {  	v3 =	vtrunc.f32 v3  }
0x429: {  	v3 =	vcvt.f32.s32 v3;
	_ =	sdelay $0x1  }
0x42a: {  	vm13 =	vgt.s32 v3, $0x0  }
0x42b: {  	v3 =	vnsel vm13, $0x0, v3  }
0x42c: {  	v3 =	vmin.u32 v3, $0x34  }
0x42d: {  	v55 =	vshll.u32 v3, $0xA  }
0x42e: {  	v5 =	vadd.s32 s1, v55  }
0x42f: {  	v4 =	vor.u32 v52, v5;
	_ =	sdelay $0x3  }
0x430: {  	[tilespmem:s30+$0xFFFFFFF0] =	vst v3  }
0x431: {  	[tilespmem:v4+s21+$0x0] =	vst.idx.msk $0xffff, v2  }
0x432: {  	v3 =	vld [tilespmem:s30+$0x0];
	_ =	sdelay $0x2  }
0x433: {  	s2 =	sadd.s32 $0x20, s29  }
0x434: {  	s2 =	sand.u32 $0x60, s2  }
0x435: {  	v56 =	vor.u32 s2, v1;
	v3 =	vshll.u32 v3, $0xA  }
0x436: {  	v57 =	vmul.u32 $0x1A, v56;
	v3 =	vadd.s32 s1, v3  }
0x437: {  	v3 =	vor.u32 v56, v3  }
0x438: {  	v5 =	vadd.s32 s0, v57;
	_ =	sdelay $0x3  }
0x439: {  	[tilespmem:v3+s21+$0x0] =	vst.idx.msk $0xffff, v0  }
0x43a: {  	v3 =	vld.idx.msk [tilespmem:v5+s3+$0x0], $0xffff  }
0x43b: {  	v58 =	vld.idx.msk [tilespmem:v6+s19+$0x0], $0xffff;
	_ =	sdelay $0x4  }
0x43c: {  	v3 =	vsub.f32 v3, v58;
	_ =	sdelay $0x1  }
0x43d: {  	v3 =	vand.u32 $0x7FFFFFFF, v3  }
0x43e: {  	v3 =	vmul.f32 $1.000000000e+01, v3;
	_ =	sdelay $0x1  }
0x43f: {  	v3 =	vadd.f32 $1.000000000e+00, v3;
	_ =	sdelay $0x1  }
0x440: {  	v3 =	vtrunc.f32 v3  }
0x441: {  	v3 =	vcvt.f32.s32 v3;
	_ =	sdelay $0x1  }
0x442: {  	vm14 =	vgt.s32 v3, $0x0  }
0x443: {  	v3 =	vnsel vm14, $0x0, v3  }
0x444: {  	v3 =	vmin.u32 v3, $0x34  }
0x445: {  	v59 =	vshll.u32 v3, $0xA  }
0x446: {  	v5 =	vadd.s32 s1, v59  }
0x447: {  	v4 =	vor.u32 v56, v5;
	_ =	sdelay $0x3  }
0x448: {  	[tilespmem:s30+$0x0] =	vst v3  }
0x449: {  	[tilespmem:v4+s21+$0x0] =	vst.idx.msk $0xffff, v2  }
0x44a: {  	v3 =	vld [tilespmem:s30+$0x10];
	_ =	sdelay $0x2  }
0x44b: {  	s2 =	sadd.s32 $0x30, s29  }
0x44c: {  	s2 =	sand.u32 $0x70, s2  }
0x44d: {  	v60 =	vor.u32 s2, v1;
	v3 =	vshll.u32 v3, $0xA  }
0x44e: {  	v61 =	vmul.u32 $0x1A, v60;
	v3 =	vadd.s32 s1, v3  }
0x44f: {  	v3 =	vor.u32 v60, v3  }
0x450: {  	v5 =	vadd.s32 s0, v61;
	_ =	sdelay $0x3  }
0x451: {  	[tilespmem:v3+s21+$0x0] =	vst.idx.msk $0xffff, v0  }
0x452: {  	v3 =	vld.idx.msk [tilespmem:v5+s3+$0x0], $0xffff  }
0x453: {  	v62 =	vld.idx.msk [tilespmem:v6+s19+$0x0], $0xffff;
	_ =	sdelay $0x4  }
0x454: {  	v3 =	vsub.f32 v3, v62;
	_ =	sdelay $0x1  }
0x455: {  	v3 =	vand.u32 $0x7FFFFFFF, v3  }
0x456: {  	v3 =	vmul.f32 $1.000000000e+01, v3;
	_ =	sdelay $0x1  }
0x457: {  	v3 =	vadd.f32 $1.000000000e+00, v3;
	_ =	sdelay $0x1  }
0x458: {  	v3 =	vtrunc.f32 v3  }
0x459: {  	v3 =	vcvt.f32.s32 v3;
	_ =	sdelay $0x1  }
0x45a: {  	vm15 =	vgt.s32 v3, $0x0  }
0x45b: {  	v3 =	vnsel vm15, $0x0, v3  }
0x45c: {  	v3 =	vmin.u32 v3, $0x34  }
0x45d: {  	v63 =	vshll.u32 v3, $0xA  }
0x45e: {  	v5 =	vadd.s32 s1, v63  }
0x45f: {  	p0 =	sne.s32 s31, $0xF;
	v4 =	vor.u32 v60, v5  }
.Ltmp12:
0x460: {  	_ = 	snop;
	(pc) =	sbr.rel @p0 .LBB2_26-.Ltmp12, $3  }
0x461: {  	_ =	sdelay $0x1  }
0x462: {  	[tilespmem:s30+$0x10] =	vst v3  }
0x463: {  	s31 =	sadd.s32 $0x1, s31;
	s29 =	sadd.s32 $0x40, s29;
	s30 =	sadd.s32 $0x40, s30;
	[tilespmem:v4+s21+$0x0] =	vst.idx.msk $0xffff, v2  }
0x464: {  	[hbm4b:s15+s22] =	stream.strided.scatter [tilespmem:s21], [sflag:$0x1], $0xCC00, s23, s22, $0x38;
	[tilespmem:$0x1BD80] =	vst v63  }
0x465: {  	_ =	swait.ge [sflag:s26], $0xCC00  }
0x466: {  	s29 =	simm.s32 $0x0;
	[sflag:s26] =	ssyncset.done $0x0  }
0x467: {  	s30 =	simm.s32 $0x1B9A0;
	s31 =	simm.s32 $0x0;
	[sflag:s26] =	ssyncadd.s32 $0xFFFF3400  }
.LBB2_28:
0x468: {  	v3 =	vld [tilespmem:s30+$0xFFFFFFE0];
	_ =	sdelay $0x3  }
0x469: {  	s2 =	sshrl.u32 s31, $0x1;
	s0 =	sand.u32 $0x40, s29  }
0x46a: {  	v4 =	vor.u32 s0, v1;
	s1 =	sshll.u32 s2, $0x7;
	v3 =	vshll.u32 v3, $0xA  }
0x46b: {  	s0 =	sshrl.u32 s31, $0x3;
	v5 =	vmul.u32 $0x1A, v4;
	v3 =	vadd.s32 s1, v3  }
0x46c: {  	s0 =	sor.u32 $0x16, s0;
	v3 =	vor.u32 v4, v3  }
0x46d: {  	s2 =	sand.u32 $0x3, s2;
	v5 =	vadd.s32 s0, v5  }
0x46e: {  	v6 =	vmov s2;
	_ =	sdelay $0x2  }
0x46f: {  	[tilespmem:v3+s24+$0x0] =	vst.idx.msk $0xffff, v0  }
0x470: {  	v3 =	vld.idx.msk [tilespmem:v5+s3+$0x0], $0xffff  }
0x471: {  	v50 =	vld.idx.msk [tilespmem:v6+s19+$0x0], $0xffff;
	_ =	sdelay $0x4  }
0x472: {  	v3 =	vsub.f32 v3, v50;
	_ =	sdelay $0x1  }
0x473: {  	v3 =	vand.u32 $0x7FFFFFFF, v3  }
0x474: {  	v3 =	vmul.f32 $1.000000000e+01, v3;
	_ =	sdelay $0x1  }
0x475: {  	v3 =	vadd.f32 $1.000000000e+00, v3;
	_ =	sdelay $0x1  }
0x476: {  	v3 =	vtrunc.f32 v3  }
0x477: {  	v3 =	vcvt.f32.s32 v3;
	_ =	sdelay $0x1  }
0x478: {  	vm0 =	vgt.s32 v3, $0x0  }
0x479: {  	v3 =	vnsel vm0, $0x0, v3  }
0x47a: {  	v3 =	vmin.u32 v3, $0x34  }
0x47b: {  	v51 =	vshll.u32 v3, $0xA  }
0x47c: {  	v5 =	vadd.s32 s1, v51  }
0x47d: {  	v4 =	vor.u32 v4, v5;
	_ =	sdelay $0x3  }
0x47e: {  	[tilespmem:s30+$0xFFFFFFE0] =	vst v3  }
0x47f: {  	[tilespmem:v4+s24+$0x0] =	vst.idx.msk $0xffff, v2  }
0x480: {  	v3 =	vld [tilespmem:s30+$0xFFFFFFF0];
	_ =	sdelay $0x2  }
0x481: {  	s2 =	sadd.s32 $0x10, s29  }
0x482: {  	s2 =	sand.u32 $0x50, s2  }
0x483: {  	v52 =	vor.u32 s2, v1;
	v3 =	vshll.u32 v3, $0xA  }
0x484: {  	v53 =	vmul.u32 $0x1A, v52;
	v3 =	vadd.s32 s1, v3  }
0x485: {  	v3 =	vor.u32 v52, v3  }
0x486: {  	v5 =	vadd.s32 s0, v53;
	_ =	sdelay $0x3  }
0x487: {  	[tilespmem:v3+s24+$0x0] =	vst.idx.msk $0xffff, v0  }
0x488: {  	v3 =	vld.idx.msk [tilespmem:v5+s3+$0x0], $0xffff  }
0x489: {  	v54 =	vld.idx.msk [tilespmem:v6+s19+$0x0], $0xffff;
	_ =	sdelay $0x4  }
0x48a: {  	v3 =	vsub.f32 v3, v54;
	_ =	sdelay $0x1  }
0x48b: {  	v3 =	vand.u32 $0x7FFFFFFF, v3  }
0x48c: {  	v3 =	vmul.f32 $1.000000000e+01, v3;
	_ =	sdelay $0x1  }
0x48d: {  	v3 =	vadd.f32 $1.000000000e+00, v3;
	_ =	sdelay $0x1  }
0x48e: {  	v3 =	vtrunc.f32 v3  }
0x48f: {  	v3 =	vcvt.f32.s32 v3;
	_ =	sdelay $0x1  }
0x490: {  	vm13 =	vgt.s32 v3, $0x0  }
0x491: {  	v3 =	vnsel vm13, $0x0, v3  }
0x492: {  	v3 =	vmin.u32 v3, $0x34  }
0x493: {  	v55 =	vshll.u32 v3, $0xA  }
0x494: {  	v5 =	vadd.s32 s1, v55  }
0x495: {  	v4 =	vor.u32 v52, v5;
	_ =	sdelay $0x3  }
0x496: {  	[tilespmem:s30+$0xFFFFFFF0] =	vst v3  }
0x497: {  	[tilespmem:v4+s24+$0x0] =	vst.idx.msk $0xffff, v2  }
0x498: {  	v3 =	vld [tilespmem:s30+$0x0];
	_ =	sdelay $0x2  }
0x499: {  	s2 =	sadd.s32 $0x20, s29  }
0x49a: {  	s2 =	sand.u32 $0x60, s2  }
0x49b: {  	v56 =	vor.u32 s2, v1;
	v3 =	vshll.u32 v3, $0xA  }
0x49c: {  	v57 =	vmul.u32 $0x1A, v56;
	v3 =	vadd.s32 s1, v3  }
0x49d: {  	v3 =	vor.u32 v56, v3  }
0x49e: {  	v5 =	vadd.s32 s0, v57;
	_ =	sdelay $0x3  }
0x49f: {  	[tilespmem:v3+s24+$0x0] =	vst.idx.msk $0xffff, v0  }
0x4a0: {  	v3 =	vld.idx.msk [tilespmem:v5+s3+$0x0], $0xffff  }
0x4a1: {  	v58 =	vld.idx.msk [tilespmem:v6+s19+$0x0], $0xffff;
	_ =	sdelay $0x4  }
0x4a2: {  	v3 =	vsub.f32 v3, v58;
	_ =	sdelay $0x1  }
0x4a3: {  	v3 =	vand.u32 $0x7FFFFFFF, v3  }
0x4a4: {  	v3 =	vmul.f32 $1.000000000e+01, v3;
	_ =	sdelay $0x1  }
0x4a5: {  	v3 =	vadd.f32 $1.000000000e+00, v3;
	_ =	sdelay $0x1  }
0x4a6: {  	v3 =	vtrunc.f32 v3  }
0x4a7: {  	v3 =	vcvt.f32.s32 v3;
	_ =	sdelay $0x1  }
0x4a8: {  	vm14 =	vgt.s32 v3, $0x0  }
0x4a9: {  	v3 =	vnsel vm14, $0x0, v3  }
0x4aa: {  	v3 =	vmin.u32 v3, $0x34  }
0x4ab: {  	v59 =	vshll.u32 v3, $0xA  }
0x4ac: {  	v5 =	vadd.s32 s1, v59  }
0x4ad: {  	v4 =	vor.u32 v56, v5;
	_ =	sdelay $0x3  }
0x4ae: {  	[tilespmem:s30+$0x0] =	vst v3  }
0x4af: {  	[tilespmem:v4+s24+$0x0] =	vst.idx.msk $0xffff, v2  }
0x4b0: {  	v3 =	vld [tilespmem:s30+$0x10];
	_ =	sdelay $0x2  }
0x4b1: {  	s2 =	sadd.s32 $0x30, s29  }
0x4b2: {  	s2 =	sand.u32 $0x70, s2  }
0x4b3: {  	v60 =	vor.u32 s2, v1;
	v3 =	vshll.u32 v3, $0xA  }
0x4b4: {  	v61 =	vmul.u32 $0x1A, v60;
	v3 =	vadd.s32 s1, v3  }
0x4b5: {  	v3 =	vor.u32 v60, v3  }
0x4b6: {  	v5 =	vadd.s32 s0, v61;
	_ =	sdelay $0x3  }
0x4b7: {  	[tilespmem:v3+s24+$0x0] =	vst.idx.msk $0xffff, v0  }
0x4b8: {  	v3 =	vld.idx.msk [tilespmem:v5+s3+$0x0], $0xffff  }
0x4b9: {  	v62 =	vld.idx.msk [tilespmem:v6+s19+$0x0], $0xffff;
	_ =	sdelay $0x4  }
0x4ba: {  	v3 =	vsub.f32 v3, v62;
	_ =	sdelay $0x1  }
0x4bb: {  	v3 =	vand.u32 $0x7FFFFFFF, v3  }
0x4bc: {  	v3 =	vmul.f32 $1.000000000e+01, v3;
	_ =	sdelay $0x1  }
0x4bd: {  	v3 =	vadd.f32 $1.000000000e+00, v3;
	_ =	sdelay $0x1  }
0x4be: {  	v3 =	vtrunc.f32 v3  }
0x4bf: {  	v3 =	vcvt.f32.s32 v3;
	_ =	sdelay $0x1  }
0x4c0: {  	vm15 =	vgt.s32 v3, $0x0  }
0x4c1: {  	v3 =	vnsel vm15, $0x0, v3  }
0x4c2: {  	v3 =	vmin.u32 v3, $0x34  }
0x4c3: {  	v63 =	vshll.u32 v3, $0xA  }
0x4c4: {  	v5 =	vadd.s32 s1, v63  }
0x4c5: {  	p0 =	sne.s32 s31, $0xF;
	v4 =	vor.u32 v60, v5  }
.Ltmp13:
0x4c6: {  	_ = 	snop;
	(pc) =	sbr.rel @p0 .LBB2_28-.Ltmp13, $3  }
0x4c7: {  	_ =	sdelay $0x1  }
0x4c8: {  	[tilespmem:s30+$0x10] =	vst v3  }
0x4c9: {  	s31 =	sadd.s32 $0x1, s31;
	s29 =	sadd.s32 $0x40, s29;
	s30 =	sadd.s32 $0x40, s30;
	[tilespmem:v4+s24+$0x0] =	vst.idx.msk $0xffff, v2  }
0x4ca: {  	[hbm4b:s16+s22] =	stream.strided.scatter [tilespmem:s24], [sflag:$0x2], $0xCC00, s23, s22, $0x38;
	[tilespmem:$0x1BD80] =	vst v63  }
0x4cb: {  	_ =	swait.ge [sflag:s25], $0xCC00  }
0x4cc: {  	s29 =	simm.s32 $0x0;
	[sflag:s25] =	ssyncset.done $0x0  }
0x4cd: {  	s30 =	simm.s32 $0x1B5A0;
	s31 =	simm.s32 $0x0;
	[sflag:s25] =	ssyncadd.s32 $0xFFFF3400  }
.LBB2_30:
0x4ce: {  	v3 =	vld [tilespmem:s30+$0xFFFFFFE0];
	_ =	sdelay $0x3  }
0x4cf: {  	s2 =	sshrl.u32 s31, $0x1;
	s0 =	sand.u32 $0x40, s29  }
0x4d0: {  	v4 =	vor.u32 s0, v1;
	s1 =	sshll.u32 s2, $0x7;
	v3 =	vshll.u32 v3, $0xA  }
0x4d1: {  	s0 =	sshrl.u32 s31, $0x3;
	v5 =	vmul.u32 $0x1A, v4;
	v3 =	vadd.s32 s1, v3  }
0x4d2: {  	s0 =	sor.u32 $0x18, s0;
	v3 =	vor.u32 v4, v3  }
0x4d3: {  	s2 =	sand.u32 $0x3, s2;
	v5 =	vadd.s32 s0, v5  }
0x4d4: {  	v6 =	vmov s2;
	_ =	sdelay $0x2  }
0x4d5: {  	[tilespmem:v3+s21+$0x0] =	vst.idx.msk $0xffff, v0  }
0x4d6: {  	v3 =	vld.idx.msk [tilespmem:v5+s3+$0x0], $0xffff  }
0x4d7: {  	v50 =	vld.idx.msk [tilespmem:v6+s19+$0x0], $0xffff;
	_ =	sdelay $0x4  }
0x4d8: {  	v3 =	vsub.f32 v3, v50;
	_ =	sdelay $0x1  }
0x4d9: {  	v3 =	vand.u32 $0x7FFFFFFF, v3  }
0x4da: {  	v3 =	vmul.f32 $1.000000000e+01, v3;
	_ =	sdelay $0x1  }
0x4db: {  	v3 =	vadd.f32 $1.000000000e+00, v3;
	_ =	sdelay $0x1  }
0x4dc: {  	v3 =	vtrunc.f32 v3  }
0x4dd: {  	v3 =	vcvt.f32.s32 v3;
	_ =	sdelay $0x1  }
0x4de: {  	vm0 =	vgt.s32 v3, $0x0  }
0x4df: {  	v3 =	vnsel vm0, $0x0, v3  }
0x4e0: {  	v3 =	vmin.u32 v3, $0x34  }
0x4e1: {  	v51 =	vshll.u32 v3, $0xA  }
0x4e2: {  	v5 =	vadd.s32 s1, v51  }
0x4e3: {  	v4 =	vor.u32 v4, v5;
	_ =	sdelay $0x3  }
0x4e4: {  	[tilespmem:s30+$0xFFFFFFE0] =	vst v3  }
0x4e5: {  	[tilespmem:v4+s21+$0x0] =	vst.idx.msk $0xffff, v2  }
0x4e6: {  	v3 =	vld [tilespmem:s30+$0xFFFFFFF0];
	_ =	sdelay $0x2  }
0x4e7: {  	s2 =	sadd.s32 $0x10, s29  }
0x4e8: {  	s2 =	sand.u32 $0x50, s2  }
0x4e9: {  	v52 =	vor.u32 s2, v1;
	v3 =	vshll.u32 v3, $0xA  }
0x4ea: {  	v53 =	vmul.u32 $0x1A, v52;
	v3 =	vadd.s32 s1, v3  }
0x4eb: {  	v3 =	vor.u32 v52, v3  }
0x4ec: {  	v5 =	vadd.s32 s0, v53;
	_ =	sdelay $0x3  }
0x4ed: {  	[tilespmem:v3+s21+$0x0] =	vst.idx.msk $0xffff, v0  }
0x4ee: {  	v3 =	vld.idx.msk [tilespmem:v5+s3+$0x0], $0xffff  }
0x4ef: {  	v54 =	vld.idx.msk [tilespmem:v6+s19+$0x0], $0xffff;
	_ =	sdelay $0x4  }
0x4f0: {  	v3 =	vsub.f32 v3, v54;
	_ =	sdelay $0x1  }
0x4f1: {  	v3 =	vand.u32 $0x7FFFFFFF, v3  }
0x4f2: {  	v3 =	vmul.f32 $1.000000000e+01, v3;
	_ =	sdelay $0x1  }
0x4f3: {  	v3 =	vadd.f32 $1.000000000e+00, v3;
	_ =	sdelay $0x1  }
0x4f4: {  	v3 =	vtrunc.f32 v3  }
0x4f5: {  	v3 =	vcvt.f32.s32 v3;
	_ =	sdelay $0x1  }
0x4f6: {  	vm13 =	vgt.s32 v3, $0x0  }
0x4f7: {  	v3 =	vnsel vm13, $0x0, v3  }
0x4f8: {  	v3 =	vmin.u32 v3, $0x34  }
0x4f9: {  	v55 =	vshll.u32 v3, $0xA  }
0x4fa: {  	v5 =	vadd.s32 s1, v55  }
0x4fb: {  	v4 =	vor.u32 v52, v5;
	_ =	sdelay $0x3  }
0x4fc: {  	[tilespmem:s30+$0xFFFFFFF0] =	vst v3  }
0x4fd: {  	[tilespmem:v4+s21+$0x0] =	vst.idx.msk $0xffff, v2  }
0x4fe: {  	v3 =	vld [tilespmem:s30+$0x0];
	_ =	sdelay $0x2  }
0x4ff: {  	s2 =	sadd.s32 $0x20, s29  }
0x500: {  	s2 =	sand.u32 $0x60, s2  }
0x501: {  	v56 =	vor.u32 s2, v1;
	v3 =	vshll.u32 v3, $0xA  }
0x502: {  	v57 =	vmul.u32 $0x1A, v56;
	v3 =	vadd.s32 s1, v3  }
0x503: {  	v3 =	vor.u32 v56, v3  }
0x504: {  	v5 =	vadd.s32 s0, v57;
	_ =	sdelay $0x3  }
0x505: {  	[tilespmem:v3+s21+$0x0] =	vst.idx.msk $0xffff, v0  }
0x506: {  	v3 =	vld.idx.msk [tilespmem:v5+s3+$0x0], $0xffff  }
0x507: {  	v58 =	vld.idx.msk [tilespmem:v6+s19+$0x0], $0xffff;
	_ =	sdelay $0x4  }
0x508: {  	v3 =	vsub.f32 v3, v58;
	_ =	sdelay $0x1  }
0x509: {  	v3 =	vand.u32 $0x7FFFFFFF, v3  }
0x50a: {  	v3 =	vmul.f32 $1.000000000e+01, v3;
	_ =	sdelay $0x1  }
0x50b: {  	v3 =	vadd.f32 $1.000000000e+00, v3;
	_ =	sdelay $0x1  }
0x50c: {  	v3 =	vtrunc.f32 v3  }
0x50d: {  	v3 =	vcvt.f32.s32 v3;
	_ =	sdelay $0x1  }
0x50e: {  	vm14 =	vgt.s32 v3, $0x0  }
0x50f: {  	v3 =	vnsel vm14, $0x0, v3  }
0x510: {  	v3 =	vmin.u32 v3, $0x34  }
0x511: {  	v59 =	vshll.u32 v3, $0xA  }
0x512: {  	v5 =	vadd.s32 s1, v59  }
0x513: {  	v4 =	vor.u32 v56, v5;
	_ =	sdelay $0x3  }
0x514: {  	[tilespmem:s30+$0x0] =	vst v3  }
0x515: {  	[tilespmem:v4+s21+$0x0] =	vst.idx.msk $0xffff, v2  }
0x516: {  	v3 =	vld [tilespmem:s30+$0x10];
	_ =	sdelay $0x2  }
0x517: {  	s2 =	sadd.s32 $0x30, s29  }
0x518: {  	s2 =	sand.u32 $0x70, s2  }
0x519: {  	v60 =	vor.u32 s2, v1;
	v3 =	vshll.u32 v3, $0xA  }
0x51a: {  	v61 =	vmul.u32 $0x1A, v60;
	v3 =	vadd.s32 s1, v3  }
0x51b: {  	v3 =	vor.u32 v60, v3  }
0x51c: {  	v5 =	vadd.s32 s0, v61;
	_ =	sdelay $0x3  }
0x51d: {  	[tilespmem:v3+s21+$0x0] =	vst.idx.msk $0xffff, v0  }
0x51e: {  	v3 =	vld.idx.msk [tilespmem:v5+s3+$0x0], $0xffff  }
0x51f: {  	v62 =	vld.idx.msk [tilespmem:v6+s19+$0x0], $0xffff;
	_ =	sdelay $0x4  }
0x520: {  	v3 =	vsub.f32 v3, v62;
	_ =	sdelay $0x1  }
0x521: {  	v3 =	vand.u32 $0x7FFFFFFF, v3  }
0x522: {  	v3 =	vmul.f32 $1.000000000e+01, v3;
	_ =	sdelay $0x1  }
0x523: {  	v3 =	vadd.f32 $1.000000000e+00, v3;
	_ =	sdelay $0x1  }
0x524: {  	v3 =	vtrunc.f32 v3  }
0x525: {  	v3 =	vcvt.f32.s32 v3;
	_ =	sdelay $0x1  }
0x526: {  	vm15 =	vgt.s32 v3, $0x0  }
0x527: {  	v3 =	vnsel vm15, $0x0, v3  }
0x528: {  	v3 =	vmin.u32 v3, $0x34  }
0x529: {  	v63 =	vshll.u32 v3, $0xA  }
0x52a: {  	v5 =	vadd.s32 s1, v63  }
0x52b: {  	p0 =	sne.s32 s31, $0xF;
	v4 =	vor.u32 v60, v5  }
.Ltmp14:
0x52c: {  	_ = 	snop;
	(pc) =	sbr.rel @p0 .LBB2_30-.Ltmp14, $3  }
0x52d: {  	_ =	sdelay $0x1  }
0x52e: {  	[tilespmem:s30+$0x10] =	vst v3  }
0x52f: {  	s31 =	sadd.s32 $0x1, s31;
	s29 =	sadd.s32 $0x40, s29;
	s30 =	sadd.s32 $0x40, s30;
	[tilespmem:v4+s21+$0x0] =	vst.idx.msk $0xffff, v2  }
0x530: {  	[hbm4b:s17+s22] =	stream.strided.scatter [tilespmem:s21], [sflag:$0x1], $0xCC00, s23, s22, $0x38;
	[tilespmem:$0x1BD80] =	vst v63  }
0x531: {  	s28 =	sadd.s32 $0x1, s28  }
0x532: {  	_ =	swait.ge [sflag:s26], $0xCC00;
	p0 =	sne.s32 s28, s18  }
.Ltmp15:
0x533: {  	[sflag:s26] =	ssyncset.done $0x0;
	(pc) =	sbr.rel @p0 .LBB2_1-.Ltmp15, $4  }
0x534: {  	[sflag:s26] =	ssyncadd.s32 $0xFFFF3400  }
0x535: {  	_ =	swait.ge [sflag:s25], $0xCC00  }
0x536: {  	[sflag:s25] =	ssyncset.done $0x0  }
0x537: {  	[sflag:s25] =	ssyncadd.s32 $0xFFFF3400  }
0x538: {  	_ =	sfence.sel $0x180000  }
0x539: {  	[bflag:$0x0] =	sbarrier.arrive $0xFFFF  }
0x53a: {  	_ =	strace $0x90000047  }
0x53b: {  	s0 =	stileid.u32;
	[bflag:$0x2] =	sbarrier.arrive $0xFFFF  }
0x53c: {  	p0 =	sne.s32 s0, $0x0;
	s0 =	rddreg [dreg:$0x3]  }
0x53d: {  	s0 =	sadd.s32 @!p0 $0x100000, s0  }
0x53e: {  	[sflag:s0] =	ssyncadd.tile.s32 @!p0 $0x1;
	_ =	shalt  }
.Lfunc_end2:
_tile_overlayer_lowered:
.L_overlay_start_2:
0x53f: {  	(tag) =	ssettag $0x2  }
0x540: {  	s0 =	rddreg [dreg:$0x0];
	s2 =	stileid.u32  }
0x541: {  	s1 =	rddreg [dreg:$0x1];
	p0 =	sne.s32 s2, $0x0  }
0x542: {  	s3 =	rddreg [dreg:$0x2];
	[bflag:$0x3] =	sbarrier.arrive $0xFFFF;
	s2 =	simm.s32 @!p0 $0x1C03  }
0x543: {  	[timem:s3], [sflag:s2] =	dma.local @!p0 [hbm:s0], s1  }
0x544: {  	s0 =	simm.s32 @!p0 $0x3  }
0x545: {  	_ =	swait.ge @!p0 [sflag:s0], s1  }
0x546: {  	s1 =	ssub.s32 @!p0 $0x0, s1;
	[sflag:s0] =	ssyncset.done @!p0 $0x0  }
0x547: {  	[sflag:s0] =	ssyncadd.s32 @!p0 s1  }
0x548: {  	[bflag:$0x3] =	sbarrier.arrive $0xFFFF  }
0x549: {  	_ =	shalt  }

</sc_bundles>
